<compile_context>
chip_gen: v7x
topology: tpu7x:2x2x1
jax: 0.10.2.dev20260603
libtpu: 0.0.44.dev20260713+nightly
codegen_flags: <defaults>
</compile_context>

<pallas_src>
import functools

import jax
import jax.numpy as jnp
from jax import lax
from jax.experimental import pallas as pl
from jax.experimental.pallas import tpu as pltpu
from jax.experimental.pallas import tpu_sc as plsc

N = 10000
E = 320000
D = 64
C = 8
EDGE_DIM = 16
NC, NS = 2, 16
NW = NC * NS
EB = 4096
EP = 327680
NBLK = EP // EB
ROWS = EP // 128
WR = ROWS // NW
NSTRIDE = 10112
KROWS = 79
SKEY = 81024
DUMP = C * NSTRIDE
SSUB = SKEY // NS
NP = 10112
NSUB = NP // NS
SCALE = D ** -0.5

_MESH = plsc.VectorSubcoreMesh(
    core_axis_name="c", subcore_axis_name="s", num_cores=NC, num_subcores=NS)
_SC_PARAMS = pltpu.CompilerParams(
    use_tc_tiling_on_sc=False, needs_layout_passes=False)

_f32 = jnp.float32
_bf16 = jnp.bfloat16


def _qproj_body(x_ref, wd_ref, bd_ref, wq_ref, bq_ref, wkt_ref, qk_ref):
    nf = jnp.maximum(
        jnp.dot(x_ref[...], wd_ref[...], preferred_element_type=_f32)
        + bd_ref[...], 0.0)
    q = jnp.dot(nf, wq_ref[...], preferred_element_type=_f32) + bq_ref[...]
    qk_ref[...] = jnp.dot(
        q, wkt_ref[...], preferred_element_type=_f32).astype(_bf16)


_qproj = pl.pallas_call(
    _qproj_body, out_shape=jax.ShapeDtypeStruct((N, D), _bf16))


@functools.partial(
    pl.kernel,
    out_type=jax.ShapeDtypeStruct((EP, D), _bf16),
    mesh=_MESH,
    compiler_params=_SC_PARAMS,
    scratch_types=[
        pltpu.VMEM((WR, 128), jnp.int32),
        pltpu.VMEM((1024, D), _bf16),
        pltpu.SemaphoreType.DMA,
    ],
)
def _sc_gather_q(qk_hbm, src_hbm, qi_hbm, idx_v, rows_v, sem):
    wid = lax.axis_index("s") * NC + lax.axis_index("c")
    r0 = wid * WR
    pltpu.sync_copy(src_hbm.at[pl.ds(r0, WR)], idx_v)

    def body(g, carry):
        base = g * 8
        copies = [
            pltpu.async_copy(qk_hbm.at[idx_v.at[base + t]],
                             rows_v.at[pl.ds(t * 128, 128)], sem)
            for t in range(8)
        ]
        for cp in copies:
            cp.wait()
        pltpu.sync_copy(rows_v, qi_hbm.at[pl.ds((r0 + base) * 128, 1024)])
        return carry

    lax.fori_loop(0, WR // 8, body, 0)


def _edge1_body(ea_ref, qi_ref, src_ref, wt_ref, bt_ref, emb_ref,
                ex_ref, key_ref, cnt_ref):
    ea8 = ea_ref[...].astype(_bf16)
    tfb = jnp.concatenate(
        [jnp.maximum(
            jnp.dot(ea8[:, 16 * j:16 * (j + 1)], wt_ref[...],
                    preferred_element_type=_f32) + bt_ref[...], 0)
         for j in range(8)], axis=0).astype(_bf16)
    simst = lax.dot_general(emb_ref[...], tfb, (((1,), (1,)), ((), ())),
                            preferred_element_type=_f32)
    m = jnp.max(simst, axis=0, keepdims=True)
    ge = simst >= m
    iotac = lax.broadcasted_iota(jnp.int32, (C, EB), 0)
    assignt = jnp.min(jnp.where(ge, iotac, C), axis=0)
    first = jnp.where(iotac == assignt[None, :], 1.0, 0.0)
    cnt_ref[...] = jnp.sum(first, axis=1).reshape(1, 1, C)
    prod = qi_ref[...] * tfb
    attnt = lax.dot_general(
        jnp.ones((1, D), _bf16), prod, (((1,), (1,)), ((), ())),
        preferred_element_type=_f32) * SCALE
    ex_ref[...] = jnp.exp(attnt.reshape(EB // 128, 128))
    key_ref[...] = assignt.reshape(EB // 128, 128) * NSTRIDE + src_ref[...]


_edge1 = pl.pallas_call(
    _edge1_body,
    grid=(NBLK,),
    in_specs=[
        pl.BlockSpec((EB // 8, 128), lambda i: (i, 0)),
        pl.BlockSpec((EB, D), lambda i: (i, 0)),
        pl.BlockSpec((EB // 128, 128), lambda i: (i, 0)),
        pl.BlockSpec((EDGE_DIM, D), lambda i: (0, 0)),
        pl.BlockSpec((1, D), lambda i: (0, 0)),
        pl.BlockSpec((C, D), lambda i: (0, 0)),
    ],
    out_specs=[
        pl.BlockSpec((EB // 128, 128), lambda i: (i, 0)),
        pl.BlockSpec((EB // 128, 128), lambda i: (i, 0)),
        pl.BlockSpec((1, 1, C), lambda i: (i, 0, 0)),
    ],
    out_shape=[
        jax.ShapeDtypeStruct((ROWS, 128), _f32),
        jax.ShapeDtypeStruct((ROWS, 128), jnp.int32),
        jax.ShapeDtypeStruct((NBLK, 1, C), _f32),
    ],
)


@functools.partial(
    pl.kernel,
    out_type=(jax.ShapeDtypeStruct((NC, SKEY), _f32),
              jax.ShapeDtypeStruct((NC, SKEY), _f32)),
    mesh=_MESH,
    compiler_params=_SC_PARAMS,
    scratch_types=[
        pltpu.VMEM((WR, 128), jnp.int32),
        pltpu.VMEM((WR, 128), _f32),
        pltpu.VMEM((WR, 128), _f32),
        pltpu.VMEM((SSUB,), _f32),
        pltpu.VMEM_SHARED((SKEY,), _f32),
        pltpu.VMEM_SHARED((SKEY,), _f32),
        pltpu.SemaphoreType.DMA,
    ],
)
def _sc_stats(key_hbm, ex_hbm, d_out, c_out,
              key_v, ex_v, ones2_v, zeros_v, sh_d, sh_c, sem):
    cid = lax.axis_index("c")
    sid = lax.axis_index("s")
    wid = sid * NC + cid

    def zbody(t, carry):
        zeros_v[pl.ds(t * 16, 16)] = jnp.zeros((16,), _f32)
        return carry

    lax.fori_loop(0, SSUB // 16, zbody, 0)

    def obody(t, carry):
        def o2(u, c2):
            ones2_v[t, pl.ds(u * 16, 16)] = jnp.ones((16,), _f32)
            return c2
        lax.fori_loop(0, 8, o2, 0)
        return carry

    lax.fori_loop(0, WR, obody, 0)

    pltpu.sync_copy(zeros_v, sh_d.at[pl.ds(sid * SSUB, SSUB)])
    pltpu.sync_copy(zeros_v, sh_c.at[pl.ds(sid * SSUB, SSUB)])
    plsc.subcore_barrier()

    pltpu.sync_copy(key_hbm.at[pl.ds(wid * WR, WR)], key_v)
    pltpu.sync_copy(ex_hbm.at[pl.ds(wid * WR, WR)], ex_v)

    def body(g, carry):
        base = g * 8
        copies = []
        for t in range(8):
            copies.append(pltpu.async_copy(
                ex_v.at[base + t], sh_d.at[key_v.at[base + t]], sem,
                add=True))
            copies.append(pltpu.async_copy(
                ones2_v.at[base + t], sh_c.at[key_v.at[base + t]], sem,
                add=True))
        for cp in copies:
            cp.wait()
        return carry

    lax.fori_loop(0, WR // 8, body, 0)
    plsc.subcore_barrier()

    pltpu.sync_copy(sh_d.at[pl.ds(sid * SSUB, SSUB)],
                    d_out.at[cid, pl.ds(sid * SSUB, SSUB)])
    pltpu.sync_copy(sh_c.at[pl.ds(sid * SSUB, SSUB)],
                    c_out.at[cid, pl.ds(sid * SSUB, SSUB)])


def _rstats_body(d_ref, c_ref, bc_ref, bt_ref, emb_ref, r_ref, inv_ref,
                 ws_ref):
    denom = d_ref[0] + d_ref[1]
    cnt = c_ref[0] + c_ref[1]
    r_ref[...] = 1.0 / (jnp.where(denom > 0.0, denom, 1.0)
                        * jnp.maximum(cnt, 1.0))
    cnt3 = cnt[:C * KROWS].reshape(C, KROWS, 128)
    ws3 = jnp.sum(jnp.where(cnt3 > 0.0, 1.0 / cnt3, 0.0), axis=0)
    ws_ref[...] = ws3
    tf0 = jnp.maximum(bt_ref[...], 0.0)
    sims0 = lax.dot_general(tf0, emb_ref[...], (((1,), (1,)), ((), ())),
                            preferred_element_type=_f32)
    m0 = jnp.max(sims0, axis=1, keepdims=True)
    iota0 = lax.broadcasted_iota(jnp.int32, (1, C), 1)
    a0 = jnp.min(jnp.where(sims0 >= m0, iota0, C), axis=1, keepdims=True)
    pad_onehot = jnp.where(iota0 == a0, 1.0, 0.0)
    pc = jnp.sum(bc_ref[...], axis=0, keepdims=True) \
        - pad_onehot * float(EP - E)
    nn = jnp.sum(jnp.where(pc > 0.0, 1.0, 0.0))
    inv_ref[...] = jnp.broadcast_to(1.0 / nn, (1, 1))


_rstats = pl.pallas_call(
    _rstats_body,
    out_shape=[
        jax.ShapeDtypeStruct((SKEY // 128, 128), _f32),
        jax.ShapeDtypeStruct((1, 1), _f32),
        jax.ShapeDtypeStruct((KROWS, 128), _f32),
    ],
)


@functools.partial(
    pl.kernel,
    out_type=jax.ShapeDtypeStruct((ROWS, 128), _f32),
    mesh=_MESH,
    compiler_params=_SC_PARAMS,
    scratch_types=[
        pltpu.VMEM((SKEY,), _f32),
        pltpu.VMEM((WR, 128), jnp.int32),
        pltpu.VMEM((WR, 128), _f32),
        pltpu.VMEM((WR, 128), _f32),
    ],
)
def _sc_weights(r_hbm, key_hbm, ex_hbm, w_out, r_v, key_v, ex_v, w_v):
    cid = lax.axis_index("c")
    sid = lax.axis_index("s")
    wid = sid * NC + cid
    pltpu.sync_copy(r_hbm, r_v)
    pltpu.sync_copy(key_hbm.at[pl.ds(wid * WR, WR)], key_v)
    pltpu.sync_copy(ex_hbm.at[pl.ds(wid * WR, WR)], ex_v)

    def body(j, carry):
        def tbody(t, carry2):
            kvec = key_v[j, pl.ds(t * 16, 16)]
            rv = plsc.load_gather(r_v, [kvec])
            w_v[j, pl.ds(t * 16, 16)] = ex_v[j, pl.ds(t * 16, 16)] * rv
            return carry2
        lax.fori_loop(0, 8, tbody, 0)
        return carry

    lax.fori_loop(0, WR, body, 0)
    pltpu.sync_copy(w_v, w_out.at[pl.ds(wid * WR, WR)])


def _edge2_body(ea_ref, w_ref, wt_ref, bt_ref, out_ref):
    ea8 = ea_ref[...].astype(_bf16)
    tf = jnp.concatenate(
        [jnp.maximum(
            jnp.dot(ea8[:, 16 * j:16 * (j + 1)], wt_ref[...],
                    preferred_element_type=_f32) + bt_ref[...], 0.0)
         for j in range(8)], axis=0)
    tf3 = tf.reshape(EB // 128, 128, D)
    wtf3 = tf3 * w_ref[...][:, :, None]
    out_ref[...] = wtf3.reshape(EB, D).astype(_bf16)


_edge2 = pl.pallas_call(
    _edge2_body,
    grid=(NBLK,),
    in_specs=[
        pl.BlockSpec((EB // 8, 128), lambda i: (i, 0)),
        pl.BlockSpec((EB // 128, 128), lambda i: (i, 0)),
        pl.BlockSpec((EDGE_DIM, D), lambda i: (0, 0)),
        pl.BlockSpec((1, D), lambda i: (0, 0)),
    ],
    out_specs=pl.BlockSpec((EB, D), lambda i: (i, 0)),
    out_shape=jax.ShapeDtypeStruct((EP, D), _bf16),
)


@functools.partial(
    pl.kernel,
    out_type=jax.ShapeDtypeStruct((NC, NP, D), _bf16),
    mesh=_MESH,
    compiler_params=_SC_PARAMS,
    scratch_types=[
        pltpu.VMEM((WR, 128), jnp.int32),
        pltpu.VMEM((1024, D), _bf16),
        pltpu.VMEM((128, D), _bf16),
        pltpu.VMEM_SHARED((NP, D), _bf16),
        pltpu.SemaphoreType.DMA,
    ],
)
def _sc_scatter_rows(wtf_hbm, src_hbm, tot_out, idx_v, rows_v, zrows_v,
                     sh_tot, sem):
    cid = lax.axis_index("c")
    sid = lax.axis_index("s")
    wid = sid * NC + cid

    def zbody(i, carry):
        def tbody(t, carry2):
            zrows_v[i, pl.ds(t * 32, 32)] = jnp.zeros((32,), _bf16)
            return carry2
        lax.fori_loop(0, D // 32, tbody, 0)
        return carry

    lax.fori_loop(0, 128, zbody, 0)

    base = sid * NSUB
    for jj in range(4):
        pltpu.sync_copy(zrows_v, sh_tot.at[pl.ds(base + jj * 128, 128)])
    pltpu.sync_copy(zrows_v.at[pl.ds(0, NSUB - 512)],
                    sh_tot.at[pl.ds(base + 512, NSUB - 512)])
    plsc.subcore_barrier()

    pltpu.sync_copy(src_hbm.at[pl.ds(wid * WR, WR)], idx_v)

    def body(g, carry):
        base2 = g * 8
        pltpu.sync_copy(wtf_hbm.at[pl.ds((wid * WR + base2) * 128, 1024)],
                        rows_v)
        copies = [
            pltpu.async_copy(rows_v.at[pl.ds(t * 128, 128)],
                             sh_tot.at[idx_v.at[base2 + t]], sem, add=True)
            for t in range(8)
        ]
        for cp in copies:
            cp.wait()
        return carry

    lax.fori_loop(0, WR // 8, body, 0)
    plsc.subcore_barrier()

    for jj in range(4):
        pltpu.sync_copy(sh_tot.at[pl.ds(base + jj * 128, 128)],
                        tot_out.at[cid, pl.ds(base + jj * 128, 128)])
    pltpu.sync_copy(sh_tot.at[pl.ds(base + 512, NSUB - 512)],
                    tot_out.at[cid, pl.ds(base + 512, NSUB - 512)])


def _final_body(t0_ref, t1_ref, ws_ref, inv_ref, x_ref, wv_ref, bv_ref,
                wo_ref, bo_ref, wu_ref, bu_ref, out_ref):
    s = t0_ref[...].astype(_f32) + t1_ref[...].astype(_f32)
    total = jnp.dot(s, wv_ref[...], preferred_element_type=_f32) \
        + ws_ref[...] * bv_ref[...]
    comb = total * inv_ref[...]
    fused = jnp.maximum(
        jnp.dot(comb, wo_ref[...], preferred_element_type=_f32)
        + bo_ref[...], 0.0)
    out_ref[...] = jnp.dot(fused, wu_ref[...], preferred_element_type=_f32) \
        + bu_ref[...] + x_ref[...]


_final = pl.pallas_call(
    _final_body, out_shape=jax.ShapeDtypeStruct((N, 128), _f32))


def kernel(x, edge_index, edge_attr, Wdown, bdown, Wtime, btime, Wq, bq,
           Wk, bk, Wv, bv, cluster_emb, Wout, bout, Wup, bup):
    src = edge_index[0].astype(jnp.int32)
    src_pad = jnp.concatenate(
        [src, jnp.full((EP - E,), N + 100, jnp.int32)])
    src_p = src_pad.reshape(NBLK, EB // 8, 8).transpose(0, 2, 1) \
        .reshape(ROWS, 128)
    ea8 = jnp.pad(edge_attr.reshape(E // 8, 128),
                  ((0, (EP - E) // 8), (0, 0)))
    wt_b = Wtime.astype(_bf16)
    emb_b = cluster_emb.astype(_bf16)

    qk = _qproj(x, Wdown, bdown[None], Wq, bq[None], Wk.T)
    qk_pad = jnp.concatenate([qk, jnp.zeros((NP - N, D), _bf16)])
    qi = _sc_gather_q(qk_pad, src_p)
    bt_b = btime.astype(_bf16)[None]
    ex2d, key2d, bcnt = _edge1(ea8, qi, src_p, wt_b, bt_b, emb_b)
    d2, c2 = _sc_stats(key2d, ex2d)
    r2d, inv_nn, ws2d = _rstats(
        d2.reshape(NC, SKEY // 128, 128), c2.reshape(NC, SKEY // 128, 128),
        bcnt.reshape(NBLK, C), btime[None], cluster_emb)
    w2d = _sc_weights(r2d.reshape(SKEY), key2d, ex2d)
    wtf = _edge2(ea8, w2d, wt_b, bt_b)
    tot = _sc_scatter_rows(wtf, src_p)
    ws_col = ws2d.reshape(NP)[:N, None]
    out = _final(tot[0, :N], tot[1, :N], ws_col, inv_nn, x, Wv, bv[None],
                 Wout, bout[None], Wup, bup[None])
    return out

# --- scband reference (transcript-rebuilt; emitter-appended) ---
"""Pipeline reference for scband-adapter-temporal-gnn-30872224923941 (READ-ONLY COPY).

The authoritative reference and input builder live on the scoring server;
editing this copy changes nothing except your own understanding.
"""

import jax, jax.numpy as jnp
import numpy as np

N_NODES = 10000
N_EDGES = 320000
IN_CH = 128
ADAPTER_DIM = 64
EDGE_DIM = 16
NUM_CLUSTERS = 8


def setup_inputs(seed: int = 0) -> dict:
    key = jax.random.key(seed)
    ks = jax.random.split(key, 16)
    s = 0.05
    inp = {
        'x': jax.random.normal(ks[0], (N_NODES, IN_CH), dtype=jnp.float32),
        'edge_index': jax.random.randint(ks[1], (2, N_EDGES), 0, N_NODES, dtype=jnp.int64) if jax.config.jax_enable_x64 else jax.random.randint(ks[1], (2, N_EDGES), 0, N_NODES, dtype=jnp.int32),
        'edge_attr': jax.random.normal(ks[2], (N_EDGES, EDGE_DIM), dtype=jnp.float32),
        'Wdown': jax.random.normal(ks[3], (IN_CH, ADAPTER_DIM), dtype=jnp.float32) * s,
        'bdown': jnp.zeros((ADAPTER_DIM,), dtype=jnp.float32),
        'Wtime': jax.random.normal(ks[4], (EDGE_DIM, ADAPTER_DIM), dtype=jnp.float32) * s,
        'btime': jnp.zeros((ADAPTER_DIM,), dtype=jnp.float32),
        'Wq': jax.random.normal(ks[5], (ADAPTER_DIM, ADAPTER_DIM), dtype=jnp.float32) * s,
        'bq': jnp.zeros((ADAPTER_DIM,), dtype=jnp.float32),
        'Wk': jax.random.normal(ks[6], (ADAPTER_DIM, ADAPTER_DIM), dtype=jnp.float32) * s,
        'bk': jnp.zeros((ADAPTER_DIM,), dtype=jnp.float32),
        'Wv': jax.random.normal(ks[7], (ADAPTER_DIM, ADAPTER_DIM), dtype=jnp.float32) * s,
        'bv': jnp.zeros((ADAPTER_DIM,), dtype=jnp.float32),
        'cluster_emb': jax.random.normal(ks[8], (NUM_CLUSTERS, ADAPTER_DIM), dtype=jnp.float32),
        'Wout': jax.random.normal(ks[9], (ADAPTER_DIM, ADAPTER_DIM), dtype=jnp.float32) * s,
        'bout': jnp.zeros((ADAPTER_DIM,), dtype=jnp.float32),
        'Wup': jax.random.normal(ks[10], (ADAPTER_DIM, IN_CH), dtype=jnp.float32) * s,
        'bup': jnp.zeros((IN_CH,), dtype=jnp.float32),
    }
    return inp


def _adapter_forward(x, edge_attr, Wdown, bdown, Wtime, btime, Wq, bq, Wk, bk, Wv, bv, cluster_emb, Wout, bout, Wup, bup, edge_index):
    N = x.shape[0]
    D = Wdown.shape[1]
    scaling = D ** (-0.5)
    # Adapter.down + ReLU
    node_feat = jax.nn.relu(x @ Wdown + bdown)
    # Adapter.time_proj (Linear + ReLU)
    time_feat = jax.nn.relu(edge_attr @ Wtime + btime)
    # HierarchicalTimeAttention (context_feat unused in its forward)
    q = node_feat @ Wq + bq
    k = time_feat @ Wk + bk
    v = time_feat @ Wv + bv
    sims = (time_feat @ cluster_emb.T) * scaling
    assign = jnp.argmax(jax.nn.softmax(sims, axis=-1), axis=-1)
    src = edge_index[0]
    q_i = q[src]  # gather: [E, D]
    attn_all = jnp.sum(q_i * k, axis=-1) * scaling  # [E]
    total = jnp.zeros((N, D), dtype=x.dtype)
    n_nonempty = jnp.array(0.0, dtype=x.dtype)
    for i in range(NUM_CLUSTERS):
        mask = (assign == i)
        nonempty = jnp.any(mask)
        attn_m = jnp.where(mask, attn_all, -1e30)
        seg_max = jax.ops.segment_max(attn_m, src, num_segments=N)
        seg_max = jnp.where(jnp.isfinite(seg_max), seg_max, 0.0)
        arg = jnp.where(mask, attn_all - seg_max[src], 0.0)
        ex = jnp.where(mask, jnp.exp(arg), 0.0)
        denom = jax.ops.segment_sum(ex, src, num_segments=N)
        denom_safe = jnp.where(denom > 0, denom, 1.0)
        weights = ex / denom_safe[src]  # scatter_softmax per (cluster, src-node)
        wv = v * weights[:, None]
        csum = jax.ops.segment_sum(wv, src, num_segments=N)  # scatter-add
        cnt = jax.ops.segment_sum(mask.astype(x.dtype), src, num_segments=N)
        cmean = csum / jnp.maximum(cnt, 1.0)[:, None]  # scatter_mean semantics
        total = total + jnp.where(nonempty, cmean, jnp.zeros_like(cmean))
        n_nonempty = n_nonempty + nonempty.astype(x.dtype)
    combined = total / n_nonempty
    fused = jax.nn.relu(combined @ Wout + bout)
    out = fused @ Wup + bup
    return x + out


def reference(x, edge_index, edge_attr, Wdown, bdown, Wtime, btime, Wq, bq, Wk, bk, Wv, bv, cluster_emb, Wout, bout, Wup, bup):
    return _adapter_forward(x, edge_attr, Wdown, bdown, Wtime, btime, Wq, bq, Wk, bk, Wv, bv, cluster_emb, Wout, bout, Wup, bup, edge_index)

if __name__ == "__main__":
    import jax
    _d = setup_inputs()
    print(jax.jit(kernel)(*tuple(_d.values())))

</pallas_src>

<mosaic_0001>
#map = affine_map<(d0, d1) -> (0, 0)>
module attributes {stable_mosaic.version = 14 : i64} {
  func.func @_sc_stats(%arg0: i32, %arg1: i32, %arg2: memref<2560x128xi32, #tpu.memory_space<hbm>>, %arg3: memref<2560x128xf32, #tpu.memory_space<hbm>>, %arg4: memref<2x81024xf32, #tpu.memory_space<hbm>>, %arg5: memref<2x81024xf32, #tpu.memory_space<hbm>>, %arg6: memref<80x128xi32, #tpu.memory_space<vmem>>, %arg7: memref<80x128xf32, #tpu.memory_space<vmem>>, %arg8: memref<80x128xf32, #tpu.memory_space<vmem>>, %arg9: memref<5064xf32, #tpu.memory_space<vmem>>, %arg10: memref<81024xf32, #tpu.memory_space<vmem_shared>>, %arg11: memref<81024xf32, #tpu.memory_space<vmem_shared>>, %arg12: memref<!tpu.dma_semaphore, #tpu.memory_space<semaphore_mem>>) attributes {dimension_semantics = [#tpu.dimension_semantics<core_parallel>, #tpu.dimension_semantics<subcore_parallel>], iteration_bounds = array<i64: 2, 16>, scalar_prefetch = 0 : i64, scratch_operands = 7 : i64, tpu.core_type = #tpu.core_type<sc_vector_subcore>, window_params = [{transform_indices = #map}, {transform_indices = #map}, {transform_indices = #map}, {transform_indices = #map}]} {
    %mul3A = arith.constant 2 : i32
    %mul3A_0 = arith.muli %arg1, %mul3A : i32
    %add3A = arith.addi %mul3A_0, %arg0 : i32
    %scan3A = arith.constant 0 : i32
    %scan3A_1 = arith.constant 0 : i32
    %scan3A_2 = arith.constant 316 : i32
    %scan3A_3 = arith.addi %scan3A_1, %scan3A_2 : i32
    %scan3A_4 = arith.constant 1 : i32
    scf.for %scan3A_35 = %scan3A_1 to %scan3A_3 step %scan3A_4  : i32 {
      %broadcast_in_dim3A = arith.constant 0.000000e+00 : f32
      %broadcast_in_dim3A_36 = vector.broadcast %broadcast_in_dim3A : f32 to vector<16xf32>
      %mul3A_37 = arith.constant 16 : i32
      %mul3A_38 = arith.muli %scan3A_35, %mul3A_37 : i32
      %swap3A = arith.index_cast %mul3A_38 : i32 to index
      %swap3A_39 = tpu.vector_load %arg9[%swap3A] {strides = array<i32>} : memref<5064xf32, #tpu.memory_space<vmem>>, vector<16xf32>,
      tpu.vector_store %arg9[%swap3A], %broadcast_in_dim3A_36 {strides = array<i32>} : memref<5064xf32, #tpu.memory_space<vmem>>, vector<16xf32>,
    }
    %scan3A_5 = arith.constant 316 : i32
    %scan3A_6 = arith.constant 0 : i32
    %scan3A_7 = arith.constant 0 : i32
    %scan3A_8 = arith.constant 80 : i32
    %scan3A_9 = arith.addi %scan3A_7, %scan3A_8 : i32
    %scan3A_10 = arith.constant 1 : i32
    scf.for %scan3A_35 = %scan3A_7 to %scan3A_9 step %scan3A_10  : i32 {
      %scan3A_36 = arith.constant 0 : i32
      %scan3A_37 = arith.constant 0 : i32
      %scan3A_38 = arith.constant 8 : i32
      %scan3A_39 = arith.addi %scan3A_37, %scan3A_38 : i32
      %scan3A_40 = arith.constant 1 : i32
      scf.for %scan3A_42 = %scan3A_37 to %scan3A_39 step %scan3A_40  : i32 {
        %broadcast_in_dim3A = arith.constant 1.000000e+00 : f32
        %broadcast_in_dim3A_43 = vector.broadcast %broadcast_in_dim3A : f32 to vector<16xf32>
        %mul3A_44 = arith.constant 16 : i32
        %mul3A_45 = arith.muli %scan3A_42, %mul3A_44 : i32
        %swap3A = arith.index_cast %scan3A_35 : i32 to index
        %swap3A_46 = arith.index_cast %mul3A_45 : i32 to index
        %swap3A_47 = tpu.vector_load %arg8[%swap3A, %swap3A_46] {strides = array<i32>} : memref<80x128xf32, #tpu.memory_space<vmem>>, vector<16xf32>,
        tpu.vector_store %arg8[%swap3A, %swap3A_46], %broadcast_in_dim3A_43 {strides = array<i32>} : memref<80x128xf32, #tpu.memory_space<vmem>>, vector<16xf32>,
      }
      %scan3A_41 = arith.constant 8 : i32
    }
    %scan3A_11 = arith.constant 80 : i32
    %mul3A_12 = arith.constant 5064 : i32
    %mul3A_13 = arith.muli %arg1, %mul3A_12 : i32
    "tpu.region"() ({
      %run_scoped3A = tpu.sem_alloc : memref<!tpu.dma_semaphore, #tpu.memory_space<semaphore_mem>>
      %dma_start3A = tpu.memref_slice %arg10[%mul3A_13] : memref<81024xf32, #tpu.memory_space<vmem_shared>> -> memref<5064xf32, #tpu.memory_space<vmem_shared>>
      %dma_start3A_35 = tpu.memref_slice %arg10[%mul3A_13] : memref<81024xf32, #tpu.memory_space<vmem_shared>> -> memref<5064xf32, #tpu.memory_space<vmem_shared>>
      tpu.enqueue_dma source(%arg9 : memref<5064xf32, #tpu.memory_space<vmem>>) target(%dma_start3A_35 : memref<5064xf32, #tpu.memory_space<vmem_shared>>) target_semaphore(%run_scoped3A : memref<!tpu.dma_semaphore, #tpu.memory_space<semaphore_mem>>)
      %dma_wait3A = tpu.memref_slice %arg10[%mul3A_13] : memref<81024xf32, #tpu.memory_space<vmem_shared>> -> memref<5064xf32, #tpu.memory_space<vmem_shared>>
      %dma_wait3A_36 = tpu.memref_slice %arg10[%mul3A_13] : memref<81024xf32, #tpu.memory_space<vmem_shared>> -> memref<5064xf32, #tpu.memory_space<vmem_shared>>
      tpu.wait_dma2 semaphore(%run_scoped3A : memref<!tpu.dma_semaphore, #tpu.memory_space<semaphore_mem>>) src(%arg9 : memref<5064xf32, #tpu.memory_space<vmem>>) dst(%dma_wait3A_36 : memref<5064xf32, #tpu.memory_space<vmem_shared>>)
      tpu.yield
    }) : () -> ()
    %mul3A_14 = arith.constant 5064 : i32
    %mul3A_15 = arith.muli %arg1, %mul3A_14 : i32
    "tpu.region"() ({
      %run_scoped3A = tpu.sem_alloc : memref<!tpu.dma_semaphore, #tpu.memory_space<semaphore_mem>>
      %dma_start3A = tpu.memref_slice %arg11[%mul3A_15] : memref<81024xf32, #tpu.memory_space<vmem_shared>> -> memref<5064xf32, #tpu.memory_space<vmem_shared>>
      %dma_start3A_35 = tpu.memref_slice %arg11[%mul3A_15] : memref<81024xf32, #tpu.memory_space<vmem_shared>> -> memref<5064xf32, #tpu.memory_space<vmem_shared>>
      tpu.enqueue_dma source(%arg9 : memref<5064xf32, #tpu.memory_space<vmem>>) target(%dma_start3A_35 : memref<5064xf32, #tpu.memory_space<vmem_shared>>) target_semaphore(%run_scoped3A : memref<!tpu.dma_semaphore, #tpu.memory_space<semaphore_mem>>)
      %dma_wait3A = tpu.memref_slice %arg11[%mul3A_15] : memref<81024xf32, #tpu.memory_space<vmem_shared>> -> memref<5064xf32, #tpu.memory_space<vmem_shared>>
      %dma_wait3A_36 = tpu.memref_slice %arg11[%mul3A_15] : memref<81024xf32, #tpu.memory_space<vmem_shared>> -> memref<5064xf32, #tpu.memory_space<vmem_shared>>
      tpu.wait_dma2 semaphore(%run_scoped3A : memref<!tpu.dma_semaphore, #tpu.memory_space<semaphore_mem>>) src(%arg9 : memref<5064xf32, #tpu.memory_space<vmem>>) dst(%dma_wait3A_36 : memref<5064xf32, #tpu.memory_space<vmem_shared>>)
      tpu.yield
    }) : () -> ()
    %barrier3A = arith.constant 0 : index
    tpu.barrier barrier_id(%barrier3A)
    %mul3A_16 = arith.constant 80 : i32
    %mul3A_17 = arith.muli %add3A, %mul3A_16 : i32
    "tpu.region"() ({
      %run_scoped3A = tpu.sem_alloc : memref<!tpu.dma_semaphore, #tpu.memory_space<semaphore_mem>>
      %dma_start3A = arith.constant 0 : i32
      %dma_start3A_35 = tpu.memref_slice %arg2[%mul3A_17, %dma_start3A] : memref<2560x128xi32, #tpu.memory_space<hbm>> -> memref<80x128xi32, #tpu.memory_space<hbm>>
      %dma_start3A_36 = arith.constant 0 : i32
      %dma_start3A_37 = tpu.memref_slice %arg2[%mul3A_17, %dma_start3A_36] : memref<2560x128xi32, #tpu.memory_space<hbm>> -> memref<80x128xi32, #tpu.memory_space<hbm>>
      tpu.enqueue_dma source(%dma_start3A_37 : memref<80x128xi32, #tpu.memory_space<hbm>>) target(%arg6 : memref<80x128xi32, #tpu.memory_space<vmem>>) target_semaphore(%run_scoped3A : memref<!tpu.dma_semaphore, #tpu.memory_space<semaphore_mem>>)
      %dma_wait3A = arith.constant 0 : i32
      %dma_wait3A_38 = tpu.memref_slice %arg2[%mul3A_17, %dma_wait3A] : memref<2560x128xi32, #tpu.memory_space<hbm>> -> memref<80x128xi32, #tpu.memory_space<hbm>>
      %dma_wait3A_39 = arith.constant 0 : i32
      %dma_wait3A_40 = tpu.memref_slice %arg2[%mul3A_17, %dma_wait3A_39] : memref<2560x128xi32, #tpu.memory_space<hbm>> -> memref<80x128xi32, #tpu.memory_space<hbm>>
      tpu.wait_dma2 semaphore(%run_scoped3A : memref<!tpu.dma_semaphore, #tpu.memory_space<semaphore_mem>>) src(%dma_wait3A_40 : memref<80x128xi32, #tpu.memory_space<hbm>>) dst(%arg6 : memref<80x128xi32, #tpu.memory_space<vmem>>)
      tpu.yield
    }) : () -> ()
    %mul3A_18 = arith.constant 80 : i32
    %mul3A_19 = arith.muli %add3A, %mul3A_18 : i32
    "tpu.region"() ({
      %run_scoped3A = tpu.sem_alloc : memref<!tpu.dma_semaphore, #tpu.memory_space<semaphore_mem>>
      %dma_start3A = arith.constant 0 : i32
      %dma_start3A_35 = tpu.memref_slice %arg3[%mul3A_19, %dma_start3A] : memref<2560x128xf32, #tpu.memory_space<hbm>> -> memref<80x128xf32, #tpu.memory_space<hbm>>
      %dma_start3A_36 = arith.constant 0 : i32
      %dma_start3A_37 = tpu.memref_slice %arg3[%mul3A_19, %dma_start3A_36] : memref<2560x128xf32, #tpu.memory_space<hbm>> -> memref<80x128xf32, #tpu.memory_space<hbm>>
      tpu.enqueue_dma source(%dma_start3A_37 : memref<80x128xf32, #tpu.memory_space<hbm>>) target(%arg7 : memref<80x128xf32, #tpu.memory_space<vmem>>) target_semaphore(%run_scoped3A : memref<!tpu.dma_semaphore, #tpu.memory_space<semaphore_mem>>)
      %dma_wait3A = arith.constant 0 : i32
      %dma_wait3A_38 = tpu.memref_slice %arg3[%mul3A_19, %dma_wait3A] : memref<2560x128xf32, #tpu.memory_space<hbm>> -> memref<80x128xf32, #tpu.memory_space<hbm>>
      %dma_wait3A_39 = arith.constant 0 : i32
      %dma_wait3A_40 = tpu.memref_slice %arg3[%mul3A_19, %dma_wait3A_39] : memref<2560x128xf32, #tpu.memory_space<hbm>> -> memref<80x128xf32, #tpu.memory_space<hbm>>
      tpu.wait_dma2 semaphore(%run_scoped3A : memref<!tpu.dma_semaphore, #tpu.memory_space<semaphore_mem>>) src(%dma_wait3A_40 : memref<80x128xf32, #tpu.memory_space<hbm>>) dst(%arg7 : memref<80x128xf32, #tpu.memory_space<vmem>>)
      tpu.yield
    }) : () -> ()
    %scan3A_20 = arith.constant 0 : i32
    %scan3A_21 = arith.constant 0 : i32
    %scan3A_22 = arith.constant 10 : i32
    %scan3A_23 = arith.addi %scan3A_21, %scan3A_22 : i32
    %scan3A_24 = arith.constant 1 : i32
    scf.for %scan3A_35 = %scan3A_21 to %scan3A_23 step %scan3A_24  : i32 {
      %mul3A_36 = arith.constant 8 : i32
      %mul3A_37 = arith.muli %scan3A_35, %mul3A_36 : i32
      %add3A_38 = arith.constant 0 : i32
      %add3A_39 = arith.addi %mul3A_37, %add3A_38 : i32
      %add3A_40 = arith.constant 0 : i32
      %add3A_41 = arith.addi %mul3A_37, %add3A_40 : i32
      %dma_start3A = arith.constant 0 : i32
      %dma_start3A_42 = tpu.memref_slice %arg7[%add3A_39, %dma_start3A] : memref<80x128xf32, #tpu.memory_space<vmem>> -> memref<1x128xf32, #tpu.memory_space<vmem>>
      %dma_start3A_43 = tpu.memref_squeeze %dma_start3A_42 : memref<1x128xf32, #tpu.memory_space<vmem>> -> memref<128xf32, #tpu.memory_space<vmem>>
      %dma_start3A_44 = arith.constant 0 : i32
      %dma_start3A_45 = tpu.memref_slice %arg6[%add3A_41, %dma_start3A_44] : memref<80x128xi32, #tpu.memory_space<vmem>> -> memref<1x128xi32, #tpu.memory_space<vmem>>
      %dma_start3A_46 = tpu.memref_squeeze %dma_start3A_45 : memref<1x128xi32, #tpu.memory_space<vmem>> -> memref<128xi32, #tpu.memory_space<vmem>>
      %dma_start3A_47 = arith.constant 0 : i32
      %dma_start3A_48 = tpu.memref_slice %arg10[%dma_start3A_47] : memref<81024xf32, #tpu.memory_space<vmem_shared>> -> memref<81024xf32, #tpu.memory_space<vmem_shared>>
      tpu.enqueue_indirect_dma source(%dma_start3A_43 : memref<128xf32, #tpu.memory_space<vmem>>) target(%dma_start3A_48 : memref<81024xf32, #tpu.memory_space<vmem_shared>>) offsets(%dma_start3A_46 : memref<128xi32, #tpu.memory_space<vmem>>) semaphore(%arg12 : memref<!tpu.dma_semaphore, #tpu.memory_space<semaphore_mem>>) {add = true}
      %add3A_49 = arith.constant 0 : i32
      %add3A_50 = arith.addi %mul3A_37, %add3A_49 : i32
      %add3A_51 = arith.constant 0 : i32
      %add3A_52 = arith.addi %mul3A_37, %add3A_51 : i32
      %dma_start3A_53 = arith.constant 0 : i32
      %dma_start3A_54 = tpu.memref_slice %arg8[%add3A_50, %dma_start3A_53] : memref<80x128xf32, #tpu.memory_space<vmem>> -> memref<1x128xf32, #tpu.memory_space<vmem>>
      %dma_start3A_55 = tpu.memref_squeeze %dma_start3A_54 : memref<1x128xf32, #tpu.memory_space<vmem>> -> memref<128xf32, #tpu.memory_space<vmem>>
      %dma_start3A_56 = arith.constant 0 : i32
      %dma_start3A_57 = tpu.memref_slice %arg6[%add3A_52, %dma_start3A_56] : memref<80x128xi32, #tpu.memory_space<vmem>> -> memref<1x128xi32, #tpu.memory_space<vmem>>
      %dma_start3A_58 = tpu.memref_squeeze %dma_start3A_57 : memref<1x128xi32, #tpu.memory_space<vmem>> -> memref<128xi32, #tpu.memory_space<vmem>>
      %dma_start3A_59 = arith.constant 0 : i32
      %dma_start3A_60 = tpu.memref_slice %arg11[%dma_start3A_59] : memref<81024xf32, #tpu.memory_space<vmem_shared>> -> memref<81024xf32, #tpu.memory_space<vmem_shared>>
      tpu.enqueue_indirect_dma source(%dma_start3A_55 : memref<128xf32, #tpu.memory_space<vmem>>) target(%dma_start3A_60 : memref<81024xf32, #tpu.memory_space<vmem_shared>>) offsets(%dma_start3A_58 : memref<128xi32, #tpu.memory_space<vmem>>) semaphore(%arg12 : memref<!tpu.dma_semaphore, #tpu.memory_space<semaphore_mem>>) {add = true}
      %add3A_61 = arith.constant 1 : i32
      %add3A_62 = arith.addi %mul3A_37, %add3A_61 : i32
      %add3A_63 = arith.constant 1 : i32
      %add3A_64 = arith.addi %mul3A_37, %add3A_63 : i32
      %dma_start3A_65 = arith.constant 0 : i32
      %dma_start3A_66 = tpu.memref_slice %arg7[%add3A_62, %dma_start3A_65] : memref<80x128xf32, #tpu.memory_space<vmem>> -> memref<1x128xf32, #tpu.memory_space<vmem>>
      %dma_start3A_67 = tpu.memref_squeeze %dma_start3A_66 : memref<1x128xf32, #tpu.memory_space<vmem>> -> memref<128xf32, #tpu.memory_space<vmem>>
      %dma_start3A_68 = arith.constant 0 : i32
      %dma_start3A_69 = tpu.memref_slice %arg6[%add3A_64, %dma_start3A_68] : memref<80x128xi32, #tpu.memory_space<vmem>> -> memref<1x128xi32, #tpu.memory_space<vmem>>
      %dma_start3A_70 = tpu.memref_squeeze %dma_start3A_69 : memref<1x128xi32, #tpu.memory_space<vmem>> -> memref<128xi32, #tpu.memory_space<vmem>>
      %dma_start3A_71 = arith.constant 0 : i32
      %dma_start3A_72 = tpu.memref_slice %arg10[%dma_start3A_71] : memref<81024xf32, #tpu.memory_space<vmem_shared>> -> memref<81024xf32, #tpu.memory_space<vmem_shared>>
      tpu.enqueue_indirect_dma source(%dma_start3A_67 : memref<128xf32, #tpu.memory_space<vmem>>) target(%dma_start3A_72 : memref<81024xf32, #tpu.memory_space<vmem_shared>>) offsets(%dma_start3A_70 : memref<128xi32, #tpu.memory_space<vmem>>) semaphore(%arg12 : memref<!tpu.dma_semaphore, #tpu.memory_space<semaphore_mem>>) {add = true}
      %add3A_73 = arith.constant 1 : i32
      %add3A_74 = arith.addi %mul3A_37, %add3A_73 : i32
      %add3A_75 = arith.constant 1 : i32
      %add3A_76 = arith.addi %mul3A_37, %add3A_75 : i32
      %dma_start3A_77 = arith.constant 0 : i32
      %dma_start3A_78 = tpu.memref_slice %arg8[%add3A_74, %dma_start3A_77] : memref<80x128xf32, #tpu.memory_space<vmem>> -> memref<1x128xf32, #tpu.memory_space<vmem>>
      %dma_start3A_79 = tpu.memref_squeeze %dma_start3A_78 : memref<1x128xf32, #tpu.memory_space<vmem>> -> memref<128xf32, #tpu.memory_space<vmem>>
      %dma_start3A_80 = arith.constant 0 : i32
      %dma_start3A_81 = tpu.memref_slice %arg6[%add3A_76, %dma_start3A_80] : memref<80x128xi32, #tpu.memory_space<vmem>> -> memref<1x128xi32, #tpu.memory_space<vmem>>
      %dma_start3A_82 = tpu.memref_squeeze %dma_start3A_81 : memref<1x128xi32, #tpu.memory_space<vmem>> -> memref<128xi32, #tpu.memory_space<vmem>>
      %dma_start3A_83 = arith.constant 0 : i32
      %dma_start3A_84 = tpu.memref_slice %arg11[%dma_start3A_83] : memref<81024xf32, #tpu.memory_space<vmem_shared>> -> memref<81024xf32, #tpu.memory_space<vmem_shared>>
      tpu.enqueue_indirect_dma source(%dma_start3A_79 : memref<128xf32, #tpu.memory_space<vmem>>) target(%dma_start3A_84 : memref<81024xf32, #tpu.memory_space<vmem_shared>>) offsets(%dma_start3A_82 : memref<128xi32, #tpu.memory_space<vmem>>) semaphore(%arg12 : memref<!tpu.dma_semaphore, #tpu.memory_space<semaphore_mem>>) {add = true}
      %add3A_85 = arith.constant 2 : i32
      %add3A_86 = arith.addi %mul3A_37, %add3A_85 : i32
      %add3A_87 = arith.constant 2 : i32
      %add3A_88 = arith.addi %mul3A_37, %add3A_87 : i32
      %dma_start3A_89 = arith.constant 0 : i32
      %dma_start3A_90 = tpu.memref_slice %arg7[%add3A_86, %dma_start3A_89] : memref<80x128xf32, #tpu.memory_space<vmem>> -> memref<1x128xf32, #tpu.memory_space<vmem>>
      %dma_start3A_91 = tpu.memref_squeeze %dma_start3A_90 : memref<1x128xf32, #tpu.memory_space<vmem>> -> memref<128xf32, #tpu.memory_space<vmem>>
      %dma_start3A_92 = arith.constant 0 : i32
      %dma_start3A_93 = tpu.memref_slice %arg6[%add3A_88, %dma_start3A_92] : memref<80x128xi32, #tpu.memory_space<vmem>> -> memref<1x128xi32, #tpu.memory_space<vmem>>
      %dma_start3A_94 = tpu.memref_squeeze %dma_start3A_93 : memref<1x128xi32, #tpu.memory_space<vmem>> -> memref<128xi32, #tpu.memory_space<vmem>>
      %dma_start3A_95 = arith.constant 0 : i32
      %dma_start3A_96 = tpu.memref_slice %arg10[%dma_start3A_95] : memref<81024xf32, #tpu.memory_space<vmem_shared>> -> memref<81024xf32, #tpu.memory_space<vmem_shared>>
      tpu.enqueue_indirect_dma source(%dma_start3A_91 : memref<128xf32, #tpu.memory_space<vmem>>) target(%dma_start3A_96 : memref<81024xf32, #tpu.memory_space<vmem_shared>>) offsets(%dma_start3A_94 : memref<128xi32, #tpu.memory_space<vmem>>) semaphore(%arg12 : memref<!tpu.dma_semaphore, #tpu.memory_space<semaphore_mem>>) {add = true}
      %add3A_97 = arith.constant 2 : i32
      %add3A_98 = arith.addi %mul3A_37, %add3A_97 : i32
      %add3A_99 = arith.constant 2 : i32
      %add3A_100 = arith.addi %mul3A_37, %add3A_99 : i32
      %dma_start3A_101 = arith.constant 0 : i32
      %dma_start3A_102 = tpu.memref_slice %arg8[%add3A_98, %dma_start3A_101] : memref<80x128xf32, #tpu.memory_space<vmem>> -> memref<1x128xf32, #tpu.memory_space<vmem>>
      %dma_start3A_103 = tpu.memref_squeeze %dma_start3A_102 : memref<1x128xf32, #tpu.memory_space<vmem>> -> memref<128xf32, #tpu.memory_space<vmem>>
      %dma_start3A_104 = arith.constant 0 : i32
      %dma_start3A_105 = tpu.memref_slice %arg6[%add3A_100, %dma_start3A_104] : memref<80x128xi32, #tpu.memory_space<vmem>> -> memref<1x128xi32, #tpu.memory_space<vmem>>
      %dma_start3A_106 = tpu.memref_squeeze %dma_start3A_105 : memref<1x128xi32, #tpu.memory_space<vmem>> -> memref<128xi32, #tpu.memory_space<vmem>>
      %dma_start3A_107 = arith.constant 0 : i32
      %dma_start3A_108 = tpu.memref_slice %arg11[%dma_start3A_107] : memref<81024xf32, #tpu.memory_space<vmem_shared>> -> memref<81024xf32, #tpu.memory_space<vmem_shared>>
      tpu.enqueue_indirect_dma source(%dma_start3A_103 : memref<128xf32, #tpu.memory_space<vmem>>) target(%dma_start3A_108 : memref<81024xf32, #tpu.memory_space<vmem_shared>>) offsets(%dma_start3A_106 : memref<128xi32, #tpu.memory_space<vmem>>) semaphore(%arg12 : memref<!tpu.dma_semaphore, #tpu.memory_space<semaphore_mem>>) {add = true}
      %add3A_109 = arith.constant 3 : i32
      %add3A_110 = arith.addi %mul3A_37, %add3A_109 : i32
      %add3A_111 = arith.constant 3 : i32
      %add3A_112 = arith.addi %mul3A_37, %add3A_111 : i32
      %dma_start3A_113 = arith.constant 0 : i32
      %dma_start3A_114 = tpu.memref_slice %arg7[%add3A_110, %dma_start3A_113] : memref<80x128xf32, #tpu.memory_space<vmem>> -> memref<1x128xf32, #tpu.memory_space<vmem>>
      %dma_start3A_115 = tpu.memref_squeeze %dma_start3A_114 : memref<1x128xf32, #tpu.memory_space<vmem>> -> memref<128xf32, #tpu.memory_space<vmem>>
      %dma_start3A_116 = arith.constant 0 : i32
      %dma_start3A_117 = tpu.memref_slice %arg6[%add3A_112, %dma_start3A_116] : memref<80x128xi32, #tpu.memory_space<vmem>> -> memref<1x128xi32, #tpu.memory_space<vmem>>
      %dma_start3A_118 = tpu.memref_squeeze %dma_start3A_117 : memref<1x128xi32, #tpu.memory_space<vmem>> -> memref<128xi32, #tpu.memory_space<vmem>>
      %dma_start3A_119 = arith.constant 0 : i32
      %dma_start3A_120 = tpu.memref_slice %arg10[%dma_start3A_119] : memref<81024xf32, #tpu.memory_space<vmem_shared>> -> memref<81024xf32, #tpu.memory_space<vmem_shared>>
      tpu.enqueue_indirect_dma source(%dma_start3A_115 : memref<128xf32, #tpu.memory_space<vmem>>) target(%dma_start3A_120 : memref<81024xf32, #tpu.memory_space<vmem_shared>>) offsets(%dma_start3A_118 : memref<128xi32, #tpu.memory_space<vmem>>) semaphore(%arg12 : memref<!tpu.dma_semaphore, #tpu.memory_space<semaphore_mem>>) {add = true}
      %add3A_121 = arith.constant 3 : i32
      %add3A_122 = arith.addi %mul3A_37, %add3A_121 : i32
      %add3A_123 = arith.constant 3 : i32
      %add3A_124 = arith.addi %mul3A_37, %add3A_123 : i32
      %dma_start3A_125 = arith.constant 0 : i32
      %dma_start3A_126 = tpu.memref_slice %arg8[%add3A_122, %dma_start3A_125] : memref<80x128xf32, #tpu.memory_space<vmem>> -> memref<1x128xf32, #tpu.memory_space<vmem>>
      %dma_start3A_127 = tpu.memref_squeeze %dma_start3A_126 : memref<1x128xf32, #tpu.memory_space<vmem>> -> memref<128xf32, #tpu.memory_space<vmem>>
      %dma_start3A_128 = arith.constant 0 : i32
      %dma_start3A_129 = tpu.memref_slice %arg6[%add3A_124, %dma_start3A_128] : memref<80x128xi32, #tpu.memory_space<vmem>> -> memref<1x128xi32, #tpu.memory_space<vmem>>
      %dma_start3A_130 = tpu.memref_squeeze %dma_start3A_129 : memref<1x128xi32, #tpu.memory_space<vmem>> -> memref<128xi32, #tpu.memory_space<vmem>>
      %dma_start3A_131 = arith.constant 0 : i32
      %dma_start3A_132 = tpu.memref_slice %arg11[%dma_start3A_131] : memref<81024xf32, #tpu.memory_space<vmem_shared>> -> memref<81024xf32, #tpu.memory_space<vmem_shared>>
      tpu.enqueue_indirect_dma source(%dma_start3A_127 : memref<128xf32, #tpu.memory_space<vmem>>) target(%dma_start3A_132 : memref<81024xf32, #tpu.memory_space<vmem_shared>>) offsets(%dma_start3A_130 : memref<128xi32, #tpu.memory_space<vmem>>) semaphore(%arg12 : memref<!tpu.dma_semaphore, #tpu.memory_space<semaphore_mem>>) {add = true}
      %add3A_133 = arith.constant 4 : i32
      %add3A_134 = arith.addi %mul3A_37, %add3A_133 : i32
      %add3A_135 = arith.constant 4 : i32
      %add3A_136 = arith.addi %mul3A_37, %add3A_135 : i32
      %dma_start3A_137 = arith.constant 0 : i32
      %dma_start3A_138 = tpu.memref_slice %arg7[%add3A_134, %dma_start3A_137] : memref<80x128xf32, #tpu.memory_space<vmem>> -> memref<1x128xf32, #tpu.memory_space<vmem>>
      %dma_start3A_139 = tpu.memref_squeeze %dma_start3A_138 : memref<1x128xf32, #tpu.memory_space<vmem>> -> memref<128xf32, #tpu.memory_space<vmem>>
      %dma_start3A_140 = arith.constant 0 : i32
      %dma_start3A_141 = tpu.memref_slice %arg6[%add3A_136, %dma_start3A_140] : memref<80x128xi32, #tpu.memory_space<vmem>> -> memref<1x128xi32, #tpu.memory_space<vmem>>
      %dma_start3A_142 = tpu.memref_squeeze %dma_start3A_141 : memref<1x128xi32, #tpu.memory_space<vmem>> -> memref<128xi32, #tpu.memory_space<vmem>>
      %dma_start3A_143 = arith.constant 0 : i32
      %dma_start3A_144 = tpu.memref_slice %arg10[%dma_start3A_143] : memref<81024xf32, #tpu.memory_space<vmem_shared>> -> memref<81024xf32, #tpu.memory_space<vmem_shared>>
      tpu.enqueue_indirect_dma source(%dma_start3A_139 : memref<128xf32, #tpu.memory_space<vmem>>) target(%dma_start3A_144 : memref<81024xf32, #tpu.memory_space<vmem_shared>>) offsets(%dma_start3A_142 : memref<128xi32, #tpu.memory_space<vmem>>) semaphore(%arg12 : memref<!tpu.dma_semaphore, #tpu.memory_space<semaphore_mem>>) {add = true}
      %add3A_145 = arith.constant 4 : i32
      %add3A_146 = arith.addi %mul3A_37, %add3A_145 : i32
      %add3A_147 = arith.constant 4 : i32
      %add3A_148 = arith.addi %mul3A_37, %add3A_147 : i32
      %dma_start3A_149 = arith.constant 0 : i32
      %dma_start3A_150 = tpu.memref_slice %arg8[%add3A_146, %dma_start3A_149] : memref<80x128xf32, #tpu.memory_space<vmem>> -> memref<1x128xf32, #tpu.memory_space<vmem>>
      %dma_start3A_151 = tpu.memref_squeeze %dma_start3A_150 : memref<1x128xf32, #tpu.memory_space<vmem>> -> memref<128xf32, #tpu.memory_space<vmem>>
      %dma_start3A_152 = arith.constant 0 : i32
      %dma_start3A_153 = tpu.memref_slice %arg6[%add3A_148, %dma_start3A_152] : memref<80x128xi32, #tpu.memory_space<vmem>> -> memref<1x128xi32, #tpu.memory_space<vmem>>
      %dma_start3A_154 = tpu.memref_squeeze %dma_start3A_153 : memref<1x128xi32, #tpu.memory_space<vmem>> -> memref<128xi32, #tpu.memory_space<vmem>>
      %dma_start3A_155 = arith.constant 0 : i32
      %dma_start3A_156 = tpu.memref_slice %arg11[%dma_start3A_155] : memref<81024xf32, #tpu.memory_space<vmem_shared>> -> memref<81024xf32, #tpu.memory_space<vmem_shared>>
      tpu.enqueue_indirect_dma source(%dma_start3A_151 : memref<128xf32, #tpu.memory_space<vmem>>) target(%dma_start3A_156 : memref<81024xf32, #tpu.memory_space<vmem_shared>>) offsets(%dma_start3A_154 : memref<128xi32, #tpu.memory_space<vmem>>) semaphore(%arg12 : memref<!tpu.dma_semaphore, #tpu.memory_space<semaphore_mem>>) {add = true}
      %add3A_157 = arith.constant 5 : i32
      %add3A_158 = arith.addi %mul3A_37, %add3A_157 : i32
      %add3A_159 = arith.constant 5 : i32
      %add3A_160 = arith.addi %mul3A_37, %add3A_159 : i32
      %dma_start3A_161 = arith.constant 0 : i32
      %dma_start3A_162 = tpu.memref_slice %arg7[%add3A_158, %dma_start3A_161] : memref<80x128xf32, #tpu.memory_space<vmem>> -> memref<1x128xf32, #tpu.memory_space<vmem>>
      %dma_start3A_163 = tpu.memref_squeeze %dma_start3A_162 : memref<1x128xf32, #tpu.memory_space<vmem>> -> memref<128xf32, #tpu.memory_space<vmem>>
      %dma_start3A_164 = arith.constant 0 : i32
      %dma_start3A_165 = tpu.memref_slice %arg6[%add3A_160, %dma_start3A_164] : memref<80x128xi32, #tpu.memory_space<vmem>> -> memref<1x128xi32, #tpu.memory_space<vmem>>
      %dma_start3A_166 = tpu.memref_squeeze %dma_start3A_165 : memref<1x128xi32, #tpu.memory_space<vmem>> -> memref<128xi32, #tpu.memory_space<vmem>>
      %dma_start3A_167 = arith.constant 0 : i32
      %dma_start3A_168 = tpu.memref_slice %arg10[%dma_start3A_167] : memref<81024xf32, #tpu.memory_space<vmem_shared>> -> memref<81024xf32, #tpu.memory_space<vmem_shared>>
      tpu.enqueue_indirect_dma source(%dma_start3A_163 : memref<128xf32, #tpu.memory_space<vmem>>) target(%dma_start3A_168 : memref<81024xf32, #tpu.memory_space<vmem_shared>>) offsets(%dma_start3A_166 : memref<128xi32, #tpu.memory_space<vmem>>) semaphore(%arg12 : memref<!tpu.dma_semaphore, #tpu.memory_space<semaphore_mem>>) {add = true}
      %add3A_169 = arith.constant 5 : i32
      %add3A_170 = arith.addi %mul3A_37, %add3A_169 : i32
      %add3A_171 = arith.constant 5 : i32
      %add3A_172 = arith.addi %mul3A_37, %add3A_171 : i32
      %dma_start3A_173 = arith.constant 0 : i32
      %dma_start3A_174 = tpu.memref_slice %arg8[%add3A_170, %dma_start3A_173] : memref<80x128xf32, #tpu.memory_space<vmem>> -> memref<1x128xf32, #tpu.memory_space<vmem>>
      %dma_start3A_175 = tpu.memref_squeeze %dma_start3A_174 : memref<1x128xf32, #tpu.memory_space<vmem>> -> memref<128xf32, #tpu.memory_space<vmem>>
      %dma_start3A_176 = arith.constant 0 : i32
      %dma_start3A_177 = tpu.memref_slice %arg6[%add3A_172, %dma_start3A_176] : memref<80x128xi32, #tpu.memory_space<vmem>> -> memref<1x128xi32, #tpu.memory_space<vmem>>
      %dma_start3A_178 = tpu.memref_squeeze %dma_start3A_177 : memref<1x128xi32, #tpu.memory_space<vmem>> -> memref<128xi32, #tpu.memory_space<vmem>>
      %dma_start3A_179 = arith.constant 0 : i32
      %dma_start3A_180 = tpu.memref_slice %arg11[%dma_start3A_179] : memref<81024xf32, #tpu.memory_space<vmem_shared>> -> memref<81024xf32, #tpu.memory_space<vmem_shared>>
      tpu.enqueue_indirect_dma source(%dma_start3A_175 : memref<128xf32, #tpu.memory_space<vmem>>) target(%dma_start3A_180 : memref<81024xf32, #tpu.memory_space<vmem_shared>>) offsets(%dma_start3A_178 : memref<128xi32, #tpu.memory_space<vmem>>) semaphore(%arg12 : memref<!tpu.dma_semaphore, #tpu.memory_space<semaphore_mem>>) {add = true}
      %add3A_181 = arith.constant 6 : i32
      %add3A_182 = arith.addi %mul3A_37, %add3A_181 : i32
      %add3A_183 = arith.constant 6 : i32
      %add3A_184 = arith.addi %mul3A_37, %add3A_183 : i32
      %dma_start3A_185 = arith.constant 0 : i32
      %dma_start3A_186 = tpu.memref_slice %arg7[%add3A_182, %dma_start3A_185] : memref<80x128xf32, #tpu.memory_space<vmem>> -> memref<1x128xf32, #tpu.memory_space<vmem>>
      %dma_start3A_187 = tpu.memref_squeeze %dma_start3A_186 : memref<1x128xf32, #tpu.memory_space<vmem>> -> memref<128xf32, #tpu.memory_space<vmem>>
      %dma_start3A_188 = arith.constant 0 : i32
      %dma_start3A_189 = tpu.memref_slice %arg6[%add3A_184, %dma_start3A_188] : memref<80x128xi32, #tpu.memory_space<vmem>> -> memref<1x128xi32, #tpu.memory_space<vmem>>
      %dma_start3A_190 = tpu.memref_squeeze %dma_start3A_189 : memref<1x128xi32, #tpu.memory_space<vmem>> -> memref<128xi32, #tpu.memory_space<vmem>>
      %dma_start3A_191 = arith.constant 0 : i32
      %dma_start3A_192 = tpu.memref_slice %arg10[%dma_start3A_191] : memref<81024xf32, #tpu.memory_space<vmem_shared>> -> memref<81024xf32, #tpu.memory_space<vmem_shared>>
      tpu.enqueue_indirect_dma source(%dma_start3A_187 : memref<128xf32, #tpu.memory_space<vmem>>) target(%dma_start3A_192 : memref<81024xf32, #tpu.memory_space<vmem_shared>>) offsets(%dma_start3A_190 : memref<128xi32, #tpu.memory_space<vmem>>) semaphore(%arg12 : memref<!tpu.dma_semaphore, #tpu.memory_space<semaphore_mem>>) {add = true}
      %add3A_193 = arith.constant 6 : i32
      %add3A_194 = arith.addi %mul3A_37, %add3A_193 : i32
      %add3A_195 = arith.constant 6 : i32
      %add3A_196 = arith.addi %mul3A_37, %add3A_195 : i32
      %dma_start3A_197 = arith.constant 0 : i32
      %dma_start3A_198 = tpu.memref_slice %arg8[%add3A_194, %dma_start3A_197] : memref<80x128xf32, #tpu.memory_space<vmem>> -> memref<1x128xf32, #tpu.memory_space<vmem>>
      %dma_start3A_199 = tpu.memref_squeeze %dma_start3A_198 : memref<1x128xf32, #tpu.memory_space<vmem>> -> memref<128xf32, #tpu.memory_space<vmem>>
      %dma_start3A_200 = arith.constant 0 : i32
      %dma_start3A_201 = tpu.memref_slice %arg6[%add3A_196, %dma_start3A_200] : memref<80x128xi32, #tpu.memory_space<vmem>> -> memref<1x128xi32, #tpu.memory_space<vmem>>
      %dma_start3A_202 = tpu.memref_squeeze %dma_start3A_201 : memref<1x128xi32, #tpu.memory_space<vmem>> -> memref<128xi32, #tpu.memory_space<vmem>>
      %dma_start3A_203 = arith.constant 0 : i32
      %dma_start3A_204 = tpu.memref_slice %arg11[%dma_start3A_203] : memref<81024xf32, #tpu.memory_space<vmem_shared>> -> memref<81024xf32, #tpu.memory_space<vmem_shared>>
      tpu.enqueue_indirect_dma source(%dma_start3A_199 : memref<128xf32, #tpu.memory_space<vmem>>) target(%dma_start3A_204 : memref<81024xf32, #tpu.memory_space<vmem_shared>>) offsets(%dma_start3A_202 : memref<128xi32, #tpu.memory_space<vmem>>) semaphore(%arg12 : memref<!tpu.dma_semaphore, #tpu.memory_space<semaphore_mem>>) {add = true}
      %add3A_205 = arith.constant 7 : i32
      %add3A_206 = arith.addi %mul3A_37, %add3A_205 : i32
      %add3A_207 = arith.constant 7 : i32
      %add3A_208 = arith.addi %mul3A_37, %add3A_207 : i32
      %dma_start3A_209 = arith.constant 0 : i32
      %dma_start3A_210 = tpu.memref_slice %arg7[%add3A_206, %dma_start3A_209] : memref<80x128xf32, #tpu.memory_space<vmem>> -> memref<1x128xf32, #tpu.memory_space<vmem>>
      %dma_start3A_211 = tpu.memref_squeeze %dma_start3A_210 : memref<1x128xf32, #tpu.memory_space<vmem>> -> memref<128xf32, #tpu.memory_space<vmem>>
      %dma_start3A_212 = arith.constant 0 : i32
      %dma_start3A_213 = tpu.memref_slice %arg6[%add3A_208, %dma_start3A_212] : memref<80x128xi32, #tpu.memory_space<vmem>> -> memref<1x128xi32, #tpu.memory_space<vmem>>
      %dma_start3A_214 = tpu.memref_squeeze %dma_start3A_213 : memref<1x128xi32, #tpu.memory_space<vmem>> -> memref<128xi32, #tpu.memory_space<vmem>>
      %dma_start3A_215 = arith.constant 0 : i32
      %dma_start3A_216 = tpu.memref_slice %arg10[%dma_start3A_215] : memref<81024xf32, #tpu.memory_space<vmem_shared>> -> memref<81024xf32, #tpu.memory_space<vmem_shared>>
      tpu.enqueue_indirect_dma source(%dma_start3A_211 : memref<128xf32, #tpu.memory_space<vmem>>) target(%dma_start3A_216 : memref<81024xf32, #tpu.memory_space<vmem_shared>>) offsets(%dma_start3A_214 : memref<128xi32, #tpu.memory_space<vmem>>) semaphore(%arg12 : memref<!tpu.dma_semaphore, #tpu.memory_space<semaphore_mem>>) {add = true}
      %add3A_217 = arith.constant 7 : i32
      %add3A_218 = arith.addi %mul3A_37, %add3A_217 : i32
      %add3A_219 = arith.constant 7 : i32
      %add3A_220 = arith.addi %mul3A_37, %add3A_219 : i32
      %dma_start3A_221 = arith.constant 0 : i32
      %dma_start3A_222 = tpu.memref_slice %arg8[%add3A_218, %dma_start3A_221] : memref<80x128xf32, #tpu.memory_space<vmem>> -> memref<1x128xf32, #tpu.memory_space<vmem>>
      %dma_start3A_223 = tpu.memref_squeeze %dma_start3A_222 : memref<1x128xf32, #tpu.memory_space<vmem>> -> memref<128xf32, #tpu.memory_space<vmem>>
      %dma_start3A_224 = arith.constant 0 : i32
      %dma_start3A_225 = tpu.memref_slice %arg6[%add3A_220, %dma_start3A_224] : memref<80x128xi32, #tpu.memory_space<vmem>> -> memref<1x128xi32, #tpu.memory_space<vmem>>
      %dma_start3A_226 = tpu.memref_squeeze %dma_start3A_225 : memref<1x128xi32, #tpu.memory_space<vmem>> -> memref<128xi32, #tpu.memory_space<vmem>>
      %dma_start3A_227 = arith.constant 0 : i32
      %dma_start3A_228 = tpu.memref_slice %arg11[%dma_start3A_227] : memref<81024xf32, #tpu.memory_space<vmem_shared>> -> memref<81024xf32, #tpu.memory_space<vmem_shared>>
      tpu.enqueue_indirect_dma source(%dma_start3A_223 : memref<128xf32, #tpu.memory_space<vmem>>) target(%dma_start3A_228 : memref<81024xf32, #tpu.memory_space<vmem_shared>>) offsets(%dma_start3A_226 : memref<128xi32, #tpu.memory_space<vmem>>) semaphore(%arg12 : memref<!tpu.dma_semaphore, #tpu.memory_space<semaphore_mem>>) {add = true}
      %dma_wait3A = arith.constant 0 : i32
      %dma_wait3A_229 = tpu.memref_slice %arg7[%add3A_39, %dma_wait3A] : memref<80x128xf32, #tpu.memory_space<vmem>> -> memref<1x128xf32, #tpu.memory_space<vmem>>
      %dma_wait3A_230 = tpu.memref_squeeze %dma_wait3A_229 : memref<1x128xf32, #tpu.memory_space<vmem>> -> memref<128xf32, #tpu.memory_space<vmem>>
      %dma_wait3A_231 = arith.constant 0 : i32
      %dma_wait3A_232 = tpu.memref_slice %arg6[%add3A_41, %dma_wait3A_231] : memref<80x128xi32, #tpu.memory_space<vmem>> -> memref<1x128xi32, #tpu.memory_space<vmem>>
      %dma_wait3A_233 = tpu.memref_squeeze %dma_wait3A_232 : memref<1x128xi32, #tpu.memory_space<vmem>> -> memref<128xi32, #tpu.memory_space<vmem>>
      %dma_wait3A_234 = arith.constant 0 : i32
      %dma_wait3A_235 = tpu.memref_slice %arg10[%dma_wait3A_234] : memref<81024xf32, #tpu.memory_space<vmem_shared>> -> memref<81024xf32, #tpu.memory_space<vmem_shared>>
      tpu.wait_indirect_dma semaphore(%arg12 : memref<!tpu.dma_semaphore, #tpu.memory_space<semaphore_mem>>) src(%dma_wait3A_230 : memref<128xf32, #tpu.memory_space<vmem>>) dst(%dma_wait3A_235 : memref<81024xf32, #tpu.memory_space<vmem_shared>>)
      %dma_wait3A_236 = arith.constant 0 : i32
      %dma_wait3A_237 = tpu.memref_slice %arg8[%add3A_50, %dma_wait3A_236] : memref<80x128xf32, #tpu.memory_space<vmem>> -> memref<1x128xf32, #tpu.memory_space<vmem>>
      %dma_wait3A_238 = tpu.memref_squeeze %dma_wait3A_237 : memref<1x128xf32, #tpu.memory_space<vmem>> -> memref<128xf32, #tpu.memory_space<vmem>>
      %dma_wait3A_239 = arith.constant 0 : i32
      %dma_wait3A_240 = tpu.memref_slice %arg6[%add3A_52, %dma_wait3A_239] : memref<80x128xi32, #tpu.memory_space<vmem>> -> memref<1x128xi32, #tpu.memory_space<vmem>>
      %dma_wait3A_241 = tpu.memref_squeeze %dma_wait3A_240 : memref<1x128xi32, #tpu.memory_space<vmem>> -> memref<128xi32, #tpu.memory_space<vmem>>
      %dma_wait3A_242 = arith.constant 0 : i32
      %dma_wait3A_243 = tpu.memref_slice %arg11[%dma_wait3A_242] : memref<81024xf32, #tpu.memory_space<vmem_shared>> -> memref<81024xf32, #tpu.memory_space<vmem_shared>>
      tpu.wait_indirect_dma semaphore(%arg12 : memref<!tpu.dma_semaphore, #tpu.memory_space<semaphore_mem>>) src(%dma_wait3A_238 : memref<128xf32, #tpu.memory_space<vmem>>) dst(%dma_wait3A_243 : memref<81024xf32, #tpu.memory_space<vmem_shared>>)
      %dma_wait3A_244 = arith.constant 0 : i32
      %dma_wait3A_245 = tpu.memref_slice %arg7[%add3A_62, %dma_wait3A_244] : memref<80x128xf32, #tpu.memory_space<vmem>> -> memref<1x128xf32, #tpu.memory_space<vmem>>
      %dma_wait3A_246 = tpu.memref_squeeze %dma_wait3A_245 : memref<1x128xf32, #tpu.memory_space<vmem>> -> memref<128xf32, #tpu.memory_space<vmem>>
      %dma_wait3A_247 = arith.constant 0 : i32
      %dma_wait3A_248 = tpu.memref_slice %arg6[%add3A_64, %dma_wait3A_247] : memref<80x128xi32, #tpu.memory_space<vmem>> -> memref<1x128xi32, #tpu.memory_space<vmem>>
      %dma_wait3A_249 = tpu.memref_squeeze %dma_wait3A_248 : memref<1x128xi32, #tpu.memory_space<vmem>> -> memref<128xi32, #tpu.memory_space<vmem>>
      %dma_wait3A_250 = arith.constant 0 : i32
      %dma_wait3A_251 = tpu.memref_slice %arg10[%dma_wait3A_250] : memref<81024xf32, #tpu.memory_space<vmem_shared>> -> memref<81024xf32, #tpu.memory_space<vmem_shared>>
      tpu.wait_indirect_dma semaphore(%arg12 : memref<!tpu.dma_semaphore, #tpu.memory_space<semaphore_mem>>) src(%dma_wait3A_246 : memref<128xf32, #tpu.memory_space<vmem>>) dst(%dma_wait3A_251 : memref<81024xf32, #tpu.memory_space<vmem_shared>>)
      %dma_wait3A_252 = arith.constant 0 : i32
      %dma_wait3A_253 = tpu.memref_slice %arg8[%add3A_74, %dma_wait3A_252] : memref<80x128xf32, #tpu.memory_space<vmem>> -> memref<1x128xf32, #tpu.memory_space<vmem>>
      %dma_wait3A_254 = tpu.memref_squeeze %dma_wait3A_253 : memref<1x128xf32, #tpu.memory_space<vmem>> -> memref<128xf32, #tpu.memory_space<vmem>>
      %dma_wait3A_255 = arith.constant 0 : i32
      %dma_wait3A_256 = tpu.memref_slice %arg6[%add3A_76, %dma_wait3A_255] : memref<80x128xi32, #tpu.memory_space<vmem>> -> memref<1x128xi32, #tpu.memory_space<vmem>>
      %dma_wait3A_257 = tpu.memref_squeeze %dma_wait3A_256 : memref<1x128xi32, #tpu.memory_space<vmem>> -> memref<128xi32, #tpu.memory_space<vmem>>
      %dma_wait3A_258 = arith.constant 0 : i32
      %dma_wait3A_259 = tpu.memref_slice %arg11[%dma_wait3A_258] : memref<81024xf32, #tpu.memory_space<vmem_shared>> -> memref<81024xf32, #tpu.memory_space<vmem_shared>>
      tpu.wait_indirect_dma semaphore(%arg12 : memref<!tpu.dma_semaphore, #tpu.memory_space<semaphore_mem>>) src(%dma_wait3A_254 : memref<128xf32, #tpu.memory_space<vmem>>) dst(%dma_wait3A_259 : memref<81024xf32, #tpu.memory_space<vmem_shared>>)
      %dma_wait3A_260 = arith.constant 0 : i32
      %dma_wait3A_261 = tpu.memref_slice %arg7[%add3A_86, %dma_wait3A_260] : memref<80x128xf32, #tpu.memory_space<vmem>> -> memref<1x128xf32, #tpu.memory_space<vmem>>
      %dma_wait3A_262 = tpu.memref_squeeze %dma_wait3A_261 : memref<1x128xf32, #tpu.memory_space<vmem>> -> memref<128xf32, #tpu.memory_space<vmem>>
      %dma_wait3A_263 = arith.constant 0 : i32
      %dma_wait3A_264 = tpu.memref_slice %arg6[%add3A_88, %dma_wait3A_263] : memref<80x128xi32, #tpu.memory_space<vmem>> -> memref<1x128xi32, #tpu.memory_space<vmem>>
      %dma_wait3A_265 = tpu.memref_squeeze %dma_wait3A_264 : memref<1x128xi32, #tpu.memory_space<vmem>> -> memref<128xi32, #tpu.memory_space<vmem>>
      %dma_wait3A_266 = arith.constant 0 : i32
      %dma_wait3A_267 = tpu.memref_slice %arg10[%dma_wait3A_266] : memref<81024xf32, #tpu.memory_space<vmem_shared>> -> memref<81024xf32, #tpu.memory_space<vmem_shared>>
      tpu.wait_indirect_dma semaphore(%arg12 : memref<!tpu.dma_semaphore, #tpu.memory_space<semaphore_mem>>) src(%dma_wait3A_262 : memref<128xf32, #tpu.memory_space<vmem>>) dst(%dma_wait3A_267 : memref<81024xf32, #tpu.memory_space<vmem_shared>>)
      %dma_wait3A_268 = arith.constant 0 : i32
      %dma_wait3A_269 = tpu.memref_slice %arg8[%add3A_98, %dma_wait3A_268] : memref<80x128xf32, #tpu.memory_space<vmem>> -> memref<1x128xf32, #tpu.memory_space<vmem>>
      %dma_wait3A_270 = tpu.memref_squeeze %dma_wait3A_269 : memref<1x128xf32, #tpu.memory_space<vmem>> -> memref<128xf32, #tpu.memory_space<vmem>>
      %dma_wait3A_271 = arith.constant 0 : i32
      %dma_wait3A_272 = tpu.memref_slice %arg6[%add3A_100, %dma_wait3A_271] : memref<80x128xi32, #tpu.memory_space<vmem>> -> memref<1x128xi32, #tpu.memory_space<vmem>>
      %dma_wait3A_273 = tpu.memref_squeeze %dma_wait3A_272 : memref<1x128xi32, #tpu.memory_space<vmem>> -> memref<128xi32, #tpu.memory_space<vmem>>
      %dma_wait3A_274 = arith.constant 0 : i32
      %dma_wait3A_275 = tpu.memref_slice %arg11[%dma_wait3A_274] : memref<81024xf32, #tpu.memory_space<vmem_shared>> -> memref<81024xf32, #tpu.memory_space<vmem_shared>>
      tpu.wait_indirect_dma semaphore(%arg12 : memref<!tpu.dma_semaphore, #tpu.memory_space<semaphore_mem>>) src(%dma_wait3A_270 : memref<128xf32, #tpu.memory_space<vmem>>) dst(%dma_wait3A_275 : memref<81024xf32, #tpu.memory_space<vmem_shared>>)
      %dma_wait3A_276 = arith.constant 0 : i32
      %dma_wait3A_277 = tpu.memref_slice %arg7[%add3A_110, %dma_wait3A_276] : memref<80x128xf32, #tpu.memory_space<vmem>> -> memref<1x128xf32, #tpu.memory_space<vmem>>
      %dma_wait3A_278 = tpu.memref_squeeze %dma_wait3A_277 : memref<1x128xf32, #tpu.memory_space<vmem>> -> memref<128xf32, #tpu.memory_space<vmem>>
      %dma_wait3A_279 = arith.constant 0 : i32
      %dma_wait3A_280 = tpu.memref_slice %arg6[%add3A_112, %dma_wait3A_279] : memref<80x128xi32, #tpu.memory_space<vmem>> -> memref<1x128xi32, #tpu.memory_space<vmem>>
      %dma_wait3A_281 = tpu.memref_squeeze %dma_wait3A_280 : memref<1x128xi32, #tpu.memory_space<vmem>> -> memref<128xi32, #tpu.memory_space<vmem>>
      %dma_wait3A_282 = arith.constant 0 : i32
      %dma_wait3A_283 = tpu.memref_slice %arg10[%dma_wait3A_282] : memref<81024xf32, #tpu.memory_space<vmem_shared>> -> memref<81024xf32, #tpu.memory_space<vmem_shared>>
      tpu.wait_indirect_dma semaphore(%arg12 : memref<!tpu.dma_semaphore, #tpu.memory_space<semaphore_mem>>) src(%dma_wait3A_278 : memref<128xf32, #tpu.memory_space<vmem>>) dst(%dma_wait3A_283 : memref<81024xf32, #tpu.memory_space<vmem_shared>>)
      %dma_wait3A_284 = arith.constant 0 : i32
      %dma_wait3A_285 = tpu.memref_slice %arg8[%add3A_122, %dma_wait3A_284] : memref<80x128xf32, #tpu.memory_space<vmem>> -> memref<1x128xf32, #tpu.memory_space<vmem>>
      %dma_wait3A_286 = tpu.memref_squeeze %dma_wait3A_285 : memref<1x128xf32, #tpu.memory_space<vmem>> -> memref<128xf32, #tpu.memory_space<vmem>>
      %dma_wait3A_287 = arith.constant 0 : i32
      %dma_wait3A_288 = tpu.memref_slice %arg6[%add3A_124, %dma_wait3A_287] : memref<80x128xi32, #tpu.memory_space<vmem>> -> memref<1x128xi32, #tpu.memory_space<vmem>>
      %dma_wait3A_289 = tpu.memref_squeeze %dma_wait3A_288 : memref<1x128xi32, #tpu.memory_space<vmem>> -> memref<128xi32, #tpu.memory_space<vmem>>
      %dma_wait3A_290 = arith.constant 0 : i32
      %dma_wait3A_291 = tpu.memref_slice %arg11[%dma_wait3A_290] : memref<81024xf32, #tpu.memory_space<vmem_shared>> -> memref<81024xf32, #tpu.memory_space<vmem_shared>>
      tpu.wait_indirect_dma semaphore(%arg12 : memref<!tpu.dma_semaphore, #tpu.memory_space<semaphore_mem>>) src(%dma_wait3A_286 : memref<128xf32, #tpu.memory_space<vmem>>) dst(%dma_wait3A_291 : memref<81024xf32, #tpu.memory_space<vmem_shared>>)
      %dma_wait3A_292 = arith.constant 0 : i32
      %dma_wait3A_293 = tpu.memref_slice %arg7[%add3A_134, %dma_wait3A_292] : memref<80x128xf32, #tpu.memory_space<vmem>> -> memref<1x128xf32, #tpu.memory_space<vmem>>
      %dma_wait3A_294 = tpu.memref_squeeze %dma_wait3A_293 : memref<1x128xf32, #tpu.memory_space<vmem>> -> memref<128xf32, #tpu.memory_space<vmem>>
      %dma_wait3A_295 = arith.constant 0 : i32
      %dma_wait3A_296 = tpu.memref_slice %arg6[%add3A_136, %dma_wait3A_295] : memref<80x128xi32, #tpu.memory_space<vmem>> -> memref<1x128xi32, #tpu.memory_space<vmem>>
      %dma_wait3A_297 = tpu.memref_squeeze %dma_wait3A_296 : memref<1x128xi32, #tpu.memory_space<vmem>> -> memref<128xi32, #tpu.memory_space<vmem>>
      %dma_wait3A_298 = arith.constant 0 : i32
      %dma_wait3A_299 = tpu.memref_slice %arg10[%dma_wait3A_298] : memref<81024xf32, #tpu.memory_space<vmem_shared>> -> memref<81024xf32, #tpu.memory_space<vmem_shared>>
      tpu.wait_indirect_dma semaphore(%arg12 : memref<!tpu.dma_semaphore, #tpu.memory_space<semaphore_mem>>) src(%dma_wait3A_294 : memref<128xf32, #tpu.memory_space<vmem>>) dst(%dma_wait3A_299 : memref<81024xf32, #tpu.memory_space<vmem_shared>>)
      %dma_wait3A_300 = arith.constant 0 : i32
      %dma_wait3A_301 = tpu.memref_slice %arg8[%add3A_146, %dma_wait3A_300] : memref<80x128xf32, #tpu.memory_space<vmem>> -> memref<1x128xf32, #tpu.memory_space<vmem>>
      %dma_wait3A_302 = tpu.memref_squeeze %dma_wait3A_301 : memref<1x128xf32, #tpu.memory_space<vmem>> -> memref<128xf32, #tpu.memory_space<vmem>>
      %dma_wait3A_303 = arith.constant 0 : i32
      %dma_wait3A_304 = tpu.memref_slice %arg6[%add3A_148, %dma_wait3A_303] : memref<80x128xi32, #tpu.memory_space<vmem>> -> memref<1x128xi32, #tpu.memory_space<vmem>>
      %dma_wait3A_305 = tpu.memref_squeeze %dma_wait3A_304 : memref<1x128xi32, #tpu.memory_space<vmem>> -> memref<128xi32, #tpu.memory_space<vmem>>
      %dma_wait3A_306 = arith.constant 0 : i32
      %dma_wait3A_307 = tpu.memref_slice %arg11[%dma_wait3A_306] : memref<81024xf32, #tpu.memory_space<vmem_shared>> -> memref<81024xf32, #tpu.memory_space<vmem_shared>>
      tpu.wait_indirect_dma semaphore(%arg12 : memref<!tpu.dma_semaphore, #tpu.memory_space<semaphore_mem>>) src(%dma_wait3A_302 : memref<128xf32, #tpu.memory_space<vmem>>) dst(%dma_wait3A_307 : memref<81024xf32, #tpu.memory_space<vmem_shared>>)
      %dma_wait3A_308 = arith.constant 0 : i32
      %dma_wait3A_309 = tpu.memref_slice %arg7[%add3A_158, %dma_wait3A_308] : memref<80x128xf32, #tpu.memory_space<vmem>> -> memref<1x128xf32, #tpu.memory_space<vmem>>
      %dma_wait3A_310 = tpu.memref_squeeze %dma_wait3A_309 : memref<1x128xf32, #tpu.memory_space<vmem>> -> memref<128xf32, #tpu.memory_space<vmem>>
      %dma_wait3A_311 = arith.constant 0 : i32
      %dma_wait3A_312 = tpu.memref_slice %arg6[%add3A_160, %dma_wait3A_311] : memref<80x128xi32, #tpu.memory_space<vmem>> -> memref<1x128xi32, #tpu.memory_space<vmem>>
      %dma_wait3A_313 = tpu.memref_squeeze %dma_wait3A_312 : memref<1x128xi32, #tpu.memory_space<vmem>> -> memref<128xi32, #tpu.memory_space<vmem>>
      %dma_wait3A_314 = arith.constant 0 : i32
      %dma_wait3A_315 = tpu.memref_slice %arg10[%dma_wait3A_314] : memref<81024xf32, #tpu.memory_space<vmem_shared>> -> memref<81024xf32, #tpu.memory_space<vmem_shared>>
      tpu.wait_indirect_dma semaphore(%arg12 : memref<!tpu.dma_semaphore, #tpu.memory_space<semaphore_mem>>) src(%dma_wait3A_310 : memref<128xf32, #tpu.memory_space<vmem>>) dst(%dma_wait3A_315 : memref<81024xf32, #tpu.memory_space<vmem_shared>>)
      %dma_wait3A_316 = arith.constant 0 : i32
      %dma_wait3A_317 = tpu.memref_slice %arg8[%add3A_170, %dma_wait3A_316] : memref<80x128xf32, #tpu.memory_space<vmem>> -> memref<1x128xf32, #tpu.memory_space<vmem>>
      %dma_wait3A_318 = tpu.memref_squeeze %dma_wait3A_317 : memref<1x128xf32, #tpu.memory_space<vmem>> -> memref<128xf32, #tpu.memory_space<vmem>>
      %dma_wait3A_319 = arith.constant 0 : i32
      %dma_wait3A_320 = tpu.memref_slice %arg6[%add3A_172, %dma_wait3A_319] : memref<80x128xi32, #tpu.memory_space<vmem>> -> memref<1x128xi32, #tpu.memory_space<vmem>>
      %dma_wait3A_321 = tpu.memref_squeeze %dma_wait3A_320 : memref<1x128xi32, #tpu.memory_space<vmem>> -> memref<128xi32, #tpu.memory_space<vmem>>
      %dma_wait3A_322 = arith.constant 0 : i32
      %dma_wait3A_323 = tpu.memref_slice %arg11[%dma_wait3A_322] : memref<81024xf32, #tpu.memory_space<vmem_shared>> -> memref<81024xf32, #tpu.memory_space<vmem_shared>>
      tpu.wait_indirect_dma semaphore(%arg12 : memref<!tpu.dma_semaphore, #tpu.memory_space<semaphore_mem>>) src(%dma_wait3A_318 : memref<128xf32, #tpu.memory_space<vmem>>) dst(%dma_wait3A_323 : memref<81024xf32, #tpu.memory_space<vmem_shared>>)
      %dma_wait3A_324 = arith.constant 0 : i32
      %dma_wait3A_325 = tpu.memref_slice %arg7[%add3A_182, %dma_wait3A_324] : memref<80x128xf32, #tpu.memory_space<vmem>> -> memref<1x128xf32, #tpu.memory_space<vmem>>
      %dma_wait3A_326 = tpu.memref_squeeze %dma_wait3A_325 : memref<1x128xf32, #tpu.memory_space<vmem>> -> memref<128xf32, #tpu.memory_space<vmem>>
      %dma_wait3A_327 = arith.constant 0 : i32
      %dma_wait3A_328 = tpu.memref_slice %arg6[%add3A_184, %dma_wait3A_327] : memref<80x128xi32, #tpu.memory_space<vmem>> -> memref<1x128xi32, #tpu.memory_space<vmem>>
      %dma_wait3A_329 = tpu.memref_squeeze %dma_wait3A_328 : memref<1x128xi32, #tpu.memory_space<vmem>> -> memref<128xi32, #tpu.memory_space<vmem>>
      %dma_wait3A_330 = arith.constant 0 : i32
      %dma_wait3A_331 = tpu.memref_slice %arg10[%dma_wait3A_330] : memref<81024xf32, #tpu.memory_space<vmem_shared>> -> memref<81024xf32, #tpu.memory_space<vmem_shared>>
      tpu.wait_indirect_dma semaphore(%arg12 : memref<!tpu.dma_semaphore, #tpu.memory_space<semaphore_mem>>) src(%dma_wait3A_326 : memref<128xf32, #tpu.memory_space<vmem>>) dst(%dma_wait3A_331 : memref<81024xf32, #tpu.memory_space<vmem_shared>>)
      %dma_wait3A_332 = arith.constant 0 : i32
      %dma_wait3A_333 = tpu.memref_slice %arg8[%add3A_194, %dma_wait3A_332] : memref<80x128xf32, #tpu.memory_space<vmem>> -> memref<1x128xf32, #tpu.memory_space<vmem>>
      %dma_wait3A_334 = tpu.memref_squeeze %dma_wait3A_333 : memref<1x128xf32, #tpu.memory_space<vmem>> -> memref<128xf32, #tpu.memory_space<vmem>>
      %dma_wait3A_335 = arith.constant 0 : i32
      %dma_wait3A_336 = tpu.memref_slice %arg6[%add3A_196, %dma_wait3A_335] : memref<80x128xi32, #tpu.memory_space<vmem>> -> memref<1x128xi32, #tpu.memory_space<vmem>>
      %dma_wait3A_337 = tpu.memref_squeeze %dma_wait3A_336 : memref<1x128xi32, #tpu.memory_space<vmem>> -> memref<128xi32, #tpu.memory_space<vmem>>
      %dma_wait3A_338 = arith.constant 0 : i32
      %dma_wait3A_339 = tpu.memref_slice %arg11[%dma_wait3A_338] : memref<81024xf32, #tpu.memory_space<vmem_shared>> -> memref<81024xf32, #tpu.memory_space<vmem_shared>>
      tpu.wait_indirect_dma semaphore(%arg12 : memref<!tpu.dma_semaphore, #tpu.memory_space<semaphore_mem>>) src(%dma_wait3A_334 : memref<128xf32, #tpu.memory_space<vmem>>) dst(%dma_wait3A_339 : memref<81024xf32, #tpu.memory_space<vmem_shared>>)
      %dma_wait3A_340 = arith.constant 0 : i32
      %dma_wait3A_341 = tpu.memref_slice %arg7[%add3A_206, %dma_wait3A_340] : memref<80x128xf32, #tpu.memory_space<vmem>> -> memref<1x128xf32, #tpu.memory_space<vmem>>
      %dma_wait3A_342 = tpu.memref_squeeze %dma_wait3A_341 : memref<1x128xf32, #tpu.memory_space<vmem>> -> memref<128xf32, #tpu.memory_space<vmem>>
      %dma_wait3A_343 = arith.constant 0 : i32
      %dma_wait3A_344 = tpu.memref_slice %arg6[%add3A_208, %dma_wait3A_343] : memref<80x128xi32, #tpu.memory_space<vmem>> -> memref<1x128xi32, #tpu.memory_space<vmem>>
      %dma_wait3A_345 = tpu.memref_squeeze %dma_wait3A_344 : memref<1x128xi32, #tpu.memory_space<vmem>> -> memref<128xi32, #tpu.memory_space<vmem>>
      %dma_wait3A_346 = arith.constant 0 : i32
      %dma_wait3A_347 = tpu.memref_slice %arg10[%dma_wait3A_346] : memref<81024xf32, #tpu.memory_space<vmem_shared>> -> memref<81024xf32, #tpu.memory_space<vmem_shared>>
      tpu.wait_indirect_dma semaphore(%arg12 : memref<!tpu.dma_semaphore, #tpu.memory_space<semaphore_mem>>) src(%dma_wait3A_342 : memref<128xf32, #tpu.memory_space<vmem>>) dst(%dma_wait3A_347 : memref<81024xf32, #tpu.memory_space<vmem_shared>>)
      %dma_wait3A_348 = arith.constant 0 : i32
      %dma_wait3A_349 = tpu.memref_slice %arg8[%add3A_218, %dma_wait3A_348] : memref<80x128xf32, #tpu.memory_space<vmem>> -> memref<1x128xf32, #tpu.memory_space<vmem>>
      %dma_wait3A_350 = tpu.memref_squeeze %dma_wait3A_349 : memref<1x128xf32, #tpu.memory_space<vmem>> -> memref<128xf32, #tpu.memory_space<vmem>>
      %dma_wait3A_351 = arith.constant 0 : i32
      %dma_wait3A_352 = tpu.memref_slice %arg6[%add3A_220, %dma_wait3A_351] : memref<80x128xi32, #tpu.memory_space<vmem>> -> memref<1x128xi32, #tpu.memory_space<vmem>>
      %dma_wait3A_353 = tpu.memref_squeeze %dma_wait3A_352 : memref<1x128xi32, #tpu.memory_space<vmem>> -> memref<128xi32, #tpu.memory_space<vmem>>
      %dma_wait3A_354 = arith.constant 0 : i32
      %dma_wait3A_355 = tpu.memref_slice %arg11[%dma_wait3A_354] : memref<81024xf32, #tpu.memory_space<vmem_shared>> -> memref<81024xf32, #tpu.memory_space<vmem_shared>>
      tpu.wait_indirect_dma semaphore(%arg12 : memref<!tpu.dma_semaphore, #tpu.memory_space<semaphore_mem>>) src(%dma_wait3A_350 : memref<128xf32, #tpu.memory_space<vmem>>) dst(%dma_wait3A_355 : memref<81024xf32, #tpu.memory_space<vmem_shared>>)
    }
    %scan3A_25 = arith.constant 10 : i32
    %barrier3A_26 = arith.constant 0 : index
    tpu.barrier barrier_id(%barrier3A_26)
    %mul3A_27 = arith.constant 5064 : i32
    %mul3A_28 = arith.muli %arg1, %mul3A_27 : i32
    %mul3A_29 = arith.constant 5064 : i32
    %mul3A_30 = arith.muli %arg1, %mul3A_29 : i32
    "tpu.region"() ({
      %run_scoped3A = tpu.sem_alloc : memref<!tpu.dma_semaphore, #tpu.memory_space<semaphore_mem>>
      %dma_start3A = tpu.memref_slice %arg4[%arg0, %mul3A_30] : memref<2x81024xf32, #tpu.memory_space<hbm>> -> memref<1x5064xf32, #tpu.memory_space<hbm>>
      %dma_start3A_35 = tpu.memref_squeeze %dma_start3A : memref<1x5064xf32, #tpu.memory_space<hbm>> -> memref<5064xf32, #tpu.memory_space<hbm>>
      %dma_start3A_36 = tpu.memref_slice %arg10[%mul3A_28] : memref<81024xf32, #tpu.memory_space<vmem_shared>> -> memref<5064xf32, #tpu.memory_space<vmem_shared>>
      tpu.enqueue_dma source(%dma_start3A_36 : memref<5064xf32, #tpu.memory_space<vmem_shared>>) target(%dma_start3A_35 : memref<5064xf32, #tpu.memory_space<hbm>>) target_semaphore(%run_scoped3A : memref<!tpu.dma_semaphore, #tpu.memory_space<semaphore_mem>>)
      %dma_wait3A = tpu.memref_slice %arg4[%arg0, %mul3A_30] : memref<2x81024xf32, #tpu.memory_space<hbm>> -> memref<1x5064xf32, #tpu.memory_space<hbm>>
      %dma_wait3A_37 = tpu.memref_squeeze %dma_wait3A : memref<1x5064xf32, #tpu.memory_space<hbm>> -> memref<5064xf32, #tpu.memory_space<hbm>>
      %dma_wait3A_38 = tpu.memref_slice %arg10[%mul3A_28] : memref<81024xf32, #tpu.memory_space<vmem_shared>> -> memref<5064xf32, #tpu.memory_space<vmem_shared>>
      tpu.wait_dma2 semaphore(%run_scoped3A : memref<!tpu.dma_semaphore, #tpu.memory_space<semaphore_mem>>) src(%dma_wait3A_38 : memref<5064xf32, #tpu.memory_space<vmem_shared>>) dst(%dma_wait3A_37 : memref<5064xf32, #tpu.memory_space<hbm>>)
      tpu.yield
    }) : () -> ()
    %mul3A_31 = arith.constant 5064 : i32
    %mul3A_32 = arith.muli %arg1, %mul3A_31 : i32
    %mul3A_33 = arith.constant 5064 : i32
    %mul3A_34 = arith.muli %arg1, %mul3A_33 : i32
    "tpu.region"() ({
      %run_scoped3A = tpu.sem_alloc : memref<!tpu.dma_semaphore, #tpu.memory_space<semaphore_mem>>
      %dma_start3A = tpu.memref_slice %arg5[%arg0, %mul3A_34] : memref<2x81024xf32, #tpu.memory_space<hbm>> -> memref<1x5064xf32, #tpu.memory_space<hbm>>
      %dma_start3A_35 = tpu.memref_squeeze %dma_start3A : memref<1x5064xf32, #tpu.memory_space<hbm>> -> memref<5064xf32, #tpu.memory_space<hbm>>
      %dma_start3A_36 = tpu.memref_slice %arg11[%mul3A_32] : memref<81024xf32, #tpu.memory_space<vmem_shared>> -> memref<5064xf32, #tpu.memory_space<vmem_shared>>
      tpu.enqueue_dma source(%dma_start3A_36 : memref<5064xf32, #tpu.memory_space<vmem_shared>>) target(%dma_start3A_35 : memref<5064xf32, #tpu.memory_space<hbm>>) target_semaphore(%run_scoped3A : memref<!tpu.dma_semaphore, #tpu.memory_space<semaphore_mem>>)
      %dma_wait3A = tpu.memref_slice %arg5[%arg0, %mul3A_34] : memref<2x81024xf32, #tpu.memory_space<hbm>> -> memref<1x5064xf32, #tpu.memory_space<hbm>>
      %dma_wait3A_37 = tpu.memref_squeeze %dma_wait3A : memref<1x5064xf32, #tpu.memory_space<hbm>> -> memref<5064xf32, #tpu.memory_space<hbm>>
      %dma_wait3A_38 = tpu.memref_slice %arg11[%mul3A_32] : memref<81024xf32, #tpu.memory_space<vmem_shared>> -> memref<5064xf32, #tpu.memory_space<vmem_shared>>
      tpu.wait_dma2 semaphore(%run_scoped3A : memref<!tpu.dma_semaphore, #tpu.memory_space<semaphore_mem>>) src(%dma_wait3A_38 : memref<5064xf32, #tpu.memory_space<vmem_shared>>) dst(%dma_wait3A_37 : memref<5064xf32, #tpu.memory_space<hbm>>)
      tpu.yield
    }) : () -> ()
    return
  }
}

#map = affine_map<(d0, d1) -> (0)>
#map1 = affine_map<(d0, d1) -> (0, 0)>
module attributes {stable_mosaic.version = 14 : i64} {
  func.func @_sc_weights(%arg0: i32, %arg1: i32, %arg2: memref<81024xf32, #tpu.memory_space<hbm>>, %arg3: memref<2560x128xi32, #tpu.memory_space<hbm>>, %arg4: memref<2560x128xf32, #tpu.memory_space<hbm>>, %arg5: memref<2560x128xf32, #tpu.memory_space<hbm>>, %arg6: memref<81024xf32, #tpu.memory_space<vmem>>, %arg7: memref<80x128xi32, #tpu.memory_space<vmem>>, %arg8: memref<80x128xf32, #tpu.memory_space<vmem>>, %arg9: memref<80x128xf32, #tpu.memory_space<vmem>>) attributes {dimension_semantics = [#tpu.dimension_semantics<core_parallel>, #tpu.dimension_semantics<subcore_parallel>], iteration_bounds = array<i64: 2, 16>, scalar_prefetch = 0 : i64, scratch_operands = 4 : i64, tpu.core_type = #tpu.core_type<sc_vector_subcore>, window_params = [{transform_indices = #map}, {transform_indices = #map1}, {transform_indices = #map1}, {transform_indices = #map1}]} {
    %mul3A = arith.constant 2 : i32
    %mul3A_0 = arith.muli %arg1, %mul3A : i32
    %add3A = arith.addi %mul3A_0, %arg0 : i32
    "tpu.region"() ({
      %run_scoped3A = tpu.sem_alloc : memref<!tpu.dma_semaphore, #tpu.memory_space<semaphore_mem>>
      tpu.enqueue_dma source(%arg2 : memref<81024xf32, #tpu.memory_space<hbm>>) target(%arg6 : memref<81024xf32, #tpu.memory_space<vmem>>) target_semaphore(%run_scoped3A : memref<!tpu.dma_semaphore, #tpu.memory_space<semaphore_mem>>)
      tpu.wait_dma2 semaphore(%run_scoped3A : memref<!tpu.dma_semaphore, #tpu.memory_space<semaphore_mem>>) src(%arg2 : memref<81024xf32, #tpu.memory_space<hbm>>) dst(%arg6 : memref<81024xf32, #tpu.memory_space<vmem>>)
      tpu.yield
    }) : () -> ()
    %mul3A_1 = arith.constant 80 : i32
    %mul3A_2 = arith.muli %add3A, %mul3A_1 : i32
    "tpu.region"() ({
      %run_scoped3A = tpu.sem_alloc : memref<!tpu.dma_semaphore, #tpu.memory_space<semaphore_mem>>
      %dma_start3A = arith.constant 0 : i32
      %dma_start3A_12 = tpu.memref_slice %arg3[%mul3A_2, %dma_start3A] : memref<2560x128xi32, #tpu.memory_space<hbm>> -> memref<80x128xi32, #tpu.memory_space<hbm>>
      %dma_start3A_13 = arith.constant 0 : i32
      %dma_start3A_14 = tpu.memref_slice %arg3[%mul3A_2, %dma_start3A_13] : memref<2560x128xi32, #tpu.memory_space<hbm>> -> memref<80x128xi32, #tpu.memory_space<hbm>>
      tpu.enqueue_dma source(%dma_start3A_14 : memref<80x128xi32, #tpu.memory_space<hbm>>) target(%arg7 : memref<80x128xi32, #tpu.memory_space<vmem>>) target_semaphore(%run_scoped3A : memref<!tpu.dma_semaphore, #tpu.memory_space<semaphore_mem>>)
      %dma_wait3A = arith.constant 0 : i32
      %dma_wait3A_15 = tpu.memref_slice %arg3[%mul3A_2, %dma_wait3A] : memref<2560x128xi32, #tpu.memory_space<hbm>> -> memref<80x128xi32, #tpu.memory_space<hbm>>
      %dma_wait3A_16 = arith.constant 0 : i32
      %dma_wait3A_17 = tpu.memref_slice %arg3[%mul3A_2, %dma_wait3A_16] : memref<2560x128xi32, #tpu.memory_space<hbm>> -> memref<80x128xi32, #tpu.memory_space<hbm>>
      tpu.wait_dma2 semaphore(%run_scoped3A : memref<!tpu.dma_semaphore, #tpu.memory_space<semaphore_mem>>) src(%dma_wait3A_17 : memref<80x128xi32, #tpu.memory_space<hbm>>) dst(%arg7 : memref<80x128xi32, #tpu.memory_space<vmem>>)
      tpu.yield
    }) : () -> ()
    %mul3A_3 = arith.constant 80 : i32
    %mul3A_4 = arith.muli %add3A, %mul3A_3 : i32
    "tpu.region"() ({
      %run_scoped3A = tpu.sem_alloc : memref<!tpu.dma_semaphore, #tpu.memory_space<semaphore_mem>>
      %dma_start3A = arith.constant 0 : i32
      %dma_start3A_12 = tpu.memref_slice %arg4[%mul3A_4, %dma_start3A] : memref<2560x128xf32, #tpu.memory_space<hbm>> -> memref<80x128xf32, #tpu.memory_space<hbm>>
      %dma_start3A_13 = arith.constant 0 : i32
      %dma_start3A_14 = tpu.memref_slice %arg4[%mul3A_4, %dma_start3A_13] : memref<2560x128xf32, #tpu.memory_space<hbm>> -> memref<80x128xf32, #tpu.memory_space<hbm>>
      tpu.enqueue_dma source(%dma_start3A_14 : memref<80x128xf32, #tpu.memory_space<hbm>>) target(%arg8 : memref<80x128xf32, #tpu.memory_space<vmem>>) target_semaphore(%run_scoped3A : memref<!tpu.dma_semaphore, #tpu.memory_space<semaphore_mem>>)
      %dma_wait3A = arith.constant 0 : i32
      %dma_wait3A_15 = tpu.memref_slice %arg4[%mul3A_4, %dma_wait3A] : memref<2560x128xf32, #tpu.memory_space<hbm>> -> memref<80x128xf32, #tpu.memory_space<hbm>>
      %dma_wait3A_16 = arith.constant 0 : i32
      %dma_wait3A_17 = tpu.memref_slice %arg4[%mul3A_4, %dma_wait3A_16] : memref<2560x128xf32, #tpu.memory_space<hbm>> -> memref<80x128xf32, #tpu.memory_space<hbm>>
      tpu.wait_dma2 semaphore(%run_scoped3A : memref<!tpu.dma_semaphore, #tpu.memory_space<semaphore_mem>>) src(%dma_wait3A_17 : memref<80x128xf32, #tpu.memory_space<hbm>>) dst(%arg8 : memref<80x128xf32, #tpu.memory_space<vmem>>)
      tpu.yield
    }) : () -> ()
    %scan3A = arith.constant 0 : i32
    %scan3A_5 = arith.constant 0 : i32
    %scan3A_6 = arith.constant 80 : i32
    %scan3A_7 = arith.addi %scan3A_5, %scan3A_6 : i32
    %scan3A_8 = arith.constant 1 : i32
    scf.for %scan3A_12 = %scan3A_5 to %scan3A_7 step %scan3A_8  : i32 {
      %scan3A_13 = arith.constant 0 : i32
      %scan3A_14 = arith.constant 0 : i32
      %scan3A_15 = arith.constant 8 : i32
      %scan3A_16 = arith.addi %scan3A_14, %scan3A_15 : i32
      %scan3A_17 = arith.constant 1 : i32
      scf.for %scan3A_19 = %scan3A_14 to %scan3A_16 step %scan3A_17  : i32 {
        %mul3A_20 = arith.constant 16 : i32
        %mul3A_21 = arith.muli %scan3A_19, %mul3A_20 : i32
        %get3A = arith.index_cast %scan3A_12 : i32 to index
        %get3A_22 = arith.index_cast %mul3A_21 : i32 to index
        %get3A_23 = tpu.vector_load %arg7[%get3A, %get3A_22] {strides = array<i32>} : memref<80x128xi32, #tpu.memory_space<vmem>>, vector<16xi32>,
        %gather3A = tpu.vector_load_idx %arg6[%get3A_23] : memref<81024xf32, #tpu.memory_space<vmem>>[vector<16xi32>], vector<16xf32>,
        %mul3A_24 = arith.constant 16 : i32
        %mul3A_25 = arith.muli %scan3A_19, %mul3A_24 : i32
        %get3A_26 = arith.index_cast %scan3A_12 : i32 to index
        %get3A_27 = arith.index_cast %mul3A_25 : i32 to index
        %get3A_28 = tpu.vector_load %arg8[%get3A_26, %get3A_27] {strides = array<i32>} : memref<80x128xf32, #tpu.memory_space<vmem>>, vector<16xf32>,
        %mul3A_29 = arith.mulf %get3A_28, %gather3A : vector<16xf32>
        %mul3A_30 = arith.constant 16 : i32
        %mul3A_31 = arith.muli %scan3A_19, %mul3A_30 : i32
        %swap3A = arith.index_cast %scan3A_12 : i32 to index
        %swap3A_32 = arith.index_cast %mul3A_31 : i32 to index
        %swap3A_33 = tpu.vector_load %arg9[%swap3A, %swap3A_32] {strides = array<i32>} : memref<80x128xf32, #tpu.memory_space<vmem>>, vector<16xf32>,
        tpu.vector_store %arg9[%swap3A, %swap3A_32], %mul3A_29 {strides = array<i32>} : memref<80x128xf32, #tpu.memory_space<vmem>>, vector<16xf32>,
      }
      %scan3A_18 = arith.constant 8 : i32
    }
    %scan3A_9 = arith.constant 80 : i32
    %mul3A_10 = arith.constant 80 : i32
    %mul3A_11 = arith.muli %add3A, %mul3A_10 : i32
    "tpu.region"() ({
      %run_scoped3A = tpu.sem_alloc : memref<!tpu.dma_semaphore, #tpu.memory_space<semaphore_mem>>
      %dma_start3A = arith.constant 0 : i32
      %dma_start3A_12 = tpu.memref_slice %arg5[%mul3A_11, %dma_start3A] : memref<2560x128xf32, #tpu.memory_space<hbm>> -> memref<80x128xf32, #tpu.memory_space<hbm>>
      %dma_start3A_13 = arith.constant 0 : i32
      %dma_start3A_14 = tpu.memref_slice %arg5[%mul3A_11, %dma_start3A_13] : memref<2560x128xf32, #tpu.memory_space<hbm>> -> memref<80x128xf32, #tpu.memory_space<hbm>>
      tpu.enqueue_dma source(%arg9 : memref<80x128xf32, #tpu.memory_space<vmem>>) target(%dma_start3A_14 : memref<80x128xf32, #tpu.memory_space<hbm>>) target_semaphore(%run_scoped3A : memref<!tpu.dma_semaphore, #tpu.memory_space<semaphore_mem>>)
      %dma_wait3A = arith.constant 0 : i32
      %dma_wait3A_15 = tpu.memref_slice %arg5[%mul3A_11, %dma_wait3A] : memref<2560x128xf32, #tpu.memory_space<hbm>> -> memref<80x128xf32, #tpu.memory_space<hbm>>
      %dma_wait3A_16 = arith.constant 0 : i32
      %dma_wait3A_17 = tpu.memref_slice %arg5[%mul3A_11, %dma_wait3A_16] : memref<2560x128xf32, #tpu.memory_space<hbm>> -> memref<80x128xf32, #tpu.memory_space<hbm>>
      tpu.wait_dma2 semaphore(%run_scoped3A : memref<!tpu.dma_semaphore, #tpu.memory_space<semaphore_mem>>) src(%arg9 : memref<80x128xf32, #tpu.memory_space<vmem>>) dst(%dma_wait3A_17 : memref<80x128xf32, #tpu.memory_space<hbm>>)
      tpu.yield
    }) : () -> ()
    return
  }
}

#map = affine_map<(d0, d1) -> (0, 0)>
module attributes {stable_mosaic.version = 14 : i64} {
  func.func @_sc_gather_q(%arg0: i32, %arg1: i32, %arg2: memref<10112x64xbf16, #tpu.memory_space<hbm>>, %arg3: memref<2560x128xi32, #tpu.memory_space<hbm>>, %arg4: memref<327680x64xbf16, #tpu.memory_space<hbm>>, %arg5: memref<80x128xi32, #tpu.memory_space<vmem>>, %arg6: memref<1024x64xbf16, #tpu.memory_space<vmem>>, %arg7: memref<!tpu.dma_semaphore, #tpu.memory_space<semaphore_mem>>) attributes {dimension_semantics = [#tpu.dimension_semantics<core_parallel>, #tpu.dimension_semantics<subcore_parallel>], iteration_bounds = array<i64: 2, 16>, scalar_prefetch = 0 : i64, scratch_operands = 3 : i64, tpu.core_type = #tpu.core_type<sc_vector_subcore>, window_params = [{transform_indices = #map}, {transform_indices = #map}, {transform_indices = #map}]} {
    %mul3A = arith.constant 2 : i32
    %mul3A_0 = arith.muli %arg1, %mul3A : i32
    %add3A = arith.addi %mul3A_0, %arg0 : i32
    %mul3A_1 = arith.constant 80 : i32
    %mul3A_2 = arith.muli %add3A, %mul3A_1 : i32
    "tpu.region"() ({
      %run_scoped3A = tpu.sem_alloc : memref<!tpu.dma_semaphore, #tpu.memory_space<semaphore_mem>>
      %dma_start3A = arith.constant 0 : i32
      %dma_start3A_8 = tpu.memref_slice %arg3[%mul3A_2, %dma_start3A] : memref<2560x128xi32, #tpu.memory_space<hbm>> -> memref<80x128xi32, #tpu.memory_space<hbm>>
      %dma_start3A_9 = arith.constant 0 : i32
      %dma_start3A_10 = tpu.memref_slice %arg3[%mul3A_2, %dma_start3A_9] : memref<2560x128xi32, #tpu.memory_space<hbm>> -> memref<80x128xi32, #tpu.memory_space<hbm>>
      tpu.enqueue_dma source(%dma_start3A_10 : memref<80x128xi32, #tpu.memory_space<hbm>>) target(%arg5 : memref<80x128xi32, #tpu.memory_space<vmem>>) target_semaphore(%run_scoped3A : memref<!tpu.dma_semaphore, #tpu.memory_space<semaphore_mem>>)
      %dma_wait3A = arith.constant 0 : i32
      %dma_wait3A_11 = tpu.memref_slice %arg3[%mul3A_2, %dma_wait3A] : memref<2560x128xi32, #tpu.memory_space<hbm>> -> memref<80x128xi32, #tpu.memory_space<hbm>>
      %dma_wait3A_12 = arith.constant 0 : i32
      %dma_wait3A_13 = tpu.memref_slice %arg3[%mul3A_2, %dma_wait3A_12] : memref<2560x128xi32, #tpu.memory_space<hbm>> -> memref<80x128xi32, #tpu.memory_space<hbm>>
      tpu.wait_dma2 semaphore(%run_scoped3A : memref<!tpu.dma_semaphore, #tpu.memory_space<semaphore_mem>>) src(%dma_wait3A_13 : memref<80x128xi32, #tpu.memory_space<hbm>>) dst(%arg5 : memref<80x128xi32, #tpu.memory_space<vmem>>)
      tpu.yield
    }) : () -> ()
    %scan3A = arith.constant 0 : i32
    %scan3A_3 = arith.constant 0 : i32
    %scan3A_4 = arith.constant 10 : i32
    %scan3A_5 = arith.addi %scan3A_3, %scan3A_4 : i32
    %scan3A_6 = arith.constant 1 : i32
    scf.for %scan3A_8 = %scan3A_3 to %scan3A_5 step %scan3A_6  : i32 {
      %mul3A_9 = arith.constant 8 : i32
      %mul3A_10 = arith.muli %scan3A_8, %mul3A_9 : i32
      %add3A_11 = arith.constant 0 : i32
      %add3A_12 = arith.addi %mul3A_10, %add3A_11 : i32
      %dma_start3A = arith.constant 0 : i32
      %dma_start3A_13 = arith.constant 0 : i32
      %dma_start3A_14 = tpu.memref_slice %arg6[%dma_start3A, %dma_start3A_13] : memref<1024x64xbf16, #tpu.memory_space<vmem>> -> memref<128x64xbf16, #tpu.memory_space<vmem>>
      %dma_start3A_15 = arith.constant 0 : i32
      %dma_start3A_16 = tpu.memref_slice %arg5[%add3A_12, %dma_start3A_15] : memref<80x128xi32, #tpu.memory_space<vmem>> -> memref<1x128xi32, #tpu.memory_space<vmem>>
      %dma_start3A_17 = tpu.memref_squeeze %dma_start3A_16 : memref<1x128xi32, #tpu.memory_space<vmem>> -> memref<128xi32, #tpu.memory_space<vmem>>
      %dma_start3A_18 = arith.constant 0 : i32
      %dma_start3A_19 = arith.constant 0 : i32
      %dma_start3A_20 = tpu.memref_slice %arg2[%dma_start3A_18, %dma_start3A_19] : memref<10112x64xbf16, #tpu.memory_space<hbm>> -> memref<10112x64xbf16, #tpu.memory_space<hbm>>
      tpu.enqueue_indirect_dma source(%dma_start3A_20 : memref<10112x64xbf16, #tpu.memory_space<hbm>>) target(%dma_start3A_14 : memref<128x64xbf16, #tpu.memory_space<vmem>>) offsets(%dma_start3A_17 : memref<128xi32, #tpu.memory_space<vmem>>) semaphore(%arg7 : memref<!tpu.dma_semaphore, #tpu.memory_space<semaphore_mem>>)
      %add3A_21 = arith.constant 1 : i32
      %add3A_22 = arith.addi %mul3A_10, %add3A_21 : i32
      %dma_start3A_23 = arith.constant 128 : i32
      %dma_start3A_24 = arith.constant 0 : i32
      %dma_start3A_25 = tpu.memref_slice %arg6[%dma_start3A_23, %dma_start3A_24] : memref<1024x64xbf16, #tpu.memory_space<vmem>> -> memref<128x64xbf16, #tpu.memory_space<vmem>>
      %dma_start3A_26 = arith.constant 0 : i32
      %dma_start3A_27 = tpu.memref_slice %arg5[%add3A_22, %dma_start3A_26] : memref<80x128xi32, #tpu.memory_space<vmem>> -> memref<1x128xi32, #tpu.memory_space<vmem>>
      %dma_start3A_28 = tpu.memref_squeeze %dma_start3A_27 : memref<1x128xi32, #tpu.memory_space<vmem>> -> memref<128xi32, #tpu.memory_space<vmem>>
      %dma_start3A_29 = arith.constant 0 : i32
      %dma_start3A_30 = arith.constant 0 : i32
      %dma_start3A_31 = tpu.memref_slice %arg2[%dma_start3A_29, %dma_start3A_30] : memref<10112x64xbf16, #tpu.memory_space<hbm>> -> memref<10112x64xbf16, #tpu.memory_space<hbm>>
      tpu.enqueue_indirect_dma source(%dma_start3A_31 : memref<10112x64xbf16, #tpu.memory_space<hbm>>) target(%dma_start3A_25 : memref<128x64xbf16, #tpu.memory_space<vmem>>) offsets(%dma_start3A_28 : memref<128xi32, #tpu.memory_space<vmem>>) semaphore(%arg7 : memref<!tpu.dma_semaphore, #tpu.memory_space<semaphore_mem>>)
      %add3A_32 = arith.constant 2 : i32
      %add3A_33 = arith.addi %mul3A_10, %add3A_32 : i32
      %dma_start3A_34 = arith.constant 256 : i32
      %dma_start3A_35 = arith.constant 0 : i32
      %dma_start3A_36 = tpu.memref_slice %arg6[%dma_start3A_34, %dma_start3A_35] : memref<1024x64xbf16, #tpu.memory_space<vmem>> -> memref<128x64xbf16, #tpu.memory_space<vmem>>
      %dma_start3A_37 = arith.constant 0 : i32
      %dma_start3A_38 = tpu.memref_slice %arg5[%add3A_33, %dma_start3A_37] : memref<80x128xi32, #tpu.memory_space<vmem>> -> memref<1x128xi32, #tpu.memory_space<vmem>>
      %dma_start3A_39 = tpu.memref_squeeze %dma_start3A_38 : memref<1x128xi32, #tpu.memory_space<vmem>> -> memref<128xi32, #tpu.memory_space<vmem>>
      %dma_start3A_40 = arith.constant 0 : i32
      %dma_start3A_41 = arith.constant 0 : i32
      %dma_start3A_42 = tpu.memref_slice %arg2[%dma_start3A_40, %dma_start3A_41] : memref<10112x64xbf16, #tpu.memory_space<hbm>> -> memref<10112x64xbf16, #tpu.memory_space<hbm>>
      tpu.enqueue_indirect_dma source(%dma_start3A_42 : memref<10112x64xbf16, #tpu.memory_space<hbm>>) target(%dma_start3A_36 : memref<128x64xbf16, #tpu.memory_space<vmem>>) offsets(%dma_start3A_39 : memref<128xi32, #tpu.memory_space<vmem>>) semaphore(%arg7 : memref<!tpu.dma_semaphore, #tpu.memory_space<semaphore_mem>>)
      %add3A_43 = arith.constant 3 : i32
      %add3A_44 = arith.addi %mul3A_10, %add3A_43 : i32
      %dma_start3A_45 = arith.constant 384 : i32
      %dma_start3A_46 = arith.constant 0 : i32
      %dma_start3A_47 = tpu.memref_slice %arg6[%dma_start3A_45, %dma_start3A_46] : memref<1024x64xbf16, #tpu.memory_space<vmem>> -> memref<128x64xbf16, #tpu.memory_space<vmem>>
      %dma_start3A_48 = arith.constant 0 : i32
      %dma_start3A_49 = tpu.memref_slice %arg5[%add3A_44, %dma_start3A_48] : memref<80x128xi32, #tpu.memory_space<vmem>> -> memref<1x128xi32, #tpu.memory_space<vmem>>
      %dma_start3A_50 = tpu.memref_squeeze %dma_start3A_49 : memref<1x128xi32, #tpu.memory_space<vmem>> -> memref<128xi32, #tpu.memory_space<vmem>>
      %dma_start3A_51 = arith.constant 0 : i32
      %dma_start3A_52 = arith.constant 0 : i32
      %dma_start3A_53 = tpu.memref_slice %arg2[%dma_start3A_51, %dma_start3A_52] : memref<10112x64xbf16, #tpu.memory_space<hbm>> -> memref<10112x64xbf16, #tpu.memory_space<hbm>>
      tpu.enqueue_indirect_dma source(%dma_start3A_53 : memref<10112x64xbf16, #tpu.memory_space<hbm>>) target(%dma_start3A_47 : memref<128x64xbf16, #tpu.memory_space<vmem>>) offsets(%dma_start3A_50 : memref<128xi32, #tpu.memory_space<vmem>>) semaphore(%arg7 : memref<!tpu.dma_semaphore, #tpu.memory_space<semaphore_mem>>)
      %add3A_54 = arith.constant 4 : i32
      %add3A_55 = arith.addi %mul3A_10, %add3A_54 : i32
      %dma_start3A_56 = arith.constant 512 : i32
      %dma_start3A_57 = arith.constant 0 : i32
      %dma_start3A_58 = tpu.memref_slice %arg6[%dma_start3A_56, %dma_start3A_57] : memref<1024x64xbf16, #tpu.memory_space<vmem>> -> memref<128x64xbf16, #tpu.memory_space<vmem>>
      %dma_start3A_59 = arith.constant 0 : i32
      %dma_start3A_60 = tpu.memref_slice %arg5[%add3A_55, %dma_start3A_59] : memref<80x128xi32, #tpu.memory_space<vmem>> -> memref<1x128xi32, #tpu.memory_space<vmem>>
      %dma_start3A_61 = tpu.memref_squeeze %dma_start3A_60 : memref<1x128xi32, #tpu.memory_space<vmem>> -> memref<128xi32, #tpu.memory_space<vmem>>
      %dma_start3A_62 = arith.constant 0 : i32
      %dma_start3A_63 = arith.constant 0 : i32
      %dma_start3A_64 = tpu.memref_slice %arg2[%dma_start3A_62, %dma_start3A_63] : memref<10112x64xbf16, #tpu.memory_space<hbm>> -> memref<10112x64xbf16, #tpu.memory_space<hbm>>
      tpu.enqueue_indirect_dma source(%dma_start3A_64 : memref<10112x64xbf16, #tpu.memory_space<hbm>>) target(%dma_start3A_58 : memref<128x64xbf16, #tpu.memory_space<vmem>>) offsets(%dma_start3A_61 : memref<128xi32, #tpu.memory_space<vmem>>) semaphore(%arg7 : memref<!tpu.dma_semaphore, #tpu.memory_space<semaphore_mem>>)
      %add3A_65 = arith.constant 5 : i32
      %add3A_66 = arith.addi %mul3A_10, %add3A_65 : i32
      %dma_start3A_67 = arith.constant 640 : i32
      %dma_start3A_68 = arith.constant 0 : i32
      %dma_start3A_69 = tpu.memref_slice %arg6[%dma_start3A_67, %dma_start3A_68] : memref<1024x64xbf16, #tpu.memory_space<vmem>> -> memref<128x64xbf16, #tpu.memory_space<vmem>>
      %dma_start3A_70 = arith.constant 0 : i32
      %dma_start3A_71 = tpu.memref_slice %arg5[%add3A_66, %dma_start3A_70] : memref<80x128xi32, #tpu.memory_space<vmem>> -> memref<1x128xi32, #tpu.memory_space<vmem>>
      %dma_start3A_72 = tpu.memref_squeeze %dma_start3A_71 : memref<1x128xi32, #tpu.memory_space<vmem>> -> memref<128xi32, #tpu.memory_space<vmem>>
      %dma_start3A_73 = arith.constant 0 : i32
      %dma_start3A_74 = arith.constant 0 : i32
      %dma_start3A_75 = tpu.memref_slice %arg2[%dma_start3A_73, %dma_start3A_74] : memref<10112x64xbf16, #tpu.memory_space<hbm>> -> memref<10112x64xbf16, #tpu.memory_space<hbm>>
      tpu.enqueue_indirect_dma source(%dma_start3A_75 : memref<10112x64xbf16, #tpu.memory_space<hbm>>) target(%dma_start3A_69 : memref<128x64xbf16, #tpu.memory_space<vmem>>) offsets(%dma_start3A_72 : memref<128xi32, #tpu.memory_space<vmem>>) semaphore(%arg7 : memref<!tpu.dma_semaphore, #tpu.memory_space<semaphore_mem>>)
      %add3A_76 = arith.constant 6 : i32
      %add3A_77 = arith.addi %mul3A_10, %add3A_76 : i32
      %dma_start3A_78 = arith.constant 768 : i32
      %dma_start3A_79 = arith.constant 0 : i32
      %dma_start3A_80 = tpu.memref_slice %arg6[%dma_start3A_78, %dma_start3A_79] : memref<1024x64xbf16, #tpu.memory_space<vmem>> -> memref<128x64xbf16, #tpu.memory_space<vmem>>
      %dma_start3A_81 = arith.constant 0 : i32
      %dma_start3A_82 = tpu.memref_slice %arg5[%add3A_77, %dma_start3A_81] : memref<80x128xi32, #tpu.memory_space<vmem>> -> memref<1x128xi32, #tpu.memory_space<vmem>>
      %dma_start3A_83 = tpu.memref_squeeze %dma_start3A_82 : memref<1x128xi32, #tpu.memory_space<vmem>> -> memref<128xi32, #tpu.memory_space<vmem>>
      %dma_start3A_84 = arith.constant 0 : i32
      %dma_start3A_85 = arith.constant 0 : i32
      %dma_start3A_86 = tpu.memref_slice %arg2[%dma_start3A_84, %dma_start3A_85] : memref<10112x64xbf16, #tpu.memory_space<hbm>> -> memref<10112x64xbf16, #tpu.memory_space<hbm>>
      tpu.enqueue_indirect_dma source(%dma_start3A_86 : memref<10112x64xbf16, #tpu.memory_space<hbm>>) target(%dma_start3A_80 : memref<128x64xbf16, #tpu.memory_space<vmem>>) offsets(%dma_start3A_83 : memref<128xi32, #tpu.memory_space<vmem>>) semaphore(%arg7 : memref<!tpu.dma_semaphore, #tpu.memory_space<semaphore_mem>>)
      %add3A_87 = arith.constant 7 : i32
      %add3A_88 = arith.addi %mul3A_10, %add3A_87 : i32
      %dma_start3A_89 = arith.constant 896 : i32
      %dma_start3A_90 = arith.constant 0 : i32
      %dma_start3A_91 = tpu.memref_slice %arg6[%dma_start3A_89, %dma_start3A_90] : memref<1024x64xbf16, #tpu.memory_space<vmem>> -> memref<128x64xbf16, #tpu.memory_space<vmem>>
      %dma_start3A_92 = arith.constant 0 : i32
      %dma_start3A_93 = tpu.memref_slice %arg5[%add3A_88, %dma_start3A_92] : memref<80x128xi32, #tpu.memory_space<vmem>> -> memref<1x128xi32, #tpu.memory_space<vmem>>
      %dma_start3A_94 = tpu.memref_squeeze %dma_start3A_93 : memref<1x128xi32, #tpu.memory_space<vmem>> -> memref<128xi32, #tpu.memory_space<vmem>>
      %dma_start3A_95 = arith.constant 0 : i32
      %dma_start3A_96 = arith.constant 0 : i32
      %dma_start3A_97 = tpu.memref_slice %arg2[%dma_start3A_95, %dma_start3A_96] : memref<10112x64xbf16, #tpu.memory_space<hbm>> -> memref<10112x64xbf16, #tpu.memory_space<hbm>>
      tpu.enqueue_indirect_dma source(%dma_start3A_97 : memref<10112x64xbf16, #tpu.memory_space<hbm>>) target(%dma_start3A_91 : memref<128x64xbf16, #tpu.memory_space<vmem>>) offsets(%dma_start3A_94 : memref<128xi32, #tpu.memory_space<vmem>>) semaphore(%arg7 : memref<!tpu.dma_semaphore, #tpu.memory_space<semaphore_mem>>)
      %dma_wait3A = arith.constant 0 : i32
      %dma_wait3A_98 = arith.constant 0 : i32
      %dma_wait3A_99 = tpu.memref_slice %arg6[%dma_wait3A, %dma_wait3A_98] : memref<1024x64xbf16, #tpu.memory_space<vmem>> -> memref<128x64xbf16, #tpu.memory_space<vmem>>
      %dma_wait3A_100 = arith.constant 0 : i32
      %dma_wait3A_101 = tpu.memref_slice %arg5[%add3A_12, %dma_wait3A_100] : memref<80x128xi32, #tpu.memory_space<vmem>> -> memref<1x128xi32, #tpu.memory_space<vmem>>
      %dma_wait3A_102 = tpu.memref_squeeze %dma_wait3A_101 : memref<1x128xi32, #tpu.memory_space<vmem>> -> memref<128xi32, #tpu.memory_space<vmem>>
      %dma_wait3A_103 = arith.constant 0 : i32
      %dma_wait3A_104 = arith.constant 0 : i32
      %dma_wait3A_105 = tpu.memref_slice %arg2[%dma_wait3A_103, %dma_wait3A_104] : memref<10112x64xbf16, #tpu.memory_space<hbm>> -> memref<10112x64xbf16, #tpu.memory_space<hbm>>
      tpu.wait_indirect_dma semaphore(%arg7 : memref<!tpu.dma_semaphore, #tpu.memory_space<semaphore_mem>>) src(%dma_wait3A_105 : memref<10112x64xbf16, #tpu.memory_space<hbm>>) dst(%dma_wait3A_99 : memref<128x64xbf16, #tpu.memory_space<vmem>>)
      %dma_wait3A_106 = arith.constant 128 : i32
      %dma_wait3A_107 = arith.constant 0 : i32
      %dma_wait3A_108 = tpu.memref_slice %arg6[%dma_wait3A_106, %dma_wait3A_107] : memref<1024x64xbf16, #tpu.memory_space<vmem>> -> memref<128x64xbf16, #tpu.memory_space<vmem>>
      %dma_wait3A_109 = arith.constant 0 : i32
      %dma_wait3A_110 = tpu.memref_slice %arg5[%add3A_22, %dma_wait3A_109] : memref<80x128xi32, #tpu.memory_space<vmem>> -> memref<1x128xi32, #tpu.memory_space<vmem>>
      %dma_wait3A_111 = tpu.memref_squeeze %dma_wait3A_110 : memref<1x128xi32, #tpu.memory_space<vmem>> -> memref<128xi32, #tpu.memory_space<vmem>>
      %dma_wait3A_112 = arith.constant 0 : i32
      %dma_wait3A_113 = arith.constant 0 : i32
      %dma_wait3A_114 = tpu.memref_slice %arg2[%dma_wait3A_112, %dma_wait3A_113] : memref<10112x64xbf16, #tpu.memory_space<hbm>> -> memref<10112x64xbf16, #tpu.memory_space<hbm>>
      tpu.wait_indirect_dma semaphore(%arg7 : memref<!tpu.dma_semaphore, #tpu.memory_space<semaphore_mem>>) src(%dma_wait3A_114 : memref<10112x64xbf16, #tpu.memory_space<hbm>>) dst(%dma_wait3A_108 : memref<128x64xbf16, #tpu.memory_space<vmem>>)
      %dma_wait3A_115 = arith.constant 256 : i32
      %dma_wait3A_116 = arith.constant 0 : i32
      %dma_wait3A_117 = tpu.memref_slice %arg6[%dma_wait3A_115, %dma_wait3A_116] : memref<1024x64xbf16, #tpu.memory_space<vmem>> -> memref<128x64xbf16, #tpu.memory_space<vmem>>
      %dma_wait3A_118 = arith.constant 0 : i32
      %dma_wait3A_119 = tpu.memref_slice %arg5[%add3A_33, %dma_wait3A_118] : memref<80x128xi32, #tpu.memory_space<vmem>> -> memref<1x128xi32, #tpu.memory_space<vmem>>
      %dma_wait3A_120 = tpu.memref_squeeze %dma_wait3A_119 : memref<1x128xi32, #tpu.memory_space<vmem>> -> memref<128xi32, #tpu.memory_space<vmem>>
      %dma_wait3A_121 = arith.constant 0 : i32
      %dma_wait3A_122 = arith.constant 0 : i32
      %dma_wait3A_123 = tpu.memref_slice %arg2[%dma_wait3A_121, %dma_wait3A_122] : memref<10112x64xbf16, #tpu.memory_space<hbm>> -> memref<10112x64xbf16, #tpu.memory_space<hbm>>
      tpu.wait_indirect_dma semaphore(%arg7 : memref<!tpu.dma_semaphore, #tpu.memory_space<semaphore_mem>>) src(%dma_wait3A_123 : memref<10112x64xbf16, #tpu.memory_space<hbm>>) dst(%dma_wait3A_117 : memref<128x64xbf16, #tpu.memory_space<vmem>>)
      %dma_wait3A_124 = arith.constant 384 : i32
      %dma_wait3A_125 = arith.constant 0 : i32
      %dma_wait3A_126 = tpu.memref_slice %arg6[%dma_wait3A_124, %dma_wait3A_125] : memref<1024x64xbf16, #tpu.memory_space<vmem>> -> memref<128x64xbf16, #tpu.memory_space<vmem>>
      %dma_wait3A_127 = arith.constant 0 : i32
      %dma_wait3A_128 = tpu.memref_slice %arg5[%add3A_44, %dma_wait3A_127] : memref<80x128xi32, #tpu.memory_space<vmem>> -> memref<1x128xi32, #tpu.memory_space<vmem>>
      %dma_wait3A_129 = tpu.memref_squeeze %dma_wait3A_128 : memref<1x128xi32, #tpu.memory_space<vmem>> -> memref<128xi32, #tpu.memory_space<vmem>>
      %dma_wait3A_130 = arith.constant 0 : i32
      %dma_wait3A_131 = arith.constant 0 : i32
      %dma_wait3A_132 = tpu.memref_slice %arg2[%dma_wait3A_130, %dma_wait3A_131] : memref<10112x64xbf16, #tpu.memory_space<hbm>> -> memref<10112x64xbf16, #tpu.memory_space<hbm>>
      tpu.wait_indirect_dma semaphore(%arg7 : memref<!tpu.dma_semaphore, #tpu.memory_space<semaphore_mem>>) src(%dma_wait3A_132 : memref<10112x64xbf16, #tpu.memory_space<hbm>>) dst(%dma_wait3A_126 : memref<128x64xbf16, #tpu.memory_space<vmem>>)
      %dma_wait3A_133 = arith.constant 512 : i32
      %dma_wait3A_134 = arith.constant 0 : i32
      %dma_wait3A_135 = tpu.memref_slice %arg6[%dma_wait3A_133, %dma_wait3A_134] : memref<1024x64xbf16, #tpu.memory_space<vmem>> -> memref<128x64xbf16, #tpu.memory_space<vmem>>
      %dma_wait3A_136 = arith.constant 0 : i32
      %dma_wait3A_137 = tpu.memref_slice %arg5[%add3A_55, %dma_wait3A_136] : memref<80x128xi32, #tpu.memory_space<vmem>> -> memref<1x128xi32, #tpu.memory_space<vmem>>
      %dma_wait3A_138 = tpu.memref_squeeze %dma_wait3A_137 : memref<1x128xi32, #tpu.memory_space<vmem>> -> memref<128xi32, #tpu.memory_space<vmem>>
      %dma_wait3A_139 = arith.constant 0 : i32
      %dma_wait3A_140 = arith.constant 0 : i32
      %dma_wait3A_141 = tpu.memref_slice %arg2[%dma_wait3A_139, %dma_wait3A_140] : memref<10112x64xbf16, #tpu.memory_space<hbm>> -> memref<10112x64xbf16, #tpu.memory_space<hbm>>
      tpu.wait_indirect_dma semaphore(%arg7 : memref<!tpu.dma_semaphore, #tpu.memory_space<semaphore_mem>>) src(%dma_wait3A_141 : memref<10112x64xbf16, #tpu.memory_space<hbm>>) dst(%dma_wait3A_135 : memref<128x64xbf16, #tpu.memory_space<vmem>>)
      %dma_wait3A_142 = arith.constant 640 : i32
      %dma_wait3A_143 = arith.constant 0 : i32
      %dma_wait3A_144 = tpu.memref_slice %arg6[%dma_wait3A_142, %dma_wait3A_143] : memref<1024x64xbf16, #tpu.memory_space<vmem>> -> memref<128x64xbf16, #tpu.memory_space<vmem>>
      %dma_wait3A_145 = arith.constant 0 : i32
      %dma_wait3A_146 = tpu.memref_slice %arg5[%add3A_66, %dma_wait3A_145] : memref<80x128xi32, #tpu.memory_space<vmem>> -> memref<1x128xi32, #tpu.memory_space<vmem>>
      %dma_wait3A_147 = tpu.memref_squeeze %dma_wait3A_146 : memref<1x128xi32, #tpu.memory_space<vmem>> -> memref<128xi32, #tpu.memory_space<vmem>>
      %dma_wait3A_148 = arith.constant 0 : i32
      %dma_wait3A_149 = arith.constant 0 : i32
      %dma_wait3A_150 = tpu.memref_slice %arg2[%dma_wait3A_148, %dma_wait3A_149] : memref<10112x64xbf16, #tpu.memory_space<hbm>> -> memref<10112x64xbf16, #tpu.memory_space<hbm>>
      tpu.wait_indirect_dma semaphore(%arg7 : memref<!tpu.dma_semaphore, #tpu.memory_space<semaphore_mem>>) src(%dma_wait3A_150 : memref<10112x64xbf16, #tpu.memory_space<hbm>>) dst(%dma_wait3A_144 : memref<128x64xbf16, #tpu.memory_space<vmem>>)
      %dma_wait3A_151 = arith.constant 768 : i32
      %dma_wait3A_152 = arith.constant 0 : i32
      %dma_wait3A_153 = tpu.memref_slice %arg6[%dma_wait3A_151, %dma_wait3A_152] : memref<1024x64xbf16, #tpu.memory_space<vmem>> -> memref<128x64xbf16, #tpu.memory_space<vmem>>
      %dma_wait3A_154 = arith.constant 0 : i32
      %dma_wait3A_155 = tpu.memref_slice %arg5[%add3A_77, %dma_wait3A_154] : memref<80x128xi32, #tpu.memory_space<vmem>> -> memref<1x128xi32, #tpu.memory_space<vmem>>
      %dma_wait3A_156 = tpu.memref_squeeze %dma_wait3A_155 : memref<1x128xi32, #tpu.memory_space<vmem>> -> memref<128xi32, #tpu.memory_space<vmem>>
      %dma_wait3A_157 = arith.constant 0 : i32
      %dma_wait3A_158 = arith.constant 0 : i32
      %dma_wait3A_159 = tpu.memref_slice %arg2[%dma_wait3A_157, %dma_wait3A_158] : memref<10112x64xbf16, #tpu.memory_space<hbm>> -> memref<10112x64xbf16, #tpu.memory_space<hbm>>
      tpu.wait_indirect_dma semaphore(%arg7 : memref<!tpu.dma_semaphore, #tpu.memory_space<semaphore_mem>>) src(%dma_wait3A_159 : memref<10112x64xbf16, #tpu.memory_space<hbm>>) dst(%dma_wait3A_153 : memref<128x64xbf16, #tpu.memory_space<vmem>>)
      %dma_wait3A_160 = arith.constant 896 : i32
      %dma_wait3A_161 = arith.constant 0 : i32
      %dma_wait3A_162 = tpu.memref_slice %arg6[%dma_wait3A_160, %dma_wait3A_161] : memref<1024x64xbf16, #tpu.memory_space<vmem>> -> memref<128x64xbf16, #tpu.memory_space<vmem>>
      %dma_wait3A_163 = arith.constant 0 : i32
      %dma_wait3A_164 = tpu.memref_slice %arg5[%add3A_88, %dma_wait3A_163] : memref<80x128xi32, #tpu.memory_space<vmem>> -> memref<1x128xi32, #tpu.memory_space<vmem>>
      %dma_wait3A_165 = tpu.memref_squeeze %dma_wait3A_164 : memref<1x128xi32, #tpu.memory_space<vmem>> -> memref<128xi32, #tpu.memory_space<vmem>>
      %dma_wait3A_166 = arith.constant 0 : i32
      %dma_wait3A_167 = arith.constant 0 : i32
      %dma_wait3A_168 = tpu.memref_slice %arg2[%dma_wait3A_166, %dma_wait3A_167] : memref<10112x64xbf16, #tpu.memory_space<hbm>> -> memref<10112x64xbf16, #tpu.memory_space<hbm>>
      tpu.wait_indirect_dma semaphore(%arg7 : memref<!tpu.dma_semaphore, #tpu.memory_space<semaphore_mem>>) src(%dma_wait3A_168 : memref<10112x64xbf16, #tpu.memory_space<hbm>>) dst(%dma_wait3A_162 : memref<128x64xbf16, #tpu.memory_space<vmem>>)
      %add3A_169 = arith.addi %mul3A_2, %mul3A_10 : i32
      %mul3A_170 = arith.constant 128 : i32
      %mul3A_171 = arith.muli %add3A_169, %mul3A_170 : i32
      "tpu.region"() ({
        %run_scoped3A = tpu.sem_alloc : memref<!tpu.dma_semaphore, #tpu.memory_space<semaphore_mem>>
        %dma_start3A_172 = arith.constant 0 : i32
        %dma_start3A_173 = tpu.memref_slice %arg4[%mul3A_171, %dma_start3A_172] : memref<327680x64xbf16, #tpu.memory_space<hbm>> -> memref<1024x64xbf16, #tpu.memory_space<hbm>>
        %dma_start3A_174 = arith.constant 0 : i32
        %dma_start3A_175 = tpu.memref_slice %arg4[%mul3A_171, %dma_start3A_174] : memref<327680x64xbf16, #tpu.memory_space<hbm>> -> memref<1024x64xbf16, #tpu.memory_space<hbm>>
        tpu.enqueue_dma source(%arg6 : memref<1024x64xbf16, #tpu.memory_space<vmem>>) target(%dma_start3A_175 : memref<1024x64xbf16, #tpu.memory_space<hbm>>) target_semaphore(%run_scoped3A : memref<!tpu.dma_semaphore, #tpu.memory_space<semaphore_mem>>)
        %dma_wait3A_176 = arith.constant 0 : i32
        %dma_wait3A_177 = tpu.memref_slice %arg4[%mul3A_171, %dma_wait3A_176] : memref<327680x64xbf16, #tpu.memory_space<hbm>> -> memref<1024x64xbf16, #tpu.memory_space<hbm>>
        %dma_wait3A_178 = arith.constant 0 : i32
        %dma_wait3A_179 = tpu.memref_slice %arg4[%mul3A_171, %dma_wait3A_178] : memref<327680x64xbf16, #tpu.memory_space<hbm>> -> memref<1024x64xbf16, #tpu.memory_space<hbm>>
        tpu.wait_dma2 semaphore(%run_scoped3A : memref<!tpu.dma_semaphore, #tpu.memory_space<semaphore_mem>>) src(%arg6 : memref<1024x64xbf16, #tpu.memory_space<vmem>>) dst(%dma_wait3A_179 : memref<1024x64xbf16, #tpu.memory_space<hbm>>)
        tpu.yield
      }) : () -> ()
    }
    %scan3A_7 = arith.constant 10 : i32
    return
  }
}

#map = affine_map<(d0, d1) -> (0, 0)>
#map1 = affine_map<(d0, d1) -> (0, 0, 0)>
module attributes {stable_mosaic.version = 14 : i64} {
  func.func @_sc_scatter_rows(%arg0: i32, %arg1: i32, %arg2: memref<327680x64xbf16, #tpu.memory_space<hbm>>, %arg3: memref<2560x128xi32, #tpu.memory_space<hbm>>, %arg4: memref<2x10112x64xbf16, #tpu.memory_space<hbm>>, %arg5: memref<80x128xi32, #tpu.memory_space<vmem>>, %arg6: memref<1024x64xbf16, #tpu.memory_space<vmem>>, %arg7: memref<128x64xbf16, #tpu.memory_space<vmem>>, %arg8: memref<10112x64xbf16, #tpu.memory_space<vmem_shared>>, %arg9: memref<!tpu.dma_semaphore, #tpu.memory_space<semaphore_mem>>) attributes {dimension_semantics = [#tpu.dimension_semantics<core_parallel>, #tpu.dimension_semantics<subcore_parallel>], iteration_bounds = array<i64: 2, 16>, scalar_prefetch = 0 : i64, scratch_operands = 5 : i64, tpu.core_type = #tpu.core_type<sc_vector_subcore>, window_params = [{transform_indices = #map}, {transform_indices = #map}, {transform_indices = #map1}]} {
    %mul3A = arith.constant 2 : i32
    %mul3A_0 = arith.muli %arg1, %mul3A : i32
    %add3A = arith.addi %mul3A_0, %arg0 : i32
    %scan3A = arith.constant 0 : i32
    %scan3A_1 = arith.constant 0 : i32
    %scan3A_2 = arith.constant 128 : i32
    %scan3A_3 = arith.addi %scan3A_1, %scan3A_2 : i32
    %scan3A_4 = arith.constant 1 : i32
    scf.for %scan3A_47 = %scan3A_1 to %scan3A_3 step %scan3A_4  : i32 {
      %scan3A_48 = arith.constant 0 : i32
      %scan3A_49 = arith.constant 0 : i32
      %scan3A_50 = arith.constant 2 : i32
      %scan3A_51 = arith.addi %scan3A_49, %scan3A_50 : i32
      %scan3A_52 = arith.constant 1 : i32
      scf.for %scan3A_54 = %scan3A_49 to %scan3A_51 step %scan3A_52  : i32 {
        %broadcast_in_dim3A = arith.constant 0.000000e+00 : bf16
        %broadcast_in_dim3A_55 = vector.broadcast %broadcast_in_dim3A : bf16 to vector<32xbf16>
        %mul3A_56 = arith.constant 32 : i32
        %mul3A_57 = arith.muli %scan3A_54, %mul3A_56 : i32
        %swap3A = arith.index_cast %scan3A_47 : i32 to index
        %swap3A_58 = arith.index_cast %mul3A_57 : i32 to index
        %swap3A_59 = tpu.vector_load %arg7[%swap3A, %swap3A_58] {strides = array<i32>} : memref<128x64xbf16, #tpu.memory_space<vmem>>, vector<32xbf16>,
        tpu.vector_store %arg7[%swap3A, %swap3A_58], %broadcast_in_dim3A_55 {strides = array<i32>} : memref<128x64xbf16, #tpu.memory_space<vmem>>, vector<32xbf16>,
      }
      %scan3A_53 = arith.constant 2 : i32
    }
    %scan3A_5 = arith.constant 128 : i32
    %mul3A_6 = arith.constant 632 : i32
    %mul3A_7 = arith.muli %arg1, %mul3A_6 : i32
    %add3A_8 = arith.constant 0 : i32
    %add3A_9 = arith.addi %mul3A_7, %add3A_8 : i32
    "tpu.region"() ({
      %run_scoped3A = tpu.sem_alloc : memref<!tpu.dma_semaphore, #tpu.memory_space<semaphore_mem>>
      %dma_start3A = arith.constant 0 : i32
      %dma_start3A_47 = tpu.memref_slice %arg8[%add3A_9, %dma_start3A] : memref<10112x64xbf16, #tpu.memory_space<vmem_shared>> -> memref<128x64xbf16, #tpu.memory_space<vmem_shared>>
      %dma_start3A_48 = arith.constant 0 : i32
      %dma_start3A_49 = tpu.memref_slice %arg8[%add3A_9, %dma_start3A_48] : memref<10112x64xbf16, #tpu.memory_space<vmem_shared>> -> memref<128x64xbf16, #tpu.memory_space<vmem_shared>>
      tpu.enqueue_dma source(%arg7 : memref<128x64xbf16, #tpu.memory_space<vmem>>) target(%dma_start3A_49 : memref<128x64xbf16, #tpu.memory_space<vmem_shared>>) target_semaphore(%run_scoped3A : memref<!tpu.dma_semaphore, #tpu.memory_space<semaphore_mem>>)
      %dma_wait3A = arith.constant 0 : i32
      %dma_wait3A_50 = tpu.memref_slice %arg8[%add3A_9, %dma_wait3A] : memref<10112x64xbf16, #tpu.memory_space<vmem_shared>> -> memref<128x64xbf16, #tpu.memory_space<vmem_shared>>
      %dma_wait3A_51 = arith.constant 0 : i32
      %dma_wait3A_52 = tpu.memref_slice %arg8[%add3A_9, %dma_wait3A_51] : memref<10112x64xbf16, #tpu.memory_space<vmem_shared>> -> memref<128x64xbf16, #tpu.memory_space<vmem_shared>>
      tpu.wait_dma2 semaphore(%run_scoped3A : memref<!tpu.dma_semaphore, #tpu.memory_space<semaphore_mem>>) src(%arg7 : memref<128x64xbf16, #tpu.memory_space<vmem>>) dst(%dma_wait3A_52 : memref<128x64xbf16, #tpu.memory_space<vmem_shared>>)
      tpu.yield
    }) : () -> ()
    %add3A_10 = arith.constant 128 : i32
    %add3A_11 = arith.addi %mul3A_7, %add3A_10 : i32
    "tpu.region"() ({
      %run_scoped3A = tpu.sem_alloc : memref<!tpu.dma_semaphore, #tpu.memory_space<semaphore_mem>>
      %dma_start3A = arith.constant 0 : i32
      %dma_start3A_47 = tpu.memref_slice %arg8[%add3A_11, %dma_start3A] : memref<10112x64xbf16, #tpu.memory_space<vmem_shared>> -> memref<128x64xbf16, #tpu.memory_space<vmem_shared>>
      %dma_start3A_48 = arith.constant 0 : i32
      %dma_start3A_49 = tpu.memref_slice %arg8[%add3A_11, %dma_start3A_48] : memref<10112x64xbf16, #tpu.memory_space<vmem_shared>> -> memref<128x64xbf16, #tpu.memory_space<vmem_shared>>
      tpu.enqueue_dma source(%arg7 : memref<128x64xbf16, #tpu.memory_space<vmem>>) target(%dma_start3A_49 : memref<128x64xbf16, #tpu.memory_space<vmem_shared>>) target_semaphore(%run_scoped3A : memref<!tpu.dma_semaphore, #tpu.memory_space<semaphore_mem>>)
      %dma_wait3A = arith.constant 0 : i32
      %dma_wait3A_50 = tpu.memref_slice %arg8[%add3A_11, %dma_wait3A] : memref<10112x64xbf16, #tpu.memory_space<vmem_shared>> -> memref<128x64xbf16, #tpu.memory_space<vmem_shared>>
      %dma_wait3A_51 = arith.constant 0 : i32
      %dma_wait3A_52 = tpu.memref_slice %arg8[%add3A_11, %dma_wait3A_51] : memref<10112x64xbf16, #tpu.memory_space<vmem_shared>> -> memref<128x64xbf16, #tpu.memory_space<vmem_shared>>
      tpu.wait_dma2 semaphore(%run_scoped3A : memref<!tpu.dma_semaphore, #tpu.memory_space<semaphore_mem>>) src(%arg7 : memref<128x64xbf16, #tpu.memory_space<vmem>>) dst(%dma_wait3A_52 : memref<128x64xbf16, #tpu.memory_space<vmem_shared>>)
      tpu.yield
    }) : () -> ()
    %add3A_12 = arith.constant 256 : i32
    %add3A_13 = arith.addi %mul3A_7, %add3A_12 : i32
    "tpu.region"() ({
      %run_scoped3A = tpu.sem_alloc : memref<!tpu.dma_semaphore, #tpu.memory_space<semaphore_mem>>
      %dma_start3A = arith.constant 0 : i32
      %dma_start3A_47 = tpu.memref_slice %arg8[%add3A_13, %dma_start3A] : memref<10112x64xbf16, #tpu.memory_space<vmem_shared>> -> memref<128x64xbf16, #tpu.memory_space<vmem_shared>>
      %dma_start3A_48 = arith.constant 0 : i32
      %dma_start3A_49 = tpu.memref_slice %arg8[%add3A_13, %dma_start3A_48] : memref<10112x64xbf16, #tpu.memory_space<vmem_shared>> -> memref<128x64xbf16, #tpu.memory_space<vmem_shared>>
      tpu.enqueue_dma source(%arg7 : memref<128x64xbf16, #tpu.memory_space<vmem>>) target(%dma_start3A_49 : memref<128x64xbf16, #tpu.memory_space<vmem_shared>>) target_semaphore(%run_scoped3A : memref<!tpu.dma_semaphore, #tpu.memory_space<semaphore_mem>>)
      %dma_wait3A = arith.constant 0 : i32
      %dma_wait3A_50 = tpu.memref_slice %arg8[%add3A_13, %dma_wait3A] : memref<10112x64xbf16, #tpu.memory_space<vmem_shared>> -> memref<128x64xbf16, #tpu.memory_space<vmem_shared>>
      %dma_wait3A_51 = arith.constant 0 : i32
      %dma_wait3A_52 = tpu.memref_slice %arg8[%add3A_13, %dma_wait3A_51] : memref<10112x64xbf16, #tpu.memory_space<vmem_shared>> -> memref<128x64xbf16, #tpu.memory_space<vmem_shared>>
      tpu.wait_dma2 semaphore(%run_scoped3A : memref<!tpu.dma_semaphore, #tpu.memory_space<semaphore_mem>>) src(%arg7 : memref<128x64xbf16, #tpu.memory_space<vmem>>) dst(%dma_wait3A_52 : memref<128x64xbf16, #tpu.memory_space<vmem_shared>>)
      tpu.yield
    }) : () -> ()
    %add3A_14 = arith.constant 384 : i32
    %add3A_15 = arith.addi %mul3A_7, %add3A_14 : i32
    "tpu.region"() ({
      %run_scoped3A = tpu.sem_alloc : memref<!tpu.dma_semaphore, #tpu.memory_space<semaphore_mem>>
      %dma_start3A = arith.constant 0 : i32
      %dma_start3A_47 = tpu.memref_slice %arg8[%add3A_15, %dma_start3A] : memref<10112x64xbf16, #tpu.memory_space<vmem_shared>> -> memref<128x64xbf16, #tpu.memory_space<vmem_shared>>
      %dma_start3A_48 = arith.constant 0 : i32
      %dma_start3A_49 = tpu.memref_slice %arg8[%add3A_15, %dma_start3A_48] : memref<10112x64xbf16, #tpu.memory_space<vmem_shared>> -> memref<128x64xbf16, #tpu.memory_space<vmem_shared>>
      tpu.enqueue_dma source(%arg7 : memref<128x64xbf16, #tpu.memory_space<vmem>>) target(%dma_start3A_49 : memref<128x64xbf16, #tpu.memory_space<vmem_shared>>) target_semaphore(%run_scoped3A : memref<!tpu.dma_semaphore, #tpu.memory_space<semaphore_mem>>)
      %dma_wait3A = arith.constant 0 : i32
      %dma_wait3A_50 = tpu.memref_slice %arg8[%add3A_15, %dma_wait3A] : memref<10112x64xbf16, #tpu.memory_space<vmem_shared>> -> memref<128x64xbf16, #tpu.memory_space<vmem_shared>>
      %dma_wait3A_51 = arith.constant 0 : i32
      %dma_wait3A_52 = tpu.memref_slice %arg8[%add3A_15, %dma_wait3A_51] : memref<10112x64xbf16, #tpu.memory_space<vmem_shared>> -> memref<128x64xbf16, #tpu.memory_space<vmem_shared>>
      tpu.wait_dma2 semaphore(%run_scoped3A : memref<!tpu.dma_semaphore, #tpu.memory_space<semaphore_mem>>) src(%arg7 : memref<128x64xbf16, #tpu.memory_space<vmem>>) dst(%dma_wait3A_52 : memref<128x64xbf16, #tpu.memory_space<vmem_shared>>)
      tpu.yield
    }) : () -> ()
    %add3A_16 = arith.constant 512 : i32
    %add3A_17 = arith.addi %mul3A_7, %add3A_16 : i32
    "tpu.region"() ({
      %run_scoped3A = tpu.sem_alloc : memref<!tpu.dma_semaphore, #tpu.memory_space<semaphore_mem>>
      %dma_start3A = arith.constant 0 : i32
      %dma_start3A_47 = arith.constant 0 : i32
      %dma_start3A_48 = tpu.memref_slice %arg7[%dma_start3A, %dma_start3A_47] : memref<128x64xbf16, #tpu.memory_space<vmem>> -> memref<120x64xbf16, #tpu.memory_space<vmem>>
      %dma_start3A_49 = arith.constant 0 : i32
      %dma_start3A_50 = tpu.memref_slice %arg8[%add3A_17, %dma_start3A_49] : memref<10112x64xbf16, #tpu.memory_space<vmem_shared>> -> memref<120x64xbf16, #tpu.memory_space<vmem_shared>>
      %dma_start3A_51 = arith.constant 0 : i32
      %dma_start3A_52 = tpu.memref_slice %arg8[%add3A_17, %dma_start3A_51] : memref<10112x64xbf16, #tpu.memory_space<vmem_shared>> -> memref<120x64xbf16, #tpu.memory_space<vmem_shared>>
      %dma_start3A_53 = arith.constant 0 : i32
      %dma_start3A_54 = arith.constant 0 : i32
      %dma_start3A_55 = tpu.memref_slice %arg7[%dma_start3A_53, %dma_start3A_54] : memref<128x64xbf16, #tpu.memory_space<vmem>> -> memref<120x64xbf16, #tpu.memory_space<vmem>>
      tpu.enqueue_dma source(%dma_start3A_55 : memref<120x64xbf16, #tpu.memory_space<vmem>>) target(%dma_start3A_52 : memref<120x64xbf16, #tpu.memory_space<vmem_shared>>) target_semaphore(%run_scoped3A : memref<!tpu.dma_semaphore, #tpu.memory_space<semaphore_mem>>)
      %dma_wait3A = arith.constant 0 : i32
      %dma_wait3A_56 = arith.constant 0 : i32
      %dma_wait3A_57 = tpu.memref_slice %arg7[%dma_wait3A, %dma_wait3A_56] : memref<128x64xbf16, #tpu.memory_space<vmem>> -> memref<120x64xbf16, #tpu.memory_space<vmem>>
      %dma_wait3A_58 = arith.constant 0 : i32
      %dma_wait3A_59 = tpu.memref_slice %arg8[%add3A_17, %dma_wait3A_58] : memref<10112x64xbf16, #tpu.memory_space<vmem_shared>> -> memref<120x64xbf16, #tpu.memory_space<vmem_shared>>
      %dma_wait3A_60 = arith.constant 0 : i32
      %dma_wait3A_61 = tpu.memref_slice %arg8[%add3A_17, %dma_wait3A_60] : memref<10112x64xbf16, #tpu.memory_space<vmem_shared>> -> memref<120x64xbf16, #tpu.memory_space<vmem_shared>>
      %dma_wait3A_62 = arith.constant 0 : i32
      %dma_wait3A_63 = arith.constant 0 : i32
      %dma_wait3A_64 = tpu.memref_slice %arg7[%dma_wait3A_62, %dma_wait3A_63] : memref<128x64xbf16, #tpu.memory_space<vmem>> -> memref<120x64xbf16, #tpu.memory_space<vmem>>
      tpu.wait_dma2 semaphore(%run_scoped3A : memref<!tpu.dma_semaphore, #tpu.memory_space<semaphore_mem>>) src(%dma_wait3A_64 : memref<120x64xbf16, #tpu.memory_space<vmem>>) dst(%dma_wait3A_61 : memref<120x64xbf16, #tpu.memory_space<vmem_shared>>)
      tpu.yield
    }) : () -> ()
    %barrier3A = arith.constant 0 : index
    tpu.barrier barrier_id(%barrier3A)
    %mul3A_18 = arith.constant 80 : i32
    %mul3A_19 = arith.muli %add3A, %mul3A_18 : i32
    "tpu.region"() ({
      %run_scoped3A = tpu.sem_alloc : memref<!tpu.dma_semaphore, #tpu.memory_space<semaphore_mem>>
      %dma_start3A = arith.constant 0 : i32
      %dma_start3A_47 = tpu.memref_slice %arg3[%mul3A_19, %dma_start3A] : memref<2560x128xi32, #tpu.memory_space<hbm>> -> memref<80x128xi32, #tpu.memory_space<hbm>>
      %dma_start3A_48 = arith.constant 0 : i32
      %dma_start3A_49 = tpu.memref_slice %arg3[%mul3A_19, %dma_start3A_48] : memref<2560x128xi32, #tpu.memory_space<hbm>> -> memref<80x128xi32, #tpu.memory_space<hbm>>
      tpu.enqueue_dma source(%dma_start3A_49 : memref<80x128xi32, #tpu.memory_space<hbm>>) target(%arg5 : memref<80x128xi32, #tpu.memory_space<vmem>>) target_semaphore(%run_scoped3A : memref<!tpu.dma_semaphore, #tpu.memory_space<semaphore_mem>>)
      %dma_wait3A = arith.constant 0 : i32
      %dma_wait3A_50 = tpu.memref_slice %arg3[%mul3A_19, %dma_wait3A] : memref<2560x128xi32, #tpu.memory_space<hbm>> -> memref<80x128xi32, #tpu.memory_space<hbm>>
      %dma_wait3A_51 = arith.constant 0 : i32
      %dma_wait3A_52 = tpu.memref_slice %arg3[%mul3A_19, %dma_wait3A_51] : memref<2560x128xi32, #tpu.memory_space<hbm>> -> memref<80x128xi32, #tpu.memory_space<hbm>>
      tpu.wait_dma2 semaphore(%run_scoped3A : memref<!tpu.dma_semaphore, #tpu.memory_space<semaphore_mem>>) src(%dma_wait3A_52 : memref<80x128xi32, #tpu.memory_space<hbm>>) dst(%arg5 : memref<80x128xi32, #tpu.memory_space<vmem>>)
      tpu.yield
    }) : () -> ()
    %scan3A_20 = arith.constant 0 : i32
    %scan3A_21 = arith.constant 0 : i32
    %scan3A_22 = arith.constant 10 : i32
    %scan3A_23 = arith.addi %scan3A_21, %scan3A_22 : i32
    %scan3A_24 = arith.constant 1 : i32
    scf.for %scan3A_47 = %scan3A_21 to %scan3A_23 step %scan3A_24  : i32 {
      %mul3A_48 = arith.constant 8 : i32
      %mul3A_49 = arith.muli %scan3A_47, %mul3A_48 : i32
      %mul3A_50 = arith.constant 80 : i32
      %mul3A_51 = arith.muli %add3A, %mul3A_50 : i32
      %add3A_52 = arith.addi %mul3A_51, %mul3A_49 : i32
      %mul3A_53 = arith.constant 128 : i32
      %mul3A_54 = arith.muli %add3A_52, %mul3A_53 : i32
      "tpu.region"() ({
        %run_scoped3A = tpu.sem_alloc : memref<!tpu.dma_semaphore, #tpu.memory_space<semaphore_mem>>
        %dma_start3A_213 = arith.constant 0 : i32
        %dma_start3A_214 = tpu.memref_slice %arg2[%mul3A_54, %dma_start3A_213] : memref<327680x64xbf16, #tpu.memory_space<hbm>> -> memref<1024x64xbf16, #tpu.memory_space<hbm>>
        %dma_start3A_215 = arith.constant 0 : i32
        %dma_start3A_216 = tpu.memref_slice %arg2[%mul3A_54, %dma_start3A_215] : memref<327680x64xbf16, #tpu.memory_space<hbm>> -> memref<1024x64xbf16, #tpu.memory_space<hbm>>
        tpu.enqueue_dma source(%dma_start3A_216 : memref<1024x64xbf16, #tpu.memory_space<hbm>>) target(%arg6 : memref<1024x64xbf16, #tpu.memory_space<vmem>>) target_semaphore(%run_scoped3A : memref<!tpu.dma_semaphore, #tpu.memory_space<semaphore_mem>>)
        %dma_wait3A_217 = arith.constant 0 : i32
        %dma_wait3A_218 = tpu.memref_slice %arg2[%mul3A_54, %dma_wait3A_217] : memref<327680x64xbf16, #tpu.memory_space<hbm>> -> memref<1024x64xbf16, #tpu.memory_space<hbm>>
        %dma_wait3A_219 = arith.constant 0 : i32
        %dma_wait3A_220 = tpu.memref_slice %arg2[%mul3A_54, %dma_wait3A_219] : memref<327680x64xbf16, #tpu.memory_space<hbm>> -> memref<1024x64xbf16, #tpu.memory_space<hbm>>
        tpu.wait_dma2 semaphore(%run_scoped3A : memref<!tpu.dma_semaphore, #tpu.memory_space<semaphore_mem>>) src(%dma_wait3A_220 : memref<1024x64xbf16, #tpu.memory_space<hbm>>) dst(%arg6 : memref<1024x64xbf16, #tpu.memory_space<vmem>>)
        tpu.yield
      }) : () -> ()
      %add3A_55 = arith.constant 0 : i32
      %add3A_56 = arith.addi %mul3A_49, %add3A_55 : i32
      %dma_start3A = arith.constant 0 : i32
      %dma_start3A_57 = arith.constant 0 : i32
      %dma_start3A_58 = tpu.memref_slice %arg6[%dma_start3A, %dma_start3A_57] : memref<1024x64xbf16, #tpu.memory_space<vmem>> -> memref<128x64xbf16, #tpu.memory_space<vmem>>
      %dma_start3A_59 = arith.constant 0 : i32
      %dma_start3A_60 = tpu.memref_slice %arg5[%add3A_56, %dma_start3A_59] : memref<80x128xi32, #tpu.memory_space<vmem>> -> memref<1x128xi32, #tpu.memory_space<vmem>>
      %dma_start3A_61 = tpu.memref_squeeze %dma_start3A_60 : memref<1x128xi32, #tpu.memory_space<vmem>> -> memref<128xi32, #tpu.memory_space<vmem>>
      %dma_start3A_62 = arith.constant 0 : i32
      %dma_start3A_63 = arith.constant 0 : i32
      %dma_start3A_64 = tpu.memref_slice %arg8[%dma_start3A_62, %dma_start3A_63] : memref<10112x64xbf16, #tpu.memory_space<vmem_shared>> -> memref<10112x64xbf16, #tpu.memory_space<vmem_shared>>
      tpu.enqueue_indirect_dma source(%dma_start3A_58 : memref<128x64xbf16, #tpu.memory_space<vmem>>) target(%dma_start3A_64 : memref<10112x64xbf16, #tpu.memory_space<vmem_shared>>) offsets(%dma_start3A_61 : memref<128xi32, #tpu.memory_space<vmem>>) semaphore(%arg9 : memref<!tpu.dma_semaphore, #tpu.memory_space<semaphore_mem>>) {add = true}
      %add3A_65 = arith.constant 1 : i32
      %add3A_66 = arith.addi %mul3A_49, %add3A_65 : i32
      %dma_start3A_67 = arith.constant 128 : i32
      %dma_start3A_68 = arith.constant 0 : i32
      %dma_start3A_69 = tpu.memref_slice %arg6[%dma_start3A_67, %dma_start3A_68] : memref<1024x64xbf16, #tpu.memory_space<vmem>> -> memref<128x64xbf16, #tpu.memory_space<vmem>>
      %dma_start3A_70 = arith.constant 0 : i32
      %dma_start3A_71 = tpu.memref_slice %arg5[%add3A_66, %dma_start3A_70] : memref<80x128xi32, #tpu.memory_space<vmem>> -> memref<1x128xi32, #tpu.memory_space<vmem>>
      %dma_start3A_72 = tpu.memref_squeeze %dma_start3A_71 : memref<1x128xi32, #tpu.memory_space<vmem>> -> memref<128xi32, #tpu.memory_space<vmem>>
      %dma_start3A_73 = arith.constant 0 : i32
      %dma_start3A_74 = arith.constant 0 : i32
      %dma_start3A_75 = tpu.memref_slice %arg8[%dma_start3A_73, %dma_start3A_74] : memref<10112x64xbf16, #tpu.memory_space<vmem_shared>> -> memref<10112x64xbf16, #tpu.memory_space<vmem_shared>>
      tpu.enqueue_indirect_dma source(%dma_start3A_69 : memref<128x64xbf16, #tpu.memory_space<vmem>>) target(%dma_start3A_75 : memref<10112x64xbf16, #tpu.memory_space<vmem_shared>>) offsets(%dma_start3A_72 : memref<128xi32, #tpu.memory_space<vmem>>) semaphore(%arg9 : memref<!tpu.dma_semaphore, #tpu.memory_space<semaphore_mem>>) {add = true}
      %add3A_76 = arith.constant 2 : i32
      %add3A_77 = arith.addi %mul3A_49, %add3A_76 : i32
      %dma_start3A_78 = arith.constant 256 : i32
      %dma_start3A_79 = arith.constant 0 : i32
      %dma_start3A_80 = tpu.memref_slice %arg6[%dma_start3A_78, %dma_start3A_79] : memref<1024x64xbf16, #tpu.memory_space<vmem>> -> memref<128x64xbf16, #tpu.memory_space<vmem>>
      %dma_start3A_81 = arith.constant 0 : i32
      %dma_start3A_82 = tpu.memref_slice %arg5[%add3A_77, %dma_start3A_81] : memref<80x128xi32, #tpu.memory_space<vmem>> -> memref<1x128xi32, #tpu.memory_space<vmem>>
      %dma_start3A_83 = tpu.memref_squeeze %dma_start3A_82 : memref<1x128xi32, #tpu.memory_space<vmem>> -> memref<128xi32, #tpu.memory_space<vmem>>
      %dma_start3A_84 = arith.constant 0 : i32
      %dma_start3A_85 = arith.constant 0 : i32
      %dma_start3A_86 = tpu.memref_slice %arg8[%dma_start3A_84, %dma_start3A_85] : memref<10112x64xbf16, #tpu.memory_space<vmem_shared>> -> memref<10112x64xbf16, #tpu.memory_space<vmem_shared>>
      tpu.enqueue_indirect_dma source(%dma_start3A_80 : memref<128x64xbf16, #tpu.memory_space<vmem>>) target(%dma_start3A_86 : memref<10112x64xbf16, #tpu.memory_space<vmem_shared>>) offsets(%dma_start3A_83 : memref<128xi32, #tpu.memory_space<vmem>>) semaphore(%arg9 : memref<!tpu.dma_semaphore, #tpu.memory_space<semaphore_mem>>) {add = true}
      %add3A_87 = arith.constant 3 : i32
      %add3A_88 = arith.addi %mul3A_49, %add3A_87 : i32
      %dma_start3A_89 = arith.constant 384 : i32
      %dma_start3A_90 = arith.constant 0 : i32
      %dma_start3A_91 = tpu.memref_slice %arg6[%dma_start3A_89, %dma_start3A_90] : memref<1024x64xbf16, #tpu.memory_space<vmem>> -> memref<128x64xbf16, #tpu.memory_space<vmem>>
      %dma_start3A_92 = arith.constant 0 : i32
      %dma_start3A_93 = tpu.memref_slice %arg5[%add3A_88, %dma_start3A_92] : memref<80x128xi32, #tpu.memory_space<vmem>> -> memref<1x128xi32, #tpu.memory_space<vmem>>
      %dma_start3A_94 = tpu.memref_squeeze %dma_start3A_93 : memref<1x128xi32, #tpu.memory_space<vmem>> -> memref<128xi32, #tpu.memory_space<vmem>>
      %dma_start3A_95 = arith.constant 0 : i32
      %dma_start3A_96 = arith.constant 0 : i32
      %dma_start3A_97 = tpu.memref_slice %arg8[%dma_start3A_95, %dma_start3A_96] : memref<10112x64xbf16, #tpu.memory_space<vmem_shared>> -> memref<10112x64xbf16, #tpu.memory_space<vmem_shared>>
      tpu.enqueue_indirect_dma source(%dma_start3A_91 : memref<128x64xbf16, #tpu.memory_space<vmem>>) target(%dma_start3A_97 : memref<10112x64xbf16, #tpu.memory_space<vmem_shared>>) offsets(%dma_start3A_94 : memref<128xi32, #tpu.memory_space<vmem>>) semaphore(%arg9 : memref<!tpu.dma_semaphore, #tpu.memory_space<semaphore_mem>>) {add = true}
      %add3A_98 = arith.constant 4 : i32
      %add3A_99 = arith.addi %mul3A_49, %add3A_98 : i32
      %dma_start3A_100 = arith.constant 512 : i32
      %dma_start3A_101 = arith.constant 0 : i32
      %dma_start3A_102 = tpu.memref_slice %arg6[%dma_start3A_100, %dma_start3A_101] : memref<1024x64xbf16, #tpu.memory_space<vmem>> -> memref<128x64xbf16, #tpu.memory_space<vmem>>
      %dma_start3A_103 = arith.constant 0 : i32
      %dma_start3A_104 = tpu.memref_slice %arg5[%add3A_99, %dma_start3A_103] : memref<80x128xi32, #tpu.memory_space<vmem>> -> memref<1x128xi32, #tpu.memory_space<vmem>>
      %dma_start3A_105 = tpu.memref_squeeze %dma_start3A_104 : memref<1x128xi32, #tpu.memory_space<vmem>> -> memref<128xi32, #tpu.memory_space<vmem>>
      %dma_start3A_106 = arith.constant 0 : i32
      %dma_start3A_107 = arith.constant 0 : i32
      %dma_start3A_108 = tpu.memref_slice %arg8[%dma_start3A_106, %dma_start3A_107] : memref<10112x64xbf16, #tpu.memory_space<vmem_shared>> -> memref<10112x64xbf16, #tpu.memory_space<vmem_shared>>
      tpu.enqueue_indirect_dma source(%dma_start3A_102 : memref<128x64xbf16, #tpu.memory_space<vmem>>) target(%dma_start3A_108 : memref<10112x64xbf16, #tpu.memory_space<vmem_shared>>) offsets(%dma_start3A_105 : memref<128xi32, #tpu.memory_space<vmem>>) semaphore(%arg9 : memref<!tpu.dma_semaphore, #tpu.memory_space<semaphore_mem>>) {add = true}
      %add3A_109 = arith.constant 5 : i32
      %add3A_110 = arith.addi %mul3A_49, %add3A_109 : i32
      %dma_start3A_111 = arith.constant 640 : i32
      %dma_start3A_112 = arith.constant 0 : i32
      %dma_start3A_113 = tpu.memref_slice %arg6[%dma_start3A_111, %dma_start3A_112] : memref<1024x64xbf16, #tpu.memory_space<vmem>> -> memref<128x64xbf16, #tpu.memory_space<vmem>>
      %dma_start3A_114 = arith.constant 0 : i32
      %dma_start3A_115 = tpu.memref_slice %arg5[%add3A_110, %dma_start3A_114] : memref<80x128xi32, #tpu.memory_space<vmem>> -> memref<1x128xi32, #tpu.memory_space<vmem>>
      %dma_start3A_116 = tpu.memref_squeeze %dma_start3A_115 : memref<1x128xi32, #tpu.memory_space<vmem>> -> memref<128xi32, #tpu.memory_space<vmem>>
      %dma_start3A_117 = arith.constant 0 : i32
      %dma_start3A_118 = arith.constant 0 : i32
      %dma_start3A_119 = tpu.memref_slice %arg8[%dma_start3A_117, %dma_start3A_118] : memref<10112x64xbf16, #tpu.memory_space<vmem_shared>> -> memref<10112x64xbf16, #tpu.memory_space<vmem_shared>>
      tpu.enqueue_indirect_dma source(%dma_start3A_113 : memref<128x64xbf16, #tpu.memory_space<vmem>>) target(%dma_start3A_119 : memref<10112x64xbf16, #tpu.memory_space<vmem_shared>>) offsets(%dma_start3A_116 : memref<128xi32, #tpu.memory_space<vmem>>) semaphore(%arg9 : memref<!tpu.dma_semaphore, #tpu.memory_space<semaphore_mem>>) {add = true}
      %add3A_120 = arith.constant 6 : i32
      %add3A_121 = arith.addi %mul3A_49, %add3A_120 : i32
      %dma_start3A_122 = arith.constant 768 : i32
      %dma_start3A_123 = arith.constant 0 : i32
      %dma_start3A_124 = tpu.memref_slice %arg6[%dma_start3A_122, %dma_start3A_123] : memref<1024x64xbf16, #tpu.memory_space<vmem>> -> memref<128x64xbf16, #tpu.memory_space<vmem>>
      %dma_start3A_125 = arith.constant 0 : i32
      %dma_start3A_126 = tpu.memref_slice %arg5[%add3A_121, %dma_start3A_125] : memref<80x128xi32, #tpu.memory_space<vmem>> -> memref<1x128xi32, #tpu.memory_space<vmem>>
      %dma_start3A_127 = tpu.memref_squeeze %dma_start3A_126 : memref<1x128xi32, #tpu.memory_space<vmem>> -> memref<128xi32, #tpu.memory_space<vmem>>
      %dma_start3A_128 = arith.constant 0 : i32
      %dma_start3A_129 = arith.constant 0 : i32
      %dma_start3A_130 = tpu.memref_slice %arg8[%dma_start3A_128, %dma_start3A_129] : memref<10112x64xbf16, #tpu.memory_space<vmem_shared>> -> memref<10112x64xbf16, #tpu.memory_space<vmem_shared>>
      tpu.enqueue_indirect_dma source(%dma_start3A_124 : memref<128x64xbf16, #tpu.memory_space<vmem>>) target(%dma_start3A_130 : memref<10112x64xbf16, #tpu.memory_space<vmem_shared>>) offsets(%dma_start3A_127 : memref<128xi32, #tpu.memory_space<vmem>>) semaphore(%arg9 : memref<!tpu.dma_semaphore, #tpu.memory_space<semaphore_mem>>) {add = true}
      %add3A_131 = arith.constant 7 : i32
      %add3A_132 = arith.addi %mul3A_49, %add3A_131 : i32
      %dma_start3A_133 = arith.constant 896 : i32
      %dma_start3A_134 = arith.constant 0 : i32
      %dma_start3A_135 = tpu.memref_slice %arg6[%dma_start3A_133, %dma_start3A_134] : memref<1024x64xbf16, #tpu.memory_space<vmem>> -> memref<128x64xbf16, #tpu.memory_space<vmem>>
      %dma_start3A_136 = arith.constant 0 : i32
      %dma_start3A_137 = tpu.memref_slice %arg5[%add3A_132, %dma_start3A_136] : memref<80x128xi32, #tpu.memory_space<vmem>> -> memref<1x128xi32, #tpu.memory_space<vmem>>
      %dma_start3A_138 = tpu.memref_squeeze %dma_start3A_137 : memref<1x128xi32, #tpu.memory_space<vmem>> -> memref<128xi32, #tpu.memory_space<vmem>>
      %dma_start3A_139 = arith.constant 0 : i32
      %dma_start3A_140 = arith.constant 0 : i32
      %dma_start3A_141 = tpu.memref_slice %arg8[%dma_start3A_139, %dma_start3A_140] : memref<10112x64xbf16, #tpu.memory_space<vmem_shared>> -> memref<10112x64xbf16, #tpu.memory_space<vmem_shared>>
      tpu.enqueue_indirect_dma source(%dma_start3A_135 : memref<128x64xbf16, #tpu.memory_space<vmem>>) target(%dma_start3A_141 : memref<10112x64xbf16, #tpu.memory_space<vmem_shared>>) offsets(%dma_start3A_138 : memref<128xi32, #tpu.memory_space<vmem>>) semaphore(%arg9 : memref<!tpu.dma_semaphore, #tpu.memory_space<semaphore_mem>>) {add = true}
      %dma_wait3A = arith.constant 0 : i32
      %dma_wait3A_142 = arith.constant 0 : i32
      %dma_wait3A_143 = tpu.memref_slice %arg6[%dma_wait3A, %dma_wait3A_142] : memref<1024x64xbf16, #tpu.memory_space<vmem>> -> memref<128x64xbf16, #tpu.memory_space<vmem>>
      %dma_wait3A_144 = arith.constant 0 : i32
      %dma_wait3A_145 = tpu.memref_slice %arg5[%add3A_56, %dma_wait3A_144] : memref<80x128xi32, #tpu.memory_space<vmem>> -> memref<1x128xi32, #tpu.memory_space<vmem>>
      %dma_wait3A_146 = tpu.memref_squeeze %dma_wait3A_145 : memref<1x128xi32, #tpu.memory_space<vmem>> -> memref<128xi32, #tpu.memory_space<vmem>>
      %dma_wait3A_147 = arith.constant 0 : i32
      %dma_wait3A_148 = arith.constant 0 : i32
      %dma_wait3A_149 = tpu.memref_slice %arg8[%dma_wait3A_147, %dma_wait3A_148] : memref<10112x64xbf16, #tpu.memory_space<vmem_shared>> -> memref<10112x64xbf16, #tpu.memory_space<vmem_shared>>
      tpu.wait_indirect_dma semaphore(%arg9 : memref<!tpu.dma_semaphore, #tpu.memory_space<semaphore_mem>>) src(%dma_wait3A_143 : memref<128x64xbf16, #tpu.memory_space<vmem>>) dst(%dma_wait3A_149 : memref<10112x64xbf16, #tpu.memory_space<vmem_shared>>)
      %dma_wait3A_150 = arith.constant 128 : i32
      %dma_wait3A_151 = arith.constant 0 : i32
      %dma_wait3A_152 = tpu.memref_slice %arg6[%dma_wait3A_150, %dma_wait3A_151] : memref<1024x64xbf16, #tpu.memory_space<vmem>> -> memref<128x64xbf16, #tpu.memory_space<vmem>>
      %dma_wait3A_153 = arith.constant 0 : i32
      %dma_wait3A_154 = tpu.memref_slice %arg5[%add3A_66, %dma_wait3A_153] : memref<80x128xi32, #tpu.memory_space<vmem>> -> memref<1x128xi32, #tpu.memory_space<vmem>>
      %dma_wait3A_155 = tpu.memref_squeeze %dma_wait3A_154 : memref<1x128xi32, #tpu.memory_space<vmem>> -> memref<128xi32, #tpu.memory_space<vmem>>
      %dma_wait3A_156 = arith.constant 0 : i32
      %dma_wait3A_157 = arith.constant 0 : i32
      %dma_wait3A_158 = tpu.memref_slice %arg8[%dma_wait3A_156, %dma_wait3A_157] : memref<10112x64xbf16, #tpu.memory_space<vmem_shared>> -> memref<10112x64xbf16, #tpu.memory_space<vmem_shared>>
      tpu.wait_indirect_dma semaphore(%arg9 : memref<!tpu.dma_semaphore, #tpu.memory_space<semaphore_mem>>) src(%dma_wait3A_152 : memref<128x64xbf16, #tpu.memory_space<vmem>>) dst(%dma_wait3A_158 : memref<10112x64xbf16, #tpu.memory_space<vmem_shared>>)
      %dma_wait3A_159 = arith.constant 256 : i32
      %dma_wait3A_160 = arith.constant 0 : i32
      %dma_wait3A_161 = tpu.memref_slice %arg6[%dma_wait3A_159, %dma_wait3A_160] : memref<1024x64xbf16, #tpu.memory_space<vmem>> -> memref<128x64xbf16, #tpu.memory_space<vmem>>
      %dma_wait3A_162 = arith.constant 0 : i32
      %dma_wait3A_163 = tpu.memref_slice %arg5[%add3A_77, %dma_wait3A_162] : memref<80x128xi32, #tpu.memory_space<vmem>> -> memref<1x128xi32, #tpu.memory_space<vmem>>
      %dma_wait3A_164 = tpu.memref_squeeze %dma_wait3A_163 : memref<1x128xi32, #tpu.memory_space<vmem>> -> memref<128xi32, #tpu.memory_space<vmem>>
      %dma_wait3A_165 = arith.constant 0 : i32
      %dma_wait3A_166 = arith.constant 0 : i32
      %dma_wait3A_167 = tpu.memref_slice %arg8[%dma_wait3A_165, %dma_wait3A_166] : memref<10112x64xbf16, #tpu.memory_space<vmem_shared>> -> memref<10112x64xbf16, #tpu.memory_space<vmem_shared>>
      tpu.wait_indirect_dma semaphore(%arg9 : memref<!tpu.dma_semaphore, #tpu.memory_space<semaphore_mem>>) src(%dma_wait3A_161 : memref<128x64xbf16, #tpu.memory_space<vmem>>) dst(%dma_wait3A_167 : memref<10112x64xbf16, #tpu.memory_space<vmem_shared>>)
      %dma_wait3A_168 = arith.constant 384 : i32
      %dma_wait3A_169 = arith.constant 0 : i32
      %dma_wait3A_170 = tpu.memref_slice %arg6[%dma_wait3A_168, %dma_wait3A_169] : memref<1024x64xbf16, #tpu.memory_space<vmem>> -> memref<128x64xbf16, #tpu.memory_space<vmem>>
      %dma_wait3A_171 = arith.constant 0 : i32
      %dma_wait3A_172 = tpu.memref_slice %arg5[%add3A_88, %dma_wait3A_171] : memref<80x128xi32, #tpu.memory_space<vmem>> -> memref<1x128xi32, #tpu.memory_space<vmem>>
      %dma_wait3A_173 = tpu.memref_squeeze %dma_wait3A_172 : memref<1x128xi32, #tpu.memory_space<vmem>> -> memref<128xi32, #tpu.memory_space<vmem>>
      %dma_wait3A_174 = arith.constant 0 : i32
      %dma_wait3A_175 = arith.constant 0 : i32
      %dma_wait3A_176 = tpu.memref_slice %arg8[%dma_wait3A_174, %dma_wait3A_175] : memref<10112x64xbf16, #tpu.memory_space<vmem_shared>> -> memref<10112x64xbf16, #tpu.memory_space<vmem_shared>>
      tpu.wait_indirect_dma semaphore(%arg9 : memref<!tpu.dma_semaphore, #tpu.memory_space<semaphore_mem>>) src(%dma_wait3A_170 : memref<128x64xbf16, #tpu.memory_space<vmem>>) dst(%dma_wait3A_176 : memref<10112x64xbf16, #tpu.memory_space<vmem_shared>>)
      %dma_wait3A_177 = arith.constant 512 : i32
      %dma_wait3A_178 = arith.constant 0 : i32
      %dma_wait3A_179 = tpu.memref_slice %arg6[%dma_wait3A_177, %dma_wait3A_178] : memref<1024x64xbf16, #tpu.memory_space<vmem>> -> memref<128x64xbf16, #tpu.memory_space<vmem>>
      %dma_wait3A_180 = arith.constant 0 : i32
      %dma_wait3A_181 = tpu.memref_slice %arg5[%add3A_99, %dma_wait3A_180] : memref<80x128xi32, #tpu.memory_space<vmem>> -> memref<1x128xi32, #tpu.memory_space<vmem>>
      %dma_wait3A_182 = tpu.memref_squeeze %dma_wait3A_181 : memref<1x128xi32, #tpu.memory_space<vmem>> -> memref<128xi32, #tpu.memory_space<vmem>>
      %dma_wait3A_183 = arith.constant 0 : i32
      %dma_wait3A_184 = arith.constant 0 : i32
      %dma_wait3A_185 = tpu.memref_slice %arg8[%dma_wait3A_183, %dma_wait3A_184] : memref<10112x64xbf16, #tpu.memory_space<vmem_shared>> -> memref<10112x64xbf16, #tpu.memory_space<vmem_shared>>
      tpu.wait_indirect_dma semaphore(%arg9 : memref<!tpu.dma_semaphore, #tpu.memory_space<semaphore_mem>>) src(%dma_wait3A_179 : memref<128x64xbf16, #tpu.memory_space<vmem>>) dst(%dma_wait3A_185 : memref<10112x64xbf16, #tpu.memory_space<vmem_shared>>)
      %dma_wait3A_186 = arith.constant 640 : i32
      %dma_wait3A_187 = arith.constant 0 : i32
      %dma_wait3A_188 = tpu.memref_slice %arg6[%dma_wait3A_186, %dma_wait3A_187] : memref<1024x64xbf16, #tpu.memory_space<vmem>> -> memref<128x64xbf16, #tpu.memory_space<vmem>>
      %dma_wait3A_189 = arith.constant 0 : i32
      %dma_wait3A_190 = tpu.memref_slice %arg5[%add3A_110, %dma_wait3A_189] : memref<80x128xi32, #tpu.memory_space<vmem>> -> memref<1x128xi32, #tpu.memory_space<vmem>>
      %dma_wait3A_191 = tpu.memref_squeeze %dma_wait3A_190 : memref<1x128xi32, #tpu.memory_space<vmem>> -> memref<128xi32, #tpu.memory_space<vmem>>
      %dma_wait3A_192 = arith.constant 0 : i32
      %dma_wait3A_193 = arith.constant 0 : i32
      %dma_wait3A_194 = tpu.memref_slice %arg8[%dma_wait3A_192, %dma_wait3A_193] : memref<10112x64xbf16, #tpu.memory_space<vmem_shared>> -> memref<10112x64xbf16, #tpu.memory_space<vmem_shared>>
      tpu.wait_indirect_dma semaphore(%arg9 : memref<!tpu.dma_semaphore, #tpu.memory_space<semaphore_mem>>) src(%dma_wait3A_188 : memref<128x64xbf16, #tpu.memory_space<vmem>>) dst(%dma_wait3A_194 : memref<10112x64xbf16, #tpu.memory_space<vmem_shared>>)
      %dma_wait3A_195 = arith.constant 768 : i32
      %dma_wait3A_196 = arith.constant 0 : i32
      %dma_wait3A_197 = tpu.memref_slice %arg6[%dma_wait3A_195, %dma_wait3A_196] : memref<1024x64xbf16, #tpu.memory_space<vmem>> -> memref<128x64xbf16, #tpu.memory_space<vmem>>
      %dma_wait3A_198 = arith.constant 0 : i32
      %dma_wait3A_199 = tpu.memref_slice %arg5[%add3A_121, %dma_wait3A_198] : memref<80x128xi32, #tpu.memory_space<vmem>> -> memref<1x128xi32, #tpu.memory_space<vmem>>
      %dma_wait3A_200 = tpu.memref_squeeze %dma_wait3A_199 : memref<1x128xi32, #tpu.memory_space<vmem>> -> memref<128xi32, #tpu.memory_space<vmem>>
      %dma_wait3A_201 = arith.constant 0 : i32
      %dma_wait3A_202 = arith.constant 0 : i32
      %dma_wait3A_203 = tpu.memref_slice %arg8[%dma_wait3A_201, %dma_wait3A_202] : memref<10112x64xbf16, #tpu.memory_space<vmem_shared>> -> memref<10112x64xbf16, #tpu.memory_space<vmem_shared>>
      tpu.wait_indirect_dma semaphore(%arg9 : memref<!tpu.dma_semaphore, #tpu.memory_space<semaphore_mem>>) src(%dma_wait3A_197 : memref<128x64xbf16, #tpu.memory_space<vmem>>) dst(%dma_wait3A_203 : memref<10112x64xbf16, #tpu.memory_space<vmem_shared>>)
      %dma_wait3A_204 = arith.constant 896 : i32
      %dma_wait3A_205 = arith.constant 0 : i32
      %dma_wait3A_206 = tpu.memref_slice %arg6[%dma_wait3A_204, %dma_wait3A_205] : memref<1024x64xbf16, #tpu.memory_space<vmem>> -> memref<128x64xbf16, #tpu.memory_space<vmem>>
      %dma_wait3A_207 = arith.constant 0 : i32
      %dma_wait3A_208 = tpu.memref_slice %arg5[%add3A_132, %dma_wait3A_207] : memref<80x128xi32, #tpu.memory_space<vmem>> -> memref<1x128xi32, #tpu.memory_space<vmem>>
      %dma_wait3A_209 = tpu.memref_squeeze %dma_wait3A_208 : memref<1x128xi32, #tpu.memory_space<vmem>> -> memref<128xi32, #tpu.memory_space<vmem>>
      %dma_wait3A_210 = arith.constant 0 : i32
      %dma_wait3A_211 = arith.constant 0 : i32
      %dma_wait3A_212 = tpu.memref_slice %arg8[%dma_wait3A_210, %dma_wait3A_211] : memref<10112x64xbf16, #tpu.memory_space<vmem_shared>> -> memref<10112x64xbf16, #tpu.memory_space<vmem_shared>>
      tpu.wait_indirect_dma semaphore(%arg9 : memref<!tpu.dma_semaphore, #tpu.memory_space<semaphore_mem>>) src(%dma_wait3A_206 : memref<128x64xbf16, #tpu.memory_space<vmem>>) dst(%dma_wait3A_212 : memref<10112x64xbf16, #tpu.memory_space<vmem_shared>>)
    }
    %scan3A_25 = arith.constant 10 : i32
    %barrier3A_26 = arith.constant 0 : index
    tpu.barrier barrier_id(%barrier3A_26)
    %add3A_27 = arith.constant 0 : i32
    %add3A_28 = arith.addi %mul3A_7, %add3A_27 : i32
    %add3A_29 = arith.constant 0 : i32
    %add3A_30 = arith.addi %mul3A_7, %add3A_29 : i32
    "tpu.region"() ({
      %run_scoped3A = tpu.sem_alloc : memref<!tpu.dma_semaphore, #tpu.memory_space<semaphore_mem>>
      %dma_start3A = arith.constant 0 : i32
      %dma_start3A_47 = tpu.memref_slice %arg4[%arg0, %add3A_30, %dma_start3A] : memref<2x10112x64xbf16, #tpu.memory_space<hbm>> -> memref<1x128x64xbf16, #tpu.memory_space<hbm>>
      %dma_start3A_48 = tpu.memref_squeeze %dma_start3A_47 : memref<1x128x64xbf16, #tpu.memory_space<hbm>> -> memref<128x64xbf16, #tpu.memory_space<hbm>>
      %dma_start3A_49 = arith.constant 0 : i32
      %dma_start3A_50 = tpu.memref_slice %arg8[%add3A_28, %dma_start3A_49] : memref<10112x64xbf16, #tpu.memory_space<vmem_shared>> -> memref<128x64xbf16, #tpu.memory_space<vmem_shared>>
      tpu.enqueue_dma source(%dma_start3A_50 : memref<128x64xbf16, #tpu.memory_space<vmem_shared>>) target(%dma_start3A_48 : memref<128x64xbf16, #tpu.memory_space<hbm>>) target_semaphore(%run_scoped3A : memref<!tpu.dma_semaphore, #tpu.memory_space<semaphore_mem>>)
      %dma_wait3A = arith.constant 0 : i32
      %dma_wait3A_51 = tpu.memref_slice %arg4[%arg0, %add3A_30, %dma_wait3A] : memref<2x10112x64xbf16, #tpu.memory_space<hbm>> -> memref<1x128x64xbf16, #tpu.memory_space<hbm>>
      %dma_wait3A_52 = tpu.memref_squeeze %dma_wait3A_51 : memref<1x128x64xbf16, #tpu.memory_space<hbm>> -> memref<128x64xbf16, #tpu.memory_space<hbm>>
      %dma_wait3A_53 = arith.constant 0 : i32
      %dma_wait3A_54 = tpu.memref_slice %arg8[%add3A_28, %dma_wait3A_53] : memref<10112x64xbf16, #tpu.memory_space<vmem_shared>> -> memref<128x64xbf16, #tpu.memory_space<vmem_shared>>
      tpu.wait_dma2 semaphore(%run_scoped3A : memref<!tpu.dma_semaphore, #tpu.memory_space<semaphore_mem>>) src(%dma_wait3A_54 : memref<128x64xbf16, #tpu.memory_space<vmem_shared>>) dst(%dma_wait3A_52 : memref<128x64xbf16, #tpu.memory_space<hbm>>)
      tpu.yield
    }) : () -> ()
    %add3A_31 = arith.constant 128 : i32
    %add3A_32 = arith.addi %mul3A_7, %add3A_31 : i32
    %add3A_33 = arith.constant 128 : i32
    %add3A_34 = arith.addi %mul3A_7, %add3A_33 : i32
    "tpu.region"() ({
      %run_scoped3A = tpu.sem_alloc : memref<!tpu.dma_semaphore, #tpu.memory_space<semaphore_mem>>
      %dma_start3A = arith.constant 0 : i32
      %dma_start3A_47 = tpu.memref_slice %arg4[%arg0, %add3A_34, %dma_start3A] : memref<2x10112x64xbf16, #tpu.memory_space<hbm>> -> memref<1x128x64xbf16, #tpu.memory_space<hbm>>
      %dma_start3A_48 = tpu.memref_squeeze %dma_start3A_47 : memref<1x128x64xbf16, #tpu.memory_space<hbm>> -> memref<128x64xbf16, #tpu.memory_space<hbm>>
      %dma_start3A_49 = arith.constant 0 : i32
      %dma_start3A_50 = tpu.memref_slice %arg8[%add3A_32, %dma_start3A_49] : memref<10112x64xbf16, #tpu.memory_space<vmem_shared>> -> memref<128x64xbf16, #tpu.memory_space<vmem_shared>>
      tpu.enqueue_dma source(%dma_start3A_50 : memref<128x64xbf16, #tpu.memory_space<vmem_shared>>) target(%dma_start3A_48 : memref<128x64xbf16, #tpu.memory_space<hbm>>) target_semaphore(%run_scoped3A : memref<!tpu.dma_semaphore, #tpu.memory_space<semaphore_mem>>)
      %dma_wait3A = arith.constant 0 : i32
      %dma_wait3A_51 = tpu.memref_slice %arg4[%arg0, %add3A_34, %dma_wait3A] : memref<2x10112x64xbf16, #tpu.memory_space<hbm>> -> memref<1x128x64xbf16, #tpu.memory_space<hbm>>
      %dma_wait3A_52 = tpu.memref_squeeze %dma_wait3A_51 : memref<1x128x64xbf16, #tpu.memory_space<hbm>> -> memref<128x64xbf16, #tpu.memory_space<hbm>>
      %dma_wait3A_53 = arith.constant 0 : i32
      %dma_wait3A_54 = tpu.memref_slice %arg8[%add3A_32, %dma_wait3A_53] : memref<10112x64xbf16, #tpu.memory_space<vmem_shared>> -> memref<128x64xbf16, #tpu.memory_space<vmem_shared>>
      tpu.wait_dma2 semaphore(%run_scoped3A : memref<!tpu.dma_semaphore, #tpu.memory_space<semaphore_mem>>) src(%dma_wait3A_54 : memref<128x64xbf16, #tpu.memory_space<vmem_shared>>) dst(%dma_wait3A_52 : memref<128x64xbf16, #tpu.memory_space<hbm>>)
      tpu.yield
    }) : () -> ()
    %add3A_35 = arith.constant 256 : i32
    %add3A_36 = arith.addi %mul3A_7, %add3A_35 : i32
    %add3A_37 = arith.constant 256 : i32
    %add3A_38 = arith.addi %mul3A_7, %add3A_37 : i32
    "tpu.region"() ({
      %run_scoped3A = tpu.sem_alloc : memref<!tpu.dma_semaphore, #tpu.memory_space<semaphore_mem>>
      %dma_start3A = arith.constant 0 : i32
      %dma_start3A_47 = tpu.memref_slice %arg4[%arg0, %add3A_38, %dma_start3A] : memref<2x10112x64xbf16, #tpu.memory_space<hbm>> -> memref<1x128x64xbf16, #tpu.memory_space<hbm>>
      %dma_start3A_48 = tpu.memref_squeeze %dma_start3A_47 : memref<1x128x64xbf16, #tpu.memory_space<hbm>> -> memref<128x64xbf16, #tpu.memory_space<hbm>>
      %dma_start3A_49 = arith.constant 0 : i32
      %dma_start3A_50 = tpu.memref_slice %arg8[%add3A_36, %dma_start3A_49] : memref<10112x64xbf16, #tpu.memory_space<vmem_shared>> -> memref<128x64xbf16, #tpu.memory_space<vmem_shared>>
      tpu.enqueue_dma source(%dma_start3A_50 : memref<128x64xbf16, #tpu.memory_space<vmem_shared>>) target(%dma_start3A_48 : memref<128x64xbf16, #tpu.memory_space<hbm>>) target_semaphore(%run_scoped3A : memref<!tpu.dma_semaphore, #tpu.memory_space<semaphore_mem>>)
      %dma_wait3A = arith.constant 0 : i32
      %dma_wait3A_51 = tpu.memref_slice %arg4[%arg0, %add3A_38, %dma_wait3A] : memref<2x10112x64xbf16, #tpu.memory_space<hbm>> -> memref<1x128x64xbf16, #tpu.memory_space<hbm>>
      %dma_wait3A_52 = tpu.memref_squeeze %dma_wait3A_51 : memref<1x128x64xbf16, #tpu.memory_space<hbm>> -> memref<128x64xbf16, #tpu.memory_space<hbm>>
      %dma_wait3A_53 = arith.constant 0 : i32
      %dma_wait3A_54 = tpu.memref_slice %arg8[%add3A_36, %dma_wait3A_53] : memref<10112x64xbf16, #tpu.memory_space<vmem_shared>> -> memref<128x64xbf16, #tpu.memory_space<vmem_shared>>
      tpu.wait_dma2 semaphore(%run_scoped3A : memref<!tpu.dma_semaphore, #tpu.memory_space<semaphore_mem>>) src(%dma_wait3A_54 : memref<128x64xbf16, #tpu.memory_space<vmem_shared>>) dst(%dma_wait3A_52 : memref<128x64xbf16, #tpu.memory_space<hbm>>)
      tpu.yield
    }) : () -> ()
    %add3A_39 = arith.constant 384 : i32
    %add3A_40 = arith.addi %mul3A_7, %add3A_39 : i32
    %add3A_41 = arith.constant 384 : i32
    %add3A_42 = arith.addi %mul3A_7, %add3A_41 : i32
    "tpu.region"() ({
      %run_scoped3A = tpu.sem_alloc : memref<!tpu.dma_semaphore, #tpu.memory_space<semaphore_mem>>
      %dma_start3A = arith.constant 0 : i32
      %dma_start3A_47 = tpu.memref_slice %arg4[%arg0, %add3A_42, %dma_start3A] : memref<2x10112x64xbf16, #tpu.memory_space<hbm>> -> memref<1x128x64xbf16, #tpu.memory_space<hbm>>
      %dma_start3A_48 = tpu.memref_squeeze %dma_start3A_47 : memref<1x128x64xbf16, #tpu.memory_space<hbm>> -> memref<128x64xbf16, #tpu.memory_space<hbm>>
      %dma_start3A_49 = arith.constant 0 : i32
      %dma_start3A_50 = tpu.memref_slice %arg8[%add3A_40, %dma_start3A_49] : memref<10112x64xbf16, #tpu.memory_space<vmem_shared>> -> memref<128x64xbf16, #tpu.memory_space<vmem_shared>>
      tpu.enqueue_dma source(%dma_start3A_50 : memref<128x64xbf16, #tpu.memory_space<vmem_shared>>) target(%dma_start3A_48 : memref<128x64xbf16, #tpu.memory_space<hbm>>) target_semaphore(%run_scoped3A : memref<!tpu.dma_semaphore, #tpu.memory_space<semaphore_mem>>)
      %dma_wait3A = arith.constant 0 : i32
      %dma_wait3A_51 = tpu.memref_slice %arg4[%arg0, %add3A_42, %dma_wait3A] : memref<2x10112x64xbf16, #tpu.memory_space<hbm>> -> memref<1x128x64xbf16, #tpu.memory_space<hbm>>
      %dma_wait3A_52 = tpu.memref_squeeze %dma_wait3A_51 : memref<1x128x64xbf16, #tpu.memory_space<hbm>> -> memref<128x64xbf16, #tpu.memory_space<hbm>>
      %dma_wait3A_53 = arith.constant 0 : i32
      %dma_wait3A_54 = tpu.memref_slice %arg8[%add3A_40, %dma_wait3A_53] : memref<10112x64xbf16, #tpu.memory_space<vmem_shared>> -> memref<128x64xbf16, #tpu.memory_space<vmem_shared>>
      tpu.wait_dma2 semaphore(%run_scoped3A : memref<!tpu.dma_semaphore, #tpu.memory_space<semaphore_mem>>) src(%dma_wait3A_54 : memref<128x64xbf16, #tpu.memory_space<vmem_shared>>) dst(%dma_wait3A_52 : memref<128x64xbf16, #tpu.memory_space<hbm>>)
      tpu.yield
    }) : () -> ()
    %add3A_43 = arith.constant 512 : i32
    %add3A_44 = arith.addi %mul3A_7, %add3A_43 : i32
    %add3A_45 = arith.constant 512 : i32
    %add3A_46 = arith.addi %mul3A_7, %add3A_45 : i32
    "tpu.region"() ({
      %run_scoped3A = tpu.sem_alloc : memref<!tpu.dma_semaphore, #tpu.memory_space<semaphore_mem>>
      %dma_start3A = arith.constant 0 : i32
      %dma_start3A_47 = tpu.memref_slice %arg4[%arg0, %add3A_46, %dma_start3A] : memref<2x10112x64xbf16, #tpu.memory_space<hbm>> -> memref<1x120x64xbf16, #tpu.memory_space<hbm>>
      %dma_start3A_48 = tpu.memref_squeeze %dma_start3A_47 : memref<1x120x64xbf16, #tpu.memory_space<hbm>> -> memref<120x64xbf16, #tpu.memory_space<hbm>>
      %dma_start3A_49 = arith.constant 0 : i32
      %dma_start3A_50 = tpu.memref_slice %arg8[%add3A_44, %dma_start3A_49] : memref<10112x64xbf16, #tpu.memory_space<vmem_shared>> -> memref<120x64xbf16, #tpu.memory_space<vmem_shared>>
      tpu.enqueue_dma source(%dma_start3A_50 : memref<120x64xbf16, #tpu.memory_space<vmem_shared>>) target(%dma_start3A_48 : memref<120x64xbf16, #tpu.memory_space<hbm>>) target_semaphore(%run_scoped3A : memref<!tpu.dma_semaphore, #tpu.memory_space<semaphore_mem>>)
      %dma_wait3A = arith.constant 0 : i32
      %dma_wait3A_51 = tpu.memref_slice %arg4[%arg0, %add3A_46, %dma_wait3A] : memref<2x10112x64xbf16, #tpu.memory_space<hbm>> -> memref<1x120x64xbf16, #tpu.memory_space<hbm>>
      %dma_wait3A_52 = tpu.memref_squeeze %dma_wait3A_51 : memref<1x120x64xbf16, #tpu.memory_space<hbm>> -> memref<120x64xbf16, #tpu.memory_space<hbm>>
      %dma_wait3A_53 = arith.constant 0 : i32
      %dma_wait3A_54 = tpu.memref_slice %arg8[%add3A_44, %dma_wait3A_53] : memref<10112x64xbf16, #tpu.memory_space<vmem_shared>> -> memref<120x64xbf16, #tpu.memory_space<vmem_shared>>
      tpu.wait_dma2 semaphore(%run_scoped3A : memref<!tpu.dma_semaphore, #tpu.memory_space<semaphore_mem>>) src(%dma_wait3A_54 : memref<120x64xbf16, #tpu.memory_space<vmem_shared>>) dst(%dma_wait3A_52 : memref<120x64xbf16, #tpu.memory_space<hbm>>)
      tpu.yield
    }) : () -> ()
    return
  }
}

module attributes {stable_mosaic.version = 14 : i64} {
  func.func @_qproj_body(%arg0: memref<10000x128xf32, #tpu.memory_space<vmem>>, %arg1: memref<128x64xf32, #tpu.memory_space<vmem>>, %arg2: memref<1x64xf32, #tpu.memory_space<vmem>>, %arg3: memref<64x64xf32, #tpu.memory_space<vmem>>, %arg4: memref<1x64xf32, #tpu.memory_space<vmem>>, %arg5: memref<64x64xf32, #tpu.memory_space<vmem>>, %arg6: memref<10000x64xbf16, #tpu.memory_space<vmem>>) attributes {dimension_semantics = [], scalar_prefetch = 0 : i64, scratch_operands = 0 : i64, tpu.core_type = #tpu.core_type<tc>} {
    %get3A = arith.constant 0 : index
    %get3A_0 = arith.constant 0 : index
    %get3A_1 = vector.load %arg0[%get3A, %get3A_0] : memref<10000x128xf32, #tpu.memory_space<vmem>>, vector<10000x128xf32>
    %get3A_2 = arith.constant 0 : index
    %get3A_3 = arith.constant 0 : index
    %get3A_4 = vector.load %arg1[%get3A_2, %get3A_3] : memref<128x64xf32, #tpu.memory_space<vmem>>, vector<128x64xf32>
    %dot_general3A = arith.constant dense<0.000000e+00> : vector<10000x64xf32>
    %dot_general3A_5 = tpu.matmul %get3A_1, %get3A_4, %dot_general3A {dimension_numbers = #tpu.dot_dimension_numbers<[1], [0], [0], [1], [0, 0, 1, 1], [], []>, transpose_lhs_hint = false} : vector<10000x128xf32>, vector<128x64xf32>, vector<10000x64xf32> -> vector<10000x64xf32>
    %get3A_6 = arith.constant 0 : index
    %get3A_7 = arith.constant 0 : index
    %get3A_8 = vector.load %arg2[%get3A_6, %get3A_7] : memref<1x64xf32, #tpu.memory_space<vmem>>, vector<1x64xf32>
    %add3A = vector.broadcast %get3A_8 : vector<1x64xf32> to vector<10000x64xf32>
    %add3A_9 = arith.addf %dot_general3A_5, %add3A : vector<10000x64xf32>
    %max3A = arith.constant 0.000000e+00 : f32
    %max3A_10 = vector.broadcast %max3A : f32 to vector<10000x64xf32>
    %max3A_11 = arith.maximumf %add3A_9, %max3A_10 : vector<10000x64xf32>
    %get3A_12 = arith.constant 0 : index
    %get3A_13 = arith.constant 0 : index
    %get3A_14 = vector.load %arg3[%get3A_12, %get3A_13] : memref<64x64xf32, #tpu.memory_space<vmem>>, vector<64x64xf32>
    %dot_general3A_15 = arith.constant dense<0.000000e+00> : vector<10000x64xf32>
    %dot_general3A_16 = tpu.matmul %max3A_11, %get3A_14, %dot_general3A_15 {dimension_numbers = #tpu.dot_dimension_numbers<[1], [0], [0], [1], [0, 0, 1, 1], [], []>, transpose_lhs_hint = false} : vector<10000x64xf32>, vector<64x64xf32>, vector<10000x64xf32> -> vector<10000x64xf32>
    %get3A_17 = arith.constant 0 : index
    %get3A_18 = arith.constant 0 : index
    %get3A_19 = vector.load %arg4[%get3A_17, %get3A_18] : memref<1x64xf32, #tpu.memory_space<vmem>>, vector<1x64xf32>
    %add3A_20 = vector.broadcast %get3A_19 : vector<1x64xf32> to vector<10000x64xf32>
    %add3A_21 = arith.addf %dot_general3A_16, %add3A_20 : vector<10000x64xf32>
    %get3A_22 = arith.constant 0 : index
    %get3A_23 = arith.constant 0 : index
    %get3A_24 = vector.load %arg5[%get3A_22, %get3A_23] : memref<64x64xf32, #tpu.memory_space<vmem>>, vector<64x64xf32>
    %dot_general3A_25 = arith.constant dense<0.000000e+00> : vector<10000x64xf32>
    %dot_general3A_26 = tpu.matmul %add3A_21, %get3A_24, %dot_general3A_25 {dimension_numbers = #tpu.dot_dimension_numbers<[1], [0], [0], [1], [0, 0, 1, 1], [], []>, transpose_lhs_hint = false} : vector<10000x64xf32>, vector<64x64xf32>, vector<10000x64xf32> -> vector<10000x64xf32>
    %convert_element_type3A = arith.truncf %dot_general3A_26 : vector<10000x64xf32> to vector<10000x64xbf16>
    %swap3A = arith.constant 0 : index
    %swap3A_27 = arith.constant 0 : index
    %swap3A_28 = vector.load %arg6[%swap3A, %swap3A_27] : memref<10000x64xbf16, #tpu.memory_space<vmem>>, vector<10000x64xbf16>
    tpu.vector_store %arg6[%swap3A, %swap3A_27], %convert_element_type3A {strides = array<i32>} : memref<10000x64xbf16, #tpu.memory_space<vmem>>, vector<10000x64xbf16>,
    return
  }
}

module attributes {stable_mosaic.version = 14 : i64} {
  func.func @_edge1_body(%arg0: i32, %arg1: memref<512x128xf32, #tpu.memory_space<vmem>>, %arg2: memref<4096x64xbf16, #tpu.memory_space<vmem>>, %arg3: memref<32x128xi32, #tpu.memory_space<vmem>>, %arg4: memref<16x64xbf16, #tpu.memory_space<vmem>>, %arg5: memref<1x64xbf16, #tpu.memory_space<vmem>>, %arg6: memref<8x64xbf16, #tpu.memory_space<vmem>>, %arg7: memref<32x128xf32, #tpu.memory_space<vmem>>, %arg8: memref<32x128xi32, #tpu.memory_space<vmem>>, %arg9: memref<1x1x8xf32, #tpu.memory_space<vmem>>) attributes {dimension_semantics = [#tpu.dimension_semantics<arbitrary>], iteration_bounds = array<i64: 80>, scalar_prefetch = 0 : i64, scratch_operands = 0 : i64, tpu.core_type = #tpu.core_type<tc>, window_params = [{transform_indices = @transform_0, window_bounds = array<i64: 512, 128>}, {transform_indices = @transform_1, window_bounds = array<i64: 4096, 64>}, {transform_indices = @transform_2, window_bounds = array<i64: 32, 128>}, {pipeline_mode = #tpu.pipeline_mode<synchronous>, transform_indices = @transform_3, window_bounds = array<i64: 16, 64>}, {pipeline_mode = #tpu.pipeline_mode<synchronous>, transform_indices = @transform_4, window_bounds = array<i64: 1, 64>}, {pipeline_mode = #tpu.pipeline_mode<synchronous>, transform_indices = @transform_5, window_bounds = array<i64: 8, 64>}, {transform_indices = @transform_6, window_bounds = array<i64: 32, 128>}, {transform_indices = @transform_7, window_bounds = array<i64: 32, 128>}, {transform_indices = @transform_8, window_bounds = array<i64: 1, 1, 8>}]} {
    %get3A = arith.constant 0 : index
    %get3A_0 = arith.constant 0 : index
    %get3A_1 = vector.load %arg1[%get3A, %get3A_0] : memref<512x128xf32, #tpu.memory_space<vmem>>, vector<512x128xf32>
    %convert_element_type3A = arith.truncf %get3A_1 : vector<512x128xf32> to vector<512x128xbf16>
    %slice3A = vector.extract_strided_slice %convert_element_type3A {offsets = [0, 0], sizes = [512, 16], strides = [1, 1]} : vector<512x128xbf16> to vector<512x16xbf16>
    %get3A_2 = arith.constant 0 : index
    %get3A_3 = arith.constant 0 : index
    %get3A_4 = vector.load %arg4[%get3A_2, %get3A_3] : memref<16x64xbf16, #tpu.memory_space<vmem>>, vector<16x64xbf16>
    %dot_general3A = arith.constant dense<0.000000e+00> : vector<512x64xf32>
    %dot_general3A_5 = tpu.matmul %slice3A, %get3A_4, %dot_general3A {dimension_numbers = #tpu.dot_dimension_numbers<[1], [0], [0], [1], [0, 0, 1, 1], [], []>, transpose_lhs_hint = false} : vector<512x16xbf16>, vector<16x64xbf16>, vector<512x64xf32> -> vector<512x64xf32>
    %get3A_6 = arith.constant 0 : index
    %get3A_7 = arith.constant 0 : index
    %get3A_8 = vector.load %arg5[%get3A_6, %get3A_7] : memref<1x64xbf16, #tpu.memory_space<vmem>>, vector<1x64xbf16>
    %convert_element_type3A_9 = arith.extf %get3A_8 : vector<1x64xbf16> to vector<1x64xf32>
    %add3A = vector.broadcast %convert_element_type3A_9 : vector<1x64xf32> to vector<512x64xf32>
    %add3A_10 = arith.addf %dot_general3A_5, %add3A : vector<512x64xf32>
    %max3A = arith.constant 0.000000e+00 : f32
    %max3A_11 = vector.broadcast %max3A : f32 to vector<512x64xf32>
    %max3A_12 = arith.maximumf %add3A_10, %max3A_11 : vector<512x64xf32>
    %slice3A_13 = vector.extract_strided_slice %convert_element_type3A {offsets = [0, 16], sizes = [512, 16], strides = [1, 1]} : vector<512x128xbf16> to vector<512x16xbf16>
    %get3A_14 = arith.constant 0 : index
    %get3A_15 = arith.constant 0 : index
    %get3A_16 = vector.load %arg4[%get3A_14, %get3A_15] : memref<16x64xbf16, #tpu.memory_space<vmem>>, vector<16x64xbf16>
    %dot_general3A_17 = arith.constant dense<0.000000e+00> : vector<512x64xf32>
    %dot_general3A_18 = tpu.matmul %slice3A_13, %get3A_16, %dot_general3A_17 {dimension_numbers = #tpu.dot_dimension_numbers<[1], [0], [0], [1], [0, 0, 1, 1], [], []>, transpose_lhs_hint = false} : vector<512x16xbf16>, vector<16x64xbf16>, vector<512x64xf32> -> vector<512x64xf32>
    %get3A_19 = arith.constant 0 : index
    %get3A_20 = arith.constant 0 : index
    %get3A_21 = vector.load %arg5[%get3A_19, %get3A_20] : memref<1x64xbf16, #tpu.memory_space<vmem>>, vector<1x64xbf16>
    %convert_element_type3A_22 = arith.extf %get3A_21 : vector<1x64xbf16> to vector<1x64xf32>
    %add3A_23 = vector.broadcast %convert_element_type3A_22 : vector<1x64xf32> to vector<512x64xf32>
    %add3A_24 = arith.addf %dot_general3A_18, %add3A_23 : vector<512x64xf32>
    %max3A_25 = arith.constant 0.000000e+00 : f32
    %max3A_26 = vector.broadcast %max3A_25 : f32 to vector<512x64xf32>
    %max3A_27 = arith.maximumf %add3A_24, %max3A_26 : vector<512x64xf32>
    %slice3A_28 = vector.extract_strided_slice %convert_element_type3A {offsets = [0, 32], sizes = [512, 16], strides = [1, 1]} : vector<512x128xbf16> to vector<512x16xbf16>
    %get3A_29 = arith.constant 0 : index
    %get3A_30 = arith.constant 0 : index
    %get3A_31 = vector.load %arg4[%get3A_29, %get3A_30] : memref<16x64xbf16, #tpu.memory_space<vmem>>, vector<16x64xbf16>
    %dot_general3A_32 = arith.constant dense<0.000000e+00> : vector<512x64xf32>
    %dot_general3A_33 = tpu.matmul %slice3A_28, %get3A_31, %dot_general3A_32 {dimension_numbers = #tpu.dot_dimension_numbers<[1], [0], [0], [1], [0, 0, 1, 1], [], []>, transpose_lhs_hint = false} : vector<512x16xbf16>, vector<16x64xbf16>, vector<512x64xf32> -> vector<512x64xf32>
    %get3A_34 = arith.constant 0 : index
    %get3A_35 = arith.constant 0 : index
    %get3A_36 = vector.load %arg5[%get3A_34, %get3A_35] : memref<1x64xbf16, #tpu.memory_space<vmem>>, vector<1x64xbf16>
    %convert_element_type3A_37 = arith.extf %get3A_36 : vector<1x64xbf16> to vector<1x64xf32>
    %add3A_38 = vector.broadcast %convert_element_type3A_37 : vector<1x64xf32> to vector<512x64xf32>
    %add3A_39 = arith.addf %dot_general3A_33, %add3A_38 : vector<512x64xf32>
    %max3A_40 = arith.constant 0.000000e+00 : f32
    %max3A_41 = vector.broadcast %max3A_40 : f32 to vector<512x64xf32>
    %max3A_42 = arith.maximumf %add3A_39, %max3A_41 : vector<512x64xf32>
    %slice3A_43 = vector.extract_strided_slice %convert_element_type3A {offsets = [0, 48], sizes = [512, 16], strides = [1, 1]} : vector<512x128xbf16> to vector<512x16xbf16>
    %get3A_44 = arith.constant 0 : index
    %get3A_45 = arith.constant 0 : index
    %get3A_46 = vector.load %arg4[%get3A_44, %get3A_45] : memref<16x64xbf16, #tpu.memory_space<vmem>>, vector<16x64xbf16>
    %dot_general3A_47 = arith.constant dense<0.000000e+00> : vector<512x64xf32>
    %dot_general3A_48 = tpu.matmul %slice3A_43, %get3A_46, %dot_general3A_47 {dimension_numbers = #tpu.dot_dimension_numbers<[1], [0], [0], [1], [0, 0, 1, 1], [], []>, transpose_lhs_hint = false} : vector<512x16xbf16>, vector<16x64xbf16>, vector<512x64xf32> -> vector<512x64xf32>
    %get3A_49 = arith.constant 0 : index
    %get3A_50 = arith.constant 0 : index
    %get3A_51 = vector.load %arg5[%get3A_49, %get3A_50] : memref<1x64xbf16, #tpu.memory_space<vmem>>, vector<1x64xbf16>
    %convert_element_type3A_52 = arith.extf %get3A_51 : vector<1x64xbf16> to vector<1x64xf32>
    %add3A_53 = vector.broadcast %convert_element_type3A_52 : vector<1x64xf32> to vector<512x64xf32>
    %add3A_54 = arith.addf %dot_general3A_48, %add3A_53 : vector<512x64xf32>
    %max3A_55 = arith.constant 0.000000e+00 : f32
    %max3A_56 = vector.broadcast %max3A_55 : f32 to vector<512x64xf32>
    %max3A_57 = arith.maximumf %add3A_54, %max3A_56 : vector<512x64xf32>
    %slice3A_58 = vector.extract_strided_slice %convert_element_type3A {offsets = [0, 64], sizes = [512, 16], strides = [1, 1]} : vector<512x128xbf16> to vector<512x16xbf16>
    %get3A_59 = arith.constant 0 : index
    %get3A_60 = arith.constant 0 : index
    %get3A_61 = vector.load %arg4[%get3A_59, %get3A_60] : memref<16x64xbf16, #tpu.memory_space<vmem>>, vector<16x64xbf16>
    %dot_general3A_62 = arith.constant dense<0.000000e+00> : vector<512x64xf32>
    %dot_general3A_63 = tpu.matmul %slice3A_58, %get3A_61, %dot_general3A_62 {dimension_numbers = #tpu.dot_dimension_numbers<[1], [0], [0], [1], [0, 0, 1, 1], [], []>, transpose_lhs_hint = false} : vector<512x16xbf16>, vector<16x64xbf16>, vector<512x64xf32> -> vector<512x64xf32>
    %get3A_64 = arith.constant 0 : index
    %get3A_65 = arith.constant 0 : index
    %get3A_66 = vector.load %arg5[%get3A_64, %get3A_65] : memref<1x64xbf16, #tpu.memory_space<vmem>>, vector<1x64xbf16>
    %convert_element_type3A_67 = arith.extf %get3A_66 : vector<1x64xbf16> to vector<1x64xf32>
    %add3A_68 = vector.broadcast %convert_element_type3A_67 : vector<1x64xf32> to vector<512x64xf32>
    %add3A_69 = arith.addf %dot_general3A_63, %add3A_68 : vector<512x64xf32>
    %max3A_70 = arith.constant 0.000000e+00 : f32
    %max3A_71 = vector.broadcast %max3A_70 : f32 to vector<512x64xf32>
    %max3A_72 = arith.maximumf %add3A_69, %max3A_71 : vector<512x64xf32>
    %slice3A_73 = vector.extract_strided_slice %convert_element_type3A {offsets = [0, 80], sizes = [512, 16], strides = [1, 1]} : vector<512x128xbf16> to vector<512x16xbf16>
    %get3A_74 = arith.constant 0 : index
    %get3A_75 = arith.constant 0 : index
    %get3A_76 = vector.load %arg4[%get3A_74, %get3A_75] : memref<16x64xbf16, #tpu.memory_space<vmem>>, vector<16x64xbf16>
    %dot_general3A_77 = arith.constant dense<0.000000e+00> : vector<512x64xf32>
    %dot_general3A_78 = tpu.matmul %slice3A_73, %get3A_76, %dot_general3A_77 {dimension_numbers = #tpu.dot_dimension_numbers<[1], [0], [0], [1], [0, 0, 1, 1], [], []>, transpose_lhs_hint = false} : vector<512x16xbf16>, vector<16x64xbf16>, vector<512x64xf32> -> vector<512x64xf32>
    %get3A_79 = arith.constant 0 : index
    %get3A_80 = arith.constant 0 : index
    %get3A_81 = vector.load %arg5[%get3A_79, %get3A_80] : memref<1x64xbf16, #tpu.memory_space<vmem>>, vector<1x64xbf16>
    %convert_element_type3A_82 = arith.extf %get3A_81 : vector<1x64xbf16> to vector<1x64xf32>
    %add3A_83 = vector.broadcast %convert_element_type3A_82 : vector<1x64xf32> to vector<512x64xf32>
    %add3A_84 = arith.addf %dot_general3A_78, %add3A_83 : vector<512x64xf32>
    %max3A_85 = arith.constant 0.000000e+00 : f32
    %max3A_86 = vector.broadcast %max3A_85 : f32 to vector<512x64xf32>
    %max3A_87 = arith.maximumf %add3A_84, %max3A_86 : vector<512x64xf32>
    %slice3A_88 = vector.extract_strided_slice %convert_element_type3A {offsets = [0, 96], sizes = [512, 16], strides = [1, 1]} : vector<512x128xbf16> to vector<512x16xbf16>
    %get3A_89 = arith.constant 0 : index
    %get3A_90 = arith.constant 0 : index
    %get3A_91 = vector.load %arg4[%get3A_89, %get3A_90] : memref<16x64xbf16, #tpu.memory_space<vmem>>, vector<16x64xbf16>
    %dot_general3A_92 = arith.constant dense<0.000000e+00> : vector<512x64xf32>
    %dot_general3A_93 = tpu.matmul %slice3A_88, %get3A_91, %dot_general3A_92 {dimension_numbers = #tpu.dot_dimension_numbers<[1], [0], [0], [1], [0, 0, 1, 1], [], []>, transpose_lhs_hint = false} : vector<512x16xbf16>, vector<16x64xbf16>, vector<512x64xf32> -> vector<512x64xf32>
    %get3A_94 = arith.constant 0 : index
    %get3A_95 = arith.constant 0 : index
    %get3A_96 = vector.load %arg5[%get3A_94, %get3A_95] : memref<1x64xbf16, #tpu.memory_space<vmem>>, vector<1x64xbf16>
    %convert_element_type3A_97 = arith.extf %get3A_96 : vector<1x64xbf16> to vector<1x64xf32>
    %add3A_98 = vector.broadcast %convert_element_type3A_97 : vector<1x64xf32> to vector<512x64xf32>
    %add3A_99 = arith.addf %dot_general3A_93, %add3A_98 : vector<512x64xf32>
    %max3A_100 = arith.constant 0.000000e+00 : f32
    %max3A_101 = vector.broadcast %max3A_100 : f32 to vector<512x64xf32>
    %max3A_102 = arith.maximumf %add3A_99, %max3A_101 : vector<512x64xf32>
    %slice3A_103 = vector.extract_strided_slice %convert_element_type3A {offsets = [0, 112], sizes = [512, 16], strides = [1, 1]} : vector<512x128xbf16> to vector<512x16xbf16>
    %get3A_104 = arith.constant 0 : index
    %get3A_105 = arith.constant 0 : index
    %get3A_106 = vector.load %arg4[%get3A_104, %get3A_105] : memref<16x64xbf16, #tpu.memory_space<vmem>>, vector<16x64xbf16>
    %dot_general3A_107 = arith.constant dense<0.000000e+00> : vector<512x64xf32>
    %dot_general3A_108 = tpu.matmul %slice3A_103, %get3A_106, %dot_general3A_107 {dimension_numbers = #tpu.dot_dimension_numbers<[1], [0], [0], [1], [0, 0, 1, 1], [], []>, transpose_lhs_hint = false} : vector<512x16xbf16>, vector<16x64xbf16>, vector<512x64xf32> -> vector<512x64xf32>
    %get3A_109 = arith.constant 0 : index
    %get3A_110 = arith.constant 0 : index
    %get3A_111 = vector.load %arg5[%get3A_109, %get3A_110] : memref<1x64xbf16, #tpu.memory_space<vmem>>, vector<1x64xbf16>
    %convert_element_type3A_112 = arith.extf %get3A_111 : vector<1x64xbf16> to vector<1x64xf32>
    %add3A_113 = vector.broadcast %convert_element_type3A_112 : vector<1x64xf32> to vector<512x64xf32>
    %add3A_114 = arith.addf %dot_general3A_108, %add3A_113 : vector<512x64xf32>
    %max3A_115 = arith.constant 0.000000e+00 : f32
    %max3A_116 = vector.broadcast %max3A_115 : f32 to vector<512x64xf32>
    %max3A_117 = arith.maximumf %add3A_114, %max3A_116 : vector<512x64xf32>
    %concatenate3A = tpu.concatenate %max3A_12, %max3A_27, %max3A_42, %max3A_57, %max3A_72, %max3A_87, %max3A_102, %max3A_117 in 0 : vector<512x64xf32>, vector<512x64xf32>, vector<512x64xf32>, vector<512x64xf32>, vector<512x64xf32>, vector<512x64xf32>, vector<512x64xf32>, vector<512x64xf32> -> vector<4096x64xf32>
    %convert_element_type3A_118 = arith.truncf %concatenate3A : vector<4096x64xf32> to vector<4096x64xbf16>
    %get3A_119 = arith.constant 0 : index
    %get3A_120 = arith.constant 0 : index
    %get3A_121 = vector.load %arg6[%get3A_119, %get3A_120] : memref<8x64xbf16, #tpu.memory_space<vmem>>, vector<8x64xbf16>
    %dot_general3A_122 = arith.constant dense<0.000000e+00> : vector<8x4096xf32>
    %dot_general3A_123 = tpu.matmul %get3A_121, %convert_element_type3A_118, %dot_general3A_122 {dimension_numbers = #tpu.dot_dimension_numbers<[1], [1], [0], [0], [0, 0, 1, 0], [], []>, transpose_lhs_hint = false} : vector<8x64xbf16>, vector<4096x64xbf16>, vector<8x4096xf32> -> vector<8x4096xf32>
    %reduce_max3A = arith.constant dense<0xFF800000> : vector<4096xf32>
    %reduce_max3A_124 = vector.multi_reduction <maximumf>, %dot_general3A_123, %reduce_max3A [0] : vector<8x4096xf32> to vector<4096xf32>
    %broadcast_in_dim3A = vector.shape_cast %reduce_max3A_124 : vector<4096xf32> to vector<1x4096xf32>
    %ge3A = vector.broadcast %broadcast_in_dim3A : vector<1x4096xf32> to vector<8x4096xf32>
    %ge3A_125 = arith.cmpf oge, %dot_general3A_123, %ge3A : vector<8x4096xf32>
    %iota3A = tpu.iota {dimensions = array<i32: 0>} : vector<8x4096xi32>
    %jit3A = arith.constant 8 : i32
    %broadcast_in_dim3A_126 = vector.broadcast %jit3A : i32 to vector<8x4096xi32>
    %select_n3A = arith.select %ge3A_125, %iota3A, %broadcast_in_dim3A_126 : vector<8x4096xi1>, vector<8x4096xi32>
    %reduce_min3A = arith.constant dense<2147483647> : vector<4096xi32>
    %reduce_min3A_127 = vector.multi_reduction <minsi>, %select_n3A, %reduce_min3A [0] : vector<8x4096xi32> to vector<4096xi32>
    %broadcast_in_dim3A_128 = vector.shape_cast %reduce_min3A_127 : vector<4096xi32> to vector<1x4096xi32>
    %eq3A = vector.broadcast %broadcast_in_dim3A_128 : vector<1x4096xi32> to vector<8x4096xi32>
    %eq3A_129 = arith.cmpi eq, %iota3A, %eq3A : vector<8x4096xi32>
    %jit3A_130 = arith.constant 1.000000e+00 : f32
    %jit3A_131 = arith.constant 0.000000e+00 : f32
    %broadcast_in_dim3A_132 = vector.broadcast %jit3A_130 : f32 to vector<8x4096xf32>
    %broadcast_in_dim3A_133 = vector.broadcast %jit3A_131 : f32 to vector<8x4096xf32>
    %select_n3A_134 = arith.select %eq3A_129, %broadcast_in_dim3A_132, %broadcast_in_dim3A_133 : vector<8x4096xi1>, vector<8x4096xf32>
    %reduce_sum3A = arith.constant dense<0.000000e+00> : vector<8xf32>
    %reduce_sum3A_135 = vector.multi_reduction <add>, %select_n3A_134, %reduce_sum3A [1] : vector<8x4096xf32> to vector<8xf32>
    %reshape3A = vector.shape_cast %reduce_sum3A_135 : vector<8xf32> to vector<1x1x8xf32>
    %swap3A = arith.constant 0 : index
    %swap3A_136 = arith.constant 0 : index
    %swap3A_137 = arith.constant 0 : index
    %swap3A_138 = vector.load %arg9[%swap3A, %swap3A_136, %swap3A_137] : memref<1x1x8xf32, #tpu.memory_space<vmem>>, vector<1x1x8xf32>
    tpu.vector_store %arg9[%swap3A, %swap3A_136, %swap3A_137], %reshape3A {strides = array<i32>} : memref<1x1x8xf32, #tpu.memory_space<vmem>>, vector<1x1x8xf32>,
    %get3A_139 = arith.constant 0 : index
    %get3A_140 = arith.constant 0 : index
    %get3A_141 = vector.load %arg2[%get3A_139, %get3A_140] : memref<4096x64xbf16, #tpu.memory_space<vmem>>, vector<4096x64xbf16>
    %mul3A = arith.mulf %get3A_141, %convert_element_type3A_118 : vector<4096x64xbf16>
    %broadcast_in_dim3A_142 = arith.constant 1.000000e+00 : bf16
    %broadcast_in_dim3A_143 = vector.broadcast %broadcast_in_dim3A_142 : bf16 to vector<1x64xbf16>
    %dot_general3A_144 = arith.constant dense<0.000000e+00> : vector<1x4096xf32>
    %dot_general3A_145 = tpu.matmul %broadcast_in_dim3A_143, %mul3A, %dot_general3A_144 {dimension_numbers = #tpu.dot_dimension_numbers<[1], [1], [0], [0], [0, 0, 1, 0], [], []>, transpose_lhs_hint = false} : vector<1x64xbf16>, vector<4096x64xbf16>, vector<1x4096xf32> -> vector<1x4096xf32>
    %mul3A_146 = arith.constant 1.250000e-01 : f32
    %mul3A_147 = vector.broadcast %mul3A_146 : f32 to vector<1x4096xf32>
    %mul3A_148 = arith.mulf %dot_general3A_145, %mul3A_147 : vector<1x4096xf32>
    %reshape3A_149 = vector.shape_cast %mul3A_148 : vector<1x4096xf32> to vector<32x128xf32>
    %exp3A = math.exp %reshape3A_149 : vector<32x128xf32>
    %swap3A_150 = arith.constant 0 : index
    %swap3A_151 = arith.constant 0 : index
    %swap3A_152 = vector.load %arg7[%swap3A_150, %swap3A_151] : memref<32x128xf32, #tpu.memory_space<vmem>>, vector<32x128xf32>
    tpu.vector_store %arg7[%swap3A_150, %swap3A_151], %exp3A {strides = array<i32>} : memref<32x128xf32, #tpu.memory_space<vmem>>, vector<32x128xf32>,
    %reshape3A_153 = vector.shape_cast %reduce_min3A_127 : vector<4096xi32> to vector<32x128xi32>
    %mul3A_154 = arith.constant 10112 : i32
    %mul3A_155 = vector.broadcast %mul3A_154 : i32 to vector<32x128xi32>
    %mul3A_156 = arith.muli %reshape3A_153, %mul3A_155 : vector<32x128xi32>
    %get3A_157 = arith.constant 0 : index
    %get3A_158 = arith.constant 0 : index
    %get3A_159 = vector.load %arg3[%get3A_157, %get3A_158] : memref<32x128xi32, #tpu.memory_space<vmem>>, vector<32x128xi32>
    %add3A_160 = arith.addi %mul3A_156, %get3A_159 : vector<32x128xi32>
    %swap3A_161 = arith.constant 0 : index
    %swap3A_162 = arith.constant 0 : index
    %swap3A_163 = vector.load %arg8[%swap3A_161, %swap3A_162] : memref<32x128xi32, #tpu.memory_space<vmem>>, vector<32x128xi32>
    tpu.vector_store %arg8[%swap3A_161, %swap3A_162], %add3A_160 {strides = array<i32>} : memref<32x128xi32, #tpu.memory_space<vmem>>, vector<32x128xi32>,
    return
  }
  func.func @transform_0(%arg0: i32) -> (i32, i32) {
    %c0_i32 = arith.constant 0 : i32
    %c0_i32_0 = arith.constant 0 : i32
    return %arg0, %c0_i32 : i32, i32
  }
  func.func @transform_1(%arg0: i32) -> (i32, i32) {
    %c0_i32 = arith.constant 0 : i32
    %c0_i32_0 = arith.constant 0 : i32
    return %arg0, %c0_i32 : i32, i32
  }
  func.func @transform_2(%arg0: i32) -> (i32, i32) {
    %c0_i32 = arith.constant 0 : i32
    %c0_i32_0 = arith.constant 0 : i32
    return %arg0, %c0_i32 : i32, i32
  }
  func.func @transform_3(%arg0: i32) -> (i32, i32) {
    %c0_i32 = arith.constant 0 : i32
    %c0_i32_0 = arith.constant 0 : i32
    %c0_i32_1 = arith.constant 0 : i32
    return %c0_i32, %c0_i32_0 : i32, i32
  }
  func.func @transform_4(%arg0: i32) -> (i32, i32) {
    %c0_i32 = arith.constant 0 : i32
    %c0_i32_0 = arith.constant 0 : i32
    %c0_i32_1 = arith.constant 0 : i32
    return %c0_i32, %c0_i32_0 : i32, i32
  }
  func.func @transform_5(%arg0: i32) -> (i32, i32) {
    %c0_i32 = arith.constant 0 : i32
    %c0_i32_0 = arith.constant 0 : i32
    %c0_i32_1 = arith.constant 0 : i32
    return %c0_i32, %c0_i32_0 : i32, i32
  }
  func.func @transform_6(%arg0: i32) -> (i32, i32) {
    %c0_i32 = arith.constant 0 : i32
    %c0_i32_0 = arith.constant 0 : i32
    return %arg0, %c0_i32 : i32, i32
  }
  func.func @transform_7(%arg0: i32) -> (i32, i32) {
    %c0_i32 = arith.constant 0 : i32
    %c0_i32_0 = arith.constant 0 : i32
    return %arg0, %c0_i32 : i32, i32
  }
  func.func @transform_8(%arg0: i32) -> (i32, i32, i32) {
    %c0_i32 = arith.constant 0 : i32
    %c0_i32_0 = arith.constant 0 : i32
    %c0_i32_1 = arith.constant 0 : i32
    return %arg0, %c0_i32, %c0_i32_0 : i32, i32, i32
  }
}

module attributes {stable_mosaic.version = 14 : i64} {
  func.func @_rstats_body(%arg0: memref<2x633x128xf32, #tpu.memory_space<vmem>>, %arg1: memref<2x633x128xf32, #tpu.memory_space<vmem>>, %arg2: memref<80x8xf32, #tpu.memory_space<vmem>>, %arg3: memref<1x64xf32, #tpu.memory_space<vmem>>, %arg4: memref<8x64xf32, #tpu.memory_space<vmem>>, %arg5: memref<633x128xf32, #tpu.memory_space<vmem>>, %arg6: memref<1x1xf32, #tpu.memory_space<vmem>>, %arg7: memref<79x128xf32, #tpu.memory_space<vmem>>) attributes {dimension_semantics = [], scalar_prefetch = 0 : i64, scratch_operands = 0 : i64, tpu.core_type = #tpu.core_type<tc>} {
    %get3A = arith.constant 0 : index
    %get3A_0 = arith.constant 0 : index
    %get3A_1 = arith.constant 0 : index
    %get3A_2 = vector.load %arg0[%get3A, %get3A_0, %get3A_1] : memref<2x633x128xf32, #tpu.memory_space<vmem>>, vector<1x633x128xf32>
    %get3A_3 = vector.shape_cast %get3A_2 : vector<1x633x128xf32> to vector<633x128xf32>
    %get3A_4 = arith.constant 1 : index
    %get3A_5 = arith.constant 0 : index
    %get3A_6 = arith.constant 0 : index
    %get3A_7 = vector.load %arg0[%get3A_4, %get3A_5, %get3A_6] : memref<2x633x128xf32, #tpu.memory_space<vmem>>, vector<1x633x128xf32>
    %get3A_8 = vector.shape_cast %get3A_7 : vector<1x633x128xf32> to vector<633x128xf32>
    %add3A = arith.addf %get3A_3, %get3A_8 : vector<633x128xf32>
    %get3A_9 = arith.constant 0 : index
    %get3A_10 = arith.constant 0 : index
    %get3A_11 = arith.constant 0 : index
    %get3A_12 = vector.load %arg1[%get3A_9, %get3A_10, %get3A_11] : memref<2x633x128xf32, #tpu.memory_space<vmem>>, vector<1x633x128xf32>
    %get3A_13 = vector.shape_cast %get3A_12 : vector<1x633x128xf32> to vector<633x128xf32>
    %get3A_14 = arith.constant 1 : index
    %get3A_15 = arith.constant 0 : index
    %get3A_16 = arith.constant 0 : index
    %get3A_17 = vector.load %arg1[%get3A_14, %get3A_15, %get3A_16] : memref<2x633x128xf32, #tpu.memory_space<vmem>>, vector<1x633x128xf32>
    %get3A_18 = vector.shape_cast %get3A_17 : vector<1x633x128xf32> to vector<633x128xf32>
    %add3A_19 = arith.addf %get3A_13, %get3A_18 : vector<633x128xf32>
    %gt3A = arith.constant 0.000000e+00 : f32
    %gt3A_20 = vector.broadcast %gt3A : f32 to vector<633x128xf32>
    %gt3A_21 = arith.cmpf ogt, %add3A, %gt3A_20 : vector<633x128xf32>
    %jit3A = arith.constant 1.000000e+00 : f32
    %broadcast_in_dim3A = vector.broadcast %jit3A : f32 to vector<633x128xf32>
    %select_n3A = arith.select %gt3A_21, %add3A, %broadcast_in_dim3A : vector<633x128xi1>, vector<633x128xf32>
    %max3A = arith.constant 1.000000e+00 : f32
    %max3A_22 = vector.broadcast %max3A : f32 to vector<633x128xf32>
    %max3A_23 = arith.maximumf %add3A_19, %max3A_22 : vector<633x128xf32>
    %mul3A = arith.mulf %select_n3A, %max3A_23 : vector<633x128xf32>
    %div3A = arith.constant 1.000000e+00 : f32
    %div3A_24 = vector.broadcast %div3A : f32 to vector<633x128xf32>
    %div3A_25 = arith.divf %div3A_24, %mul3A : vector<633x128xf32>
    %swap3A = arith.constant 0 : index
    %swap3A_26 = arith.constant 0 : index
    %swap3A_27 = vector.load %arg5[%swap3A, %swap3A_26] : memref<633x128xf32, #tpu.memory_space<vmem>>, vector<633x128xf32>
    tpu.vector_store %arg5[%swap3A, %swap3A_26], %div3A_25 {strides = array<i32>} : memref<633x128xf32, #tpu.memory_space<vmem>>, vector<633x128xf32>,
    %slice3A = vector.extract_strided_slice %add3A_19 {offsets = [0, 0], sizes = [632, 128], strides = [1, 1]} : vector<633x128xf32> to vector<632x128xf32>
    %reshape3A = vector.shape_cast %slice3A : vector<632x128xf32> to vector<8x79x128xf32>
    %gt3A_28 = arith.constant 0.000000e+00 : f32
    %gt3A_29 = vector.broadcast %gt3A_28 : f32 to vector<8x79x128xf32>
    %gt3A_30 = arith.cmpf ogt, %reshape3A, %gt3A_29 : vector<8x79x128xf32>
    %div3A_31 = arith.constant 1.000000e+00 : f32
    %div3A_32 = vector.broadcast %div3A_31 : f32 to vector<8x79x128xf32>
    %div3A_33 = arith.divf %div3A_32, %reshape3A : vector<8x79x128xf32>
    %jit3A_34 = arith.constant 0.000000e+00 : f32
    %broadcast_in_dim3A_35 = vector.broadcast %jit3A_34 : f32 to vector<8x79x128xf32>
    %select_n3A_36 = arith.select %gt3A_30, %div3A_33, %broadcast_in_dim3A_35 : vector<8x79x128xi1>, vector<8x79x128xf32>
    %reduce_sum3A = arith.constant dense<0.000000e+00> : vector<79x128xf32>
    %reduce_sum3A_37 = vector.multi_reduction <add>, %select_n3A_36, %reduce_sum3A [0] : vector<8x79x128xf32> to vector<79x128xf32>
    %swap3A_38 = arith.constant 0 : index
    %swap3A_39 = arith.constant 0 : index
    %swap3A_40 = vector.load %arg7[%swap3A_38, %swap3A_39] : memref<79x128xf32, #tpu.memory_space<vmem>>, vector<79x128xf32>
    tpu.vector_store %arg7[%swap3A_38, %swap3A_39], %reduce_sum3A_37 {strides = array<i32>} : memref<79x128xf32, #tpu.memory_space<vmem>>, vector<79x128xf32>,
    %get3A_41 = arith.constant 0 : index
    %get3A_42 = arith.constant 0 : index
    %get3A_43 = vector.load %arg3[%get3A_41, %get3A_42] : memref<1x64xf32, #tpu.memory_space<vmem>>, vector<1x64xf32>
    %max3A_44 = arith.constant 0.000000e+00 : f32
    %max3A_45 = vector.broadcast %max3A_44 : f32 to vector<1x64xf32>
    %max3A_46 = arith.maximumf %get3A_43, %max3A_45 : vector<1x64xf32>
    %get3A_47 = arith.constant 0 : index
    %get3A_48 = arith.constant 0 : index
    %get3A_49 = vector.load %arg4[%get3A_47, %get3A_48] : memref<8x64xf32, #tpu.memory_space<vmem>>, vector<8x64xf32>
    %dot_general3A = arith.constant dense<0.000000e+00> : vector<1x8xf32>
    %dot_general3A_50 = tpu.matmul %max3A_46, %get3A_49, %dot_general3A {dimension_numbers = #tpu.dot_dimension_numbers<[1], [1], [0], [0], [0, 0, 1, 0], [], []>, transpose_lhs_hint = false} : vector<1x64xf32>, vector<8x64xf32>, vector<1x8xf32> -> vector<1x8xf32>
    %reduce_max3A = arith.constant dense<0xFF800000> : vector<1xf32>
    %reduce_max3A_51 = vector.multi_reduction <maximumf>, %dot_general3A_50, %reduce_max3A [1] : vector<1x8xf32> to vector<1xf32>
    %broadcast_in_dim3A_52 = vector.shape_cast %reduce_max3A_51 : vector<1xf32> to vector<1x1xf32>
    %iota3A = tpu.iota {dimensions = array<i32: 1>} : vector<1x8xi32>
    %ge3A = vector.broadcast %broadcast_in_dim3A_52 : vector<1x1xf32> to vector<1x8xf32>
    %ge3A_53 = arith.cmpf oge, %dot_general3A_50, %ge3A : vector<1x8xf32>
    %jit3A_54 = arith.constant 8 : i32
    %broadcast_in_dim3A_55 = vector.broadcast %jit3A_54 : i32 to vector<1x8xi32>
    %select_n3A_56 = arith.select %ge3A_53, %iota3A, %broadcast_in_dim3A_55 : vector<1x8xi1>, vector<1x8xi32>
    %reduce_min3A = arith.constant dense<2147483647> : vector<1xi32>
    %reduce_min3A_57 = vector.multi_reduction <minsi>, %select_n3A_56, %reduce_min3A [1] : vector<1x8xi32> to vector<1xi32>
    %broadcast_in_dim3A_58 = vector.shape_cast %reduce_min3A_57 : vector<1xi32> to vector<1x1xi32>
    %eq3A = vector.broadcast %broadcast_in_dim3A_58 : vector<1x1xi32> to vector<1x8xi32>
    %eq3A_59 = arith.cmpi eq, %iota3A, %eq3A : vector<1x8xi32>
    %jit3A_60 = arith.constant 1.000000e+00 : f32
    %jit3A_61 = arith.constant 0.000000e+00 : f32
    %broadcast_in_dim3A_62 = vector.broadcast %jit3A_60 : f32 to vector<1x8xf32>
    %broadcast_in_dim3A_63 = vector.broadcast %jit3A_61 : f32 to vector<1x8xf32>
    %select_n3A_64 = arith.select %eq3A_59, %broadcast_in_dim3A_62, %broadcast_in_dim3A_63 : vector<1x8xi1>, vector<1x8xf32>
    %get3A_65 = arith.constant 0 : index
    %get3A_66 = arith.constant 0 : index
    %get3A_67 = vector.load %arg2[%get3A_65, %get3A_66] : memref<80x8xf32, #tpu.memory_space<vmem>>, vector<80x8xf32>
    %reduce_sum3A_68 = arith.constant dense<0.000000e+00> : vector<8xf32>
    %reduce_sum3A_69 = vector.multi_reduction <add>, %get3A_67, %reduce_sum3A_68 [0] : vector<80x8xf32> to vector<8xf32>
    %broadcast_in_dim3A_70 = vector.shape_cast %reduce_sum3A_69 : vector<8xf32> to vector<1x8xf32>
    %mul3A_71 = arith.constant 7.680000e+03 : f32
    %mul3A_72 = vector.broadcast %mul3A_71 : f32 to vector<1x8xf32>
    %mul3A_73 = arith.mulf %select_n3A_64, %mul3A_72 : vector<1x8xf32>
    %sub3A = arith.subf %broadcast_in_dim3A_70, %mul3A_73 : vector<1x8xf32>
    %gt3A_74 = arith.constant 0.000000e+00 : f32
    %gt3A_75 = vector.broadcast %gt3A_74 : f32 to vector<1x8xf32>
    %gt3A_76 = arith.cmpf ogt, %sub3A, %gt3A_75 : vector<1x8xf32>
    %jit3A_77 = arith.constant 1.000000e+00 : f32
    %jit3A_78 = arith.constant 0.000000e+00 : f32
    %broadcast_in_dim3A_79 = vector.broadcast %jit3A_77 : f32 to vector<1x8xf32>
    %broadcast_in_dim3A_80 = vector.broadcast %jit3A_78 : f32 to vector<1x8xf32>
    %select_n3A_81 = arith.select %gt3A_76, %broadcast_in_dim3A_79, %broadcast_in_dim3A_80 : vector<1x8xi1>, vector<1x8xf32>
    %reduce_sum3A_82 = vector.shape_cast %select_n3A_81 : vector<1x8xf32> to vector<1x1x8xf32>
    %reduce_sum3A_83 = arith.constant dense<0.000000e+00> : vector<1xf32>
    %reduce_sum3A_84 = vector.multi_reduction <add>, %reduce_sum3A_82, %reduce_sum3A_83 [1, 2] : vector<1x1x8xf32> to vector<1xf32>
    %reduce_sum3A_85 = vector.shape_cast %reduce_sum3A_84 : vector<1xf32> to vector<1x1x1xf32>
    %reduce_sum3A_86 = vector.extract %reduce_sum3A_85[0, 0, 0] : f32 from vector<1x1x1xf32>
    %div3A_87 = arith.constant 1.000000e+00 : f32
    %div3A_88 = arith.divf %div3A_87, %reduce_sum3A_86 : f32
    %broadcast_in_dim3A_89 = vector.broadcast %div3A_88 : f32 to vector<1x1xf32>
    %swap3A_90 = arith.constant 0 : index
    %swap3A_91 = arith.constant 0 : index
    %swap3A_92 = vector.load %arg6[%swap3A_90, %swap3A_91] : memref<1x1xf32, #tpu.memory_space<vmem>>, vector<1x1xf32>
    tpu.vector_store %arg6[%swap3A_90, %swap3A_91], %broadcast_in_dim3A_89 {strides = array<i32>} : memref<1x1xf32, #tpu.memory_space<vmem>>, vector<1x1xf32>,
    return
  }
}

module attributes {stable_mosaic.version = 14 : i64} {
  func.func @_edge2_body(%arg0: i32, %arg1: memref<512x128xf32, #tpu.memory_space<vmem>>, %arg2: memref<32x128xf32, #tpu.memory_space<vmem>>, %arg3: memref<16x64xbf16, #tpu.memory_space<vmem>>, %arg4: memref<1x64xbf16, #tpu.memory_space<vmem>>, %arg5: memref<4096x64xbf16, #tpu.memory_space<vmem>>) attributes {dimension_semantics = [#tpu.dimension_semantics<arbitrary>], iteration_bounds = array<i64: 80>, scalar_prefetch = 0 : i64, scratch_operands = 0 : i64, tpu.core_type = #tpu.core_type<tc>, window_params = [{transform_indices = @transform_0, window_bounds = array<i64: 512, 128>}, {transform_indices = @transform_1, window_bounds = array<i64: 32, 128>}, {pipeline_mode = #tpu.pipeline_mode<synchronous>, transform_indices = @transform_2, window_bounds = array<i64: 16, 64>}, {pipeline_mode = #tpu.pipeline_mode<synchronous>, transform_indices = @transform_3, window_bounds = array<i64: 1, 64>}, {transform_indices = @transform_4, window_bounds = array<i64: 4096, 64>}]} {
    %get3A = arith.constant 0 : index
    %get3A_0 = arith.constant 0 : index
    %get3A_1 = vector.load %arg1[%get3A, %get3A_0] : memref<512x128xf32, #tpu.memory_space<vmem>>, vector<512x128xf32>
    %convert_element_type3A = arith.truncf %get3A_1 : vector<512x128xf32> to vector<512x128xbf16>
    %slice3A = vector.extract_strided_slice %convert_element_type3A {offsets = [0, 0], sizes = [512, 16], strides = [1, 1]} : vector<512x128xbf16> to vector<512x16xbf16>
    %get3A_2 = arith.constant 0 : index
    %get3A_3 = arith.constant 0 : index
    %get3A_4 = vector.load %arg3[%get3A_2, %get3A_3] : memref<16x64xbf16, #tpu.memory_space<vmem>>, vector<16x64xbf16>
    %dot_general3A = arith.constant dense<0.000000e+00> : vector<512x64xf32>
    %dot_general3A_5 = tpu.matmul %slice3A, %get3A_4, %dot_general3A {dimension_numbers = #tpu.dot_dimension_numbers<[1], [0], [0], [1], [0, 0, 1, 1], [], []>, transpose_lhs_hint = false} : vector<512x16xbf16>, vector<16x64xbf16>, vector<512x64xf32> -> vector<512x64xf32>
    %get3A_6 = arith.constant 0 : index
    %get3A_7 = arith.constant 0 : index
    %get3A_8 = vector.load %arg4[%get3A_6, %get3A_7] : memref<1x64xbf16, #tpu.memory_space<vmem>>, vector<1x64xbf16>
    %convert_element_type3A_9 = arith.extf %get3A_8 : vector<1x64xbf16> to vector<1x64xf32>
    %add3A = vector.broadcast %convert_element_type3A_9 : vector<1x64xf32> to vector<512x64xf32>
    %add3A_10 = arith.addf %dot_general3A_5, %add3A : vector<512x64xf32>
    %max3A = arith.constant 0.000000e+00 : f32
    %max3A_11 = vector.broadcast %max3A : f32 to vector<512x64xf32>
    %max3A_12 = arith.maximumf %add3A_10, %max3A_11 : vector<512x64xf32>
    %slice3A_13 = vector.extract_strided_slice %convert_element_type3A {offsets = [0, 16], sizes = [512, 16], strides = [1, 1]} : vector<512x128xbf16> to vector<512x16xbf16>
    %get3A_14 = arith.constant 0 : index
    %get3A_15 = arith.constant 0 : index
    %get3A_16 = vector.load %arg3[%get3A_14, %get3A_15] : memref<16x64xbf16, #tpu.memory_space<vmem>>, vector<16x64xbf16>
    %dot_general3A_17 = arith.constant dense<0.000000e+00> : vector<512x64xf32>
    %dot_general3A_18 = tpu.matmul %slice3A_13, %get3A_16, %dot_general3A_17 {dimension_numbers = #tpu.dot_dimension_numbers<[1], [0], [0], [1], [0, 0, 1, 1], [], []>, transpose_lhs_hint = false} : vector<512x16xbf16>, vector<16x64xbf16>, vector<512x64xf32> -> vector<512x64xf32>
    %get3A_19 = arith.constant 0 : index
    %get3A_20 = arith.constant 0 : index
    %get3A_21 = vector.load %arg4[%get3A_19, %get3A_20] : memref<1x64xbf16, #tpu.memory_space<vmem>>, vector<1x64xbf16>
    %convert_element_type3A_22 = arith.extf %get3A_21 : vector<1x64xbf16> to vector<1x64xf32>
    %add3A_23 = vector.broadcast %convert_element_type3A_22 : vector<1x64xf32> to vector<512x64xf32>
    %add3A_24 = arith.addf %dot_general3A_18, %add3A_23 : vector<512x64xf32>
    %max3A_25 = arith.constant 0.000000e+00 : f32
    %max3A_26 = vector.broadcast %max3A_25 : f32 to vector<512x64xf32>
    %max3A_27 = arith.maximumf %add3A_24, %max3A_26 : vector<512x64xf32>
    %slice3A_28 = vector.extract_strided_slice %convert_element_type3A {offsets = [0, 32], sizes = [512, 16], strides = [1, 1]} : vector<512x128xbf16> to vector<512x16xbf16>
    %get3A_29 = arith.constant 0 : index
    %get3A_30 = arith.constant 0 : index
    %get3A_31 = vector.load %arg3[%get3A_29, %get3A_30] : memref<16x64xbf16, #tpu.memory_space<vmem>>, vector<16x64xbf16>
    %dot_general3A_32 = arith.constant dense<0.000000e+00> : vector<512x64xf32>
    %dot_general3A_33 = tpu.matmul %slice3A_28, %get3A_31, %dot_general3A_32 {dimension_numbers = #tpu.dot_dimension_numbers<[1], [0], [0], [1], [0, 0, 1, 1], [], []>, transpose_lhs_hint = false} : vector<512x16xbf16>, vector<16x64xbf16>, vector<512x64xf32> -> vector<512x64xf32>
    %get3A_34 = arith.constant 0 : index
    %get3A_35 = arith.constant 0 : index
    %get3A_36 = vector.load %arg4[%get3A_34, %get3A_35] : memref<1x64xbf16, #tpu.memory_space<vmem>>, vector<1x64xbf16>
    %convert_element_type3A_37 = arith.extf %get3A_36 : vector<1x64xbf16> to vector<1x64xf32>
    %add3A_38 = vector.broadcast %convert_element_type3A_37 : vector<1x64xf32> to vector<512x64xf32>
    %add3A_39 = arith.addf %dot_general3A_33, %add3A_38 : vector<512x64xf32>
    %max3A_40 = arith.constant 0.000000e+00 : f32
    %max3A_41 = vector.broadcast %max3A_40 : f32 to vector<512x64xf32>
    %max3A_42 = arith.maximumf %add3A_39, %max3A_41 : vector<512x64xf32>
    %slice3A_43 = vector.extract_strided_slice %convert_element_type3A {offsets = [0, 48], sizes = [512, 16], strides = [1, 1]} : vector<512x128xbf16> to vector<512x16xbf16>
    %get3A_44 = arith.constant 0 : index
    %get3A_45 = arith.constant 0 : index
    %get3A_46 = vector.load %arg3[%get3A_44, %get3A_45] : memref<16x64xbf16, #tpu.memory_space<vmem>>, vector<16x64xbf16>
    %dot_general3A_47 = arith.constant dense<0.000000e+00> : vector<512x64xf32>
    %dot_general3A_48 = tpu.matmul %slice3A_43, %get3A_46, %dot_general3A_47 {dimension_numbers = #tpu.dot_dimension_numbers<[1], [0], [0], [1], [0, 0, 1, 1], [], []>, transpose_lhs_hint = false} : vector<512x16xbf16>, vector<16x64xbf16>, vector<512x64xf32> -> vector<512x64xf32>
    %get3A_49 = arith.constant 0 : index
    %get3A_50 = arith.constant 0 : index
    %get3A_51 = vector.load %arg4[%get3A_49, %get3A_50] : memref<1x64xbf16, #tpu.memory_space<vmem>>, vector<1x64xbf16>
    %convert_element_type3A_52 = arith.extf %get3A_51 : vector<1x64xbf16> to vector<1x64xf32>
    %add3A_53 = vector.broadcast %convert_element_type3A_52 : vector<1x64xf32> to vector<512x64xf32>
    %add3A_54 = arith.addf %dot_general3A_48, %add3A_53 : vector<512x64xf32>
    %max3A_55 = arith.constant 0.000000e+00 : f32
    %max3A_56 = vector.broadcast %max3A_55 : f32 to vector<512x64xf32>
    %max3A_57 = arith.maximumf %add3A_54, %max3A_56 : vector<512x64xf32>
    %slice3A_58 = vector.extract_strided_slice %convert_element_type3A {offsets = [0, 64], sizes = [512, 16], strides = [1, 1]} : vector<512x128xbf16> to vector<512x16xbf16>
    %get3A_59 = arith.constant 0 : index
    %get3A_60 = arith.constant 0 : index
    %get3A_61 = vector.load %arg3[%get3A_59, %get3A_60] : memref<16x64xbf16, #tpu.memory_space<vmem>>, vector<16x64xbf16>
    %dot_general3A_62 = arith.constant dense<0.000000e+00> : vector<512x64xf32>
    %dot_general3A_63 = tpu.matmul %slice3A_58, %get3A_61, %dot_general3A_62 {dimension_numbers = #tpu.dot_dimension_numbers<[1], [0], [0], [1], [0, 0, 1, 1], [], []>, transpose_lhs_hint = false} : vector<512x16xbf16>, vector<16x64xbf16>, vector<512x64xf32> -> vector<512x64xf32>
    %get3A_64 = arith.constant 0 : index
    %get3A_65 = arith.constant 0 : index
    %get3A_66 = vector.load %arg4[%get3A_64, %get3A_65] : memref<1x64xbf16, #tpu.memory_space<vmem>>, vector<1x64xbf16>
    %convert_element_type3A_67 = arith.extf %get3A_66 : vector<1x64xbf16> to vector<1x64xf32>
    %add3A_68 = vector.broadcast %convert_element_type3A_67 : vector<1x64xf32> to vector<512x64xf32>
    %add3A_69 = arith.addf %dot_general3A_63, %add3A_68 : vector<512x64xf32>
    %max3A_70 = arith.constant 0.000000e+00 : f32
    %max3A_71 = vector.broadcast %max3A_70 : f32 to vector<512x64xf32>
    %max3A_72 = arith.maximumf %add3A_69, %max3A_71 : vector<512x64xf32>
    %slice3A_73 = vector.extract_strided_slice %convert_element_type3A {offsets = [0, 80], sizes = [512, 16], strides = [1, 1]} : vector<512x128xbf16> to vector<512x16xbf16>
    %get3A_74 = arith.constant 0 : index
    %get3A_75 = arith.constant 0 : index
    %get3A_76 = vector.load %arg3[%get3A_74, %get3A_75] : memref<16x64xbf16, #tpu.memory_space<vmem>>, vector<16x64xbf16>
    %dot_general3A_77 = arith.constant dense<0.000000e+00> : vector<512x64xf32>
    %dot_general3A_78 = tpu.matmul %slice3A_73, %get3A_76, %dot_general3A_77 {dimension_numbers = #tpu.dot_dimension_numbers<[1], [0], [0], [1], [0, 0, 1, 1], [], []>, transpose_lhs_hint = false} : vector<512x16xbf16>, vector<16x64xbf16>, vector<512x64xf32> -> vector<512x64xf32>
    %get3A_79 = arith.constant 0 : index
    %get3A_80 = arith.constant 0 : index
    %get3A_81 = vector.load %arg4[%get3A_79, %get3A_80] : memref<1x64xbf16, #tpu.memory_space<vmem>>, vector<1x64xbf16>
    %convert_element_type3A_82 = arith.extf %get3A_81 : vector<1x64xbf16> to vector<1x64xf32>
    %add3A_83 = vector.broadcast %convert_element_type3A_82 : vector<1x64xf32> to vector<512x64xf32>
    %add3A_84 = arith.addf %dot_general3A_78, %add3A_83 : vector<512x64xf32>
    %max3A_85 = arith.constant 0.000000e+00 : f32
    %max3A_86 = vector.broadcast %max3A_85 : f32 to vector<512x64xf32>
    %max3A_87 = arith.maximumf %add3A_84, %max3A_86 : vector<512x64xf32>
    %slice3A_88 = vector.extract_strided_slice %convert_element_type3A {offsets = [0, 96], sizes = [512, 16], strides = [1, 1]} : vector<512x128xbf16> to vector<512x16xbf16>
    %get3A_89 = arith.constant 0 : index
    %get3A_90 = arith.constant 0 : index
    %get3A_91 = vector.load %arg3[%get3A_89, %get3A_90] : memref<16x64xbf16, #tpu.memory_space<vmem>>, vector<16x64xbf16>
    %dot_general3A_92 = arith.constant dense<0.000000e+00> : vector<512x64xf32>
    %dot_general3A_93 = tpu.matmul %slice3A_88, %get3A_91, %dot_general3A_92 {dimension_numbers = #tpu.dot_dimension_numbers<[1], [0], [0], [1], [0, 0, 1, 1], [], []>, transpose_lhs_hint = false} : vector<512x16xbf16>, vector<16x64xbf16>, vector<512x64xf32> -> vector<512x64xf32>
    %get3A_94 = arith.constant 0 : index
    %get3A_95 = arith.constant 0 : index
    %get3A_96 = vector.load %arg4[%get3A_94, %get3A_95] : memref<1x64xbf16, #tpu.memory_space<vmem>>, vector<1x64xbf16>
    %convert_element_type3A_97 = arith.extf %get3A_96 : vector<1x64xbf16> to vector<1x64xf32>
    %add3A_98 = vector.broadcast %convert_element_type3A_97 : vector<1x64xf32> to vector<512x64xf32>
    %add3A_99 = arith.addf %dot_general3A_93, %add3A_98 : vector<512x64xf32>
    %max3A_100 = arith.constant 0.000000e+00 : f32
    %max3A_101 = vector.broadcast %max3A_100 : f32 to vector<512x64xf32>
    %max3A_102 = arith.maximumf %add3A_99, %max3A_101 : vector<512x64xf32>
    %slice3A_103 = vector.extract_strided_slice %convert_element_type3A {offsets = [0, 112], sizes = [512, 16], strides = [1, 1]} : vector<512x128xbf16> to vector<512x16xbf16>
    %get3A_104 = arith.constant 0 : index
    %get3A_105 = arith.constant 0 : index
    %get3A_106 = vector.load %arg3[%get3A_104, %get3A_105] : memref<16x64xbf16, #tpu.memory_space<vmem>>, vector<16x64xbf16>
    %dot_general3A_107 = arith.constant dense<0.000000e+00> : vector<512x64xf32>
    %dot_general3A_108 = tpu.matmul %slice3A_103, %get3A_106, %dot_general3A_107 {dimension_numbers = #tpu.dot_dimension_numbers<[1], [0], [0], [1], [0, 0, 1, 1], [], []>, transpose_lhs_hint = false} : vector<512x16xbf16>, vector<16x64xbf16>, vector<512x64xf32> -> vector<512x64xf32>
    %get3A_109 = arith.constant 0 : index
    %get3A_110 = arith.constant 0 : index
    %get3A_111 = vector.load %arg4[%get3A_109, %get3A_110] : memref<1x64xbf16, #tpu.memory_space<vmem>>, vector<1x64xbf16>
    %convert_element_type3A_112 = arith.extf %get3A_111 : vector<1x64xbf16> to vector<1x64xf32>
    %add3A_113 = vector.broadcast %convert_element_type3A_112 : vector<1x64xf32> to vector<512x64xf32>
    %add3A_114 = arith.addf %dot_general3A_108, %add3A_113 : vector<512x64xf32>
    %max3A_115 = arith.constant 0.000000e+00 : f32
    %max3A_116 = vector.broadcast %max3A_115 : f32 to vector<512x64xf32>
    %max3A_117 = arith.maximumf %add3A_114, %max3A_116 : vector<512x64xf32>
    %concatenate3A = tpu.concatenate %max3A_12, %max3A_27, %max3A_42, %max3A_57, %max3A_72, %max3A_87, %max3A_102, %max3A_117 in 0 : vector<512x64xf32>, vector<512x64xf32>, vector<512x64xf32>, vector<512x64xf32>, vector<512x64xf32>, vector<512x64xf32>, vector<512x64xf32>, vector<512x64xf32> -> vector<4096x64xf32>
    %reshape3A = vector.shape_cast %concatenate3A : vector<4096x64xf32> to vector<32x128x64xf32>
    %get3A_118 = arith.constant 0 : index
    %get3A_119 = arith.constant 0 : index
    %get3A_120 = vector.load %arg2[%get3A_118, %get3A_119] : memref<32x128xf32, #tpu.memory_space<vmem>>, vector<32x128xf32>
    %broadcast_in_dim3A = vector.shape_cast %get3A_120 : vector<32x128xf32> to vector<32x128x1xf32>
    %mul3A = vector.broadcast %broadcast_in_dim3A : vector<32x128x1xf32> to vector<32x128x64xf32>
    %mul3A_121 = arith.mulf %reshape3A, %mul3A : vector<32x128x64xf32>
    %reshape3A_122 = vector.shape_cast %mul3A_121 : vector<32x128x64xf32> to vector<4096x64xf32>
    %convert_element_type3A_123 = arith.truncf %reshape3A_122 : vector<4096x64xf32> to vector<4096x64xbf16>
    %swap3A = arith.constant 0 : index
    %swap3A_124 = arith.constant 0 : index
    %swap3A_125 = vector.load %arg5[%swap3A, %swap3A_124] : memref<4096x64xbf16, #tpu.memory_space<vmem>>, vector<4096x64xbf16>
    tpu.vector_store %arg5[%swap3A, %swap3A_124], %convert_element_type3A_123 {strides = array<i32>} : memref<4096x64xbf16, #tpu.memory_space<vmem>>, vector<4096x64xbf16>,
    return
  }
  func.func @transform_0(%arg0: i32) -> (i32, i32) {
    %c0_i32 = arith.constant 0 : i32
    %c0_i32_0 = arith.constant 0 : i32
    return %arg0, %c0_i32 : i32, i32
  }
  func.func @transform_1(%arg0: i32) -> (i32, i32) {
    %c0_i32 = arith.constant 0 : i32
    %c0_i32_0 = arith.constant 0 : i32
    return %arg0, %c0_i32 : i32, i32
  }
  func.func @transform_2(%arg0: i32) -> (i32, i32) {
    %c0_i32 = arith.constant 0 : i32
    %c0_i32_0 = arith.constant 0 : i32
    %c0_i32_1 = arith.constant 0 : i32
    return %c0_i32, %c0_i32_0 : i32, i32
  }
  func.func @transform_3(%arg0: i32) -> (i32, i32) {
    %c0_i32 = arith.constant 0 : i32
    %c0_i32_0 = arith.constant 0 : i32
    %c0_i32_1 = arith.constant 0 : i32
    return %c0_i32, %c0_i32_0 : i32, i32
  }
  func.func @transform_4(%arg0: i32) -> (i32, i32) {
    %c0_i32 = arith.constant 0 : i32
    %c0_i32_0 = arith.constant 0 : i32
    return %arg0, %c0_i32 : i32, i32
  }
}

module attributes {stable_mosaic.version = 14 : i64} {
  func.func @_final_body(%arg0: memref<10000x64xbf16, #tpu.memory_space<vmem>>, %arg1: memref<10000x64xbf16, #tpu.memory_space<vmem>>, %arg2: memref<10000x1xf32, #tpu.memory_space<vmem>>, %arg3: memref<1x1xf32, #tpu.memory_space<vmem>>, %arg4: memref<10000x128xf32, #tpu.memory_space<vmem>>, %arg5: memref<64x64xf32, #tpu.memory_space<vmem>>, %arg6: memref<1x64xf32, #tpu.memory_space<vmem>>, %arg7: memref<64x64xf32, #tpu.memory_space<vmem>>, %arg8: memref<1x64xf32, #tpu.memory_space<vmem>>, %arg9: memref<64x128xf32, #tpu.memory_space<vmem>>, %arg10: memref<1x128xf32, #tpu.memory_space<vmem>>, %arg11: memref<10000x128xf32, #tpu.memory_space<vmem>>) attributes {dimension_semantics = [], scalar_prefetch = 0 : i64, scratch_operands = 0 : i64, tpu.core_type = #tpu.core_type<tc>} {
    %get3A = arith.constant 0 : index
    %get3A_0 = arith.constant 0 : index
    %get3A_1 = vector.load %arg0[%get3A, %get3A_0] : memref<10000x64xbf16, #tpu.memory_space<vmem>>, vector<10000x64xbf16>
    %convert_element_type3A = arith.extf %get3A_1 : vector<10000x64xbf16> to vector<10000x64xf32>
    %get3A_2 = arith.constant 0 : index
    %get3A_3 = arith.constant 0 : index
    %get3A_4 = vector.load %arg1[%get3A_2, %get3A_3] : memref<10000x64xbf16, #tpu.memory_space<vmem>>, vector<10000x64xbf16>
    %convert_element_type3A_5 = arith.extf %get3A_4 : vector<10000x64xbf16> to vector<10000x64xf32>
    %add3A = arith.addf %convert_element_type3A, %convert_element_type3A_5 : vector<10000x64xf32>
    %get3A_6 = arith.constant 0 : index
    %get3A_7 = arith.constant 0 : index
    %get3A_8 = vector.load %arg5[%get3A_6, %get3A_7] : memref<64x64xf32, #tpu.memory_space<vmem>>, vector<64x64xf32>
    %dot_general3A = arith.constant dense<0.000000e+00> : vector<10000x64xf32>
    %dot_general3A_9 = tpu.matmul %add3A, %get3A_8, %dot_general3A {dimension_numbers = #tpu.dot_dimension_numbers<[1], [0], [0], [1], [0, 0, 1, 1], [], []>, transpose_lhs_hint = false} : vector<10000x64xf32>, vector<64x64xf32>, vector<10000x64xf32> -> vector<10000x64xf32>
    %get3A_10 = arith.constant 0 : index
    %get3A_11 = arith.constant 0 : index
    %get3A_12 = vector.load %arg2[%get3A_10, %get3A_11] : memref<10000x1xf32, #tpu.memory_space<vmem>>, vector<10000x1xf32>
    %get3A_13 = arith.constant 0 : index
    %get3A_14 = arith.constant 0 : index
    %get3A_15 = vector.load %arg6[%get3A_13, %get3A_14] : memref<1x64xf32, #tpu.memory_space<vmem>>, vector<1x64xf32>
    %mul3A = vector.broadcast %get3A_12 : vector<10000x1xf32> to vector<10000x64xf32>
    %mul3A_16 = vector.broadcast %get3A_15 : vector<1x64xf32> to vector<10000x64xf32>
    %mul3A_17 = arith.mulf %mul3A, %mul3A_16 : vector<10000x64xf32>
    %add3A_18 = arith.addf %dot_general3A_9, %mul3A_17 : vector<10000x64xf32>
    %get3A_19 = arith.constant 0 : index
    %get3A_20 = arith.constant 0 : index
    %get3A_21 = vector.load %arg3[%get3A_19, %get3A_20] : memref<1x1xf32, #tpu.memory_space<vmem>>, vector<1x1xf32>
    %mul3A_22 = vector.broadcast %get3A_21 : vector<1x1xf32> to vector<10000x64xf32>
    %mul3A_23 = arith.mulf %add3A_18, %mul3A_22 : vector<10000x64xf32>
    %get3A_24 = arith.constant 0 : index
    %get3A_25 = arith.constant 0 : index
    %get3A_26 = vector.load %arg7[%get3A_24, %get3A_25] : memref<64x64xf32, #tpu.memory_space<vmem>>, vector<64x64xf32>
    %dot_general3A_27 = arith.constant dense<0.000000e+00> : vector<10000x64xf32>
    %dot_general3A_28 = tpu.matmul %mul3A_23, %get3A_26, %dot_general3A_27 {dimension_numbers = #tpu.dot_dimension_numbers<[1], [0], [0], [1], [0, 0, 1, 1], [], []>, transpose_lhs_hint = false} : vector<10000x64xf32>, vector<64x64xf32>, vector<10000x64xf32> -> vector<10000x64xf32>
    %get3A_29 = arith.constant 0 : index
    %get3A_30 = arith.constant 0 : index
    %get3A_31 = vector.load %arg8[%get3A_29, %get3A_30] : memref<1x64xf32, #tpu.memory_space<vmem>>, vector<1x64xf32>
    %add3A_32 = vector.broadcast %get3A_31 : vector<1x64xf32> to vector<10000x64xf32>
    %add3A_33 = arith.addf %dot_general3A_28, %add3A_32 : vector<10000x64xf32>
    %max3A = arith.constant 0.000000e+00 : f32
    %max3A_34 = vector.broadcast %max3A : f32 to vector<10000x64xf32>
    %max3A_35 = arith.maximumf %add3A_33, %max3A_34 : vector<10000x64xf32>
    %get3A_36 = arith.constant 0 : index
    %get3A_37 = arith.constant 0 : index
    %get3A_38 = vector.load %arg9[%get3A_36, %get3A_37] : memref<64x128xf32, #tpu.memory_space<vmem>>, vector<64x128xf32>
    %dot_general3A_39 = arith.constant dense<0.000000e+00> : vector<10000x128xf32>
    %dot_general3A_40 = tpu.matmul %max3A_35, %get3A_38, %dot_general3A_39 {dimension_numbers = #tpu.dot_dimension_numbers<[1], [0], [0], [1], [0, 0, 1, 1], [], []>, transpose_lhs_hint = false} : vector<10000x64xf32>, vector<64x128xf32>, vector<10000x128xf32> -> vector<10000x128xf32>
    %get3A_41 = arith.constant 0 : index
    %get3A_42 = arith.constant 0 : index
    %get3A_43 = vector.load %arg10[%get3A_41, %get3A_42] : memref<1x128xf32, #tpu.memory_space<vmem>>, vector<1x128xf32>
    %add3A_44 = vector.broadcast %get3A_43 : vector<1x128xf32> to vector<10000x128xf32>
    %add3A_45 = arith.addf %dot_general3A_40, %add3A_44 : vector<10000x128xf32>
    %get3A_46 = arith.constant 0 : index
    %get3A_47 = arith.constant 0 : index
    %get3A_48 = vector.load %arg4[%get3A_46, %get3A_47] : memref<10000x128xf32, #tpu.memory_space<vmem>>, vector<10000x128xf32>
    %add3A_49 = arith.addf %add3A_45, %get3A_48 : vector<10000x128xf32>
    %swap3A = arith.constant 0 : index
    %swap3A_50 = arith.constant 0 : index
    %swap3A_51 = vector.load %arg11[%swap3A, %swap3A_50] : memref<10000x128xf32, #tpu.memory_space<vmem>>, vector<10000x128xf32>
    tpu.vector_store %arg11[%swap3A, %swap3A_50], %add3A_49 {strides = array<i32>} : memref<10000x128xf32, #tpu.memory_space<vmem>>, vector<10000x128xf32>,
    return
  }
}

</mosaic_0001>

<sc_bundles>
// kernel: kernel.11.cloned.1.call-start
scs
__scs_entry_jumppad:
0x0: {  	(pc) =	sbr.rel $0x88, $3  }
0x1: {  	(tag) =	ssettag $0x0;
	lr =	simm.s32 $0x1  }
0x2: {  	[smem:$0x3F90] =	sst lr;
	_ =	strace $0xD0000000  }
0x3: {  	_ = 	snop  }
0x4: {  	_ = 	snop  }
0x5: {  	_ = 	snop  }
0x6: {  	_ = 	snop  }
0x7: {  	_ = 	snop  }
__scs_overlays_trampoline_lowered:
0x8: {  	[smem:$0x3F9F] =	sst s0  }
0x9: {  	[smem:$0x3FA0] =	sst s1  }
0xa: {  	[smem:$0x3FA1] =	sst s2  }
0xb: {  	[smem:$0x3FA2] =	sst s3  }
0xc: {  	[smem:$0x3FA3] =	sst s4  }
0xd: {  	[smem:$0x3FA4] =	sst s5  }
0xe: {  	[smem:$0x3FA5] =	sst s6  }
0xf: {  	[smem:$0x3FA6] =	sst s7  }
0x10: {  	[smem:$0x3FA7] =	sst s8  }
0x11: {  	[smem:$0x3FA8] =	sst s9;
	s0 =	simm.s32 @!p0 $0x0  }
0x12: {  	s1 =	sld [smem:$0x3F8E];
	s0 =	simm.s32 @p0 $0x1  }
0x13: {  	[smem:$0x3FA9] =	sst s0;
	s0 =	simm.s32 @!p1 $0x0  }
0x14: {  	s2 =	sld [smem:$0x3F8D];
	s0 =	simm.s32 @p1 $0x1  }
0x15: {  	[smem:$0x3FAA] =	sst s0;
	s0 =	simm.s32 @!p2 $0x0  }
0x16: {  	s3 =	sld [smem:$0x3FDB];
	s0 =	simm.s32 @p2 $0x1  }
0x17: {  	s4 =	simm.s32 $0x1BF5;
	[smem:$0x3FAC] =	sst s0  }
0x18: {  	s0 =	sld [smem:$0x3F8F];
	_ =	swait.ge [sflag:s4], $0x0  }
0x19: {  	s7 =	sld [smem:$0x3F90]  }
0x1a: {  	s8 =	sadd.s32 $0xFFFFE003, lr  }
0x1b: {  	s9 =	sadd.s32 $0xFFFFFEF7, lr;
	s5 =	simm.s32 $0xFFFFFFFF;
	p2 =	slt.u32 s8, $0xFFFFF086  }
0x1c: {  	p1 =	slt.u32 s9, $0xF7A;
	s5 =	simm.s32 @!p2 $0x0  }
0x1d: {  	s5 =	simm.s32 @p1 $0x1;
	p0 =	seq.s32 s7, s2  }
0x1e: {  	s7 =	smul.u32 @!p0 $0xF7A, s2;
	p2 =	seq.s32 @!p0 s5, $0x0  }
0x1f: {  	s9 =	smul.u32 $0xF7A, s1;
	s8 =	simm.s32 @!p0 $0x1BF5;
	p2 =	por !p2, p0  }
0x20: {  	[sflag:s8] =	ssyncset.s32 @!p0 $0xFFFFF086;
	s6 =	sadd.s32 @!p0 s3, s7;
	s7 =	simm.s32 @!p0 $0x108  }
0x21: {  	s3 =	sadd.s32 s3, s9;
	s6 =	sadd.s32 @!p0 $0x88, s6;
	s7 =	simm.s32 @p2 $0x1082  }
0x22: {  	[simem:s7], [sflag:s8] =	dma.local @!p0 [hbm:s6], $0xF7A  }
0x23: {  	s9 =	sor.u32 $0xD0000000, s2;
	s6 =	simm.s32 $0x108;
	_ =	swait.ge @!p0 [sflag:s8], $0x0  }
0x24: {  	s3 =	sadd.s32 $0x88, s3;
	s6 =	simm.s32 @!p1 $0x1082;
	[sflag:s4] =	ssyncset.s32 $0xFFFFF086  }
0x25: {  	[simem:s6], [sflag:s4] =	dma.local [hbm:s3], $0xF7A  }
0x26: {  	[smem:$0x3F90] =	sst s1;
	(tag) =	ssettag s2;
	_ =	strace s9  }
0x27: {  	s1 =	sld [smem:$0x3FA0]  }
0x28: {  	s2 =	sld [smem:$0x3FA1]  }
0x29: {  	s4 =	sld [smem:$0x3FA3]  }
0x2a: {  	p0 =	seq.s32 s5, $0x0;
	s5 =	sld [smem:$0x3FA4]  }
0x2b: {  	s6 =	sld [smem:$0x3FA5]  }
0x2c: {  	s7 =	sld [smem:$0x3FA6]  }
0x2d: {  	s3 =	simm.s32 $0x108;
	s8 =	sld [smem:$0x3FA7]  }
0x2e: {  	s3 =	simm.s32 @!p0 $0x1082;
	s9 =	sld [smem:$0x3FA8]  }
0x2f: {  	lr =	sadd.s32 s0, s3;
	s0 =	sld [smem:$0x3F9F]  }
0x30: {  	s3 =	sld [smem:$0x3FA2]  }
0x31: {  	[smem:$0x3FAB] =	sst s10  }
0x32: {  	s10 =	sld [smem:$0x3FA9];
	_ =	sdelay $0x3  }
0x33: {  	p0 =	seq.s32 s10, $0x1;
	s10 =	sld [smem:$0x3FAB];
	_ =	sdelay $0x3  }
0x34: {  	[smem:$0x3FAB] =	sst s10  }
0x35: {  	s10 =	sld [smem:$0x3FAA];
	_ =	sdelay $0x3  }
0x36: {  	p1 =	seq.s32 s10, $0x1;
	s10 =	sld [smem:$0x3FAB];
	_ =	sdelay $0x3  }
0x37: {  	[smem:$0x3FAB] =	sst s10  }
0x38: {  	s10 =	sld [smem:$0x3FAC]  }
0x39: {  	_ = 	snop;
	(pc) =	sbr.ind lr, $3  }
0x3a: {  	_ = 	snop  }
0x3b: {  	_ = 	snop  }
0x3c: {  	p2 =	seq.s32 s10, $0x1;
	s10 =	sld [smem:$0x3FAB]  }
0x3d: {  	_ =	shalt  }
0x3e: {  	_ =	shalt  }
0x3f: {  	_ =	shalt  }
0x40: {  	_ =	shalt  }
0x41: {  	_ =	shalt  }
0x42: {  	_ =	shalt  }
0x43: {  	_ =	shalt  }
0x44: {  	_ =	shalt  }
0x45: {  	_ =	shalt  }
0x46: {  	_ =	shalt  }
0x47: {  	_ =	shalt  }
0x48: {  	_ =	shalt  }
0x49: {  	_ =	shalt  }
0x4a: {  	_ =	shalt  }
0x4b: {  	_ =	shalt  }
0x4c: {  	_ =	shalt  }
0x4d: {  	_ =	shalt  }
0x4e: {  	_ =	shalt  }
0x4f: {  	_ =	shalt  }
0x50: {  	_ =	shalt  }
0x51: {  	_ =	shalt  }
0x52: {  	_ =	shalt  }
0x53: {  	_ =	shalt  }
0x54: {  	_ =	shalt  }
0x55: {  	_ =	shalt  }
0x56: {  	_ =	shalt  }
0x57: {  	_ =	shalt  }
0x58: {  	_ =	shalt  }
0x59: {  	_ =	shalt  }
0x5a: {  	_ =	shalt  }
0x5b: {  	_ =	shalt  }
0x5c: {  	_ =	shalt  }
0x5d: {  	_ =	shalt  }
0x5e: {  	_ =	shalt  }
0x5f: {  	_ =	shalt  }
0x60: {  	_ =	shalt  }
0x61: {  	_ =	shalt  }
0x62: {  	_ =	shalt  }
0x63: {  	_ =	shalt  }
0x64: {  	_ =	shalt  }
0x65: {  	_ =	shalt  }
0x66: {  	_ =	shalt  }
0x67: {  	_ =	shalt  }
0x68: {  	_ =	shalt  }
0x69: {  	_ =	shalt  }
0x6a: {  	_ =	shalt  }
0x6b: {  	_ =	shalt  }
0x6c: {  	_ =	shalt  }
0x6d: {  	_ =	shalt  }
0x6e: {  	_ =	shalt  }
0x6f: {  	_ =	shalt  }
0x70: {  	_ =	shalt  }
0x71: {  	_ =	shalt  }
0x72: {  	_ =	shalt  }
0x73: {  	_ =	shalt  }
0x74: {  	_ =	shalt  }
0x75: {  	_ =	shalt  }
0x76: {  	_ =	shalt  }
0x77: {  	_ =	shalt  }
0x78: {  	_ =	shalt  }
0x79: {  	_ =	shalt  }
0x7a: {  	_ =	shalt  }
0x7b: {  	_ =	shalt  }
0x7c: {  	_ =	shalt  }
0x7d: {  	_ =	shalt  }
0x7e: {  	_ =	shalt  }
0x7f: {  	_ =	shalt  }
0x80: {  	_ =	shalt  }
0x81: {  	_ =	shalt  }
0x82: {  	_ =	shalt  }
0x83: {  	_ =	shalt  }
0x84: {  	_ =	shalt  }
0x85: {  	_ =	shalt  }
0x86: {  	_ =	shalt  }
0x87: {  	_ =	shalt  }
.Lfunc_end0:
.L_simem_size_0:
called_computation.1_lowered:
.L_overlay_start_0:
0x88: {  	s2 =	sld [smem:$0x3FD9]  }
0x89: {  	s3 =	sld [smem:$0x3FFE];
	_ =	sdelay $0x1  }
0x8a: {  	s1 =	srdreg.scid  }
0x8b: {  	s0 =	sand.u32 $0x1, s1  }
0x8c: {  	s16 =	sshll.u32 s0, $0xA;
	s2 =	sadd.s32 s3, s2  }
0x8d: {  	s2 =	sadd.s32 s2, s16  }
0x8e: {  	[smem:$0x3FB7] =	sst s2  }
0x8f: {  	_ = 	snop  }
0x90: {  	(tm) =	ssettm $0x1  }
0x91: {  	s17 =	sld [smem:$0x3FFB];
	_ =	sdelay $0x3  }
0x92: {  	_ =	strace s17  }
0x93: {  	s2 =	sld [smem:$0x3FFC];
	_ =	sdelay $0x3  }
0x94: {  	_ =	strace s2  }
0x95: {  	s2 =	sld [smem:$0x3FFD];
	_ =	sdelay $0x3  }
0x96: {  	_ =	strace s2  }
0x97: {  	_ =	strace $0x8FFFFFFF  }
0x98: {  	s18 =	sld [smem:$0x3FDB];
	_ =	sdelay $0x1  }
0x99: {  	s19 =	simm.s32 $_scs_section_size  }
0x9a: {  	s4 =	simm.s32 $_size__tile_overlayer_lowered;
	s5 =	simm.s32 $_tile_overlayer_lowered  }
0x9b: {  	s22 =	simm.s32 $0x1BFF;
	s21 =	sshll.u32 s5, $0x1;
	s2 =	sadd.s32 s19, s18  }
0x9c: {  	s6 =	simm.s32 $0x0;
	s20 =	sshll.u32 s4, $0x1;
	s4 =	sadd.s32 s21, s2  }
0x9d: {  	[timem:s6], [sflag:s22] =	dma.local [hbm:s4], s20  }
0x9e: {  	_ =	swait.ge [sflag:s22], s20  }
0x9f: {  	s3 =	ssub.s32 $0x0, s20;
	[sflag:s22] =	ssyncset.done $0x0  }
0xa0: {  	[sflag:s22] =	ssyncadd.s32 s3;
	_ =	sdelay $0x1  }
0xa1: {  	s23 =	simm.s32 $0x1B8B  }
0xa2: {  	_ =	swait.ge [sflag:s23], $0x1  }
0xa3: {  	[sflag:s23] =	ssyncset.done $0x0  }
0xa4: {  	s25 =	simm.s32 $0x1B8E;
	s24 =	sld [smem:$0x3FFE];
	[sflag:s23] =	ssyncadd.s32 $0xFFFFFFFF  }
0xa5: {  	s26 =	simm.s32 $execute0_lowered;
	[smem:$0x3FD2] =	sst s25  }
0xa6: {  	s4 =	sshll.u32 s26, $0x1;
	_ =	strace $0x80000046;
	[dreg:$0x1] =	wrdreg $0xFFFFFFFF  }
0xa7: {  	s28 =	simm.s32 $_size_execute0_lowered;
	s2 =	sadd.s32 s2, s4;
	[dreg:$0x0] =	wrdreg $0x0  }
0xa8: {  	s4 =	sshll.u32 s28, $0x1;
	[dreg:$0x2] =	wrdreg s2  }
0xa9: {  	[dreg:$0x3] =	wrdreg s4  }
0xaa: {  	[dreg:$0x4] =	wrdreg $0xC0  }
0xab: {  	_ =	task [dreg:s6], $0x5FFFF  }
0xac: {  	[dreg:$0x1] =	wrdreg $0xFFFFFFFF  }
0xad: {  	[dreg:$0x0] =	wrdreg $0x60  }
0xae: {  	[dreg:$0x2] =	wrdreg s24  }
0xaf: {  	[dreg:$0x3] =	wrdreg $0x9  }
0xb0: {  	_ =	task.clear_ibuf [dreg:s6], $0x4FFFF;
	_ =	strace $0x90000046  }
0xb1: {  	s29 =	simm.s32 $0x9;
	_ =	strace $0x80000048  }
0xb2: {  	_ =	swait.ge [sflag:s29], $0x1  }
0xb3: {  	[sflag:s29] =	ssyncadd.s32 $0xFFFFFFFF  }
0xb4: {  	_ =	strace $0x90000048  }
0xb5: {  	_ =	sfence  }
0xb6: {  	s30 =	sld [smem:$0x0];
	_ =	sdelay $0x2  }
0xb7: {  	s31 =	sshll.u32 s1, $0xD;
	s1 =	sshrl.u32 s1, $0x2  }
0xb8: {  	s3 =	sand.u32 $0x4000, s31;
	s1 =	sadd.s32 s1, s30  }
0xb9: {  	s0 =	sor.u32 s3, s0;
	s1 =	sshll.u32 s1, $0x11  }
0xba: {  	s0 =	sor.u32 s1, s0  }
0xbb: {  	s0 =	sadd.s32 $0x8F2B, s0  }
0xbc: {  	[sflag:s0] =	ssyncadd.remote.s32 $0x1  }
0xbd: {  	_ =	sfence.sel $0xFFFF  }
0xbe: {  	[dreg:$0x0] =	wrdreg $0xFFFFFFFF;
	(pc) =	sbr.abs _section_cstart, $3  }
0xbf: {  	[dreg:$0x1] =	wrdreg $0xFFFFFFFF  }
0xc0: {  	_ =	task.clear_ibuf [dreg:s6], $0x2FFFF;
	_ =	strace $0x9FFFFFFF  }
0xc1: {  	(tm) =	ssettm $0x7FFFFFFF  }
tec
execute0_lowered:
.L_overlay_start_1:
0x0: {  	(tag) =	ssettag $0x1  }
0x1: {  	s4 =	rddreg [dreg:$0x0]  }
0x2: {  	s0 =	rddreg [dreg:$0x1];
	s3 =	srdreg.scid  }
0x3: {  	s1 =	stileid.u32;
	s2 =	simm.s32 $0x0;
	s10 =	simm.s32 $0x3800  }
0x4: {  	s11 =	simm.s32 $0x4800;
	s12 =	simm.s32 $0x5800;
	s13 =	simm.s32 $0x6800  }
0x5: {  	s14 =	simm.s32 $0x7800;
	s15 =	simm.s32 $0x8800;
	s16 =	simm.s32 $0x9800  }
0x6: {  	s17 =	simm.s32 $0x1;
	s18 =	simm.s32 $0x0;
	s3 =	sand.u32 $0x1, s3  }
0x7: {  	s5 =	smul.u32 $0x140000, s1;
	[smem:$0x7FF] =	sst s2;
	s6 =	sshll.u32 s1, $0x1  }
0x8: {  	s7 =	smul.u32 $0xA0000, s3;
	s6 =	sor.u32 s3, s6;
	s30 =	ssub.s32 $0x2, s3  }
0x9: {  	_ =	strace $0x80000047;
	s6 =	smul.u32 $0x500, s6;
	s8 =	sshrl.u32 s30, $0x1  }
0xa: {  	s3 =	sadd.s32 $0x6200, s4;
	s5 =	sadd.s32 s7, s5;
	s31 =	ssub.s32 s30, s8  }
0xb: {  	s7 =	simm.s32 $0x2;
	s5 =	sshrl.u32 s5, $0x4;
	s6 =	sadd.s32 s6, s4  }
0xc: {  	s8 =	simm.s32 $0x80;
	s9 =	sadd.s32 s5, s4;
	s4 =	sadd.s32 $0x10000, s6  }
0xd: {  	s5 =	smax.u32 s31, $0x1;
	s6 =	sadd.s32 $0x1A000, s9;
	s9 =	simm.s32 $0x2800  }
.LBB2_1:
0xe: {  	[tilespmem:s2], [sflag:$0x2] =	stream.linear.gather [hbm4b:s4+s2], $0x2800, $0x38;
	[tilespmem:$0xA800] =	vst v63  }
0xf: {  	_ =	swait.ge [sflag:s7], $0x2800  }
0x10: {  	[sflag:s7] =	ssyncset.done $0x0  }
0x11: {  	s19 =	simm.s32 $0x0;
	[sflag:s7] =	ssyncadd.s32 $0xFFFFD800  }
0x12: {  	[tilespmem:s9], [sflag:$0x1] =	stream.indirect.gather [hbm4b:s3+s8], $0x20, s19, s8, $0xb8;
	[tilespmem:$0xA800] =	vst v63  }
0x13: {  	s23 =	simm.s32 $0x80  }
0x14: {  	[tilespmem:s10], [sflag:$0x1] =	stream.indirect.gather [hbm4b:s3+s8], $0x20, s23, s8, $0xb8;
	[tilespmem:$0xA800] =	vst v63  }
0x15: {  	s24 =	simm.s32 $0x100  }
0x16: {  	[tilespmem:s11], [sflag:$0x1] =	stream.indirect.gather [hbm4b:s3+s8], $0x20, s24, s8, $0xb8;
	[tilespmem:$0xA800] =	vst v63  }
0x17: {  	s25 =	simm.s32 $0x180  }
0x18: {  	[tilespmem:s12], [sflag:$0x1] =	stream.indirect.gather [hbm4b:s3+s8], $0x20, s25, s8, $0xb8;
	[tilespmem:$0xA800] =	vst v63  }
0x19: {  	s26 =	simm.s32 $0x200  }
0x1a: {  	[tilespmem:s13], [sflag:$0x1] =	stream.indirect.gather [hbm4b:s3+s8], $0x20, s26, s8, $0xb8;
	[tilespmem:$0xA800] =	vst v63  }
0x1b: {  	s28 =	simm.s32 $0x280  }
0x1c: {  	[tilespmem:s14], [sflag:$0x1] =	stream.indirect.gather [hbm4b:s3+s8], $0x20, s28, s8, $0xb8;
	[tilespmem:$0xA800] =	vst v63  }
0x1d: {  	s29 =	simm.s32 $0x300  }
0x1e: {  	[tilespmem:s15], [sflag:$0x1] =	stream.indirect.gather [hbm4b:s3+s8], $0x20, s29, s8, $0xb8;
	[tilespmem:$0xA800] =	vst v63  }
0x1f: {  	s30 =	simm.s32 $0x380  }
0x20: {  	[tilespmem:s16], [sflag:$0x1] =	stream.indirect.gather [hbm4b:s3+s8], $0x20, s30, s8, $0xb8;
	[tilespmem:$0xA800] =	vst v63  }
0x21: {  	_ =	swait.ge [sflag:s17], $0x1000  }
0x22: {  	[sflag:s17] =	ssyncset.done $0x0  }
0x23: {  	[sflag:s17] =	ssyncadd.s32 $0xFFFFF000  }
0x24: {  	_ =	swait.ge [sflag:s17], $0x1000  }
0x25: {  	[sflag:s17] =	ssyncset.done $0x0  }
0x26: {  	[sflag:s17] =	ssyncadd.s32 $0xFFFFF000  }
0x27: {  	_ =	swait.ge [sflag:s17], $0x1000  }
0x28: {  	[sflag:s17] =	ssyncset.done $0x0  }
0x29: {  	[sflag:s17] =	ssyncadd.s32 $0xFFFFF000  }
0x2a: {  	_ =	swait.ge [sflag:s17], $0x1000  }
0x2b: {  	[sflag:s17] =	ssyncset.done $0x0  }
0x2c: {  	[sflag:s17] =	ssyncadd.s32 $0xFFFFF000  }
0x2d: {  	_ =	swait.ge [sflag:s17], $0x1000  }
0x2e: {  	[sflag:s17] =	ssyncset.done $0x0  }
0x2f: {  	[sflag:s17] =	ssyncadd.s32 $0xFFFFF000  }
0x30: {  	_ =	swait.ge [sflag:s17], $0x1000  }
0x31: {  	[sflag:s17] =	ssyncset.done $0x0  }
0x32: {  	[sflag:s17] =	ssyncadd.s32 $0xFFFFF000  }
0x33: {  	_ =	swait.ge [sflag:s17], $0x1000  }
0x34: {  	[sflag:s17] =	ssyncset.done $0x0  }
0x35: {  	[sflag:s17] =	ssyncadd.s32 $0xFFFFF000  }
0x36: {  	_ =	swait.ge [sflag:s17], $0x1000  }
0x37: {  	[sflag:s17] =	ssyncset.done $0x0  }
0x38: {  	s31 =	sadd.s32 $0x0, s6;
	[sflag:s17] =	ssyncadd.s32 $0xFFFFF000  }
0x39: {  	[hbm4b:s31+s2] =	stream.linear.scatter [tilespmem:s9], [sflag:$0x2], $0x8000, $0x38;
	[tilespmem:$0xA800] =	vst v63  }
0x3a: {  	_ =	swait.ge [sflag:s7], $0x8000  }
0x3b: {  	s22 =	simm.s32 $0x2000;
	s19 =	simm.s32 $0x1000;
	[sflag:s7] =	ssyncset.done $0x0  }
.LBB2_2:
0x3c: {  	s23 =	sshra.s32 s19, $0x2  }
0x3d: {  	[sflag:s7] =	ssyncadd.s32 $0xFFFF8000;
	s21 =	smov.u32 s22;
	s20 =	sadd.s32 $0x1000, s22  }
0x3e: {  	[tilespmem:s9], [sflag:$0x1] =	stream.indirect.gather [hbm4b:s3+s8], $0x20, s23, s8, $0xb8;
	[tilespmem:$0xA800] =	vst v63  }
0x3f: {  	p0 =	sne.s32 s22, $0x9000;
	s22 =	sadd.s32 $0x80, s23  }
0x40: {  	[tilespmem:s10], [sflag:$0x1] =	stream.indirect.gather [hbm4b:s3+s8], $0x20, s22, s8, $0xb8;
	[tilespmem:$0xA800] =	vst v63  }
0x41: {  	s22 =	sadd.s32 $0x100, s23  }
0x42: {  	[tilespmem:s11], [sflag:$0x1] =	stream.indirect.gather [hbm4b:s3+s8], $0x20, s22, s8, $0xb8;
	[tilespmem:$0xA800] =	vst v63  }
0x43: {  	s22 =	sadd.s32 $0x180, s23  }
0x44: {  	[tilespmem:s12], [sflag:$0x1] =	stream.indirect.gather [hbm4b:s3+s8], $0x20, s22, s8, $0xb8;
	[tilespmem:$0xA800] =	vst v63  }
0x45: {  	s22 =	sadd.s32 $0x200, s23  }
0x46: {  	[tilespmem:s13], [sflag:$0x1] =	stream.indirect.gather [hbm4b:s3+s8], $0x20, s22, s8, $0xb8;
	[tilespmem:$0xA800] =	vst v63  }
0x47: {  	s22 =	sadd.s32 $0x280, s23  }
0x48: {  	[tilespmem:s14], [sflag:$0x1] =	stream.indirect.gather [hbm4b:s3+s8], $0x20, s22, s8, $0xb8;
	[tilespmem:$0xA800] =	vst v63  }
0x49: {  	s22 =	sadd.s32 $0x300, s23  }
0x4a: {  	[tilespmem:s15], [sflag:$0x1] =	stream.indirect.gather [hbm4b:s3+s8], $0x20, s22, s8, $0xb8;
	[tilespmem:$0xA800] =	vst v63  }
0x4b: {  	s22 =	sadd.s32 $0x380, s23  }
0x4c: {  	[tilespmem:s16], [sflag:$0x1] =	stream.indirect.gather [hbm4b:s3+s8], $0x20, s22, s8, $0xb8;
	[tilespmem:$0xA800] =	vst v63  }
0x4d: {  	_ =	swait.ge [sflag:s17], $0x1000  }
0x4e: {  	[sflag:s17] =	ssyncset.done $0x0  }
0x4f: {  	[sflag:s17] =	ssyncadd.s32 $0xFFFFF000  }
0x50: {  	_ =	swait.ge [sflag:s17], $0x1000  }
0x51: {  	[sflag:s17] =	ssyncset.done $0x0  }
0x52: {  	[sflag:s17] =	ssyncadd.s32 $0xFFFFF000  }
0x53: {  	_ =	swait.ge [sflag:s17], $0x1000  }
0x54: {  	[sflag:s17] =	ssyncset.done $0x0  }
0x55: {  	[sflag:s17] =	ssyncadd.s32 $0xFFFFF000  }
0x56: {  	_ =	swait.ge [sflag:s17], $0x1000  }
0x57: {  	[sflag:s17] =	ssyncset.done $0x0  }
0x58: {  	[sflag:s17] =	ssyncadd.s32 $0xFFFFF000  }
0x59: {  	_ =	swait.ge [sflag:s17], $0x1000  }
0x5a: {  	[sflag:s17] =	ssyncset.done $0x0  }
0x5b: {  	[sflag:s17] =	ssyncadd.s32 $0xFFFFF000  }
0x5c: {  	_ =	swait.ge [sflag:s17], $0x1000  }
0x5d: {  	[sflag:s17] =	ssyncset.done $0x0  }
0x5e: {  	[sflag:s17] =	ssyncadd.s32 $0xFFFFF000  }
0x5f: {  	_ =	swait.ge [sflag:s17], $0x1000  }
0x60: {  	[sflag:s17] =	ssyncset.done $0x0  }
0x61: {  	[sflag:s17] =	ssyncadd.s32 $0xFFFFF000  }
0x62: {  	_ =	swait.ge [sflag:s17], $0x1000  }
.Ltmp0:
0x63: {  	[sflag:s17] =	ssyncset.done $0x0;
	(pc) =	sbr.rel @p0 .LBB2_2-.Ltmp0, $4  }
0x64: {  	s22 =	sadd.s32 s19, s6;
	s19 =	smov.u32 s21;
	[sflag:s17] =	ssyncadd.s32 $0xFFFFF000  }
0x65: {  	[hbm4b:s22+s2] =	stream.linear.scatter [tilespmem:s9], [sflag:$0x2], $0x8000, $0x38;
	[tilespmem:$0xA800] =	vst v63  }
0x66: {  	_ =	swait.ge [sflag:s7], $0x8000  }
0x67: {  	s22 =	smov.u32 s20;
	[sflag:s7] =	ssyncset.done $0x0  }
0x68: {  	s20 =	sshra.s32 s19, $0x2;
	[sflag:s7] =	ssyncadd.s32 $0xFFFF8000  }
0x69: {  	[tilespmem:s9], [sflag:$0x1] =	stream.indirect.gather [hbm4b:s3+s8], $0x20, s20, s8, $0xb8;
	[tilespmem:$0xA800] =	vst v63  }
0x6a: {  	s21 =	sadd.s32 $0x80, s20  }
0x6b: {  	[tilespmem:s10], [sflag:$0x1] =	stream.indirect.gather [hbm4b:s3+s8], $0x20, s21, s8, $0xb8;
	[tilespmem:$0xA800] =	vst v63  }
0x6c: {  	s25 =	sadd.s32 $0x100, s20  }
0x6d: {  	[tilespmem:s11], [sflag:$0x1] =	stream.indirect.gather [hbm4b:s3+s8], $0x20, s25, s8, $0xb8;
	[tilespmem:$0xA800] =	vst v63  }
0x6e: {  	s26 =	sadd.s32 $0x180, s20  }
0x6f: {  	[tilespmem:s12], [sflag:$0x1] =	stream.indirect.gather [hbm4b:s3+s8], $0x20, s26, s8, $0xb8;
	[tilespmem:$0xA800] =	vst v63  }
0x70: {  	s28 =	sadd.s32 $0x200, s20  }
0x71: {  	[tilespmem:s13], [sflag:$0x1] =	stream.indirect.gather [hbm4b:s3+s8], $0x20, s28, s8, $0xb8;
	[tilespmem:$0xA800] =	vst v63  }
0x72: {  	s29 =	sadd.s32 $0x280, s20  }
0x73: {  	[tilespmem:s14], [sflag:$0x1] =	stream.indirect.gather [hbm4b:s3+s8], $0x20, s29, s8, $0xb8;
	[tilespmem:$0xA800] =	vst v63  }
0x74: {  	s30 =	sadd.s32 $0x300, s20  }
0x75: {  	[tilespmem:s15], [sflag:$0x1] =	stream.indirect.gather [hbm4b:s3+s8], $0x20, s30, s8, $0xb8;
	[tilespmem:$0xA800] =	vst v63  }
0x76: {  	s20 =	sadd.s32 $0x380, s20  }
0x77: {  	[tilespmem:s16], [sflag:$0x1] =	stream.indirect.gather [hbm4b:s3+s8], $0x20, s20, s8, $0xb8;
	[tilespmem:$0xA800] =	vst v63  }
0x78: {  	_ =	swait.ge [sflag:s17], $0x1000  }
0x79: {  	[sflag:s17] =	ssyncset.done $0x0  }
0x7a: {  	[sflag:s17] =	ssyncadd.s32 $0xFFFFF000  }
0x7b: {  	_ =	swait.ge [sflag:s17], $0x1000  }
0x7c: {  	[sflag:s17] =	ssyncset.done $0x0  }
0x7d: {  	[sflag:s17] =	ssyncadd.s32 $0xFFFFF000  }
0x7e: {  	_ =	swait.ge [sflag:s17], $0x1000  }
0x7f: {  	[sflag:s17] =	ssyncset.done $0x0  }
0x80: {  	[sflag:s17] =	ssyncadd.s32 $0xFFFFF000  }
0x81: {  	_ =	swait.ge [sflag:s17], $0x1000  }
0x82: {  	[sflag:s17] =	ssyncset.done $0x0  }
0x83: {  	[sflag:s17] =	ssyncadd.s32 $0xFFFFF000  }
0x84: {  	_ =	swait.ge [sflag:s17], $0x1000  }
0x85: {  	[sflag:s17] =	ssyncset.done $0x0  }
0x86: {  	[sflag:s17] =	ssyncadd.s32 $0xFFFFF000  }
0x87: {  	_ =	swait.ge [sflag:s17], $0x1000  }
0x88: {  	[sflag:s17] =	ssyncset.done $0x0  }
0x89: {  	[sflag:s17] =	ssyncadd.s32 $0xFFFFF000  }
0x8a: {  	_ =	swait.ge [sflag:s17], $0x1000  }
0x8b: {  	[sflag:s17] =	ssyncset.done $0x0  }
0x8c: {  	[sflag:s17] =	ssyncadd.s32 $0xFFFFF000  }
0x8d: {  	s18 =	sadd.s32 $0x1, s18;
	_ =	swait.ge [sflag:s17], $0x1000  }
0x8e: {  	p0 =	sne.s32 s18, s5;
	[sflag:s17] =	ssyncset.done $0x0  }
.Ltmp1:
0x8f: {  	s31 =	sadd.s32 s19, s6;
	[sflag:s17] =	ssyncadd.s32 $0xFFFFF000;
	(pc) =	sbr.rel @p0 .LBB2_1-.Ltmp1, $4  }
0x90: {  	[hbm4b:s31+s2] =	stream.linear.scatter [tilespmem:s9], [sflag:$0x2], $0x8000, $0x38;
	[tilespmem:$0xA800] =	vst v63  }
0x91: {  	_ =	swait.ge [sflag:s7], $0x8000  }
0x92: {  	[sflag:s7] =	ssyncset.done $0x0  }
0x93: {  	[sflag:s7] =	ssyncadd.s32 $0xFFFF8000  }
0x94: {  	_ =	sfence.sel $0x180000  }
0x95: {  	[bflag:$0x0] =	sbarrier.arrive $0xFFFF  }
0x96: {  	p0 =	sne.s32 s1, $0x0;
	_ =	strace $0x90000047  }
0x97: {  	s0 =	sadd.s32 @!p0 $0x100000, s0;
	[bflag:$0x2] =	sbarrier.arrive $0xFFFF  }
0x98: {  	[sflag:s0] =	ssyncadd.tile.s32 @!p0 $0x1;
	_ =	shalt  }
.Lfunc_end2:
_tile_overlayer_lowered:
.L_overlay_start_2:
0x99: {  	(tag) =	ssettag $0x2  }
0x9a: {  	s0 =	rddreg [dreg:$0x0];
	s2 =	stileid.u32  }
0x9b: {  	s1 =	rddreg [dreg:$0x1];
	p0 =	sne.s32 s2, $0x0  }
0x9c: {  	s3 =	rddreg [dreg:$0x2];
	[bflag:$0x3] =	sbarrier.arrive $0xFFFF;
	s2 =	simm.s32 @!p0 $0x1C02  }
0x9d: {  	[timem:s3], [sflag:s2] =	dma.local @!p0 [hbm:s0], s1  }
0x9e: {  	s0 =	simm.s32 @!p0 $0x2  }
0x9f: {  	_ =	swait.ge @!p0 [sflag:s0], s1  }
0xa0: {  	s1 =	ssub.s32 @!p0 $0x0, s1;
	[sflag:s0] =	ssyncset.done @!p0 $0x0  }
0xa1: {  	[sflag:s0] =	ssyncadd.s32 @!p0 s1  }
0xa2: {  	[bflag:$0x3] =	sbarrier.arrive $0xFFFF  }
0xa3: {  	_ =	shalt  }

// kernel: kernel.14.cloned.1.call-start
scs
__scs_entry_jumppad:
0x0: {  	(pc) =	sbr.rel $0x88, $3  }
0x1: {  	(tag) =	ssettag $0x0;
	lr =	simm.s32 $0x1  }
0x2: {  	[smem:$0x3F90] =	sst lr;
	_ =	strace $0xD0000000  }
0x3: {  	_ = 	snop  }
0x4: {  	_ = 	snop  }
0x5: {  	_ = 	snop  }
0x6: {  	_ = 	snop  }
0x7: {  	_ = 	snop  }
__scs_overlays_trampoline_lowered:
0x8: {  	[smem:$0x3F9F] =	sst s0  }
0x9: {  	[smem:$0x3FA0] =	sst s1  }
0xa: {  	[smem:$0x3FA1] =	sst s2  }
0xb: {  	[smem:$0x3FA2] =	sst s3  }
0xc: {  	[smem:$0x3FA3] =	sst s4  }
0xd: {  	[smem:$0x3FA4] =	sst s5  }
0xe: {  	[smem:$0x3FA5] =	sst s6  }
0xf: {  	[smem:$0x3FA6] =	sst s7  }
0x10: {  	[smem:$0x3FA7] =	sst s8  }
0x11: {  	[smem:$0x3FA8] =	sst s9;
	s0 =	simm.s32 @!p0 $0x0  }
0x12: {  	s1 =	sld [smem:$0x3F8E];
	s0 =	simm.s32 @p0 $0x1  }
0x13: {  	[smem:$0x3FA9] =	sst s0;
	s0 =	simm.s32 @!p1 $0x0  }
0x14: {  	s2 =	sld [smem:$0x3F8D];
	s0 =	simm.s32 @p1 $0x1  }
0x15: {  	[smem:$0x3FAA] =	sst s0;
	s0 =	simm.s32 @!p2 $0x0  }
0x16: {  	s3 =	sld [smem:$0x3FDB];
	s0 =	simm.s32 @p2 $0x1  }
0x17: {  	s4 =	simm.s32 $0x1BF5;
	[smem:$0x3FAC] =	sst s0  }
0x18: {  	s0 =	sld [smem:$0x3F8F];
	_ =	swait.ge [sflag:s4], $0x0  }
0x19: {  	s7 =	sld [smem:$0x3F90]  }
0x1a: {  	s8 =	sadd.s32 $0xFFFFE003, lr  }
0x1b: {  	s9 =	sadd.s32 $0xFFFFFEF7, lr;
	s5 =	simm.s32 $0xFFFFFFFF;
	p2 =	slt.u32 s8, $0xFFFFF086  }
0x1c: {  	p1 =	slt.u32 s9, $0xF7A;
	s5 =	simm.s32 @!p2 $0x0  }
0x1d: {  	s5 =	simm.s32 @p1 $0x1;
	p0 =	seq.s32 s7, s2  }
0x1e: {  	s7 =	smul.u32 @!p0 $0xF7A, s2;
	p2 =	seq.s32 @!p0 s5, $0x0  }
0x1f: {  	s9 =	smul.u32 $0xF7A, s1;
	s8 =	simm.s32 @!p0 $0x1BF5;
	p2 =	por !p2, p0  }
0x20: {  	[sflag:s8] =	ssyncset.s32 @!p0 $0xFFFFF086;
	s6 =	sadd.s32 @!p0 s3, s7;
	s7 =	simm.s32 @!p0 $0x108  }
0x21: {  	s3 =	sadd.s32 s3, s9;
	s6 =	sadd.s32 @!p0 $0x88, s6;
	s7 =	simm.s32 @p2 $0x1082  }
0x22: {  	[simem:s7], [sflag:s8] =	dma.local @!p0 [hbm:s6], $0xF7A  }
0x23: {  	s9 =	sor.u32 $0xD0000000, s2;
	s6 =	simm.s32 $0x108;
	_ =	swait.ge @!p0 [sflag:s8], $0x0  }
0x24: {  	s3 =	sadd.s32 $0x88, s3;
	s6 =	simm.s32 @!p1 $0x1082;
	[sflag:s4] =	ssyncset.s32 $0xFFFFF086  }
0x25: {  	[simem:s6], [sflag:s4] =	dma.local [hbm:s3], $0xF7A  }
0x26: {  	[smem:$0x3F90] =	sst s1;
	(tag) =	ssettag s2;
	_ =	strace s9  }
0x27: {  	s1 =	sld [smem:$0x3FA0]  }
0x28: {  	s2 =	sld [smem:$0x3FA1]  }
0x29: {  	s4 =	sld [smem:$0x3FA3]  }
0x2a: {  	p0 =	seq.s32 s5, $0x0;
	s5 =	sld [smem:$0x3FA4]  }
0x2b: {  	s6 =	sld [smem:$0x3FA5]  }
0x2c: {  	s7 =	sld [smem:$0x3FA6]  }
0x2d: {  	s3 =	simm.s32 $0x108;
	s8 =	sld [smem:$0x3FA7]  }
0x2e: {  	s3 =	simm.s32 @!p0 $0x1082;
	s9 =	sld [smem:$0x3FA8]  }
0x2f: {  	lr =	sadd.s32 s0, s3;
	s0 =	sld [smem:$0x3F9F]  }
0x30: {  	s3 =	sld [smem:$0x3FA2]  }
0x31: {  	[smem:$0x3FAB] =	sst s10  }
0x32: {  	s10 =	sld [smem:$0x3FA9];
	_ =	sdelay $0x3  }
0x33: {  	p0 =	seq.s32 s10, $0x1;
	s10 =	sld [smem:$0x3FAB];
	_ =	sdelay $0x3  }
0x34: {  	[smem:$0x3FAB] =	sst s10  }
0x35: {  	s10 =	sld [smem:$0x3FAA];
	_ =	sdelay $0x3  }
0x36: {  	p1 =	seq.s32 s10, $0x1;
	s10 =	sld [smem:$0x3FAB];
	_ =	sdelay $0x3  }
0x37: {  	[smem:$0x3FAB] =	sst s10  }
0x38: {  	s10 =	sld [smem:$0x3FAC]  }
0x39: {  	_ = 	snop;
	(pc) =	sbr.ind lr, $3  }
0x3a: {  	_ = 	snop  }
0x3b: {  	_ = 	snop  }
0x3c: {  	p2 =	seq.s32 s10, $0x1;
	s10 =	sld [smem:$0x3FAB]  }
0x3d: {  	_ =	shalt  }
0x3e: {  	_ =	shalt  }
0x3f: {  	_ =	shalt  }
0x40: {  	_ =	shalt  }
0x41: {  	_ =	shalt  }
0x42: {  	_ =	shalt  }
0x43: {  	_ =	shalt  }
0x44: {  	_ =	shalt  }
0x45: {  	_ =	shalt  }
0x46: {  	_ =	shalt  }
0x47: {  	_ =	shalt  }
0x48: {  	_ =	shalt  }
0x49: {  	_ =	shalt  }
0x4a: {  	_ =	shalt  }
0x4b: {  	_ =	shalt  }
0x4c: {  	_ =	shalt  }
0x4d: {  	_ =	shalt  }
0x4e: {  	_ =	shalt  }
0x4f: {  	_ =	shalt  }
0x50: {  	_ =	shalt  }
0x51: {  	_ =	shalt  }
0x52: {  	_ =	shalt  }
0x53: {  	_ =	shalt  }
0x54: {  	_ =	shalt  }
0x55: {  	_ =	shalt  }
0x56: {  	_ =	shalt  }
0x57: {  	_ =	shalt  }
0x58: {  	_ =	shalt  }
0x59: {  	_ =	shalt  }
0x5a: {  	_ =	shalt  }
0x5b: {  	_ =	shalt  }
0x5c: {  	_ =	shalt  }
0x5d: {  	_ =	shalt  }
0x5e: {  	_ =	shalt  }
0x5f: {  	_ =	shalt  }
0x60: {  	_ =	shalt  }
0x61: {  	_ =	shalt  }
0x62: {  	_ =	shalt  }
0x63: {  	_ =	shalt  }
0x64: {  	_ =	shalt  }
0x65: {  	_ =	shalt  }
0x66: {  	_ =	shalt  }
0x67: {  	_ =	shalt  }
0x68: {  	_ =	shalt  }
0x69: {  	_ =	shalt  }
0x6a: {  	_ =	shalt  }
0x6b: {  	_ =	shalt  }
0x6c: {  	_ =	shalt  }
0x6d: {  	_ =	shalt  }
0x6e: {  	_ =	shalt  }
0x6f: {  	_ =	shalt  }
0x70: {  	_ =	shalt  }
0x71: {  	_ =	shalt  }
0x72: {  	_ =	shalt  }
0x73: {  	_ =	shalt  }
0x74: {  	_ =	shalt  }
0x75: {  	_ =	shalt  }
0x76: {  	_ =	shalt  }
0x77: {  	_ =	shalt  }
0x78: {  	_ =	shalt  }
0x79: {  	_ =	shalt  }
0x7a: {  	_ =	shalt  }
0x7b: {  	_ =	shalt  }
0x7c: {  	_ =	shalt  }
0x7d: {  	_ =	shalt  }
0x7e: {  	_ =	shalt  }
0x7f: {  	_ =	shalt  }
0x80: {  	_ =	shalt  }
0x81: {  	_ =	shalt  }
0x82: {  	_ =	shalt  }
0x83: {  	_ =	shalt  }
0x84: {  	_ =	shalt  }
0x85: {  	_ =	shalt  }
0x86: {  	_ =	shalt  }
0x87: {  	_ =	shalt  }
.Lfunc_end0:
.L_simem_size_0:
called_computation.2_lowered:
.L_overlay_start_0:
0x88: {  	s2 =	sld [smem:$0x3FD9]  }
0x89: {  	s3 =	sld [smem:$0x3FFE];
	_ =	sdelay $0x1  }
0x8a: {  	s1 =	srdreg.scid  }
0x8b: {  	s0 =	sand.u32 $0x1, s1  }
0x8c: {  	s17 =	sshll.u32 s0, $0xA;
	s2 =	sadd.s32 s3, s2  }
0x8d: {  	s2 =	sadd.s32 s2, s17  }
0x8e: {  	[smem:$0x3FB7] =	sst s2  }
0x8f: {  	_ = 	snop  }
0x90: {  	s2 =	sld [smem:$0x3FD0];
	(tm) =	ssettm $0x1  }
0x91: {  	s18 =	sld [smem:$0x3FFB];
	_ =	sdelay $0x3  }
0x92: {  	_ =	strace s18  }
0x93: {  	s3 =	sld [smem:$0x3FFC];
	_ =	sdelay $0x3  }
0x94: {  	_ =	strace s3  }
0x95: {  	s3 =	sld [smem:$0x3FFD];
	_ =	sdelay $0x3  }
0x96: {  	_ =	strace s3  }
0x97: {  	_ =	strace $0x8FFFFFFF  }
0x98: {  	s19 =	sld [smem:$0x3FDB];
	_ =	sdelay $0x1  }
0x99: {  	s4 =	simm.s32 $_scs_section_size  }
0x9a: {  	s5 =	simm.s32 $_size__tile_overlayer_lowered;
	s6 =	simm.s32 $_tile_overlayer_lowered  }
0x9b: {  	s22 =	simm.s32 $0x1BFF;
	s21 =	sshll.u32 s6, $0x1;
	s3 =	sadd.s32 s4, s19  }
0x9c: {  	s7 =	simm.s32 $0x0;
	s20 =	sshll.u32 s5, $0x1;
	s5 =	sadd.s32 s21, s3  }
0x9d: {  	[timem:s7], [sflag:s22] =	dma.local [hbm:s5], s20  }
0x9e: {  	_ =	swait.ge [sflag:s22], s20  }
0x9f: {  	s4 =	ssub.s32 $0x0, s20;
	[sflag:s22] =	ssyncset.done $0x0  }
0xa0: {  	[sflag:s22] =	ssyncadd.s32 s4;
	_ =	sdelay $0x1  }
0xa1: {  	s23 =	simm.s32 $0x1B8B  }
0xa2: {  	_ =	swait.ge [sflag:s23], $0x1  }
0xa3: {  	[sflag:s23] =	ssyncset.done $0x0  }
0xa4: {  	s25 =	simm.s32 $0x1B8E;
	s24 =	sld [smem:$0x3FFE];
	[sflag:s23] =	ssyncadd.s32 $0xFFFFFFFF  }
0xa5: {  	s26 =	simm.s32 $execute0_lowered;
	[smem:$0x3FD2] =	sst s25  }
0xa6: {  	s5 =	sshll.u32 s26, $0x1;
	_ =	strace $0x80000049;
	[dreg:$0x1] =	wrdreg $0xFFFFFFFF  }
0xa7: {  	s28 =	simm.s32 $_size_execute0_lowered;
	s3 =	sadd.s32 s3, s5;
	[dreg:$0x0] =	wrdreg $0x0  }
0xa8: {  	s5 =	sshll.u32 s28, $0x1;
	[dreg:$0x2] =	wrdreg s3  }
0xa9: {  	[dreg:$0x3] =	wrdreg s5  }
0xaa: {  	[dreg:$0x4] =	wrdreg $0xC0  }
0xab: {  	_ =	task [dreg:s7], $0x5FFFF  }
0xac: {  	[dreg:$0x1] =	wrdreg $0xFFFFFFFF  }
0xad: {  	[dreg:$0x0] =	wrdreg $0x60  }
0xae: {  	[dreg:$0x2] =	wrdreg s2  }
0xaf: {  	[dreg:$0x3] =	wrdreg s24  }
0xb0: {  	[dreg:$0x4] =	wrdreg $0x8BC80  }
0xb1: {  	[dreg:$0x5] =	wrdreg $0x9F900  }
0xb2: {  	[dreg:$0x6] =	wrdreg $0x9  }
0xb3: {  	_ =	task.clear_ibuf [dreg:s7], $0x7FFFF;
	_ =	strace $0x90000049  }
0xb4: {  	s29 =	simm.s32 $0x9;
	_ =	strace $0x8000004B  }
0xb5: {  	_ =	swait.ge [sflag:s29], $0x1  }
0xb6: {  	[sflag:s29] =	ssyncadd.s32 $0xFFFFFFFF  }
0xb7: {  	_ =	strace $0x9000004B  }
0xb8: {  	_ =	sfence  }
0xb9: {  	s30 =	sld [smem:$0x0];
	_ =	sdelay $0x2  }
0xba: {  	s31 =	sshll.u32 s1, $0xD;
	s1 =	sshrl.u32 s1, $0x2  }
0xbb: {  	s3 =	sand.u32 $0x4000, s31;
	s1 =	sadd.s32 s1, s30  }
0xbc: {  	s0 =	sor.u32 s3, s0;
	s1 =	sshll.u32 s1, $0x11  }
0xbd: {  	s0 =	sor.u32 s1, s0  }
0xbe: {  	s0 =	sadd.s32 $0x8F2B, s0  }
0xbf: {  	[sflag:s0] =	ssyncadd.remote.s32 $0x1  }
0xc0: {  	_ =	sfence.sel $0xFFFF  }
0xc1: {  	[dreg:$0x0] =	wrdreg $0xFFFFFFFF;
	(pc) =	sbr.abs _section_cstart, $3  }
0xc2: {  	[dreg:$0x1] =	wrdreg $0xFFFFFFFF  }
0xc3: {  	_ =	task.clear_ibuf [dreg:s7], $0x2FFFF;
	_ =	strace $0x9FFFFFFF  }
0xc4: {  	(tm) =	ssettm $0x7FFFFFFF  }
0xc5: {  	_ =	shalt  }
tec
execute0_lowered:
.L_overlay_start_1:
0x0: {  	(tag) =	ssettag $0x1  }
0x1: {  	s7 =	rddreg [dreg:$0x0]  }
0x2: {  	s5 =	rddreg [dreg:$0x1]  }
0x3: {  	s2 =	rddreg [dreg:$0x2]  }
0x4: {  	s3 =	rddreg [dreg:$0x3];
	s4 =	srdreg.scid  }
0x5: {  	s1 =	stileid.u32;
	s0 =	rddreg [dreg:$0x4];
	s13 =	simm.s32 $0x2  }
0x6: {  	s14 =	simm.s32 $0x2800;
	s15 =	simm.s32 $0x80;
	s16 =	simm.s32 $0x1  }
0x7: {  	s6 =	sand.u32 $0x1, s4;
	s8 =	smul.u32 $0x13C8, s1;
	s9 =	sshll.u32 s1, $0x1  }
0x8: {  	s4 =	simm.s32 $0x0;
	s10 =	smul.u32 $0x13C80, s6;
	s9 =	sor.u32 s6, s9  }
0x9: {  	[smem:$0x7FF] =	sst s4;
	s6 =	ssub.s32 $0x2, s6;
	s9 =	smul.u32 $0x500, s9  }
0xa: {  	_ =	strace $0x8000004A;
	s11 =	sshrl.u32 s6, $0x1;
	s10 =	sadd.s32 s8, s10  }
0xb: {  	s11 =	ssub.s32 s6, s11;
	s6 =	sadd.s32 s8, s3;
	s10 =	sshrl.u32 s10, $0x3  }
0xc: {  	s12 =	sadd.s32 s9, s5;
	s7 =	sadd.s32 s7, s9;
	s11 =	smax.u32 s11, $0x1  }
0xd: {  	s10 =	sadd.s32 s10, s5;
	s5 =	sadd.s32 s8, s2;
	s8 =	sadd.s32 $0x1A000, s12  }
0xe: {  	v0 =	vimm.f32 $0.0e+00;
	v1 =	vimm.f32 $1.000000000e+00;
	s12 =	simm.s32 $0x7800;
	s9 =	sadd.s32 $0x6200, s10;
	s10 =	sadd.s32 $0x24000, s10  }
.LBB2_1:
0xf: {  	s17 =	simm.s32 $0x0  }
.LBB2_2:
0x10: {  	p0 =	sne.s32 s17, $0x4EC0  }
.Ltmp0:
0x11: {  	_ = 	snop;
	(pc) =	sbr.rel @p0 .LBB2_2-.Ltmp0, $3  }
0x12: {  	_ =	sdelay $0x1  }
0x13: {  	s18 =	sshra.s32 s17, $0x2  }
0x14: {  	s17 =	sadd.s32 $0x40, s17;
	[tilespmem:s18+$0x7800] =	vst v0  }
0x15: {  	s17 =	simm.s32 $0x70;
	s18 =	simm.s32 $0x3C0  }
.LBB2_4:
0x16: {  	p0 =	sne.s32 s18, $0x9FC0;
	[tilespmem:s17+$0x5000] =	vst v1  }
0x17: {  	[tilespmem:s17+$0x4F90] =	vst v1  }
0x18: {  	[tilespmem:s17+$0x4FA0] =	vst v1  }
.Ltmp1:
0x19: {  	[tilespmem:s17+$0x4FB0] =	vst v1;
	(pc) =	sbr.rel @p0 .LBB2_4-.Ltmp1, $4  }
0x1a: {  	[tilespmem:s17+$0x4FC0] =	vst v1  }
0x1b: {  	[tilespmem:s17+$0x4FD0] =	vst v1  }
0x1c: {  	[tilespmem:s17+$0x4FE0] =	vst v1  }
0x1d: {  	[tilespmem:s17+$0x4FF0] =	vst v1;
	s17 =	sshra.s32 s18, $0x2;
	s18 =	sadd.s32 $0x200, s18  }
0x1e: {  	[tilespmem:s17+$0x5000] =	vst v1  }
0x1f: {  	[tilespmem:s17+$0x4F90] =	vst v1  }
0x20: {  	[tilespmem:s17+$0x4FA0] =	vst v1  }
0x21: {  	[tilespmem:s17+$0x4FB0] =	vst v1  }
0x22: {  	[tilespmem:s17+$0x4FC0] =	vst v1  }
0x23: {  	[tilespmem:s17+$0x4FD0] =	vst v1  }
0x24: {  	[tilespmem:s17+$0x4FE0] =	vst v1  }
0x25: {  	[tilespmem:s17+$0x4FF0] =	vst v1  }
0x26: {  	[spmem:s5] =	stream.linear.scatter [tilespmem:s12], [sflag:$0x2], $0x13C8, $0x38;
	[tilespmem:$0xB358] =	vst v63  }
0x27: {  	_ =	swait.ge [sflag:s13], $0x13C8  }
0x28: {  	[sflag:s13] =	ssyncset.done $0x0  }
0x29: {  	[sflag:s13] =	ssyncadd.s32 $0xFFFFEC38  }
0x2a: {  	[spmem:s6] =	stream.linear.scatter [tilespmem:s12], [sflag:$0x2], $0x13C8, $0x38;
	[tilespmem:$0xB358] =	vst v63  }
0x2b: {  	_ =	swait.ge [sflag:s13], $0x13C8  }
0x2c: {  	[sflag:s13] =	ssyncset.done $0x0  }
0x2d: {  	[sflag:s13] =	ssyncadd.s32 $0xFFFFEC38  }
0x2e: {  	s19 =	simm.s32 $0x0;
	[bflag:$0x0] =	sbarrier.arrive $0xFFFF  }
0x2f: {  	[tilespmem:s19], [sflag:$0x2] =	stream.linear.gather [hbm4b:s7+s19], $0x2800, $0x38;
	[tilespmem:$0xB358] =	vst v63  }
0x30: {  	_ =	swait.ge [sflag:s13], $0x2800  }
0x31: {  	[sflag:s13] =	ssyncset.done $0x0  }
0x32: {  	[sflag:s13] =	ssyncadd.s32 $0xFFFFD800  }
0x33: {  	[tilespmem:s14], [sflag:$0x2] =	stream.linear.gather [hbm4b:s8+s19], $0x2800, $0x38;
	[tilespmem:$0xB358] =	vst v63  }
0x34: {  	_ =	swait.ge [sflag:s13], $0x2800  }
0x35: {  	[sflag:s13] =	ssyncset.done $0x0  }
0x36: {  	s20 =	simm.s32 $0x0;
	s18 =	simm.s32 $0x2800;
	[sflag:s13] =	ssyncadd.s32 $0xFFFFD800  }
0x37: {  	[spmem:s2] =	stream.indirect.scatter.add.f32 [tilespmem:s18], [sflag:$0x1], $0x1, s20, s15, $0xb8;
	[tilespmem:$0xB358] =	vst v63  }
0x38: {  	s21 =	simm.s32 $0x5000  }
0x39: {  	[spmem:s3] =	stream.indirect.scatter.add.f32 [tilespmem:s21], [sflag:$0x1], $0x1, s20, s15, $0xb8;
	[tilespmem:$0xB358] =	vst v63  }
0x3a: {  	s22 =	simm.s32 $0x2880;
	s23 =	simm.s32 $0x80  }
0x3b: {  	[spmem:s2] =	stream.indirect.scatter.add.f32 [tilespmem:s22], [sflag:$0x1], $0x1, s23, s15, $0xb8;
	[tilespmem:$0xB358] =	vst v63  }
0x3c: {  	s24 =	simm.s32 $0x5080  }
0x3d: {  	[spmem:s3] =	stream.indirect.scatter.add.f32 [tilespmem:s24], [sflag:$0x1], $0x1, s23, s15, $0xb8;
	[tilespmem:$0xB358] =	vst v63  }
0x3e: {  	s25 =	simm.s32 $0x2900;
	s26 =	simm.s32 $0x100  }
0x3f: {  	[spmem:s2] =	stream.indirect.scatter.add.f32 [tilespmem:s25], [sflag:$0x1], $0x1, s26, s15, $0xb8;
	[tilespmem:$0xB358] =	vst v63  }
0x40: {  	s28 =	simm.s32 $0x5100  }
0x41: {  	[spmem:s3] =	stream.indirect.scatter.add.f32 [tilespmem:s28], [sflag:$0x1], $0x1, s26, s15, $0xb8;
	[tilespmem:$0xB358] =	vst v63  }
0x42: {  	s29 =	simm.s32 $0x2980;
	s30 =	simm.s32 $0x180  }
0x43: {  	[spmem:s2] =	stream.indirect.scatter.add.f32 [tilespmem:s29], [sflag:$0x1], $0x1, s30, s15, $0xb8;
	[tilespmem:$0xB358] =	vst v63  }
0x44: {  	s31 =	simm.s32 $0x5180  }
0x45: {  	[spmem:s3] =	stream.indirect.scatter.add.f32 [tilespmem:s31], [sflag:$0x1], $0x1, s30, s15, $0xb8;
	[tilespmem:$0xB358] =	vst v63  }
0x46: {  	s19 =	simm.s32 $0x2A00;
	s20 =	simm.s32 $0x200  }
0x47: {  	[spmem:s2] =	stream.indirect.scatter.add.f32 [tilespmem:s19], [sflag:$0x1], $0x1, s20, s15, $0xb8;
	[tilespmem:$0xB358] =	vst v63  }
0x48: {  	s21 =	simm.s32 $0x5200  }
0x49: {  	[spmem:s3] =	stream.indirect.scatter.add.f32 [tilespmem:s21], [sflag:$0x1], $0x1, s20, s15, $0xb8;
	[tilespmem:$0xB358] =	vst v63  }
0x4a: {  	s22 =	simm.s32 $0x2A80;
	s23 =	simm.s32 $0x280  }
0x4b: {  	[spmem:s2] =	stream.indirect.scatter.add.f32 [tilespmem:s22], [sflag:$0x1], $0x1, s23, s15, $0xb8;
	[tilespmem:$0xB358] =	vst v63  }
0x4c: {  	s24 =	simm.s32 $0x5280  }
0x4d: {  	[spmem:s3] =	stream.indirect.scatter.add.f32 [tilespmem:s24], [sflag:$0x1], $0x1, s23, s15, $0xb8;
	[tilespmem:$0xB358] =	vst v63  }
0x4e: {  	s25 =	simm.s32 $0x2B00;
	s26 =	simm.s32 $0x300  }
0x4f: {  	[spmem:s2] =	stream.indirect.scatter.add.f32 [tilespmem:s25], [sflag:$0x1], $0x1, s26, s15, $0xb8;
	[tilespmem:$0xB358] =	vst v63  }
0x50: {  	s28 =	simm.s32 $0x5300  }
0x51: {  	[spmem:s3] =	stream.indirect.scatter.add.f32 [tilespmem:s28], [sflag:$0x1], $0x1, s26, s15, $0xb8;
	[tilespmem:$0xB358] =	vst v63  }
0x52: {  	s29 =	simm.s32 $0x2B80;
	s30 =	simm.s32 $0x380  }
0x53: {  	[spmem:s2] =	stream.indirect.scatter.add.f32 [tilespmem:s29], [sflag:$0x1], $0x1, s30, s15, $0xb8;
	[tilespmem:$0xB358] =	vst v63  }
0x54: {  	s31 =	simm.s32 $0x5380  }
0x55: {  	[spmem:s3] =	stream.indirect.scatter.add.f32 [tilespmem:s31], [sflag:$0x1], $0x1, s30, s15, $0xb8;
	[tilespmem:$0xB358] =	vst v63  }
0x56: {  	_ =	swait.ge [sflag:s16], $0x80  }
0x57: {  	[sflag:s16] =	ssyncset.done $0x0  }
0x58: {  	[sflag:s16] =	ssyncadd.s32 $0xFFFFFF80  }
0x59: {  	_ =	swait.ge [sflag:s16], $0x80  }
0x5a: {  	[sflag:s16] =	ssyncset.done $0x0  }
0x5b: {  	[sflag:s16] =	ssyncadd.s32 $0xFFFFFF80  }
0x5c: {  	_ =	swait.ge [sflag:s16], $0x80  }
0x5d: {  	[sflag:s16] =	ssyncset.done $0x0  }
0x5e: {  	[sflag:s16] =	ssyncadd.s32 $0xFFFFFF80  }
0x5f: {  	_ =	swait.ge [sflag:s16], $0x80  }
0x60: {  	[sflag:s16] =	ssyncset.done $0x0  }
0x61: {  	[sflag:s16] =	ssyncadd.s32 $0xFFFFFF80  }
0x62: {  	_ =	swait.ge [sflag:s16], $0x80  }
0x63: {  	[sflag:s16] =	ssyncset.done $0x0  }
0x64: {  	[sflag:s16] =	ssyncadd.s32 $0xFFFFFF80  }
0x65: {  	_ =	swait.ge [sflag:s16], $0x80  }
0x66: {  	[sflag:s16] =	ssyncset.done $0x0  }
0x67: {  	[sflag:s16] =	ssyncadd.s32 $0xFFFFFF80  }
0x68: {  	_ =	swait.ge [sflag:s16], $0x80  }
0x69: {  	[sflag:s16] =	ssyncset.done $0x0  }
0x6a: {  	[sflag:s16] =	ssyncadd.s32 $0xFFFFFF80  }
0x6b: {  	_ =	swait.ge [sflag:s16], $0x80  }
0x6c: {  	[sflag:s16] =	ssyncset.done $0x0  }
0x6d: {  	[sflag:s16] =	ssyncadd.s32 $0xFFFFFF80  }
0x6e: {  	_ =	swait.ge [sflag:s16], $0x80  }
0x6f: {  	[sflag:s16] =	ssyncset.done $0x0  }
0x70: {  	[sflag:s16] =	ssyncadd.s32 $0xFFFFFF80  }
0x71: {  	_ =	swait.ge [sflag:s16], $0x80  }
0x72: {  	[sflag:s16] =	ssyncset.done $0x0  }
0x73: {  	[sflag:s16] =	ssyncadd.s32 $0xFFFFFF80  }
0x74: {  	_ =	swait.ge [sflag:s16], $0x80  }
0x75: {  	[sflag:s16] =	ssyncset.done $0x0  }
0x76: {  	[sflag:s16] =	ssyncadd.s32 $0xFFFFFF80  }
0x77: {  	_ =	swait.ge [sflag:s16], $0x80  }
0x78: {  	[sflag:s16] =	ssyncset.done $0x0  }
0x79: {  	[sflag:s16] =	ssyncadd.s32 $0xFFFFFF80  }
0x7a: {  	_ =	swait.ge [sflag:s16], $0x80  }
0x7b: {  	[sflag:s16] =	ssyncset.done $0x0  }
0x7c: {  	[sflag:s16] =	ssyncadd.s32 $0xFFFFFF80  }
0x7d: {  	_ =	swait.ge [sflag:s16], $0x80  }
0x7e: {  	[sflag:s16] =	ssyncset.done $0x0  }
0x7f: {  	[sflag:s16] =	ssyncadd.s32 $0xFFFFFF80  }
0x80: {  	_ =	swait.ge [sflag:s16], $0x80  }
0x81: {  	[sflag:s16] =	ssyncset.done $0x0  }
0x82: {  	[sflag:s16] =	ssyncadd.s32 $0xFFFFFF80  }
0x83: {  	_ =	swait.ge [sflag:s16], $0x80  }
0x84: {  	s19 =	simm.s32 $0x400;
	s20 =	simm.s32 $0x2000;
	[sflag:s16] =	ssyncset.done $0x0  }
.LBB2_6:
0x85: {  	s21 =	sadd.s32 $0x2800, s19  }
0x86: {  	[sflag:s16] =	ssyncadd.s32 $0xFFFFFF80;
	s18 =	smov.u32 s20;
	s17 =	sadd.s32 $0x1000, s20  }
0x87: {  	[spmem:s2] =	stream.indirect.scatter.add.f32 [tilespmem:s21], [sflag:$0x1], $0x1, s19, s15, $0xb8;
	[tilespmem:$0xB358] =	vst v63  }
0x88: {  	p0 =	sne.s32 s20, $0x9000;
	s20 =	sadd.s32 $0x5000, s19  }
0x89: {  	[spmem:s3] =	stream.indirect.scatter.add.f32 [tilespmem:s20], [sflag:$0x1], $0x1, s19, s15, $0xb8;
	[tilespmem:$0xB358] =	vst v63  }
0x8a: {  	s21 =	sadd.s32 $0x80, s19;
	s20 =	sadd.s32 $0x2880, s19  }
0x8b: {  	[spmem:s2] =	stream.indirect.scatter.add.f32 [tilespmem:s20], [sflag:$0x1], $0x1, s21, s15, $0xb8;
	[tilespmem:$0xB358] =	vst v63  }
0x8c: {  	s20 =	sadd.s32 $0x5080, s19  }
0x8d: {  	[spmem:s3] =	stream.indirect.scatter.add.f32 [tilespmem:s20], [sflag:$0x1], $0x1, s21, s15, $0xb8;
	[tilespmem:$0xB358] =	vst v63  }
0x8e: {  	s20 =	sadd.s32 $0x2900, s19;
	s21 =	sadd.s32 $0x100, s19  }
0x8f: {  	[spmem:s2] =	stream.indirect.scatter.add.f32 [tilespmem:s20], [sflag:$0x1], $0x1, s21, s15, $0xb8;
	[tilespmem:$0xB358] =	vst v63  }
0x90: {  	s20 =	sadd.s32 $0x5100, s19  }
0x91: {  	[spmem:s3] =	stream.indirect.scatter.add.f32 [tilespmem:s20], [sflag:$0x1], $0x1, s21, s15, $0xb8;
	[tilespmem:$0xB358] =	vst v63  }
0x92: {  	s20 =	sadd.s32 $0x2980, s19;
	s21 =	sadd.s32 $0x180, s19  }
0x93: {  	[spmem:s2] =	stream.indirect.scatter.add.f32 [tilespmem:s20], [sflag:$0x1], $0x1, s21, s15, $0xb8;
	[tilespmem:$0xB358] =	vst v63  }
0x94: {  	s20 =	sadd.s32 $0x5180, s19  }
0x95: {  	[spmem:s3] =	stream.indirect.scatter.add.f32 [tilespmem:s20], [sflag:$0x1], $0x1, s21, s15, $0xb8;
	[tilespmem:$0xB358] =	vst v63  }
0x96: {  	s20 =	sadd.s32 $0x2A00, s19;
	s21 =	sadd.s32 $0x200, s19  }
0x97: {  	[spmem:s2] =	stream.indirect.scatter.add.f32 [tilespmem:s20], [sflag:$0x1], $0x1, s21, s15, $0xb8;
	[tilespmem:$0xB358] =	vst v63  }
0x98: {  	s20 =	sadd.s32 $0x5200, s19  }
0x99: {  	[spmem:s3] =	stream.indirect.scatter.add.f32 [tilespmem:s20], [sflag:$0x1], $0x1, s21, s15, $0xb8;
	[tilespmem:$0xB358] =	vst v63  }
0x9a: {  	s20 =	sadd.s32 $0x2A80, s19;
	s21 =	sadd.s32 $0x280, s19  }
0x9b: {  	[spmem:s2] =	stream.indirect.scatter.add.f32 [tilespmem:s20], [sflag:$0x1], $0x1, s21, s15, $0xb8;
	[tilespmem:$0xB358] =	vst v63  }
0x9c: {  	s20 =	sadd.s32 $0x5280, s19  }
0x9d: {  	[spmem:s3] =	stream.indirect.scatter.add.f32 [tilespmem:s20], [sflag:$0x1], $0x1, s21, s15, $0xb8;
	[tilespmem:$0xB358] =	vst v63  }
0x9e: {  	s20 =	sadd.s32 $0x2B00, s19;
	s21 =	sadd.s32 $0x300, s19  }
0x9f: {  	[spmem:s2] =	stream.indirect.scatter.add.f32 [tilespmem:s20], [sflag:$0x1], $0x1, s21, s15, $0xb8;
	[tilespmem:$0xB358] =	vst v63  }
0xa0: {  	s20 =	sadd.s32 $0x5300, s19  }
0xa1: {  	[spmem:s3] =	stream.indirect.scatter.add.f32 [tilespmem:s20], [sflag:$0x1], $0x1, s21, s15, $0xb8;
	[tilespmem:$0xB358] =	vst v63  }
0xa2: {  	s20 =	sadd.s32 $0x2B80, s19;
	s21 =	sadd.s32 $0x380, s19  }
0xa3: {  	[spmem:s2] =	stream.indirect.scatter.add.f32 [tilespmem:s20], [sflag:$0x1], $0x1, s21, s15, $0xb8;
	[tilespmem:$0xB358] =	vst v63  }
0xa4: {  	s19 =	sadd.s32 $0x5380, s19  }
0xa5: {  	[spmem:s3] =	stream.indirect.scatter.add.f32 [tilespmem:s19], [sflag:$0x1], $0x1, s21, s15, $0xb8;
	[tilespmem:$0xB358] =	vst v63  }
0xa6: {  	_ =	swait.ge [sflag:s16], $0x80  }
0xa7: {  	[sflag:s16] =	ssyncset.done $0x0  }
0xa8: {  	[sflag:s16] =	ssyncadd.s32 $0xFFFFFF80  }
0xa9: {  	_ =	swait.ge [sflag:s16], $0x80  }
0xaa: {  	[sflag:s16] =	ssyncset.done $0x0  }
0xab: {  	[sflag:s16] =	ssyncadd.s32 $0xFFFFFF80  }
0xac: {  	_ =	swait.ge [sflag:s16], $0x80  }
0xad: {  	[sflag:s16] =	ssyncset.done $0x0  }
0xae: {  	[sflag:s16] =	ssyncadd.s32 $0xFFFFFF80  }
0xaf: {  	_ =	swait.ge [sflag:s16], $0x80  }
0xb0: {  	[sflag:s16] =	ssyncset.done $0x0  }
0xb1: {  	[sflag:s16] =	ssyncadd.s32 $0xFFFFFF80  }
0xb2: {  	_ =	swait.ge [sflag:s16], $0x80  }
0xb3: {  	[sflag:s16] =	ssyncset.done $0x0  }
0xb4: {  	[sflag:s16] =	ssyncadd.s32 $0xFFFFFF80  }
0xb5: {  	_ =	swait.ge [sflag:s16], $0x80  }
0xb6: {  	[sflag:s16] =	ssyncset.done $0x0  }
0xb7: {  	[sflag:s16] =	ssyncadd.s32 $0xFFFFFF80  }
0xb8: {  	_ =	swait.ge [sflag:s16], $0x80  }
0xb9: {  	[sflag:s16] =	ssyncset.done $0x0  }
0xba: {  	[sflag:s16] =	ssyncadd.s32 $0xFFFFFF80  }
0xbb: {  	_ =	swait.ge [sflag:s16], $0x80  }
0xbc: {  	[sflag:s16] =	ssyncset.done $0x0  }
0xbd: {  	[sflag:s16] =	ssyncadd.s32 $0xFFFFFF80  }
0xbe: {  	_ =	swait.ge [sflag:s16], $0x80  }
0xbf: {  	[sflag:s16] =	ssyncset.done $0x0  }
0xc0: {  	[sflag:s16] =	ssyncadd.s32 $0xFFFFFF80  }
0xc1: {  	_ =	swait.ge [sflag:s16], $0x80  }
0xc2: {  	[sflag:s16] =	ssyncset.done $0x0  }
0xc3: {  	[sflag:s16] =	ssyncadd.s32 $0xFFFFFF80  }
0xc4: {  	_ =	swait.ge [sflag:s16], $0x80  }
0xc5: {  	[sflag:s16] =	ssyncset.done $0x0  }
0xc6: {  	[sflag:s16] =	ssyncadd.s32 $0xFFFFFF80  }
0xc7: {  	_ =	swait.ge [sflag:s16], $0x80  }
0xc8: {  	[sflag:s16] =	ssyncset.done $0x0  }
0xc9: {  	[sflag:s16] =	ssyncadd.s32 $0xFFFFFF80  }
0xca: {  	_ =	swait.ge [sflag:s16], $0x80  }
0xcb: {  	[sflag:s16] =	ssyncset.done $0x0  }
0xcc: {  	[sflag:s16] =	ssyncadd.s32 $0xFFFFFF80  }
0xcd: {  	_ =	swait.ge [sflag:s16], $0x80  }
0xce: {  	[sflag:s16] =	ssyncset.done $0x0  }
0xcf: {  	[sflag:s16] =	ssyncadd.s32 $0xFFFFFF80  }
.Ltmp2:
0xd0: {  	_ =	swait.ge [sflag:s16], $0x80;
	(pc) =	sbr.rel @p0 .LBB2_6-.Ltmp2, $4  }
0xd1: {  	[sflag:s16] =	ssyncset.done $0x0  }
0xd2: {  	[sflag:s16] =	ssyncadd.s32 $0xFFFFFF80  }
0xd3: {  	_ =	swait.ge [sflag:s16], $0x80  }
0xd4: {  	s20 =	smov.u32 s17;
	s19 =	sshra.s32 s18, $0x2;
	[sflag:s16] =	ssyncset.done $0x0  }
0xd5: {  	s17 =	sadd.s32 $0x2800, s19;
	[sflag:s16] =	ssyncadd.s32 $0xFFFFFF80  }
0xd6: {  	[spmem:s2] =	stream.indirect.scatter.add.f32 [tilespmem:s17], [sflag:$0x1], $0x1, s19, s15, $0xb8;
	[tilespmem:$0xB358] =	vst v63  }
0xd7: {  	s18 =	sadd.s32 $0x5000, s19  }
0xd8: {  	[spmem:s3] =	stream.indirect.scatter.add.f32 [tilespmem:s18], [sflag:$0x1], $0x1, s19, s15, $0xb8;
	[tilespmem:$0xB358] =	vst v63  }
0xd9: {  	s20 =	sadd.s32 $0x2880, s19;
	s18 =	sadd.s32 $0x80, s19  }
0xda: {  	[spmem:s2] =	stream.indirect.scatter.add.f32 [tilespmem:s20], [sflag:$0x1], $0x1, s18, s15, $0xb8;
	[tilespmem:$0xB358] =	vst v63  }
0xdb: {  	s21 =	sadd.s32 $0x5080, s19  }
0xdc: {  	[spmem:s3] =	stream.indirect.scatter.add.f32 [tilespmem:s21], [sflag:$0x1], $0x1, s18, s15, $0xb8;
	[tilespmem:$0xB358] =	vst v63  }
0xdd: {  	s22 =	sadd.s32 $0x2900, s19;
	s23 =	sadd.s32 $0x100, s19  }
0xde: {  	[spmem:s2] =	stream.indirect.scatter.add.f32 [tilespmem:s22], [sflag:$0x1], $0x1, s23, s15, $0xb8;
	[tilespmem:$0xB358] =	vst v63  }
0xdf: {  	s24 =	sadd.s32 $0x5100, s19  }
0xe0: {  	[spmem:s3] =	stream.indirect.scatter.add.f32 [tilespmem:s24], [sflag:$0x1], $0x1, s23, s15, $0xb8;
	[tilespmem:$0xB358] =	vst v63  }
0xe1: {  	s25 =	sadd.s32 $0x2980, s19;
	s26 =	sadd.s32 $0x180, s19  }
0xe2: {  	[spmem:s2] =	stream.indirect.scatter.add.f32 [tilespmem:s25], [sflag:$0x1], $0x1, s26, s15, $0xb8;
	[tilespmem:$0xB358] =	vst v63  }
0xe3: {  	s28 =	sadd.s32 $0x5180, s19  }
0xe4: {  	[spmem:s3] =	stream.indirect.scatter.add.f32 [tilespmem:s28], [sflag:$0x1], $0x1, s26, s15, $0xb8;
	[tilespmem:$0xB358] =	vst v63  }
0xe5: {  	s29 =	sadd.s32 $0x2A00, s19;
	s30 =	sadd.s32 $0x200, s19  }
0xe6: {  	[spmem:s2] =	stream.indirect.scatter.add.f32 [tilespmem:s29], [sflag:$0x1], $0x1, s30, s15, $0xb8;
	[tilespmem:$0xB358] =	vst v63  }
0xe7: {  	s31 =	sadd.s32 $0x5200, s19  }
0xe8: {  	[spmem:s3] =	stream.indirect.scatter.add.f32 [tilespmem:s31], [sflag:$0x1], $0x1, s30, s15, $0xb8;
	[tilespmem:$0xB358] =	vst v63  }
0xe9: {  	s20 =	sadd.s32 $0x280, s19;
	s18 =	sadd.s32 $0x2A80, s19  }
0xea: {  	[spmem:s2] =	stream.indirect.scatter.add.f32 [tilespmem:s18], [sflag:$0x1], $0x1, s20, s15, $0xb8;
	[tilespmem:$0xB358] =	vst v63  }
0xeb: {  	s21 =	sadd.s32 $0x5280, s19  }
0xec: {  	[spmem:s3] =	stream.indirect.scatter.add.f32 [tilespmem:s21], [sflag:$0x1], $0x1, s20, s15, $0xb8;
	[tilespmem:$0xB358] =	vst v63  }
0xed: {  	s22 =	sadd.s32 $0x2B00, s19;
	s23 =	sadd.s32 $0x300, s19  }
0xee: {  	[spmem:s2] =	stream.indirect.scatter.add.f32 [tilespmem:s22], [sflag:$0x1], $0x1, s23, s15, $0xb8;
	[tilespmem:$0xB358] =	vst v63  }
0xef: {  	s24 =	sadd.s32 $0x5300, s19  }
0xf0: {  	[spmem:s3] =	stream.indirect.scatter.add.f32 [tilespmem:s24], [sflag:$0x1], $0x1, s23, s15, $0xb8;
	[tilespmem:$0xB358] =	vst v63  }
0xf1: {  	s25 =	sadd.s32 $0x2B80, s19;
	s26 =	sadd.s32 $0x380, s19  }
0xf2: {  	[spmem:s2] =	stream.indirect.scatter.add.f32 [tilespmem:s25], [sflag:$0x1], $0x1, s26, s15, $0xb8;
	[tilespmem:$0xB358] =	vst v63  }
0xf3: {  	s28 =	sadd.s32 $0x5380, s19  }
0xf4: {  	[spmem:s3] =	stream.indirect.scatter.add.f32 [tilespmem:s28], [sflag:$0x1], $0x1, s26, s15, $0xb8;
	[tilespmem:$0xB358] =	vst v63  }
0xf5: {  	_ =	swait.ge [sflag:s16], $0x80  }
0xf6: {  	[sflag:s16] =	ssyncset.done $0x0  }
0xf7: {  	[sflag:s16] =	ssyncadd.s32 $0xFFFFFF80  }
0xf8: {  	_ =	swait.ge [sflag:s16], $0x80  }
0xf9: {  	[sflag:s16] =	ssyncset.done $0x0  }
0xfa: {  	[sflag:s16] =	ssyncadd.s32 $0xFFFFFF80  }
0xfb: {  	_ =	swait.ge [sflag:s16], $0x80  }
0xfc: {  	[sflag:s16] =	ssyncset.done $0x0  }
0xfd: {  	[sflag:s16] =	ssyncadd.s32 $0xFFFFFF80  }
0xfe: {  	_ =	swait.ge [sflag:s16], $0x80  }
0xff: {  	[sflag:s16] =	ssyncset.done $0x0  }
0x100: {  	[sflag:s16] =	ssyncadd.s32 $0xFFFFFF80  }
0x101: {  	_ =	swait.ge [sflag:s16], $0x80  }
0x102: {  	[sflag:s16] =	ssyncset.done $0x0  }
0x103: {  	[sflag:s16] =	ssyncadd.s32 $0xFFFFFF80  }
0x104: {  	_ =	swait.ge [sflag:s16], $0x80  }
0x105: {  	[sflag:s16] =	ssyncset.done $0x0  }
0x106: {  	[sflag:s16] =	ssyncadd.s32 $0xFFFFFF80  }
0x107: {  	_ =	swait.ge [sflag:s16], $0x80  }
0x108: {  	[sflag:s16] =	ssyncset.done $0x0  }
0x109: {  	[sflag:s16] =	ssyncadd.s32 $0xFFFFFF80  }
0x10a: {  	_ =	swait.ge [sflag:s16], $0x80  }
0x10b: {  	[sflag:s16] =	ssyncset.done $0x0  }
0x10c: {  	[sflag:s16] =	ssyncadd.s32 $0xFFFFFF80  }
0x10d: {  	_ =	swait.ge [sflag:s16], $0x80  }
0x10e: {  	[sflag:s16] =	ssyncset.done $0x0  }
0x10f: {  	[sflag:s16] =	ssyncadd.s32 $0xFFFFFF80  }
0x110: {  	_ =	swait.ge [sflag:s16], $0x80  }
0x111: {  	[sflag:s16] =	ssyncset.done $0x0  }
0x112: {  	[sflag:s16] =	ssyncadd.s32 $0xFFFFFF80  }
0x113: {  	_ =	swait.ge [sflag:s16], $0x80  }
0x114: {  	[sflag:s16] =	ssyncset.done $0x0  }
0x115: {  	[sflag:s16] =	ssyncadd.s32 $0xFFFFFF80  }
0x116: {  	_ =	swait.ge [sflag:s16], $0x80  }
0x117: {  	[sflag:s16] =	ssyncset.done $0x0  }
0x118: {  	[sflag:s16] =	ssyncadd.s32 $0xFFFFFF80  }
0x119: {  	_ =	swait.ge [sflag:s16], $0x80  }
0x11a: {  	[sflag:s16] =	ssyncset.done $0x0  }
0x11b: {  	[sflag:s16] =	ssyncadd.s32 $0xFFFFFF80  }
0x11c: {  	_ =	swait.ge [sflag:s16], $0x80  }
0x11d: {  	[sflag:s16] =	ssyncset.done $0x0  }
0x11e: {  	[sflag:s16] =	ssyncadd.s32 $0xFFFFFF80  }
0x11f: {  	_ =	swait.ge [sflag:s16], $0x80  }
0x120: {  	[sflag:s16] =	ssyncset.done $0x0  }
0x121: {  	[sflag:s16] =	ssyncadd.s32 $0xFFFFFF80  }
0x122: {  	_ =	swait.ge [sflag:s16], $0x80  }
0x123: {  	[sflag:s16] =	ssyncset.done $0x0  }
0x124: {  	s29 =	sshll.u32 s1, $0x6;
	[sflag:s16] =	ssyncadd.s32 $0xFFFFFF80  }
0x125: {  	s17 =	sor.u32 $0x1C02, s29;
	s30 =	sshrl.u32 s5, $0x3;
	[bflag:$0x0] =	sbarrier.arrive $0xFFFF  }
0x126: {  	[hbm:s9], [sflag:s17] =	dma.local [spmem:s30], $0x279  }
0x127: {  	s4 =	sadd.s32 $0x1, s4;
	_ =	swait.ge [sflag:s13], $0x279  }
0x128: {  	p0 =	sne.s32 s4, s11;
	[sflag:s13] =	ssyncset.done $0x0  }
.Ltmp3:
0x129: {  	s31 =	sshrl.u32 s6, $0x3;
	[sflag:s13] =	ssyncadd.s32 $0xFFFFFD87;
	(pc) =	sbr.rel @p0 .LBB2_1-.Ltmp3, $4  }
0x12a: {  	[hbm:s10], [sflag:s17] =	dma.local [spmem:s31], $0x279  }
0x12b: {  	_ =	swait.ge [sflag:s13], $0x279  }
0x12c: {  	[sflag:s13] =	ssyncset.done $0x0  }
0x12d: {  	[sflag:s13] =	ssyncadd.s32 $0xFFFFFD87  }
0x12e: {  	_ =	sfence.sel $0x180000  }
0x12f: {  	[bflag:$0x0] =	sbarrier.arrive $0xFFFF  }
0x130: {  	p0 =	sne.s32 s1, $0x0;
	_ =	strace $0x9000004A  }
0x131: {  	s0 =	sadd.s32 @!p0 $0x100000, s0;
	[bflag:$0x2] =	sbarrier.arrive $0xFFFF  }
0x132: {  	[sflag:s0] =	ssyncadd.tile.s32 @!p0 $0x1;
	_ =	shalt  }
.Lfunc_end2:
_tile_overlayer_lowered:
.L_overlay_start_2:
0x133: {  	(tag) =	ssettag $0x2  }
0x134: {  	s0 =	rddreg [dreg:$0x0];
	s2 =	stileid.u32  }
0x135: {  	s1 =	rddreg [dreg:$0x1];
	p0 =	sne.s32 s2, $0x0  }
0x136: {  	s3 =	rddreg [dreg:$0x2];
	[bflag:$0x3] =	sbarrier.arrive $0xFFFF;
	s2 =	simm.s32 @!p0 $0x1C02  }
0x137: {  	[timem:s3], [sflag:s2] =	dma.local @!p0 [hbm:s0], s1  }
0x138: {  	s0 =	simm.s32 @!p0 $0x2  }
0x139: {  	_ =	swait.ge @!p0 [sflag:s0], s1  }
0x13a: {  	s1 =	ssub.s32 @!p0 $0x0, s1;
	[sflag:s0] =	ssyncset.done @!p0 $0x0  }
0x13b: {  	[sflag:s0] =	ssyncadd.s32 @!p0 s1  }
0x13c: {  	[bflag:$0x3] =	sbarrier.arrive $0xFFFF  }
0x13d: {  	_ =	shalt  }

// kernel: kernel.17.cloned.1.call-start
scs
__scs_entry_jumppad:
0x0: {  	(pc) =	sbr.rel $0x88, $3  }
0x1: {  	(tag) =	ssettag $0x0;
	lr =	simm.s32 $0x1  }
0x2: {  	[smem:$0x3F90] =	sst lr;
	_ =	strace $0xD0000000  }
0x3: {  	_ = 	snop  }
0x4: {  	_ = 	snop  }
0x5: {  	_ = 	snop  }
0x6: {  	_ = 	snop  }
0x7: {  	_ = 	snop  }
__scs_overlays_trampoline_lowered:
0x8: {  	[smem:$0x3F9F] =	sst s0  }
0x9: {  	[smem:$0x3FA0] =	sst s1  }
0xa: {  	[smem:$0x3FA1] =	sst s2  }
0xb: {  	[smem:$0x3FA2] =	sst s3  }
0xc: {  	[smem:$0x3FA3] =	sst s4  }
0xd: {  	[smem:$0x3FA4] =	sst s5  }
0xe: {  	[smem:$0x3FA5] =	sst s6  }
0xf: {  	[smem:$0x3FA6] =	sst s7  }
0x10: {  	[smem:$0x3FA7] =	sst s8  }
0x11: {  	[smem:$0x3FA8] =	sst s9;
	s0 =	simm.s32 @!p0 $0x0  }
0x12: {  	s1 =	sld [smem:$0x3F8E];
	s0 =	simm.s32 @p0 $0x1  }
0x13: {  	[smem:$0x3FA9] =	sst s0;
	s0 =	simm.s32 @!p1 $0x0  }
0x14: {  	s2 =	sld [smem:$0x3F8D];
	s0 =	simm.s32 @p1 $0x1  }
0x15: {  	[smem:$0x3FAA] =	sst s0;
	s0 =	simm.s32 @!p2 $0x0  }
0x16: {  	s3 =	sld [smem:$0x3FDB];
	s0 =	simm.s32 @p2 $0x1  }
0x17: {  	s4 =	simm.s32 $0x1BF5;
	[smem:$0x3FAC] =	sst s0  }
0x18: {  	s0 =	sld [smem:$0x3F8F];
	_ =	swait.ge [sflag:s4], $0x0  }
0x19: {  	s7 =	sld [smem:$0x3F90]  }
0x1a: {  	s8 =	sadd.s32 $0xFFFFE003, lr  }
0x1b: {  	s9 =	sadd.s32 $0xFFFFFEF7, lr;
	s5 =	simm.s32 $0xFFFFFFFF;
	p2 =	slt.u32 s8, $0xFFFFF086  }
0x1c: {  	p1 =	slt.u32 s9, $0xF7A;
	s5 =	simm.s32 @!p2 $0x0  }
0x1d: {  	s5 =	simm.s32 @p1 $0x1;
	p0 =	seq.s32 s7, s2  }
0x1e: {  	s7 =	smul.u32 @!p0 $0xF7A, s2;
	p2 =	seq.s32 @!p0 s5, $0x0  }
0x1f: {  	s9 =	smul.u32 $0xF7A, s1;
	s8 =	simm.s32 @!p0 $0x1BF5;
	p2 =	por !p2, p0  }
0x20: {  	[sflag:s8] =	ssyncset.s32 @!p0 $0xFFFFF086;
	s6 =	sadd.s32 @!p0 s3, s7;
	s7 =	simm.s32 @!p0 $0x108  }
0x21: {  	s3 =	sadd.s32 s3, s9;
	s6 =	sadd.s32 @!p0 $0x88, s6;
	s7 =	simm.s32 @p2 $0x1082  }
0x22: {  	[simem:s7], [sflag:s8] =	dma.local @!p0 [hbm:s6], $0xF7A  }
0x23: {  	s9 =	sor.u32 $0xD0000000, s2;
	s6 =	simm.s32 $0x108;
	_ =	swait.ge @!p0 [sflag:s8], $0x0  }
0x24: {  	s3 =	sadd.s32 $0x88, s3;
	s6 =	simm.s32 @!p1 $0x1082;
	[sflag:s4] =	ssyncset.s32 $0xFFFFF086  }
0x25: {  	[simem:s6], [sflag:s4] =	dma.local [hbm:s3], $0xF7A  }
0x26: {  	[smem:$0x3F90] =	sst s1;
	(tag) =	ssettag s2;
	_ =	strace s9  }
0x27: {  	s1 =	sld [smem:$0x3FA0]  }
0x28: {  	s2 =	sld [smem:$0x3FA1]  }
0x29: {  	s4 =	sld [smem:$0x3FA3]  }
0x2a: {  	p0 =	seq.s32 s5, $0x0;
	s5 =	sld [smem:$0x3FA4]  }
0x2b: {  	s6 =	sld [smem:$0x3FA5]  }
0x2c: {  	s7 =	sld [smem:$0x3FA6]  }
0x2d: {  	s3 =	simm.s32 $0x108;
	s8 =	sld [smem:$0x3FA7]  }
0x2e: {  	s3 =	simm.s32 @!p0 $0x1082;
	s9 =	sld [smem:$0x3FA8]  }
0x2f: {  	lr =	sadd.s32 s0, s3;
	s0 =	sld [smem:$0x3F9F]  }
0x30: {  	s3 =	sld [smem:$0x3FA2]  }
0x31: {  	[smem:$0x3FAB] =	sst s10  }
0x32: {  	s10 =	sld [smem:$0x3FA9];
	_ =	sdelay $0x3  }
0x33: {  	p0 =	seq.s32 s10, $0x1;
	s10 =	sld [smem:$0x3FAB];
	_ =	sdelay $0x3  }
0x34: {  	[smem:$0x3FAB] =	sst s10  }
0x35: {  	s10 =	sld [smem:$0x3FAA];
	_ =	sdelay $0x3  }
0x36: {  	p1 =	seq.s32 s10, $0x1;
	s10 =	sld [smem:$0x3FAB];
	_ =	sdelay $0x3  }
0x37: {  	[smem:$0x3FAB] =	sst s10  }
0x38: {  	s10 =	sld [smem:$0x3FAC]  }
0x39: {  	_ = 	snop;
	(pc) =	sbr.ind lr, $3  }
0x3a: {  	_ = 	snop  }
0x3b: {  	_ = 	snop  }
0x3c: {  	p2 =	seq.s32 s10, $0x1;
	s10 =	sld [smem:$0x3FAB]  }
0x3d: {  	_ =	shalt  }
0x3e: {  	_ =	shalt  }
0x3f: {  	_ =	shalt  }
0x40: {  	_ =	shalt  }
0x41: {  	_ =	shalt  }
0x42: {  	_ =	shalt  }
0x43: {  	_ =	shalt  }
0x44: {  	_ =	shalt  }
0x45: {  	_ =	shalt  }
0x46: {  	_ =	shalt  }
0x47: {  	_ =	shalt  }
0x48: {  	_ =	shalt  }
0x49: {  	_ =	shalt  }
0x4a: {  	_ =	shalt  }
0x4b: {  	_ =	shalt  }
0x4c: {  	_ =	shalt  }
0x4d: {  	_ =	shalt  }
0x4e: {  	_ =	shalt  }
0x4f: {  	_ =	shalt  }
0x50: {  	_ =	shalt  }
0x51: {  	_ =	shalt  }
0x52: {  	_ =	shalt  }
0x53: {  	_ =	shalt  }
0x54: {  	_ =	shalt  }
0x55: {  	_ =	shalt  }
0x56: {  	_ =	shalt  }
0x57: {  	_ =	shalt  }
0x58: {  	_ =	shalt  }
0x59: {  	_ =	shalt  }
0x5a: {  	_ =	shalt  }
0x5b: {  	_ =	shalt  }
0x5c: {  	_ =	shalt  }
0x5d: {  	_ =	shalt  }
0x5e: {  	_ =	shalt  }
0x5f: {  	_ =	shalt  }
0x60: {  	_ =	shalt  }
0x61: {  	_ =	shalt  }
0x62: {  	_ =	shalt  }
0x63: {  	_ =	shalt  }
0x64: {  	_ =	shalt  }
0x65: {  	_ =	shalt  }
0x66: {  	_ =	shalt  }
0x67: {  	_ =	shalt  }
0x68: {  	_ =	shalt  }
0x69: {  	_ =	shalt  }
0x6a: {  	_ =	shalt  }
0x6b: {  	_ =	shalt  }
0x6c: {  	_ =	shalt  }
0x6d: {  	_ =	shalt  }
0x6e: {  	_ =	shalt  }
0x6f: {  	_ =	shalt  }
0x70: {  	_ =	shalt  }
0x71: {  	_ =	shalt  }
0x72: {  	_ =	shalt  }
0x73: {  	_ =	shalt  }
0x74: {  	_ =	shalt  }
0x75: {  	_ =	shalt  }
0x76: {  	_ =	shalt  }
0x77: {  	_ =	shalt  }
0x78: {  	_ =	shalt  }
0x79: {  	_ =	shalt  }
0x7a: {  	_ =	shalt  }
0x7b: {  	_ =	shalt  }
0x7c: {  	_ =	shalt  }
0x7d: {  	_ =	shalt  }
0x7e: {  	_ =	shalt  }
0x7f: {  	_ =	shalt  }
0x80: {  	_ =	shalt  }
0x81: {  	_ =	shalt  }
0x82: {  	_ =	shalt  }
0x83: {  	_ =	shalt  }
0x84: {  	_ =	shalt  }
0x85: {  	_ =	shalt  }
0x86: {  	_ =	shalt  }
0x87: {  	_ =	shalt  }
.Lfunc_end0:
.L_simem_size_0:
called_computation.3_lowered:
.L_overlay_start_0:
0x88: {  	s2 =	sld [smem:$0x3FD9]  }
0x89: {  	s3 =	sld [smem:$0x3FFE];
	_ =	sdelay $0x1  }
0x8a: {  	s1 =	srdreg.scid  }
0x8b: {  	s0 =	sand.u32 $0x1, s1  }
0x8c: {  	s17 =	sshll.u32 s0, $0xA;
	s2 =	sadd.s32 s3, s2  }
0x8d: {  	s2 =	sadd.s32 s2, s17  }
0x8e: {  	[smem:$0x3FB7] =	sst s2  }
0x8f: {  	_ = 	snop  }
0x90: {  	s2 =	sld [smem:$0x3FD0];
	(tm) =	ssettm $0x1  }
0x91: {  	s18 =	sld [smem:$0x3FFB];
	_ =	sdelay $0x3  }
0x92: {  	_ =	strace s18  }
0x93: {  	s3 =	sld [smem:$0x3FFC];
	_ =	sdelay $0x3  }
0x94: {  	_ =	strace s3  }
0x95: {  	s3 =	sld [smem:$0x3FFD];
	_ =	sdelay $0x3  }
0x96: {  	_ =	strace s3  }
0x97: {  	_ =	strace $0x8FFFFFFF  }
0x98: {  	s19 =	sld [smem:$0x3FDB];
	_ =	sdelay $0x1  }
0x99: {  	s4 =	simm.s32 $_scs_section_size  }
0x9a: {  	s5 =	simm.s32 $_size__tile_overlayer_lowered;
	s6 =	simm.s32 $_tile_overlayer_lowered  }
0x9b: {  	s22 =	simm.s32 $0x1BFF;
	s21 =	sshll.u32 s6, $0x1;
	s3 =	sadd.s32 s4, s19  }
0x9c: {  	s7 =	simm.s32 $0x0;
	s20 =	sshll.u32 s5, $0x1;
	s5 =	sadd.s32 s21, s3  }
0x9d: {  	[timem:s7], [sflag:s22] =	dma.local [hbm:s5], s20  }
0x9e: {  	_ =	swait.ge [sflag:s22], s20  }
0x9f: {  	s4 =	ssub.s32 $0x0, s20;
	[sflag:s22] =	ssyncset.done $0x0  }
0xa0: {  	[sflag:s22] =	ssyncadd.s32 s4;
	_ =	sdelay $0x1  }
0xa1: {  	s23 =	simm.s32 $0x1B8B  }
0xa2: {  	_ =	swait.ge [sflag:s23], $0x1  }
0xa3: {  	[sflag:s23] =	ssyncset.done $0x0  }
0xa4: {  	s25 =	simm.s32 $0x1B8E;
	s24 =	sld [smem:$0x3FFE];
	[sflag:s23] =	ssyncadd.s32 $0xFFFFFFFF  }
0xa5: {  	s26 =	simm.s32 $execute0_lowered;
	[smem:$0x3FD2] =	sst s25  }
0xa6: {  	s5 =	sshll.u32 s26, $0x1;
	_ =	strace $0x8000004C;
	[dreg:$0x1] =	wrdreg $0xFFFFFFFF  }
0xa7: {  	s28 =	simm.s32 $_size_execute0_lowered;
	s3 =	sadd.s32 s3, s5;
	[dreg:$0x0] =	wrdreg $0x0  }
0xa8: {  	s5 =	sshll.u32 s28, $0x1;
	[dreg:$0x2] =	wrdreg s3  }
0xa9: {  	[dreg:$0x3] =	wrdreg s5  }
0xaa: {  	[dreg:$0x4] =	wrdreg $0xC0  }
0xab: {  	_ =	task [dreg:s7], $0x5FFFF  }
0xac: {  	[dreg:$0x1] =	wrdreg $0xFFFFFFFF  }
0xad: {  	[dreg:$0x0] =	wrdreg $0x60  }
0xae: {  	[dreg:$0x2] =	wrdreg s24  }
0xaf: {  	[dreg:$0x3] =	wrdreg s2  }
0xb0: {  	[dreg:$0x4] =	wrdreg $0x9  }
0xb1: {  	_ =	task.clear_ibuf [dreg:s7], $0x5FFFF;
	_ =	strace $0x9000004C  }
0xb2: {  	s29 =	simm.s32 $0x9;
	_ =	strace $0x8000004E  }
0xb3: {  	_ =	swait.ge [sflag:s29], $0x1  }
0xb4: {  	[sflag:s29] =	ssyncadd.s32 $0xFFFFFFFF  }
0xb5: {  	_ =	strace $0x9000004E  }
0xb6: {  	_ =	sfence  }
0xb7: {  	s30 =	sld [smem:$0x0];
	_ =	sdelay $0x2  }
0xb8: {  	s31 =	sshll.u32 s1, $0xD;
	s1 =	sshrl.u32 s1, $0x2  }
0xb9: {  	s3 =	sand.u32 $0x4000, s31;
	s1 =	sadd.s32 s1, s30  }
0xba: {  	s0 =	sor.u32 s3, s0;
	s1 =	sshll.u32 s1, $0x11  }
0xbb: {  	s0 =	sor.u32 s1, s0  }
0xbc: {  	s0 =	sadd.s32 $0x8F2B, s0  }
0xbd: {  	[sflag:s0] =	ssyncadd.remote.s32 $0x1  }
0xbe: {  	_ =	sfence.sel $0xFFFF  }
0xbf: {  	[dreg:$0x0] =	wrdreg $0xFFFFFFFF;
	(pc) =	sbr.abs _section_cstart, $3  }
0xc0: {  	[dreg:$0x1] =	wrdreg $0xFFFFFFFF  }
0xc1: {  	_ =	task.clear_ibuf [dreg:s7], $0x2FFFF;
	_ =	strace $0x9FFFFFFF  }
0xc2: {  	(tm) =	ssettm $0x7FFFFFFF  }
0xc3: {  	_ =	shalt  }
tec
execute0_lowered:
.L_overlay_start_1:
0x0: {  	(tag) =	ssettag $0x1  }
0x1: {  	s4 =	rddreg [dreg:$0x0];
	s1 =	srdreg.scid  }
0x2: {  	s0 =	stileid.u32;
	s5 =	rddreg [dreg:$0x1];
	s2 =	simm.s32 $0x0  }
0x3: {  	s10 =	simm.s32 $0x16480;
	s11 =	simm.s32 $0x18C80;
	s12 =	simm.s32 $0x0  }
0x4: {  	s3 =	sand.u32 $0x1, s1;
	s6 =	sshll.u32 s0, $0x1;
	s1 =	rddreg [dreg:$0x2]  }
0x5: {  	[smem:$0x7FF] =	sst s2;
	s6 =	sor.u32 s3, s6;
	s7 =	ssub.s32 $0x2, s3  }
0x6: {  	_ =	strace $0x8000004D;
	s6 =	smul.u32 $0x500, s6;
	s8 =	sshrl.u32 s7, $0x1  }
0x7: {  	s3 =	sadd.s32 $0x6400, s4;
	s7 =	ssub.s32 s7, s8;
	s8 =	simm.s32 $0x1  }
0x8: {  	s9 =	sadd.s32 s6, s4;
	s4 =	sadd.s32 s5, s6;
	s7 =	smax.u32 s7, $0x1  }
0x9: {  	s5 =	sadd.s32 $0x1A000, s9;
	s6 =	sadd.s32 $0x24000, s9;
	s9 =	simm.s32 $0x13C80  }
.LBB2_1:
0xa: {  	[tilespmem:s2], [sflag:$0x1] =	stream.linear.gather [hbm4b:s3+s2], $0x13C80, $0x38;
	[tilespmem:$0x1B480] =	vst v63  }
0xb: {  	_ =	swait.ge [sflag:s8], $0x13C80  }
0xc: {  	[sflag:s8] =	ssyncset.done $0x0  }
0xd: {  	[sflag:s8] =	ssyncadd.s32 $0xFFFEC380  }
0xe: {  	[tilespmem:s9], [sflag:$0x1] =	stream.linear.gather [hbm4b:s4+s2], $0x2800, $0x38;
	[tilespmem:$0x1B480] =	vst v63  }
0xf: {  	_ =	swait.ge [sflag:s8], $0x2800  }
0x10: {  	[sflag:s8] =	ssyncset.done $0x0  }
0x11: {  	[sflag:s8] =	ssyncadd.s32 $0xFFFFD800  }
0x12: {  	[tilespmem:s10], [sflag:$0x1] =	stream.linear.gather [hbm4b:s5+s2], $0x2800, $0x38;
	[tilespmem:$0x1B480] =	vst v63  }
0x13: {  	_ =	swait.ge [sflag:s8], $0x2800  }
0x14: {  	[sflag:s8] =	ssyncset.done $0x0  }
0x15: {  	s13 =	simm.s32 $0x0;
	[sflag:s8] =	ssyncadd.s32 $0xFFFFD800  }
0x16: {  	v0 =	vld [tilespmem:s13+$0x13C80];
	_ =	sdelay $0x5  }
0x17: {  	v1 =	vld [tilespmem:s13+$0x16480]  }
0x18: {  	v2 =	vld [tilespmem:s13+$0x13C90]  }
0x19: {  	v0 =	vld.idx.msk [tilespmem:v0+s2+$0x0], $0xffff;
	_ =	sdelay $0x4  }
0x1a: {  	v0 =	vmul.f32 v1, v0;
	_ =	sdelay $0x1  }
0x1b: {  	[tilespmem:s13+$0x18C80] =	vst v0;
	v0 =	vld [tilespmem:s13+$0x16490]  }
0x1c: {  	v1 =	vld.idx.msk [tilespmem:v2+s2+$0x0], $0xffff  }
0x1d: {  	v2 =	vld [tilespmem:s13+$0x13CA0];
	_ =	sdelay $0x4  }
0x1e: {  	v0 =	vmul.f32 v0, v1;
	_ =	sdelay $0x1  }
0x1f: {  	[tilespmem:s13+$0x18C90] =	vst v0;
	v0 =	vld [tilespmem:s13+$0x164A0]  }
0x20: {  	v1 =	vld.idx.msk [tilespmem:v2+s2+$0x0], $0xffff  }
0x21: {  	v2 =	vld [tilespmem:s13+$0x13CB0];
	_ =	sdelay $0x4  }
0x22: {  	v0 =	vmul.f32 v0, v1;
	_ =	sdelay $0x1  }
0x23: {  	[tilespmem:s13+$0x18CA0] =	vst v0;
	v0 =	vld [tilespmem:s13+$0x164B0]  }
0x24: {  	v1 =	vld.idx.msk [tilespmem:v2+s2+$0x0], $0xffff  }
0x25: {  	v2 =	vld [tilespmem:s13+$0x13CC0];
	_ =	sdelay $0x4  }
0x26: {  	v0 =	vmul.f32 v0, v1;
	_ =	sdelay $0x1  }
0x27: {  	[tilespmem:s13+$0x18CB0] =	vst v0;
	v0 =	vld [tilespmem:s13+$0x164C0]  }
0x28: {  	v1 =	vld.idx.msk [tilespmem:v2+s2+$0x0], $0xffff  }
0x29: {  	v2 =	vld [tilespmem:s13+$0x13CD0];
	_ =	sdelay $0x4  }
0x2a: {  	v0 =	vmul.f32 v0, v1;
	_ =	sdelay $0x1  }
0x2b: {  	[tilespmem:s13+$0x18CC0] =	vst v0;
	v0 =	vld [tilespmem:s13+$0x164D0]  }
0x2c: {  	v1 =	vld.idx.msk [tilespmem:v2+s2+$0x0], $0xffff  }
0x2d: {  	v2 =	vld [tilespmem:s13+$0x13CE0];
	_ =	sdelay $0x4  }
0x2e: {  	v0 =	vmul.f32 v0, v1;
	_ =	sdelay $0x1  }
0x2f: {  	[tilespmem:s13+$0x18CD0] =	vst v0;
	v0 =	vld [tilespmem:s13+$0x164E0]  }
0x30: {  	v1 =	vld.idx.msk [tilespmem:v2+s2+$0x0], $0xffff  }
0x31: {  	v2 =	vld [tilespmem:s13+$0x13CF0];
	_ =	sdelay $0x4  }
0x32: {  	v0 =	vmul.f32 v0, v1;
	_ =	sdelay $0x1  }
0x33: {  	[tilespmem:s13+$0x18CE0] =	vst v0;
	v0 =	vld [tilespmem:s13+$0x164F0]  }
0x34: {  	s15 =	simm.s32 $0x80;
	s14 =	simm.s32 $0x400;
	v1 =	vld.idx.msk [tilespmem:v2+s2+$0x0], $0xffff  }
.LBB2_2:
0x35: {  	p0 =	sne.s32 s14, $0x9E00;
	v2 =	vld [tilespmem:s15+$0x13C80];
	_ =	sdelay $0x4  }
0x36: {  	v0 =	vmul.f32 v0, v1;
	_ =	sdelay $0x1  }
0x37: {  	v1 =	vld [tilespmem:s15+$0x16480];
	[tilespmem:s13+$0x18CF0] =	vst v0;
	s13 =	smov.u32 s15  }
0x38: {  	v0 =	vld.idx.msk [tilespmem:v2+s2+$0x0], $0xffff  }
0x39: {  	v2 =	vld [tilespmem:s13+$0x13C90];
	_ =	sdelay $0x4  }
0x3a: {  	v0 =	vmul.f32 v1, v0;
	_ =	sdelay $0x1  }
0x3b: {  	[tilespmem:s13+$0x18C80] =	vst v0;
	v0 =	vld [tilespmem:s13+$0x16490]  }
0x3c: {  	v1 =	vld.idx.msk [tilespmem:v2+s2+$0x0], $0xffff  }
0x3d: {  	v2 =	vld [tilespmem:s13+$0x13CA0];
	_ =	sdelay $0x4  }
0x3e: {  	v0 =	vmul.f32 v0, v1;
	_ =	sdelay $0x1  }
0x3f: {  	[tilespmem:s13+$0x18C90] =	vst v0;
	v0 =	vld [tilespmem:s13+$0x164A0]  }
0x40: {  	v1 =	vld.idx.msk [tilespmem:v2+s2+$0x0], $0xffff  }
0x41: {  	v2 =	vld [tilespmem:s13+$0x13CB0];
	_ =	sdelay $0x4  }
0x42: {  	v0 =	vmul.f32 v0, v1;
	_ =	sdelay $0x1  }
0x43: {  	[tilespmem:s13+$0x18CA0] =	vst v0;
	v0 =	vld [tilespmem:s13+$0x164B0]  }
0x44: {  	v1 =	vld.idx.msk [tilespmem:v2+s2+$0x0], $0xffff  }
0x45: {  	v2 =	vld [tilespmem:s13+$0x13CC0];
	_ =	sdelay $0x4  }
0x46: {  	v0 =	vmul.f32 v0, v1;
	_ =	sdelay $0x1  }
0x47: {  	[tilespmem:s13+$0x18CB0] =	vst v0;
	v0 =	vld [tilespmem:s13+$0x164C0]  }
0x48: {  	v1 =	vld.idx.msk [tilespmem:v2+s2+$0x0], $0xffff  }
0x49: {  	v2 =	vld [tilespmem:s13+$0x13CD0];
	_ =	sdelay $0x4  }
0x4a: {  	v0 =	vmul.f32 v0, v1;
	_ =	sdelay $0x1  }
0x4b: {  	[tilespmem:s13+$0x18CC0] =	vst v0;
	v0 =	vld [tilespmem:s13+$0x164D0]  }
0x4c: {  	v1 =	vld.idx.msk [tilespmem:v2+s2+$0x0], $0xffff  }
0x4d: {  	v2 =	vld [tilespmem:s13+$0x13CE0];
	_ =	sdelay $0x4  }
0x4e: {  	v0 =	vmul.f32 v0, v1;
	_ =	sdelay $0x1  }
0x4f: {  	[tilespmem:s13+$0x18CD0] =	vst v0;
	v0 =	vld [tilespmem:s13+$0x164E0]  }
0x50: {  	v1 =	vld.idx.msk [tilespmem:v2+s2+$0x0], $0xffff  }
0x51: {  	v2 =	vld [tilespmem:s13+$0x13CF0];
	_ =	sdelay $0x3  }
.Ltmp0:
0x52: {  	(pc) =	sbr.rel @p0 .LBB2_2-.Ltmp0, $3  }
0x53: {  	v0 =	vmul.f32 v0, v1;
	_ =	sdelay $0x1  }
0x54: {  	[tilespmem:s13+$0x18CE0] =	vst v0;
	v0 =	vld [tilespmem:s13+$0x164F0]  }
0x55: {  	s15 =	sshra.s32 s14, $0x2;
	s14 =	sadd.s32 $0x200, s14;
	v1 =	vld.idx.msk [tilespmem:v2+s2+$0x0], $0xffff  }
0x56: {  	v2 =	vld [tilespmem:s15+$0x13C80];
	_ =	sdelay $0x3  }
0x57: {  	v0 =	vmul.f32 v0, v1;
	_ =	sdelay $0x1  }
0x58: {  	v42 =	vld [tilespmem:s15+$0x16480];
	[tilespmem:s13+$0x18CF0] =	vst v0  }
0x59: {  	v43 =	vld [tilespmem:s15+$0x13C90]  }
0x5a: {  	v0 =	vld.idx.msk [tilespmem:v2+s2+$0x0], $0xffff;
	_ =	sdelay $0x4  }
0x5b: {  	v0 =	vmul.f32 v42, v0  }
0x5c: {  	v44 =	vld [tilespmem:s15+$0x16490]  }
0x5d: {  	v46 =	vld [tilespmem:s15+$0x13CA0];
	[tilespmem:s15+$0x18C80] =	vst v0  }
0x5e: {  	v45 =	vld.idx.msk [tilespmem:v43+s2+$0x0], $0xffff;
	_ =	sdelay $0x4  }
0x5f: {  	v0 =	vmul.f32 v44, v45  }
0x60: {  	v47 =	vld [tilespmem:s15+$0x164A0]  }
0x61: {  	v49 =	vld [tilespmem:s15+$0x13CB0];
	[tilespmem:s15+$0x18C90] =	vst v0  }
0x62: {  	v48 =	vld.idx.msk [tilespmem:v46+s2+$0x0], $0xffff;
	_ =	sdelay $0x4  }
0x63: {  	v0 =	vmul.f32 v47, v48  }
0x64: {  	v50 =	vld [tilespmem:s15+$0x164B0]  }
0x65: {  	v52 =	vld [tilespmem:s15+$0x13CC0];
	[tilespmem:s15+$0x18CA0] =	vst v0  }
0x66: {  	v51 =	vld.idx.msk [tilespmem:v49+s2+$0x0], $0xffff;
	_ =	sdelay $0x4  }
0x67: {  	v0 =	vmul.f32 v50, v51  }
0x68: {  	v53 =	vld [tilespmem:s15+$0x164C0]  }
0x69: {  	v55 =	vld [tilespmem:s15+$0x13CD0];
	[tilespmem:s15+$0x18CB0] =	vst v0  }
0x6a: {  	v54 =	vld.idx.msk [tilespmem:v52+s2+$0x0], $0xffff;
	_ =	sdelay $0x4  }
0x6b: {  	v0 =	vmul.f32 v53, v54  }
0x6c: {  	v56 =	vld [tilespmem:s15+$0x164D0]  }
0x6d: {  	v58 =	vld [tilespmem:s15+$0x13CE0];
	[tilespmem:s15+$0x18CC0] =	vst v0  }
0x6e: {  	v57 =	vld.idx.msk [tilespmem:v55+s2+$0x0], $0xffff;
	_ =	sdelay $0x4  }
0x6f: {  	v0 =	vmul.f32 v56, v57  }
0x70: {  	v59 =	vld [tilespmem:s15+$0x164E0]  }
0x71: {  	v61 =	vld [tilespmem:s15+$0x13CF0];
	[tilespmem:s15+$0x18CD0] =	vst v0  }
0x72: {  	v60 =	vld.idx.msk [tilespmem:v58+s2+$0x0], $0xffff;
	_ =	sdelay $0x4  }
0x73: {  	v0 =	vmul.f32 v59, v60;
	_ =	sdelay $0x1  }
0x74: {  	v62 =	vld [tilespmem:s15+$0x164F0];
	[tilespmem:s15+$0x18CE0] =	vst v0  }
0x75: {  	v63 =	vld.idx.msk [tilespmem:v61+s2+$0x0], $0xffff;
	_ =	sdelay $0x4  }
0x76: {  	s12 =	sadd.s32 $0x1, s12;
	v0 =	vmul.f32 v62, v63  }
0x77: {  	p0 =	sne.s32 s12, s7  }
.Ltmp1:
0x78: {  	[tilespmem:s15+$0x18CF0] =	vst v0;
	(pc) =	sbr.rel @p0 .LBB2_1-.Ltmp1, $4  }
0x79: {  	[hbm4b:s6+s2] =	stream.linear.scatter [tilespmem:s11], [sflag:$0x1], $0x2800, $0x38;
	[tilespmem:$0x1B480] =	vst v63  }
0x7a: {  	_ =	swait.ge [sflag:s8], $0x2800  }
0x7b: {  	[sflag:s8] =	ssyncset.done $0x0  }
0x7c: {  	[sflag:s8] =	ssyncadd.s32 $0xFFFFD800  }
0x7d: {  	_ =	sfence.sel $0x180000  }
0x7e: {  	[bflag:$0x0] =	sbarrier.arrive $0xFFFF  }
0x7f: {  	p0 =	sne.s32 s0, $0x0;
	_ =	strace $0x9000004D  }
0x80: {  	s0 =	sadd.s32 @!p0 $0x100000, s1;
	[bflag:$0x2] =	sbarrier.arrive $0xFFFF  }
0x81: {  	[sflag:s0] =	ssyncadd.tile.s32 @!p0 $0x1;
	_ =	shalt  }
.Lfunc_end2:
_tile_overlayer_lowered:
.L_overlay_start_2:
0x82: {  	(tag) =	ssettag $0x2  }
0x83: {  	s0 =	rddreg [dreg:$0x0];
	s2 =	stileid.u32  }
0x84: {  	s1 =	rddreg [dreg:$0x1];
	p0 =	sne.s32 s2, $0x0  }
0x85: {  	s3 =	rddreg [dreg:$0x2];
	[bflag:$0x3] =	sbarrier.arrive $0xFFFF;
	s2 =	simm.s32 @!p0 $0x1C01  }
0x86: {  	[timem:s3], [sflag:s2] =	dma.local @!p0 [hbm:s0], s1  }
0x87: {  	s0 =	simm.s32 @!p0 $0x1  }
0x88: {  	_ =	swait.ge @!p0 [sflag:s0], s1  }
0x89: {  	s1 =	ssub.s32 @!p0 $0x0, s1;
	[sflag:s0] =	ssyncset.done @!p0 $0x0  }
0x8a: {  	[sflag:s0] =	ssyncadd.s32 @!p0 s1  }
0x8b: {  	[bflag:$0x3] =	sbarrier.arrive $0xFFFF  }
0x8c: {  	_ =	shalt  }

// kernel: kernel.20.cloned.1.call-start
scs
__scs_entry_jumppad:
0x0: {  	(pc) =	sbr.rel $0x88, $3  }
0x1: {  	(tag) =	ssettag $0x0;
	lr =	simm.s32 $0x1  }
0x2: {  	[smem:$0x3F90] =	sst lr;
	_ =	strace $0xD0000000  }
0x3: {  	_ = 	snop  }
0x4: {  	_ = 	snop  }
0x5: {  	_ = 	snop  }
0x6: {  	_ = 	snop  }
0x7: {  	_ = 	snop  }
__scs_overlays_trampoline_lowered:
0x8: {  	[smem:$0x3F9F] =	sst s0  }
0x9: {  	[smem:$0x3FA0] =	sst s1  }
0xa: {  	[smem:$0x3FA1] =	sst s2  }
0xb: {  	[smem:$0x3FA2] =	sst s3  }
0xc: {  	[smem:$0x3FA3] =	sst s4  }
0xd: {  	[smem:$0x3FA4] =	sst s5  }
0xe: {  	[smem:$0x3FA5] =	sst s6  }
0xf: {  	[smem:$0x3FA6] =	sst s7  }
0x10: {  	[smem:$0x3FA7] =	sst s8  }
0x11: {  	[smem:$0x3FA8] =	sst s9;
	s0 =	simm.s32 @!p0 $0x0  }
0x12: {  	s1 =	sld [smem:$0x3F8E];
	s0 =	simm.s32 @p0 $0x1  }
0x13: {  	[smem:$0x3FA9] =	sst s0;
	s0 =	simm.s32 @!p1 $0x0  }
0x14: {  	s2 =	sld [smem:$0x3F8D];
	s0 =	simm.s32 @p1 $0x1  }
0x15: {  	[smem:$0x3FAA] =	sst s0;
	s0 =	simm.s32 @!p2 $0x0  }
0x16: {  	s3 =	sld [smem:$0x3FDB];
	s0 =	simm.s32 @p2 $0x1  }
0x17: {  	s4 =	simm.s32 $0x1BF5;
	[smem:$0x3FAC] =	sst s0  }
0x18: {  	s0 =	sld [smem:$0x3F8F];
	_ =	swait.ge [sflag:s4], $0x0  }
0x19: {  	s7 =	sld [smem:$0x3F90]  }
0x1a: {  	s8 =	sadd.s32 $0xFFFFE003, lr  }
0x1b: {  	s9 =	sadd.s32 $0xFFFFFEF7, lr;
	s5 =	simm.s32 $0xFFFFFFFF;
	p2 =	slt.u32 s8, $0xFFFFF086  }
0x1c: {  	p1 =	slt.u32 s9, $0xF7A;
	s5 =	simm.s32 @!p2 $0x0  }
0x1d: {  	s5 =	simm.s32 @p1 $0x1;
	p0 =	seq.s32 s7, s2  }
0x1e: {  	s7 =	smul.u32 @!p0 $0xF7A, s2;
	p2 =	seq.s32 @!p0 s5, $0x0  }
0x1f: {  	s9 =	smul.u32 $0xF7A, s1;
	s8 =	simm.s32 @!p0 $0x1BF5;
	p2 =	por !p2, p0  }
0x20: {  	[sflag:s8] =	ssyncset.s32 @!p0 $0xFFFFF086;
	s6 =	sadd.s32 @!p0 s3, s7;
	s7 =	simm.s32 @!p0 $0x108  }
0x21: {  	s3 =	sadd.s32 s3, s9;
	s6 =	sadd.s32 @!p0 $0x88, s6;
	s7 =	simm.s32 @p2 $0x1082  }
0x22: {  	[simem:s7], [sflag:s8] =	dma.local @!p0 [hbm:s6], $0xF7A  }
0x23: {  	s9 =	sor.u32 $0xD0000000, s2;
	s6 =	simm.s32 $0x108;
	_ =	swait.ge @!p0 [sflag:s8], $0x0  }
0x24: {  	s3 =	sadd.s32 $0x88, s3;
	s6 =	simm.s32 @!p1 $0x1082;
	[sflag:s4] =	ssyncset.s32 $0xFFFFF086  }
0x25: {  	[simem:s6], [sflag:s4] =	dma.local [hbm:s3], $0xF7A  }
0x26: {  	[smem:$0x3F90] =	sst s1;
	(tag) =	ssettag s2;
	_ =	strace s9  }
0x27: {  	s1 =	sld [smem:$0x3FA0]  }
0x28: {  	s2 =	sld [smem:$0x3FA1]  }
0x29: {  	s4 =	sld [smem:$0x3FA3]  }
0x2a: {  	p0 =	seq.s32 s5, $0x0;
	s5 =	sld [smem:$0x3FA4]  }
0x2b: {  	s6 =	sld [smem:$0x3FA5]  }
0x2c: {  	s7 =	sld [smem:$0x3FA6]  }
0x2d: {  	s3 =	simm.s32 $0x108;
	s8 =	sld [smem:$0x3FA7]  }
0x2e: {  	s3 =	simm.s32 @!p0 $0x1082;
	s9 =	sld [smem:$0x3FA8]  }
0x2f: {  	lr =	sadd.s32 s0, s3;
	s0 =	sld [smem:$0x3F9F]  }
0x30: {  	s3 =	sld [smem:$0x3FA2]  }
0x31: {  	[smem:$0x3FAB] =	sst s10  }
0x32: {  	s10 =	sld [smem:$0x3FA9];
	_ =	sdelay $0x3  }
0x33: {  	p0 =	seq.s32 s10, $0x1;
	s10 =	sld [smem:$0x3FAB];
	_ =	sdelay $0x3  }
0x34: {  	[smem:$0x3FAB] =	sst s10  }
0x35: {  	s10 =	sld [smem:$0x3FAA];
	_ =	sdelay $0x3  }
0x36: {  	p1 =	seq.s32 s10, $0x1;
	s10 =	sld [smem:$0x3FAB];
	_ =	sdelay $0x3  }
0x37: {  	[smem:$0x3FAB] =	sst s10  }
0x38: {  	s10 =	sld [smem:$0x3FAC]  }
0x39: {  	_ = 	snop;
	(pc) =	sbr.ind lr, $3  }
0x3a: {  	_ = 	snop  }
0x3b: {  	_ = 	snop  }
0x3c: {  	p2 =	seq.s32 s10, $0x1;
	s10 =	sld [smem:$0x3FAB]  }
0x3d: {  	_ =	shalt  }
0x3e: {  	_ =	shalt  }
0x3f: {  	_ =	shalt  }
0x40: {  	_ =	shalt  }
0x41: {  	_ =	shalt  }
0x42: {  	_ =	shalt  }
0x43: {  	_ =	shalt  }
0x44: {  	_ =	shalt  }
0x45: {  	_ =	shalt  }
0x46: {  	_ =	shalt  }
0x47: {  	_ =	shalt  }
0x48: {  	_ =	shalt  }
0x49: {  	_ =	shalt  }
0x4a: {  	_ =	shalt  }
0x4b: {  	_ =	shalt  }
0x4c: {  	_ =	shalt  }
0x4d: {  	_ =	shalt  }
0x4e: {  	_ =	shalt  }
0x4f: {  	_ =	shalt  }
0x50: {  	_ =	shalt  }
0x51: {  	_ =	shalt  }
0x52: {  	_ =	shalt  }
0x53: {  	_ =	shalt  }
0x54: {  	_ =	shalt  }
0x55: {  	_ =	shalt  }
0x56: {  	_ =	shalt  }
0x57: {  	_ =	shalt  }
0x58: {  	_ =	shalt  }
0x59: {  	_ =	shalt  }
0x5a: {  	_ =	shalt  }
0x5b: {  	_ =	shalt  }
0x5c: {  	_ =	shalt  }
0x5d: {  	_ =	shalt  }
0x5e: {  	_ =	shalt  }
0x5f: {  	_ =	shalt  }
0x60: {  	_ =	shalt  }
0x61: {  	_ =	shalt  }
0x62: {  	_ =	shalt  }
0x63: {  	_ =	shalt  }
0x64: {  	_ =	shalt  }
0x65: {  	_ =	shalt  }
0x66: {  	_ =	shalt  }
0x67: {  	_ =	shalt  }
0x68: {  	_ =	shalt  }
0x69: {  	_ =	shalt  }
0x6a: {  	_ =	shalt  }
0x6b: {  	_ =	shalt  }
0x6c: {  	_ =	shalt  }
0x6d: {  	_ =	shalt  }
0x6e: {  	_ =	shalt  }
0x6f: {  	_ =	shalt  }
0x70: {  	_ =	shalt  }
0x71: {  	_ =	shalt  }
0x72: {  	_ =	shalt  }
0x73: {  	_ =	shalt  }
0x74: {  	_ =	shalt  }
0x75: {  	_ =	shalt  }
0x76: {  	_ =	shalt  }
0x77: {  	_ =	shalt  }
0x78: {  	_ =	shalt  }
0x79: {  	_ =	shalt  }
0x7a: {  	_ =	shalt  }
0x7b: {  	_ =	shalt  }
0x7c: {  	_ =	shalt  }
0x7d: {  	_ =	shalt  }
0x7e: {  	_ =	shalt  }
0x7f: {  	_ =	shalt  }
0x80: {  	_ =	shalt  }
0x81: {  	_ =	shalt  }
0x82: {  	_ =	shalt  }
0x83: {  	_ =	shalt  }
0x84: {  	_ =	shalt  }
0x85: {  	_ =	shalt  }
0x86: {  	_ =	shalt  }
0x87: {  	_ =	shalt  }
.Lfunc_end0:
.L_simem_size_0:
called_computation.4_lowered:
.L_overlay_start_0:
0x88: {  	s2 =	sld [smem:$0x3FD9]  }
0x89: {  	s3 =	sld [smem:$0x3FFE];
	_ =	sdelay $0x1  }
0x8a: {  	s1 =	srdreg.scid  }
0x8b: {  	s0 =	sand.u32 $0x1, s1  }
0x8c: {  	s17 =	sshll.u32 s0, $0xA;
	s2 =	sadd.s32 s3, s2  }
0x8d: {  	s2 =	sadd.s32 s2, s17  }
0x8e: {  	[smem:$0x3FB7] =	sst s2  }
0x8f: {  	_ = 	snop  }
0x90: {  	s2 =	sld [smem:$0x3FD0];
	(tm) =	ssettm $0x1  }
0x91: {  	s18 =	sld [smem:$0x3FFB];
	_ =	sdelay $0x3  }
0x92: {  	_ =	strace s18  }
0x93: {  	s3 =	sld [smem:$0x3FFC];
	_ =	sdelay $0x3  }
0x94: {  	_ =	strace s3  }
0x95: {  	s3 =	sld [smem:$0x3FFD];
	_ =	sdelay $0x3  }
0x96: {  	_ =	strace s3  }
0x97: {  	_ =	strace $0x8FFFFFFF  }
0x98: {  	s19 =	sld [smem:$0x3FDB];
	_ =	sdelay $0x1  }
0x99: {  	s4 =	simm.s32 $_scs_section_size  }
0x9a: {  	s5 =	simm.s32 $_size__tile_overlayer_lowered;
	s6 =	simm.s32 $_tile_overlayer_lowered  }
0x9b: {  	s22 =	simm.s32 $0x1BFF;
	s21 =	sshll.u32 s6, $0x1;
	s3 =	sadd.s32 s4, s19  }
0x9c: {  	s7 =	simm.s32 $0x0;
	s20 =	sshll.u32 s5, $0x1;
	s5 =	sadd.s32 s21, s3  }
0x9d: {  	[timem:s7], [sflag:s22] =	dma.local [hbm:s5], s20  }
0x9e: {  	_ =	swait.ge [sflag:s22], s20  }
0x9f: {  	s4 =	ssub.s32 $0x0, s20;
	[sflag:s22] =	ssyncset.done $0x0  }
0xa0: {  	[sflag:s22] =	ssyncadd.s32 s4;
	_ =	sdelay $0x1  }
0xa1: {  	s23 =	simm.s32 $0x1B8B  }
0xa2: {  	_ =	swait.ge [sflag:s23], $0x1  }
0xa3: {  	[sflag:s23] =	ssyncset.done $0x0  }
0xa4: {  	s25 =	simm.s32 $0x1B8E;
	s24 =	sld [smem:$0x3FFE];
	[sflag:s23] =	ssyncadd.s32 $0xFFFFFFFF  }
0xa5: {  	s26 =	simm.s32 $execute0_lowered;
	[smem:$0x3FD2] =	sst s25  }
0xa6: {  	s5 =	sshll.u32 s26, $0x1;
	_ =	strace $0x80000052;
	[dreg:$0x1] =	wrdreg $0xFFFFFFFF  }
0xa7: {  	s28 =	simm.s32 $_size_execute0_lowered;
	s3 =	sadd.s32 s3, s5;
	[dreg:$0x0] =	wrdreg $0x0  }
0xa8: {  	s5 =	sshll.u32 s28, $0x1;
	[dreg:$0x2] =	wrdreg s3  }
0xa9: {  	[dreg:$0x3] =	wrdreg s5  }
0xaa: {  	[dreg:$0x4] =	wrdreg $0xC0  }
0xab: {  	_ =	task [dreg:s7], $0x5FFFF  }
0xac: {  	[dreg:$0x1] =	wrdreg $0xFFFFFFFF  }
0xad: {  	[dreg:$0x0] =	wrdreg $0x60  }
0xae: {  	[dreg:$0x2] =	wrdreg s24  }
0xaf: {  	[dreg:$0x3] =	wrdreg s2  }
0xb0: {  	[dreg:$0x4] =	wrdreg $0xB8000  }
0xb1: {  	[dreg:$0x5] =	wrdreg $0x9  }
0xb2: {  	_ =	task.clear_ibuf [dreg:s7], $0x6FFFF;
	_ =	strace $0x90000052  }
0xb3: {  	s29 =	simm.s32 $0x9;
	_ =	strace $0x80000054  }
0xb4: {  	_ =	swait.ge [sflag:s29], $0x1  }
0xb5: {  	[sflag:s29] =	ssyncadd.s32 $0xFFFFFFFF  }
0xb6: {  	_ =	strace $0x90000054  }
0xb7: {  	_ =	sfence  }
0xb8: {  	s30 =	sld [smem:$0x0];
	_ =	sdelay $0x2  }
0xb9: {  	s31 =	sshll.u32 s1, $0xD;
	s1 =	sshrl.u32 s1, $0x2  }
0xba: {  	s3 =	sand.u32 $0x4000, s31;
	s1 =	sadd.s32 s1, s30  }
0xbb: {  	s0 =	sor.u32 s3, s0;
	s1 =	sshll.u32 s1, $0x11  }
0xbc: {  	s0 =	sor.u32 s1, s0  }
0xbd: {  	s0 =	sadd.s32 $0x8F2B, s0  }
0xbe: {  	[sflag:s0] =	ssyncadd.remote.s32 $0x1  }
0xbf: {  	_ =	sfence.sel $0xFFFF  }
0xc0: {  	[dreg:$0x0] =	wrdreg $0xFFFFFFFF;
	(pc) =	sbr.abs _section_cstart, $3  }
0xc1: {  	[dreg:$0x1] =	wrdreg $0xFFFFFFFF  }
0xc2: {  	_ =	task.clear_ibuf [dreg:s7], $0x2FFFF;
	_ =	strace $0x9FFFFFFF  }
0xc3: {  	(tm) =	ssettm $0x7FFFFFFF  }
tec
execute0_lowered:
.L_overlay_start_1:
0x0: {  	(tag) =	ssettag $0x1  }
0x1: {  	s0 =	rddreg [dreg:$0x0]  }
0x2: {  	s6 =	stileid.u32;
	s14 =	rddreg [dreg:$0x1]  }
0x3: {  	s1 =	srdreg.scid;
	s2 =	rddreg [dreg:$0x2];
	s28 =	simm.s32 $0x9800  }
0x4: {  	s29 =	simm.s32 $0x1;
	s30 =	simm.s32 $0x0;
	s4 =	smul.u32 $0x14000, s6  }
0x5: {  	s1 =	sand.u32 $0x1, s1;
	s3 =	sshll.u32 s6, $0x1;
	s10 =	smul.u32 $0x9E00, s6  }
0x6: {  	s5 =	sor.u32 s1, s3;
	s3 =	simm.s32 $0x0;
	s18 =	ssub.s32 $0x2, s1  }
0x7: {  	s5 =	smul.u32 $0x500, s5;
	[smem:$0x7FF] =	sst s3;
	s15 =	sadd.s32 s4, s0  }
0x8: {  	s19 =	sshrl.u32 s18, $0x1;
	s11 =	sadd.s32 $0x2000, s10;
	s20 =	sshrl.u32 s10, $0x1  }
0x9: {  	s12 =	sadd.s32 $0x4000, s10;
	s13 =	sadd.s32 $0x6000, s10;
	s17 =	sadd.s32 $0x8000, s10  }
0xa: {  	_ =	strace $0x80000053;
	s16 =	ssub.s32 s18, s19;
	s21 =	sshrl.u32 s11, $0x1  }
0xb: {  	s4 =	sadd.s32 s20, s2;
	s22 =	sshrl.u32 s12, $0x1;
	s18 =	smul.u32 $0x9E000, s1  }
0xc: {  	s7 =	sshrl.u32 s13, $0x1;
	s8 =	sshrl.u32 s17, $0x1;
	s1 =	smul.u32 $0xA000, s1  }
0xd: {  	s19 =	simm.s32 $0x2800;
	s20 =	simm.s32 $0x80;
	s0 =	sadd.s32 s5, s0  }
0xe: {  	s5 =	sadd.s32 s21, s2;
	s6 =	sadd.s32 s22, s2;
	s7 =	sadd.s32 s7, s2  }
0xf: {  	s8 =	sadd.s32 s8, s2;
	s21 =	simm.s32 $0x3800;
	s22 =	simm.s32 $0x4800  }
0x10: {  	s0 =	sadd.s32 $0x10000, s0;
	s23 =	sadd.s32 s10, s18;
	s24 =	sadd.s32 s18, s11  }
0x11: {  	s12 =	sadd.s32 s18, s12;
	s13 =	sadd.s32 s18, s13;
	s17 =	sadd.s32 s18, s17  }
0x12: {  	s31 =	sadd.s32 s1, s15;
	s15 =	smax.u32 s16, $0x1;
	s18 =	simm.s32 $0x2  }
0x13: {  	[dreg:$0x4] =	wrdreg s0;
	s0 =	sshrl.u32 s23, $0x4;
	s11 =	sshrl.u32 s24, $0x4  }
0x14: {  	s25 =	sshrl.u32 s12, $0x4;
	s26 =	sshrl.u32 s13, $0x4;
	s17 =	sshrl.u32 s17, $0x4  }
0x15: {  	s16 =	sadd.s32 $0x15A000, s31;
	s23 =	simm.s32 $0x5800;
	s24 =	simm.s32 $0x6800  }
0x16: {  	s0 =	sadd.s32 s14, s0;
	s11 =	sadd.s32 s14, s11;
	s12 =	sadd.s32 s14, s25  }
0x17: {  	s13 =	sadd.s32 s14, s26;
	s14 =	sadd.s32 s14, s17;
	s17 =	simm.s32 $0xA800  }
0x18: {  	v0 =	vimm.bf16 $0.0e+00;
	s25 =	simm.s32 $0x7800;
	s26 =	simm.s32 $0x8800;
	[dreg:$0x5] =	wrdreg s0  }
.LBB2_1:
0x19: {  	s1 =	simm.s32 $0x80;
	s0 =	simm.s32 $0x0  }
.LBB2_2:
0x1a: {  	p0 =	sne.s32 s1, $0x3F80;
	[tilespmem:s0+$0xA800] =	vst v0;
	s31 =	smov.u32 s1;
	s1 =	sadd.s32 $0x80, s1  }
.Ltmp0:
0x1b: {  	[tilespmem:s0+$0xA810] =	vst v0;
	(pc) =	sbr.rel @p0 .LBB2_2-.Ltmp0, $2  }
0x1c: {  	_ =	sdelay $0x2  }
0x1d: {  	s0 =	sshra.s32 s31, $0x2  }
0x1e: {  	[tilespmem:s0+$0xA800] =	vst v0  }
0x1f: {  	[tilespmem:s0+$0xA810] =	vst v0  }
0x20: {  	[spmem:s4] =	stream.linear.scatter [tilespmem:s17], [sflag:$0x2], $0x1000, $0x38;
	[tilespmem:$0x10700] =	vst v63  }
0x21: {  	_ =	swait.ge [sflag:s18], $0x1000  }
0x22: {  	[sflag:s18] =	ssyncset.done $0x0  }
0x23: {  	[sflag:s18] =	ssyncadd.s32 $0xFFFFF000  }
0x24: {  	[spmem:s5] =	stream.linear.scatter [tilespmem:s17], [sflag:$0x2], $0x1000, $0x38;
	[tilespmem:$0x10700] =	vst v63  }
0x25: {  	_ =	swait.ge [sflag:s18], $0x1000  }
0x26: {  	[sflag:s18] =	ssyncset.done $0x0  }
0x27: {  	[sflag:s18] =	ssyncadd.s32 $0xFFFFF000  }
0x28: {  	[spmem:s6] =	stream.linear.scatter [tilespmem:s17], [sflag:$0x2], $0x1000, $0x38;
	[tilespmem:$0x10700] =	vst v63  }
0x29: {  	_ =	swait.ge [sflag:s18], $0x1000  }
0x2a: {  	[sflag:s18] =	ssyncset.done $0x0  }
0x2b: {  	[sflag:s18] =	ssyncadd.s32 $0xFFFFF000  }
0x2c: {  	[spmem:s7] =	stream.linear.scatter [tilespmem:s17], [sflag:$0x2], $0x1000, $0x38;
	[tilespmem:$0x10700] =	vst v63  }
0x2d: {  	_ =	swait.ge [sflag:s18], $0x1000  }
0x2e: {  	[sflag:s18] =	ssyncset.done $0x0  }
0x2f: {  	[sflag:s18] =	ssyncadd.s32 $0xFFFFF000  }
0x30: {  	[spmem:s8] =	stream.linear.scatter [tilespmem:s17], [sflag:$0x2], $0xF00, $0x38;
	[tilespmem:$0x10700] =	vst v63  }
0x31: {  	_ =	swait.ge [sflag:s18], $0xF00  }
0x32: {  	[sflag:s18] =	ssyncset.done $0x0  }
0x33: {  	[sflag:s18] =	ssyncadd.s32 $0xFFFFF100  }
0x34: {  	[bflag:$0x0] =	sbarrier.arrive $0xFFFF  }
0x35: {  	s10 =	simm.s32 $0x0;
	s1 =	rddreg [dreg:$0x4]  }
0x36: {  	[tilespmem:s10], [sflag:$0x2] =	stream.linear.gather [hbm4b:s1+s10], $0x2800, $0x38;
	[tilespmem:$0x10700] =	vst v63  }
0x37: {  	_ =	swait.ge [sflag:s18], $0x2800  }
0x38: {  	[sflag:s18] =	ssyncset.done $0x0  }
0x39: {  	s1 =	sadd.s32 $0x0, s16;
	[sflag:s18] =	ssyncadd.s32 $0xFFFFD800  }
0x3a: {  	[tilespmem:s19], [sflag:$0x2] =	stream.linear.gather [hbm4b:s1+s3], $0x8000, $0x38;
	[tilespmem:$0x10700] =	vst v63  }
0x3b: {  	_ =	swait.ge [sflag:s18], $0x8000  }
0x3c: {  	[sflag:s18] =	ssyncset.done $0x0  }
0x3d: {  	s9 =	simm.s32 $0x0;
	[sflag:s18] =	ssyncadd.s32 $0xFFFF8000  }
0x3e: {  	[spmem:s2] =	stream.indirect.scatter.add.bf16 [tilespmem:s19], [sflag:$0x1], $0x20, s9, s20, $0xb8;
	[tilespmem:$0x10700] =	vst v63  }
0x3f: {  	s10 =	simm.s32 $0x80  }
0x40: {  	[spmem:s2] =	stream.indirect.scatter.add.bf16 [tilespmem:s21], [sflag:$0x1], $0x20, s10, s20, $0xb8;
	[tilespmem:$0x10700] =	vst v63  }
0x41: {  	s1 =	simm.s32 $0x100  }
0x42: {  	[spmem:s2] =	stream.indirect.scatter.add.bf16 [tilespmem:s22], [sflag:$0x1], $0x20, s1, s20, $0xb8;
	[tilespmem:$0x10700] =	vst v63  }
0x43: {  	s9 =	simm.s32 $0x180  }
0x44: {  	[spmem:s2] =	stream.indirect.scatter.add.bf16 [tilespmem:s23], [sflag:$0x1], $0x20, s9, s20, $0xb8;
	[tilespmem:$0x10700] =	vst v63  }
0x45: {  	s10 =	simm.s32 $0x200  }
0x46: {  	[spmem:s2] =	stream.indirect.scatter.add.bf16 [tilespmem:s24], [sflag:$0x1], $0x20, s10, s20, $0xb8;
	[tilespmem:$0x10700] =	vst v63  }
0x47: {  	s1 =	simm.s32 $0x280  }
0x48: {  	[spmem:s2] =	stream.indirect.scatter.add.bf16 [tilespmem:s25], [sflag:$0x1], $0x20, s1, s20, $0xb8;
	[tilespmem:$0x10700] =	vst v63  }
0x49: {  	s9 =	simm.s32 $0x300  }
0x4a: {  	[spmem:s2] =	stream.indirect.scatter.add.bf16 [tilespmem:s26], [sflag:$0x1], $0x20, s9, s20, $0xb8;
	[tilespmem:$0x10700] =	vst v63  }
0x4b: {  	s10 =	simm.s32 $0x380  }
0x4c: {  	[spmem:s2] =	stream.indirect.scatter.add.bf16 [tilespmem:s28], [sflag:$0x1], $0x20, s10, s20, $0xb8;
	[tilespmem:$0x10700] =	vst v63  }
0x4d: {  	_ =	swait.ge [sflag:s29], $0x1000  }
0x4e: {  	[sflag:s29] =	ssyncset.done $0x0  }
0x4f: {  	[sflag:s29] =	ssyncadd.s32 $0xFFFFF000  }
0x50: {  	_ =	swait.ge [sflag:s29], $0x1000  }
0x51: {  	[sflag:s29] =	ssyncset.done $0x0  }
0x52: {  	[sflag:s29] =	ssyncadd.s32 $0xFFFFF000  }
0x53: {  	_ =	swait.ge [sflag:s29], $0x1000  }
0x54: {  	[sflag:s29] =	ssyncset.done $0x0  }
0x55: {  	[sflag:s29] =	ssyncadd.s32 $0xFFFFF000  }
0x56: {  	_ =	swait.ge [sflag:s29], $0x1000  }
0x57: {  	[sflag:s29] =	ssyncset.done $0x0  }
0x58: {  	[sflag:s29] =	ssyncadd.s32 $0xFFFFF000  }
0x59: {  	_ =	swait.ge [sflag:s29], $0x1000  }
0x5a: {  	[sflag:s29] =	ssyncset.done $0x0  }
0x5b: {  	[sflag:s29] =	ssyncadd.s32 $0xFFFFF000  }
0x5c: {  	_ =	swait.ge [sflag:s29], $0x1000  }
0x5d: {  	[sflag:s29] =	ssyncset.done $0x0  }
0x5e: {  	[sflag:s29] =	ssyncadd.s32 $0xFFFFF000  }
0x5f: {  	_ =	swait.ge [sflag:s29], $0x1000  }
0x60: {  	[sflag:s29] =	ssyncset.done $0x0  }
0x61: {  	[sflag:s29] =	ssyncadd.s32 $0xFFFFF000  }
0x62: {  	_ =	swait.ge [sflag:s29], $0x1000  }
0x63: {  	s31 =	simm.s32 $0x1000;
	s1 =	simm.s32 $0x2000;
	[sflag:s29] =	ssyncset.done $0x0  }
.LBB2_4:
0x64: {  	s9 =	sadd.s32 s31, s16  }
0x65: {  	[sflag:s29] =	ssyncadd.s32 $0xFFFFF000;
	s10 =	smov.u32 s1;
	s0 =	sadd.s32 $0x1000, s1  }
0x66: {  	[tilespmem:s19], [sflag:$0x2] =	stream.linear.gather [hbm4b:s9+s3], $0x8000, $0x38;
	[tilespmem:$0x10700] =	vst v63  }
0x67: {  	p0 =	sne.s32 s1, $0x9000;
	_ =	swait.ge [sflag:s18], $0x8000  }
0x68: {  	[sflag:s18] =	ssyncset.done $0x0  }
0x69: {  	s1 =	sshra.s32 s31, $0x2;
	s31 =	smov.u32 s10;
	[sflag:s18] =	ssyncadd.s32 $0xFFFF8000  }
0x6a: {  	[spmem:s2] =	stream.indirect.scatter.add.bf16 [tilespmem:s19], [sflag:$0x1], $0x20, s1, s20, $0xb8;
	[tilespmem:$0x10700] =	vst v63  }
0x6b: {  	s9 =	sadd.s32 $0x80, s1  }
0x6c: {  	[spmem:s2] =	stream.indirect.scatter.add.bf16 [tilespmem:s21], [sflag:$0x1], $0x20, s9, s20, $0xb8;
	[tilespmem:$0x10700] =	vst v63  }
0x6d: {  	s9 =	sadd.s32 $0x100, s1  }
0x6e: {  	[spmem:s2] =	stream.indirect.scatter.add.bf16 [tilespmem:s22], [sflag:$0x1], $0x20, s9, s20, $0xb8;
	[tilespmem:$0x10700] =	vst v63  }
0x6f: {  	s9 =	sadd.s32 $0x180, s1  }
0x70: {  	[spmem:s2] =	stream.indirect.scatter.add.bf16 [tilespmem:s23], [sflag:$0x1], $0x20, s9, s20, $0xb8;
	[tilespmem:$0x10700] =	vst v63  }
0x71: {  	s9 =	sadd.s32 $0x200, s1  }
0x72: {  	[spmem:s2] =	stream.indirect.scatter.add.bf16 [tilespmem:s24], [sflag:$0x1], $0x20, s9, s20, $0xb8;
	[tilespmem:$0x10700] =	vst v63  }
0x73: {  	s9 =	sadd.s32 $0x280, s1  }
0x74: {  	[spmem:s2] =	stream.indirect.scatter.add.bf16 [tilespmem:s25], [sflag:$0x1], $0x20, s9, s20, $0xb8;
	[tilespmem:$0x10700] =	vst v63  }
0x75: {  	s9 =	sadd.s32 $0x300, s1  }
0x76: {  	[spmem:s2] =	stream.indirect.scatter.add.bf16 [tilespmem:s26], [sflag:$0x1], $0x20, s9, s20, $0xb8;
	[tilespmem:$0x10700] =	vst v63  }
0x77: {  	s1 =	sadd.s32 $0x380, s1  }
0x78: {  	[spmem:s2] =	stream.indirect.scatter.add.bf16 [tilespmem:s28], [sflag:$0x1], $0x20, s1, s20, $0xb8;
	[tilespmem:$0x10700] =	vst v63  }
0x79: {  	_ =	swait.ge [sflag:s29], $0x1000  }
0x7a: {  	[sflag:s29] =	ssyncset.done $0x0  }
0x7b: {  	[sflag:s29] =	ssyncadd.s32 $0xFFFFF000  }
0x7c: {  	_ =	swait.ge [sflag:s29], $0x1000  }
0x7d: {  	[sflag:s29] =	ssyncset.done $0x0  }
0x7e: {  	[sflag:s29] =	ssyncadd.s32 $0xFFFFF000  }
0x7f: {  	_ =	swait.ge [sflag:s29], $0x1000  }
0x80: {  	[sflag:s29] =	ssyncset.done $0x0  }
0x81: {  	[sflag:s29] =	ssyncadd.s32 $0xFFFFF000  }
0x82: {  	_ =	swait.ge [sflag:s29], $0x1000  }
0x83: {  	[sflag:s29] =	ssyncset.done $0x0  }
0x84: {  	[sflag:s29] =	ssyncadd.s32 $0xFFFFF000  }
0x85: {  	_ =	swait.ge [sflag:s29], $0x1000  }
0x86: {  	[sflag:s29] =	ssyncset.done $0x0  }
0x87: {  	[sflag:s29] =	ssyncadd.s32 $0xFFFFF000  }
0x88: {  	_ =	swait.ge [sflag:s29], $0x1000  }
0x89: {  	[sflag:s29] =	ssyncset.done $0x0  }
0x8a: {  	[sflag:s29] =	ssyncadd.s32 $0xFFFFF000  }
.Ltmp1:
0x8b: {  	_ =	swait.ge [sflag:s29], $0x1000;
	(pc) =	sbr.rel @p0 .LBB2_4-.Ltmp1, $4  }
0x8c: {  	[sflag:s29] =	ssyncset.done $0x0  }
0x8d: {  	[sflag:s29] =	ssyncadd.s32 $0xFFFFF000  }
0x8e: {  	_ =	swait.ge [sflag:s29], $0x1000  }
0x8f: {  	s1 =	smov.u32 s0;
	[sflag:s29] =	ssyncset.done $0x0  }
0x90: {  	s0 =	sadd.s32 s31, s16;
	[sflag:s29] =	ssyncadd.s32 $0xFFFFF000  }
0x91: {  	[tilespmem:s19], [sflag:$0x2] =	stream.linear.gather [hbm4b:s0+s3], $0x8000, $0x38;
	[tilespmem:$0x10700] =	vst v63  }
0x92: {  	_ =	swait.ge [sflag:s18], $0x8000  }
0x93: {  	[sflag:s18] =	ssyncset.done $0x0  }
0x94: {  	s0 =	sshra.s32 s31, $0x2;
	[sflag:s18] =	ssyncadd.s32 $0xFFFF8000  }
0x95: {  	[spmem:s2] =	stream.indirect.scatter.add.bf16 [tilespmem:s19], [sflag:$0x1], $0x20, s0, s20, $0xb8;
	[tilespmem:$0x10700] =	vst v63  }
0x96: {  	s1 =	sadd.s32 $0x80, s0  }
0x97: {  	[spmem:s2] =	stream.indirect.scatter.add.bf16 [tilespmem:s21], [sflag:$0x1], $0x20, s1, s20, $0xb8;
	[tilespmem:$0x10700] =	vst v63  }
0x98: {  	s10 =	sadd.s32 $0x100, s0  }
0x99: {  	[spmem:s2] =	stream.indirect.scatter.add.bf16 [tilespmem:s22], [sflag:$0x1], $0x20, s10, s20, $0xb8;
	[tilespmem:$0x10700] =	vst v63  }
0x9a: {  	s31 =	sadd.s32 $0x180, s0  }
0x9b: {  	[spmem:s2] =	stream.indirect.scatter.add.bf16 [tilespmem:s23], [sflag:$0x1], $0x20, s31, s20, $0xb8;
	[tilespmem:$0x10700] =	vst v63  }
0x9c: {  	s9 =	sadd.s32 $0x200, s0  }
0x9d: {  	[spmem:s2] =	stream.indirect.scatter.add.bf16 [tilespmem:s24], [sflag:$0x1], $0x20, s9, s20, $0xb8;
	[tilespmem:$0x10700] =	vst v63  }
0x9e: {  	s10 =	sadd.s32 $0x280, s0  }
0x9f: {  	[spmem:s2] =	stream.indirect.scatter.add.bf16 [tilespmem:s25], [sflag:$0x1], $0x20, s10, s20, $0xb8;
	[tilespmem:$0x10700] =	vst v63  }
0xa0: {  	s31 =	sadd.s32 $0x300, s0  }
0xa1: {  	[spmem:s2] =	stream.indirect.scatter.add.bf16 [tilespmem:s26], [sflag:$0x1], $0x20, s31, s20, $0xb8;
	[tilespmem:$0x10700] =	vst v63  }
0xa2: {  	s0 =	sadd.s32 $0x380, s0  }
0xa3: {  	[spmem:s2] =	stream.indirect.scatter.add.bf16 [tilespmem:s28], [sflag:$0x1], $0x20, s0, s20, $0xb8;
	[tilespmem:$0x10700] =	vst v63  }
0xa4: {  	_ =	swait.ge [sflag:s29], $0x1000  }
0xa5: {  	[sflag:s29] =	ssyncset.done $0x0  }
0xa6: {  	[sflag:s29] =	ssyncadd.s32 $0xFFFFF000  }
0xa7: {  	_ =	swait.ge [sflag:s29], $0x1000  }
0xa8: {  	[sflag:s29] =	ssyncset.done $0x0  }
0xa9: {  	[sflag:s29] =	ssyncadd.s32 $0xFFFFF000  }
0xaa: {  	_ =	swait.ge [sflag:s29], $0x1000  }
0xab: {  	[sflag:s29] =	ssyncset.done $0x0  }
0xac: {  	[sflag:s29] =	ssyncadd.s32 $0xFFFFF000  }
0xad: {  	_ =	swait.ge [sflag:s29], $0x1000  }
0xae: {  	[sflag:s29] =	ssyncset.done $0x0  }
0xaf: {  	[sflag:s29] =	ssyncadd.s32 $0xFFFFF000  }
0xb0: {  	_ =	swait.ge [sflag:s29], $0x1000  }
0xb1: {  	[sflag:s29] =	ssyncset.done $0x0  }
0xb2: {  	[sflag:s29] =	ssyncadd.s32 $0xFFFFF000  }
0xb3: {  	_ =	swait.ge [sflag:s29], $0x1000  }
0xb4: {  	[sflag:s29] =	ssyncset.done $0x0  }
0xb5: {  	[sflag:s29] =	ssyncadd.s32 $0xFFFFF000  }
0xb6: {  	_ =	swait.ge [sflag:s29], $0x1000  }
0xb7: {  	[sflag:s29] =	ssyncset.done $0x0  }
0xb8: {  	[sflag:s29] =	ssyncadd.s32 $0xFFFFF000  }
0xb9: {  	_ =	swait.ge [sflag:s29], $0x1000  }
0xba: {  	[sflag:s29] =	ssyncset.done $0x0  }
0xbb: {  	s9 =	stileid.u32;
	[sflag:s29] =	ssyncadd.s32 $0xFFFFF000  }
0xbc: {  	s0 =	sshll.u32 s9, $0x6;
	[bflag:$0x0] =	sbarrier.arrive $0xFFFF  }
0xbd: {  	s10 =	sshrl.u32 s4, $0x3;
	s0 =	sor.u32 $0x1C02, s0;
	s9 =	rddreg [dreg:$0x5]  }
0xbe: {  	[hbm:s9], [sflag:s0] =	dma.local [spmem:s10], $0x200  }
0xbf: {  	_ =	swait.ge [sflag:s18], $0x200  }
0xc0: {  	[sflag:s18] =	ssyncset.done $0x0  }
0xc1: {  	s31 =	sshrl.u32 s5, $0x3;
	[sflag:s18] =	ssyncadd.s32 $0xFFFFFE00  }
0xc2: {  	[hbm:s11], [sflag:s0] =	dma.local [spmem:s31], $0x200  }
0xc3: {  	_ =	swait.ge [sflag:s18], $0x200  }
0xc4: {  	[sflag:s18] =	ssyncset.done $0x0  }
0xc5: {  	s9 =	sshrl.u32 s6, $0x3;
	[sflag:s18] =	ssyncadd.s32 $0xFFFFFE00  }
0xc6: {  	[hbm:s12], [sflag:s0] =	dma.local [spmem:s9], $0x200  }
0xc7: {  	_ =	swait.ge [sflag:s18], $0x200  }
0xc8: {  	[sflag:s18] =	ssyncset.done $0x0  }
0xc9: {  	s10 =	sshrl.u32 s7, $0x3;
	[sflag:s18] =	ssyncadd.s32 $0xFFFFFE00  }
0xca: {  	[hbm:s13], [sflag:s0] =	dma.local [spmem:s10], $0x200  }
0xcb: {  	s30 =	sadd.s32 $0x1, s30;
	_ =	swait.ge [sflag:s18], $0x200  }
0xcc: {  	p0 =	sne.s32 s30, s15;
	[sflag:s18] =	ssyncset.done $0x0  }
.Ltmp2:
0xcd: {  	s31 =	sshrl.u32 s8, $0x3;
	[sflag:s18] =	ssyncadd.s32 $0xFFFFFE00;
	(pc) =	sbr.rel @p0 .LBB2_1-.Ltmp2, $4  }
0xce: {  	[hbm:s14], [sflag:s0] =	dma.local [spmem:s31], $0x1E0  }
0xcf: {  	_ =	swait.ge [sflag:s18], $0x1E0  }
0xd0: {  	[sflag:s18] =	ssyncset.done $0x0  }
0xd1: {  	[sflag:s18] =	ssyncadd.s32 $0xFFFFFE20  }
0xd2: {  	_ =	sfence.sel $0x180000  }
0xd3: {  	[bflag:$0x0] =	sbarrier.arrive $0xFFFF  }
0xd4: {  	_ =	strace $0x90000053  }
0xd5: {  	s0 =	stileid.u32;
	[bflag:$0x2] =	sbarrier.arrive $0xFFFF  }
0xd6: {  	p0 =	sne.s32 s0, $0x0;
	s0 =	rddreg [dreg:$0x3]  }
0xd7: {  	s0 =	sadd.s32 @!p0 $0x100000, s0  }
0xd8: {  	[sflag:s0] =	ssyncadd.tile.s32 @!p0 $0x1;
	_ =	shalt  }
.Lfunc_end2:
_tile_overlayer_lowered:
.L_overlay_start_2:
0xd9: {  	(tag) =	ssettag $0x2  }
0xda: {  	s0 =	rddreg [dreg:$0x0];
	s2 =	stileid.u32  }
0xdb: {  	s1 =	rddreg [dreg:$0x1];
	p0 =	sne.s32 s2, $0x0  }
0xdc: {  	s3 =	rddreg [dreg:$0x2];
	[bflag:$0x3] =	sbarrier.arrive $0xFFFF;
	s2 =	simm.s32 @!p0 $0x1C02  }
0xdd: {  	[timem:s3], [sflag:s2] =	dma.local @!p0 [hbm:s0], s1  }
0xde: {  	s0 =	simm.s32 @!p0 $0x2  }
0xdf: {  	_ =	swait.ge @!p0 [sflag:s0], s1  }
0xe0: {  	s1 =	ssub.s32 @!p0 $0x0, s1;
	[sflag:s0] =	ssyncset.done @!p0 $0x0  }
0xe1: {  	[sflag:s0] =	ssyncadd.s32 @!p0 s1  }
0xe2: {  	[bflag:$0x3] =	sbarrier.arrive $0xFFFF  }
0xe3: {  	_ =	shalt  }

// kernel: sparse-core-data-format-call.cloned.1.call-start
scs
called_computation_lowered:
.L_overlay_start_0:
0x0: {  	s1 =	sld [smem:$0x3FD9]  }
0x1: {  	s2 =	sld [smem:$0x3FFE];
	_ =	sdelay $0x1  }
0x2: {  	s3 =	srdreg.scid  }
0x3: {  	s0 =	sand.u32 $0x1, s3  }
0x4: {  	s17 =	sshll.u32 s0, $0xA;
	s1 =	sadd.s32 s2, s1  }
0x5: {  	s1 =	sadd.s32 s1, s17  }
0x6: {  	[smem:$0x3FB7] =	sst s1  }
0x7: {  	_ = 	snop  }
0x8: {  	(tm) =	ssettm $0x1  }
0x9: {  	s18 =	sld [smem:$0x3FFB];
	_ =	sdelay $0x3  }
0xa: {  	_ =	strace s18  }
0xb: {  	s1 =	sld [smem:$0x3FFC];
	_ =	sdelay $0x3  }
0xc: {  	_ =	strace s1  }
0xd: {  	s1 =	sld [smem:$0x3FFD];
	_ =	sdelay $0x3  }
0xe: {  	_ =	strace s1  }
0xf: {  	_ =	strace $0x8FFFFFFF  }
0x10: {  	s19 =	sld [smem:$0x3FDB];
	_ =	sdelay $0x1  }
0x11: {  	s20 =	simm.s32 $_scs_section_size  }
0x12: {  	s4 =	simm.s32 $_size__tile_overlayer_lowered;
	s5 =	simm.s32 $_tile_overlayer_lowered  }
0x13: {  	s23 =	simm.s32 $0x1BFF;
	s22 =	sshll.u32 s5, $0x1;
	s1 =	sadd.s32 s20, s19  }
0x14: {  	s6 =	simm.s32 $0x0;
	s21 =	sshll.u32 s4, $0x1;
	s4 =	sadd.s32 s22, s1  }
0x15: {  	[timem:s6], [sflag:s23] =	dma.local [hbm:s4], s21  }
0x16: {  	_ =	swait.ge [sflag:s23], s21  }
0x17: {  	s2 =	ssub.s32 $0x0, s21;
	[sflag:s23] =	ssyncset.done $0x0  }
0x18: {  	[sflag:s23] =	ssyncadd.s32 s2;
	_ =	sdelay $0x1  }
0x19: {  	s24 =	simm.s32 $0x1B8B  }
0x1a: {  	_ =	swait.ge [sflag:s24], $0x1  }
0x1b: {  	[sflag:s24] =	ssyncset.done $0x0  }
0x1c: {  	s26 =	simm.s32 $0x1B8E;
	s25 =	sld [smem:$0x3FFE];
	[sflag:s24] =	ssyncadd.s32 $0xFFFFFFFF  }
0x1d: {  	s27 =	simm.s32 $execute0_lowered;
	[smem:$0x3FD2] =	sst s26  }
0x1e: {  	s4 =	sshll.u32 s27, $0x1;
	_ =	strace $0x8000004F;
	[dreg:$0x1] =	wrdreg $0xFFFFFFFF  }
0x1f: {  	s28 =	simm.s32 $_size_execute0_lowered;
	s1 =	sadd.s32 s1, s4;
	[dreg:$0x0] =	wrdreg $0x0  }
0x20: {  	s4 =	sshll.u32 s28, $0x1;
	[dreg:$0x2] =	wrdreg s1  }
0x21: {  	[dreg:$0x3] =	wrdreg s4  }
0x22: {  	[dreg:$0x4] =	wrdreg $0xC0  }
0x23: {  	_ =	task [dreg:s6], $0x5FFFF  }
0x24: {  	[dreg:$0x1] =	wrdreg $0xFFFFFFFF  }
0x25: {  	[dreg:$0x0] =	wrdreg $0x60  }
0x26: {  	[dreg:$0x2] =	wrdreg s25  }
0x27: {  	[dreg:$0x3] =	wrdreg $0x9  }
0x28: {  	_ =	task.clear_ibuf [dreg:s6], $0x4FFFF;
	_ =	strace $0x9000004F  }
0x29: {  	s29 =	simm.s32 $0x9;
	_ =	strace $0x80000051  }
0x2a: {  	_ =	swait.ge [sflag:s29], $0x1  }
0x2b: {  	[sflag:s29] =	ssyncadd.s32 $0xFFFFFFFF  }
0x2c: {  	_ =	strace $0x90000051  }
0x2d: {  	_ =	sfence  }
0x2e: {  	s30 =	sld [smem:$0x0];
	_ =	sdelay $0x2  }
0x2f: {  	s31 =	sshll.u32 s3, $0xD;
	s3 =	sshrl.u32 s3, $0x2  }
0x30: {  	s2 =	sand.u32 $0x4000, s31;
	s1 =	sadd.s32 s3, s30  }
0x31: {  	s0 =	sor.u32 s2, s0;
	s1 =	sshll.u32 s1, $0x11  }
0x32: {  	s0 =	sor.u32 s1, s0  }
0x33: {  	s0 =	sadd.s32 $0x8F2B, s0  }
0x34: {  	[sflag:s0] =	ssyncadd.remote.s32 $0x1  }
0x35: {  	_ =	sfence.sel $0xFFFF  }
0x36: {  	[dreg:$0x0] =	wrdreg $0xFFFFFFFF;
	(pc) =	sbr.abs _section_cstart, $3  }
0x37: {  	[dreg:$0x1] =	wrdreg $0xFFFFFFFF  }
0x38: {  	_ =	task.clear_ibuf [dreg:s6], $0x2FFFF;
	_ =	strace $0x9FFFFFFF  }
0x39: {  	(tm) =	ssettm $0x7FFFFFFF  }
tec
execute0_lowered:
.L_overlay_start_1:
0x0: {  	(tag) =	ssettag $0x1  }
0x1: {  	s0 =	srdreg.scid  }
0x2: {  	s1 =	sshll.u32 s0, $0x4  }
0x3: {  	s4 =	rddreg [dreg:$0x0];
	s0 =	stileid.u32;
	s1 =	sand.u32 $0x10, s1  }
0x4: {  	s7 =	simm.s32 $0x1;
	s8 =	simm.s32 $0x2;
	s1 =	sor.u32 s0, s1  }
0x5: {  	s9 =	simm.s32 $0x0;
	s12 =	simm.s32 $0x0;
	s2 =	sshll.u32 s1, $0x4  }
0x6: {  	s11 =	simm.s32 $0x0;
	s3 =	sadd.s32 $0x1A000, s4;
	s6 =	ssub.s32 $0x2800, s2  }
.Ltmp0:
0x7: {  	s4 =	sadd.s32 $0x15A000, s4;
	s5 =	sand.u32 $0x1F0, s6;
	(pc) =	sbr.rel .LBB1_1-.Ltmp0, $4  }
0x8: {  	s1 =	rddreg [dreg:$0x1];
	_ =	strace $0x80000050;
	p0 =	sne.s32 s5, $0x0  }
0x9: {  	s6 =	sshrl.u32 s6, $0x9;
	s5 =	simm.s32 $0x1;
	s7 =	simm.s32 @!p0 $0x0  }
0xa: {  	s10 =	smov.u32 s2;
	[sflag:s5] =	ssyncpa.u1 $0x0;
	s6 =	sadd.s32 s7, s6  }
0xb: {  	[sflag:s8] =	ssyncpa.u1 $0x0;
	s8 =	simm.s32 $0x0;
	s7 =	sadd.s32 $0x1, s6  }
.LBB1_7:
0xc: {  	s14 =	sadd.s32 $0x200, s10  }
0xd: {  	p1 =	sgt.s32 s14, $0x27FF  }
0xe: {  	s14 =	smov.u32 @p1 s2;
	p1 =	sne.s32 s11, s7  }
.Ltmp1:
0xf: {  	p0 =	slt.u32 s11, $0x2;
	(pc) =	sbr.rel @!p1 .LBB1_8-.Ltmp1, $4  }
0x10: {  	s13 =	simm.s32 @!p0 $0x2  }
0x11: {  	s15 =	sadd.s32 $0x1, s11;
	_ =	swait.ge @!p0 [sflag:s13], $0x4000  }
0x12: {  	s12 =	smov.u32 s10;
	s9 =	sadd.s32 $0x8000, s9;
	[sflag:s13] =	ssyncset.done @!p0 $0x0  }
0x13: {  	s11 =	smov.u32 s15;
	s10 =	smov.u32 s14;
	[sflag:s13] =	ssyncadd.s32 @!p0 $0xFFFFC000  }
.LBB1_1:
0x14: {  	p0 =	sge.u32 s11, s6  }
0x15: {  	s13 =	sxor.u32 @!p0 $0xFFFFFFFF, s11  }
0x16: {  	s31 =	sadd.s32 $0xFFFFFFFF, s11;
	s14 =	sshll.u32 @!p0 s10, $0x7;
	s13 =	sshll.u32 @!p0 s13, $0xE  }
0x17: {  	s15 =	simm.s32 @!p0 $0x0;
	s14 =	sadd.s32 @!p0 s3, s14;
	s13 =	sand.u32 @!p0 $0x4000, s13  }
0x18: {  	[tilespmem:s13], [sflag:$0x1] =	stream.linear.gather @!p0 [hbm4b:s14+s15], $0x4000, $0x38;
	[tilespmem:$0x10000] =	vst v63  }
0x19: {  	p0 =	sge.u32 s31, s6  }
.Ltmp2:
0x1a: {  	_ = 	snop;
	(pc) =	sbr.rel @p0 .LBB1_7-.Ltmp2, $1  }
0x1b: {  	_ =	sdelay $0x3  }
0x1c: {  	s13 =	sshrl.u32 s9, $0x1;
	_ =	swait.ge [sflag:s5], $0x4000  }
0x1d: {  	s15 =	sshll.u32 s11, $0xE;
	s16 =	simm.s32 $0x0;
	s14 =	sand.u32 $0x4000, s13  }
0x1e: {  	[sflag:s5] =	ssyncset.done $0x0;
	s15 =	sand.u32 $0x4000, s15;
	s13 =	sor.u32 $0x200, s14  }
0x1f: {  	s14 =	sor.u32 $0x8080, s14;
	[sflag:s5] =	ssyncadd.s32 $0xFFFFC000;
	s15 =	sor.u32 $0x8000, s15  }
.LBB1_3:
0x20: {  	v0 =	vld [tilespmem:s13+$0xFFFFFE70]  }
0x21: {  	v1 =	vld [tilespmem:s13+$0x70]  }
0x22: {  	v2 =	vld [tilespmem:s13+$0x0]  }
0x23: {  	v3 =	vld [tilespmem:s13+$0xFFFFFE10]  }
0x24: {  	v4 =	vld [tilespmem:s13+$0x10]  }
0x25: {  	v5 =	vld [tilespmem:s13+$0xFFFFFE20]  }
0x26: {  	v7 =	vld [tilespmem:s13+$0x20]  }
0x27: {  	v11 =	vld [tilespmem:s13+$0x30];
	v6 =	vunpack.i.l.s16.s32 v0;
	v8 =	vunpack.i.u.s16.s32 v0;
	v9 =	vunpack.i.u.s16.s32 v1  }
0x28: {  	v10 =	vunpack.i.l.s16.s32 v1;
	v0 =	vunpack.i.u.s16.s32 v2;
	v1 =	vunpack.i.l.s16.s32 v2;
	v2 =	vld [tilespmem:s13+$0xFFFFFE30]  }
0x29: {  	v8 =	vpack.i.b32.b16 v9, v8;
	v9 =	vunpack.i.u.s16.s32 v3;
	v3 =	vunpack.i.l.s16.s32 v3  }
0x2a: {  	v12 =	vld [tilespmem:s13+$0xFFFFFE40];
	v6 =	vpack.i.b32.b16 v10, v6;
	[tilespmem:s14+$0x70] =	vst v8;
	v8 =	vunpack.i.u.s16.s32 v4;
	v4 =	vunpack.i.l.s16.s32 v4  }
0x2b: {  	v13 =	vld [tilespmem:s13+$0x40];
	v10 =	vunpack.i.u.s16.s32 v5;
	v5 =	vunpack.i.l.s16.s32 v5;
	[tilespmem:s14+$0xFFFFFFF0] =	vst v6;
	v3 =	vpack.i.b32.b16 v4, v3  }
0x2c: {  	v6 =	vunpack.i.l.s16.s32 v7;
	v4 =	vld [tilespmem:s13+$0xFFFFFE50];
	[tilespmem:s14+$0xFFFFFF90] =	vst v3;
	v3 =	vpack.i.b32.b16 v8, v9;
	v8 =	vunpack.i.u.s16.s32 v7  }
0x2d: {  	v7 =	vunpack.i.l.s16.s32 v11;
	[tilespmem:s14+$0x10] =	vst v3;
	v3 =	vpack.i.b32.b16 v6, v5;
	v9 =	vunpack.i.u.s16.s32 v2;
	v6 =	vld [tilespmem:s13+$0x50]  }
0x2e: {  	v5 =	vunpack.i.l.s16.s32 v2;
	v2 =	vld [tilespmem:s13+$0xFFFFFE60];
	[tilespmem:s14+$0xFFFFFFA0] =	vst v3;
	v3 =	vpack.i.b32.b16 v8, v10;
	v10 =	vunpack.i.u.s16.s32 v11  }
0x2f: {  	s19 =	simm.s32 $0x0;
	v11 =	vpack.i.b32.b16 v7, v5;
	v7 =	vunpack.i.u.s16.s32 v12;
	v8 =	vunpack.i.l.s16.s32 v12;
	[tilespmem:s14+$0x20] =	vst v3;
	v3 =	vld [tilespmem:s13+$0x60]  }
0x30: {  	s20 =	sadd.s32 $0x80, s13;
	s18 =	smov.u32 s14;
	s17 =	smov.u32 s14;
	v5 =	vld [tilespmem:s13+$0xFFFFFE00];
	[tilespmem:s14+$0xFFFFFFB0] =	vst v11;
	v10 =	vpack.i.b32.b16 v10, v9;
	v9 =	vunpack.i.u.s16.s32 v13;
	v11 =	vunpack.i.l.s16.s32 v13  }
.LBB1_4:
0x31: {  	v12 =	vld [tilespmem:s20+$0xFFFFFE70];
	[tilespmem:s18+$0x30] =	vst v10;
	v8 =	vpack.i.b32.b16 v11, v8;
	v10 =	vunpack.i.u.s16.s32 v4;
	v4 =	vunpack.i.l.s16.s32 v4  }
0x32: {  	s19 =	sadd.s32 $0x2, s19;
	v7 =	vpack.i.b32.b16 v9, v7;
	v11 =	vld [tilespmem:s20+$0x70];
	[tilespmem:s18+$0xFFFFFFC0] =	vst v8;
	v8 =	vunpack.i.u.s16.s32 v6;
	v6 =	vunpack.i.l.s16.s32 v6  }
0x33: {  	p0 =	slt.u32 s19, $0x6;
	v9 =	vld [tilespmem:s20+$0x0];
	[tilespmem:s18+$0x40] =	vst v7;
	v4 =	vpack.i.b32.b16 v6, v4;
	v6 =	vunpack.i.u.s16.s32 v2;
	v2 =	vunpack.i.l.s16.s32 v2  }
0x34: {  	v7 =	vld [tilespmem:s20+$0xFFFFFE10];
	[tilespmem:s18+$0xFFFFFFD0] =	vst v4;
	v4 =	vpack.i.b32.b16 v8, v10;
	v8 =	vunpack.i.u.s16.s32 v3;
	v3 =	vunpack.i.l.s16.s32 v3  }
0x35: {  	v10 =	vld [tilespmem:s20+$0x10];
	v13 =	vunpack.i.u.s16.s32 v5;
	v5 =	vunpack.i.l.s16.s32 v5;
	[tilespmem:s18+$0x50] =	vst v4;
	v2 =	vpack.i.b32.b16 v3, v2  }
0x36: {  	v3 =	vld [tilespmem:s20+$0xFFFFFE20];
	v4 =	vunpack.i.l.s16.s32 v12;
	v1 =	vpack.i.b32.b16 v1, v5;
	v5 =	vpack.i.b32.b16 v0, v13;
	[tilespmem:s18+$0xFFFFFFE0] =	vst v2  }
0x37: {  	v12 =	vunpack.i.u.s16.s32 v12;
	v2 =	vld [tilespmem:s20+$0x20];
	v13 =	vunpack.i.u.s16.s32 v11;
	v11 =	vunpack.i.l.s16.s32 v11;
	[tilespmem:s18+$0xFFFFFF80] =	vst v1  }
0x38: {  	s18 =	sadd.s32 $0x100, s18;
	v0 =	vunpack.i.u.s16.s32 v9;
	v1 =	vunpack.i.l.s16.s32 v9;
	v9 =	vld [tilespmem:s20+$0xFFFFFE30];
	v12 =	vpack.i.b32.b16 v13, v12;
	[tilespmem:s17+$0x0] =	vst v5  }
0x39: {  	v6 =	vpack.i.b32.b16 v8, v6;
	v5 =	vunpack.i.u.s16.s32 v7;
	v7 =	vunpack.i.l.s16.s32 v7;
	v13 =	vld [tilespmem:s20+$0x30];
	[tilespmem:s18+$0x70] =	vst v12  }
0x3a: {  	v4 =	vpack.i.b32.b16 v11, v4;
	v8 =	vunpack.i.u.s16.s32 v10;
	v10 =	vunpack.i.l.s16.s32 v10;
	v12 =	vld [tilespmem:s20+$0xFFFFFE40];
	[tilespmem:s17+$0x60] =	vst v6;
	s17 =	smov.u32 s18  }
0x3b: {  	v6 =	vpack.i.b32.b16 v10, v7;
	v7 =	vunpack.i.u.s16.s32 v3;
	v3 =	vunpack.i.l.s16.s32 v3;
	v11 =	vld [tilespmem:s20+$0x40];
	[tilespmem:s18+$0xFFFFFFF0] =	vst v4  }
.Ltmp3:
0x3c: {  	v5 =	vpack.i.b32.b16 v8, v5;
	[tilespmem:s18+$0xFFFFFF90] =	vst v6;
	v8 =	vunpack.i.u.s16.s32 v2;
	v2 =	vunpack.i.l.s16.s32 v2;
	v4 =	vld [tilespmem:s20+$0xFFFFFE50];
	(pc) =	sbr.rel @p0 .LBB1_4-.Ltmp3, $4  }
0x3d: {  	[tilespmem:s18+$0x10] =	vst v5;
	v2 =	vpack.i.b32.b16 v2, v3;
	v10 =	vunpack.i.u.s16.s32 v9;
	v3 =	vunpack.i.l.s16.s32 v9;
	v6 =	vld [tilespmem:s20+$0x50]  }
0x3e: {  	v5 =	vpack.i.b32.b16 v8, v7;
	[tilespmem:s18+$0xFFFFFFA0] =	vst v2;
	v9 =	vunpack.i.u.s16.s32 v13;
	v7 =	vunpack.i.l.s16.s32 v13;
	v2 =	vld [tilespmem:s20+$0xFFFFFE60]  }
0x3f: {  	[tilespmem:s18+$0x20] =	vst v5;
	v13 =	vpack.i.b32.b16 v7, v3;
	v7 =	vunpack.i.u.s16.s32 v12;
	v8 =	vunpack.i.l.s16.s32 v12;
	v3 =	vld [tilespmem:s20+$0x60]  }
0x40: {  	v10 =	vpack.i.b32.b16 v9, v10;
	v5 =	vld [tilespmem:s20+$0xFFFFFE00];
	[tilespmem:s18+$0xFFFFFFB0] =	vst v13;
	v9 =	vunpack.i.u.s16.s32 v11;
	v11 =	vunpack.i.l.s16.s32 v11;
	s20 =	sadd.s32 $0x80, s20  }
0x41: {  	[tilespmem:s18+$0x30] =	vst v10;
	v8 =	vpack.i.b32.b16 v11, v8  }
0x42: {  	v51 =	vunpack.i.l.s16.s32 v4;
	v7 =	vpack.i.b32.b16 v9, v7;
	[tilespmem:s18+$0xFFFFFFC0] =	vst v8;
	v52 =	vunpack.i.l.s16.s32 v6  }
0x43: {  	v53 =	vunpack.i.u.s16.s32 v4;
	s16 =	sadd.s32 $0x1, s16;
	v54 =	vunpack.i.u.s16.s32 v6;
	[tilespmem:s18+$0x40] =	vst v7;
	v55 =	vpack.i.b32.b16 v52, v51  }
0x44: {  	p0 =	sne.s32 s16, $0x10;
	v56 =	vunpack.i.l.s16.s32 v2;
	v4 =	vpack.i.b32.b16 v54, v53;
	[tilespmem:s18+$0xFFFFFFD0] =	vst v55;
	v57 =	vunpack.i.l.s16.s32 v3  }
.Ltmp4:
0x45: {  	[tilespmem:s18+$0x50] =	vst v4;
	v58 =	vunpack.i.l.s16.s32 v5;
	v59 =	vpack.i.b32.b16 v57, v56;
	(pc) =	sbr.rel @p0 .LBB1_3-.Ltmp4, $4  }
0x46: {  	v61 =	vunpack.i.u.s16.s32 v2;
	v62 =	vunpack.i.u.s16.s32 v3;
	v1 =	vpack.i.b32.b16 v1, v58;
	[tilespmem:s18+$0xFFFFFFE0] =	vst v59  }
0x47: {  	v60 =	vunpack.i.u.s16.s32 v5;
	v63 =	vpack.i.b32.b16 v62, v61;
	[tilespmem:s18+$0xFFFFFF80] =	vst v1  }
0x48: {  	v0 =	vpack.i.b32.b16 v0, v60;
	[tilespmem:s17+$0x60] =	vst v63  }
0x49: {  	s13 =	sadd.s32 $0x400, s13;
	s14 =	sadd.s32 $0x400, s14;
	[tilespmem:s17+$0x0] =	vst v0  }
.Ltmp5:
0x4a: {  	(pc) =	sbr.rel .LBB1_7-.Ltmp5, $4  }
0x4b: {  	_ = 	snop  }
0x4c: {  	s12 =	sshll.u32 s12, $0x7  }
0x4d: {  	s12 =	sadd.s32 s4, s12  }
0x4e: {  	[hbm4b:s12+s8] =	stream.linear.scatter [tilespmem:s15], [sflag:$0x2], $0x4000, $0x38;
	[tilespmem:$0x10000] =	vst v63  }
.LBB1_8:
0x4f: {  	_ =	sfence.sel $0x180000  }
0x50: {  	s2 =	simm.s32 $0x1;
	[bflag:$0x0] =	sbarrier.arrive $0xFFFF  }
0x51: {  	s31 =	simm.s32 $0x2;
	[sflag:s2] =	ssyncpa.u1 $0x1  }
0x52: {  	[sflag:s31] =	ssyncpa.u1 $0x1  }
0x53: {  	p0 =	sne.s32 s0, $0x0;
	_ =	strace $0x90000050  }
0x54: {  	s0 =	sadd.s32 @!p0 $0x100000, s1;
	[bflag:$0x2] =	sbarrier.arrive $0xFFFF  }
0x55: {  	[sflag:s0] =	ssyncadd.tile.s32 @!p0 $0x1;
	_ =	shalt  }
.Lfunc_end1:
_tile_overlayer_lowered:
.L_overlay_start_2:
0x56: {  	(tag) =	ssettag $0x2  }
0x57: {  	s0 =	rddreg [dreg:$0x0];
	s2 =	stileid.u32  }
0x58: {  	s1 =	rddreg [dreg:$0x1];
	p0 =	sne.s32 s2, $0x0  }
0x59: {  	s3 =	rddreg [dreg:$0x2];
	[bflag:$0x3] =	sbarrier.arrive $0xFFFF;
	s2 =	simm.s32 @!p0 $0x1C01  }
0x5a: {  	[timem:s3], [sflag:s2] =	dma.local @!p0 [hbm:s0], s1  }
0x5b: {  	s0 =	simm.s32 @!p0 $0x1  }
0x5c: {  	_ =	swait.ge @!p0 [sflag:s0], s1  }
0x5d: {  	s1 =	ssub.s32 @!p0 $0x0, s1;
	[sflag:s0] =	ssyncset.done @!p0 $0x0  }
0x5e: {  	[sflag:s0] =	ssyncadd.s32 @!p0 s1  }
0x5f: {  	[bflag:$0x3] =	sbarrier.arrive $0xFFFF  }
0x60: {  	_ =	shalt  }

</sc_bundles>
